<compile_context>
chip_gen: v7x
topology: tpu7x:2x2x1
jax: 0.10.2.dev20260603
libtpu: 0.0.44.dev20260713+nightly
codegen_flags: <defaults>
</compile_context>

<pallas_src>
import functools

import jax
import jax.numpy as jnp
from jax import lax
from jax.experimental import pallas as pl
from jax.experimental.pallas import tpu as pltpu
from jax.experimental.pallas import tpu_sc as plsc

LANES = 16


@functools.lru_cache(maxsize=None)
def _build_sc_pool_gather(B, HIST, E, n_items_pad, n_users):
    info = plsc.get_sparse_core_info()
    NC, NS = info.num_cores, info.num_subcores
    NW = NC * NS
    BPW = B // NW
    assert B % NW == 0 and E % LANES == 0
    NV = E // LANES

    mesh = plsc.VectorSubcoreMesh(core_axis_name="c", subcore_axis_name="s")
    f32 = jnp.float32

    @functools.partial(
        pl.kernel,
        out_type=(
            jax.ShapeDtypeStruct((B, E), f32),
            jax.ShapeDtypeStruct((B, E), f32),
        ),
        mesh=mesh,
        compiler_params=pltpu.CompilerParams(use_tc_tiling_on_sc=True),
        scratch_types=[
            pltpu.VMEM((2, HIST), jnp.int32),
            pltpu.VMEM((BPW,), jnp.int32),
            pltpu.VMEM((HIST, E), f32),
            pltpu.VMEM((HIST, E), f32),
            pltpu.VMEM((BPW, E), f32),
            pltpu.VMEM((BPW, E), f32),
            pltpu.SemaphoreType.DMA,
            pltpu.SemaphoreType.DMA,
            pltpu.SemaphoreType.DMA,
        ],
    )
    def sc_kernel(seq_hbm, tgt_hbm, item_hbm,
                  pool_out, tgt_out,
                  seq_v, tgti_v,
                  rows0, rows1, pool_v, trows,
                  sem0, sem1, semt):
        wid = lax.axis_index("s") * NC + lax.axis_index("c")
        base = wid * BPW

        pltpu.sync_copy(tgt_hbm.at[pl.ds(base, BPW)], tgti_v)

        @pl.loop(0, BPW // LANES)
        def _(c):
            vt = tgti_v[pl.ds(c * LANES, LANES)]
            for l in range(LANES):
                pltpu.async_copy(item_hbm.at[pl.ds(vt[l], 1)],
                                 trows.at[pl.ds(c * LANES + l, 1)], semt)

        rows = (rows0, rows1)
        sems = (sem0, sem1)

        def stage_idx(s, b):
            pltpu.sync_copy(seq_hbm.at[pl.ds(base + s, 1)],
                            seq_v.at[pl.ds(b, 1)])

        NFULL = HIST // LANES
        NTAIL = HIST - NFULL * LANES

        def issue(b):
            @pl.loop(0, NFULL)
            def _(c):
                v = seq_v[b, pl.ds(c * LANES, LANES)]
                for l in range(LANES):
                    pltpu.async_copy(item_hbm.at[pl.ds(v[l], 1)],
                                     rows[b].at[pl.ds(c * LANES + l, 1)],
                                     sems[b])
            if NTAIL:
                v = seq_v[b, pl.ds(HIST - LANES, LANES)]
                for l in range(LANES - NTAIL, LANES):
                    pltpu.async_copy(
                        item_hbm.at[pl.ds(v[l], 1)],
                        rows[b].at[pl.ds(HIST - LANES + l, 1)], sems[b])

        def drain(b):
            @pl.loop(0, HIST, unroll=8)
            def _(j):
                pltpu.make_async_copy(item_hbm.at[pl.ds(0, 1)],
                                      rows[b].at[pl.ds(j, 1)], sems[b]).wait()

        for b in range(2):
            stage_idx(b, b)
            issue(b)

        inv = f32(1.0 / HIST)
        zeros = (jnp.zeros((LANES,), f32),) * NV

        @pl.loop(0, BPW, step=2)
        def _(s0):
            for b in range(2):
                s = s0 + b
                drain(b)
                r = rows[b]

                @pl.loop(0, HIST, init_carry=zeros, unroll=8)
                def acc(j, carry):
                    return tuple(carry[k] + r[j, pl.ds(k * LANES, LANES)]
                                 for k in range(NV))

                for k in range(NV):
                    pool_v[s, pl.ds(k * LANES, LANES)] = acc[k] * inv

                @pl.when(s + 2 < BPW)
                def _():
                    stage_idx(s + 2, b)
                    issue(b)

        @pl.loop(0, BPW, unroll=8)
        def _(i):
            pltpu.make_async_copy(item_hbm.at[pl.ds(0, 1)],
                                  trows.at[pl.ds(i, 1)], semt).wait()

        pltpu.sync_copy(pool_v, pool_out.at[pl.ds(base, BPW)])
        pltpu.sync_copy(trows, tgt_out.at[pl.ds(base, BPW)])

    return sc_kernel


def _mlp_body(p_ref, t_ref, u_ref, w1_ref, b1_ref, w2_ref, b2_ref, o_ref):
    E = p_ref.shape[1]
    dn = (((1,), (1,)), ((), ()))
    h = (lax.dot_general(p_ref[...], w1_ref[:, 0:E], dn,
                         preferred_element_type=jnp.float32)
         + lax.dot_general(t_ref[...], w1_ref[:, E:2 * E], dn,
                           preferred_element_type=jnp.float32)
         + lax.dot_general(u_ref[...], w1_ref[:, 2 * E:3 * E], dn,
                           preferred_element_type=jnp.float32)
         + b1_ref[...])
    h = jnp.maximum(h, 0.0)
    o_ref[...] = jnp.sum(h * w2_ref[...], axis=1, keepdims=True) + b2_ref[...]


def kernel(user_ids, input_seq, target_item, item_emb, user_emb, W1, b1, W2, b2):
    B, HIST = input_seq.shape
    E = item_emb.shape[1]
    pad_idx = item_emb.shape[0] - 1

    seq = jnp.where(input_seq == -1, pad_idx, input_seq).astype(jnp.int32)
    tgt = jnp.where(target_item == -1, pad_idx, target_item).astype(jnp.int32)
    usr = user_ids.astype(jnp.int32)

    sc = _build_sc_pool_gather(B, HIST, E, item_emb.shape[0], user_emb.shape[0])
    pooled, tgt_rows = sc(seq, tgt, item_emb)
    usr_rows = jnp.take(user_emb, usr, axis=0)

    out = pl.pallas_call(
        _mlp_body,
        out_shape=jax.ShapeDtypeStruct((B, 1), jnp.float32),
    )(pooled, tgt_rows, usr_rows, W1, b1.reshape(1, E), W2, b2.reshape(1, 1))
    return out

# --- scband reference (transcript-rebuilt; emitter-appended) ---
"""Pipeline reference for scband-sequence-rating-prediction-23295902613658 (READ-ONLY COPY).

The authoritative reference and input builder live on the scoring server;
editing this copy changes nothing except your own understanding.
"""

import jax, jax.numpy as jnp
import numpy as np

NUM_USERS = 1000000
NUM_ITEMS = 1000000
EMB_DIM = 64
BATCH = 4096
HIST = 200
PAD_IDX = NUM_ITEMS  # padding row index in item table


def setup_inputs(seed: int = 0) -> dict:
    key = jax.random.key(seed)
    ks = jax.random.split(key, 10)
    user_ids = jax.random.randint(ks[0], (BATCH,), 0, NUM_USERS, dtype=jnp.int64 if jax.config.jax_enable_x64 else jnp.int32)
    input_seq = jax.random.randint(ks[1], (BATCH, HIST), 0, NUM_ITEMS, dtype=jnp.int64 if jax.config.jax_enable_x64 else jnp.int32)
    target_item = jax.random.randint(ks[2], (BATCH,), 0, NUM_ITEMS, dtype=jnp.int64 if jax.config.jax_enable_x64 else jnp.int32)
    # item embedding table with an extra padding row (zeroed, matching nn.Embedding padding_idx init)
    item_emb = jax.random.normal(ks[3], (NUM_ITEMS + 1, EMB_DIM), dtype=jnp.float32)
    item_emb = item_emb.at[PAD_IDX].set(0.0)
    user_emb = jax.random.normal(ks[4], (NUM_USERS, EMB_DIM), dtype=jnp.float32)
    # fc_rating: Linear(3*E -> E), ReLU, Linear(E -> 1); torch weight layout [out, in]
    lim1 = 1.0 / np.sqrt(3 * EMB_DIM)
    W1 = jax.random.uniform(ks[5], (EMB_DIM, 3 * EMB_DIM), dtype=jnp.float32, minval=-lim1, maxval=lim1)
    b1 = jax.random.uniform(ks[6], (EMB_DIM,), dtype=jnp.float32, minval=-lim1, maxval=lim1)
    lim2 = 1.0 / np.sqrt(EMB_DIM)
    W2 = jax.random.uniform(ks[7], (1, EMB_DIM), dtype=jnp.float32, minval=-lim2, maxval=lim2)
    b2 = jax.random.uniform(ks[8], (1,), dtype=jnp.float32, minval=-lim2, maxval=lim2)
    return {
        "user_ids": user_ids,
        "input_seq": input_seq,
        "target_item": target_item,
        "item_emb": item_emb,
        "user_emb": user_emb,
        "W1": W1,
        "b1": b1,
        "W2": W2,
        "b2": b2,
    }


def reference(user_ids, input_seq, target_item, item_emb, user_emb, W1, b1, W2, b2):
    # replace -1 with padding idx (matches torch.where in forward)
    input_seq = jnp.where(input_seq == -1, PAD_IDX, input_seq)
    target_item = jnp.where(target_item == -1, PAD_IDX, target_item)
    embedded_seq = jnp.take(item_emb, input_seq, axis=0)        # [B, L, E]
    pooled_output = embedded_seq.mean(axis=1)                    # [B, E]
    embedded_target = jnp.take(item_emb, target_item, axis=0)    # [B, E]
    user_embeddings = jnp.take(user_emb, user_ids, axis=0)       # [B, E]
    combined = jnp.concatenate([pooled_output, embedded_target, user_embeddings], axis=1)  # [B, 3E]
    h = jnp.maximum(combined @ W1.T + b1, 0.0)
    out = h @ W2.T + b2                                          # [B, 1]
    return out

if __name__ == "__main__":
    import jax
    _d = setup_inputs()
    print(jax.jit(kernel)(*tuple(_d.values())))

</pallas_src>

<mosaic_0001>
#map = affine_map<(d0, d1) -> (0, 0)>
#map1 = affine_map<(d0, d1) -> (0)>
module attributes {stable_mosaic.version = 14 : i64} {
  func.func @sc_kernel(%arg0: i32, %arg1: i32, %arg2: memref<4096x200xi32, #tpu.memory_space<hbm>>, %arg3: memref<4096xi32, #tpu.memory_space<hbm>>, %arg4: memref<1000001x64xf32, #tpu.memory_space<hbm>>, %arg5: memref<4096x64xf32, #tpu.memory_space<hbm>>, %arg6: memref<4096x64xf32, #tpu.memory_space<hbm>>, %arg7: memref<2x200xi32, #tpu.memory_space<vmem>>, %arg8: memref<128xi32, #tpu.memory_space<vmem>>, %arg9: memref<200x64xf32, #tpu.memory_space<vmem>>, %arg10: memref<200x64xf32, #tpu.memory_space<vmem>>, %arg11: memref<128x64xf32, #tpu.memory_space<vmem>>, %arg12: memref<128x64xf32, #tpu.memory_space<vmem>>, %arg13: memref<!tpu.dma_semaphore, #tpu.memory_space<semaphore_mem>>, %arg14: memref<!tpu.dma_semaphore, #tpu.memory_space<semaphore_mem>>, %arg15: memref<!tpu.dma_semaphore, #tpu.memory_space<semaphore_mem>>) attributes {dimension_semantics = [#tpu.dimension_semantics<core_parallel>, #tpu.dimension_semantics<subcore_parallel>], iteration_bounds = array<i64: 2, 16>, scalar_prefetch = 0 : i64, scratch_operands = 9 : i64, tpu.core_type = #tpu.core_type<sc_vector_subcore>, window_params = [{transform_indices = #map}, {transform_indices = #map1}, {transform_indices = #map}, {transform_indices = #map}, {transform_indices = #map}]} {
    %mul3A = arith.constant 2 : i32
    %mul3A_0 = arith.muli %arg1, %mul3A : i32
    %add3A = arith.addi %mul3A_0, %arg0 : i32
    %mul3A_1 = arith.constant 128 : i32
    %mul3A_2 = arith.muli %add3A, %mul3A_1 : i32
    "tpu.region"() ({
      %run_scoped3A = tpu.sem_alloc : memref<!tpu.dma_semaphore, #tpu.memory_space<semaphore_mem>>
      %dma_start3A_231 = tpu.memref_slice %arg3[%mul3A_2] : memref<4096xi32, #tpu.memory_space<hbm>> -> memref<128xi32, #tpu.memory_space<hbm>>
      %dma_start3A_232 = tpu.memref_slice %arg3[%mul3A_2] : memref<4096xi32, #tpu.memory_space<hbm>> -> memref<128xi32, #tpu.memory_space<hbm>>
      tpu.enqueue_dma source(%dma_start3A_232 : memref<128xi32, #tpu.memory_space<hbm>>) target(%arg8 : memref<128xi32, #tpu.memory_space<vmem>>) target_semaphore(%run_scoped3A : memref<!tpu.dma_semaphore, #tpu.memory_space<semaphore_mem>>)
      %dma_wait3A = tpu.memref_slice %arg3[%mul3A_2] : memref<4096xi32, #tpu.memory_space<hbm>> -> memref<128xi32, #tpu.memory_space<hbm>>
      %dma_wait3A_233 = tpu.memref_slice %arg3[%mul3A_2] : memref<4096xi32, #tpu.memory_space<hbm>> -> memref<128xi32, #tpu.memory_space<hbm>>
      tpu.wait_dma2 semaphore(%run_scoped3A : memref<!tpu.dma_semaphore, #tpu.memory_space<semaphore_mem>>) src(%dma_wait3A_233 : memref<128xi32, #tpu.memory_space<hbm>>) dst(%arg8 : memref<128xi32, #tpu.memory_space<vmem>>)
      tpu.yield
    }) : () -> ()
    %scan3A = arith.constant 0 : i32
    %scan3A_3 = arith.constant 8 : i32
    %scan3A_4 = arith.addi %scan3A, %scan3A_3 : i32
    %scan3A_5 = arith.constant 1 : i32
    scf.for %scan3A_231 = %scan3A to %scan3A_4 step %scan3A_5  : i32 {
      %mul3A_232 = arith.constant 1 : i32
      %mul3A_233 = arith.muli %scan3A_231, %mul3A_232 : i32
      %add3A_234 = arith.constant 0 : i32
      %add3A_235 = arith.addi %add3A_234, %mul3A_233 : i32
      %mul3A_236 = arith.constant 16 : i32
      %mul3A_237 = arith.muli %add3A_235, %mul3A_236 : i32
      %get3A_238 = arith.index_cast %mul3A_237 : i32 to index
      %get3A_239 = tpu.vector_load %arg8[%get3A_238] {strides = array<i32>} : memref<128xi32, #tpu.memory_space<vmem>>, vector<16xi32>,
      %get3A_240 = vector.shape_cast %get3A_239 : vector<16xi32> to vector<16xi32>
      %slice3A_241 = vector.extract_strided_slice %get3A_240 {offsets = [0], sizes = [1], strides = [1]} : vector<16xi32> to vector<1xi32>
      %squeeze3A_242 = vector.extract %slice3A_241[0] : i32 from vector<1xi32>
      %mul3A_243 = arith.constant 16 : i32
      %mul3A_244 = arith.muli %add3A_235, %mul3A_243 : i32
      %add3A_245 = arith.constant 0 : i32
      %add3A_246 = arith.addi %mul3A_244, %add3A_245 : i32
      %dma_start3A_247 = arith.constant 0 : i32
      %dma_start3A_248 = tpu.memref_slice %arg12[%add3A_246, %dma_start3A_247] : memref<128x64xf32, #tpu.memory_space<vmem>> -> memref<1x64xf32, #tpu.memory_space<vmem>>
      %dma_start3A_249 = arith.constant 0 : i32
      %dma_start3A_250 = tpu.memref_slice %arg4[%squeeze3A_242, %dma_start3A_249] : memref<1000001x64xf32, #tpu.memory_space<hbm>> -> memref<1x64xf32, #tpu.memory_space<hbm>>
      %dma_start3A_251 = arith.constant 0 : i32
      %dma_start3A_252 = tpu.memref_slice %arg12[%add3A_246, %dma_start3A_251] : memref<128x64xf32, #tpu.memory_space<vmem>> -> memref<1x64xf32, #tpu.memory_space<vmem>>
      %dma_start3A_253 = arith.constant 0 : i32
      %dma_start3A_254 = tpu.memref_slice %arg4[%squeeze3A_242, %dma_start3A_253] : memref<1000001x64xf32, #tpu.memory_space<hbm>> -> memref<1x64xf32, #tpu.memory_space<hbm>>
      tpu.enqueue_dma source(%dma_start3A_254 : memref<1x64xf32, #tpu.memory_space<hbm>>) target(%dma_start3A_252 : memref<1x64xf32, #tpu.memory_space<vmem>>) target_semaphore(%arg15 : memref<!tpu.dma_semaphore, #tpu.memory_space<semaphore_mem>>)
      %slice3A_255 = vector.extract_strided_slice %get3A_240 {offsets = [1], sizes = [1], strides = [1]} : vector<16xi32> to vector<1xi32>
      %squeeze3A_256 = vector.extract %slice3A_255[0] : i32 from vector<1xi32>
      %mul3A_257 = arith.constant 16 : i32
      %mul3A_258 = arith.muli %add3A_235, %mul3A_257 : i32
      %add3A_259 = arith.constant 1 : i32
      %add3A_260 = arith.addi %mul3A_258, %add3A_259 : i32
      %dma_start3A_261 = arith.constant 0 : i32
      %dma_start3A_262 = tpu.memref_slice %arg12[%add3A_260, %dma_start3A_261] : memref<128x64xf32, #tpu.memory_space<vmem>> -> memref<1x64xf32, #tpu.memory_space<vmem>>
      %dma_start3A_263 = arith.constant 0 : i32
      %dma_start3A_264 = tpu.memref_slice %arg4[%squeeze3A_256, %dma_start3A_263] : memref<1000001x64xf32, #tpu.memory_space<hbm>> -> memref<1x64xf32, #tpu.memory_space<hbm>>
      %dma_start3A_265 = arith.constant 0 : i32
      %dma_start3A_266 = tpu.memref_slice %arg12[%add3A_260, %dma_start3A_265] : memref<128x64xf32, #tpu.memory_space<vmem>> -> memref<1x64xf32, #tpu.memory_space<vmem>>
      %dma_start3A_267 = arith.constant 0 : i32
      %dma_start3A_268 = tpu.memref_slice %arg4[%squeeze3A_256, %dma_start3A_267] : memref<1000001x64xf32, #tpu.memory_space<hbm>> -> memref<1x64xf32, #tpu.memory_space<hbm>>
      tpu.enqueue_dma source(%dma_start3A_268 : memref<1x64xf32, #tpu.memory_space<hbm>>) target(%dma_start3A_266 : memref<1x64xf32, #tpu.memory_space<vmem>>) target_semaphore(%arg15 : memref<!tpu.dma_semaphore, #tpu.memory_space<semaphore_mem>>)
      %slice3A_269 = vector.extract_strided_slice %get3A_240 {offsets = [2], sizes = [1], strides = [1]} : vector<16xi32> to vector<1xi32>
      %squeeze3A_270 = vector.extract %slice3A_269[0] : i32 from vector<1xi32>
      %mul3A_271 = arith.constant 16 : i32
      %mul3A_272 = arith.muli %add3A_235, %mul3A_271 : i32
      %add3A_273 = arith.constant 2 : i32
      %add3A_274 = arith.addi %mul3A_272, %add3A_273 : i32
      %dma_start3A_275 = arith.constant 0 : i32
      %dma_start3A_276 = tpu.memref_slice %arg12[%add3A_274, %dma_start3A_275] : memref<128x64xf32, #tpu.memory_space<vmem>> -> memref<1x64xf32, #tpu.memory_space<vmem>>
      %dma_start3A_277 = arith.constant 0 : i32
      %dma_start3A_278 = tpu.memref_slice %arg4[%squeeze3A_270, %dma_start3A_277] : memref<1000001x64xf32, #tpu.memory_space<hbm>> -> memref<1x64xf32, #tpu.memory_space<hbm>>
      %dma_start3A_279 = arith.constant 0 : i32
      %dma_start3A_280 = tpu.memref_slice %arg12[%add3A_274, %dma_start3A_279] : memref<128x64xf32, #tpu.memory_space<vmem>> -> memref<1x64xf32, #tpu.memory_space<vmem>>
      %dma_start3A_281 = arith.constant 0 : i32
      %dma_start3A_282 = tpu.memref_slice %arg4[%squeeze3A_270, %dma_start3A_281] : memref<1000001x64xf32, #tpu.memory_space<hbm>> -> memref<1x64xf32, #tpu.memory_space<hbm>>
      tpu.enqueue_dma source(%dma_start3A_282 : memref<1x64xf32, #tpu.memory_space<hbm>>) target(%dma_start3A_280 : memref<1x64xf32, #tpu.memory_space<vmem>>) target_semaphore(%arg15 : memref<!tpu.dma_semaphore, #tpu.memory_space<semaphore_mem>>)
      %slice3A_283 = vector.extract_strided_slice %get3A_240 {offsets = [3], sizes = [1], strides = [1]} : vector<16xi32> to vector<1xi32>
      %squeeze3A_284 = vector.extract %slice3A_283[0] : i32 from vector<1xi32>
      %mul3A_285 = arith.constant 16 : i32
      %mul3A_286 = arith.muli %add3A_235, %mul3A_285 : i32
      %add3A_287 = arith.constant 3 : i32
      %add3A_288 = arith.addi %mul3A_286, %add3A_287 : i32
      %dma_start3A_289 = arith.constant 0 : i32
      %dma_start3A_290 = tpu.memref_slice %arg12[%add3A_288, %dma_start3A_289] : memref<128x64xf32, #tpu.memory_space<vmem>> -> memref<1x64xf32, #tpu.memory_space<vmem>>
      %dma_start3A_291 = arith.constant 0 : i32
      %dma_start3A_292 = tpu.memref_slice %arg4[%squeeze3A_284, %dma_start3A_291] : memref<1000001x64xf32, #tpu.memory_space<hbm>> -> memref<1x64xf32, #tpu.memory_space<hbm>>
      %dma_start3A_293 = arith.constant 0 : i32
      %dma_start3A_294 = tpu.memref_slice %arg12[%add3A_288, %dma_start3A_293] : memref<128x64xf32, #tpu.memory_space<vmem>> -> memref<1x64xf32, #tpu.memory_space<vmem>>
      %dma_start3A_295 = arith.constant 0 : i32
      %dma_start3A_296 = tpu.memref_slice %arg4[%squeeze3A_284, %dma_start3A_295] : memref<1000001x64xf32, #tpu.memory_space<hbm>> -> memref<1x64xf32, #tpu.memory_space<hbm>>
      tpu.enqueue_dma source(%dma_start3A_296 : memref<1x64xf32, #tpu.memory_space<hbm>>) target(%dma_start3A_294 : memref<1x64xf32, #tpu.memory_space<vmem>>) target_semaphore(%arg15 : memref<!tpu.dma_semaphore, #tpu.memory_space<semaphore_mem>>)
      %slice3A_297 = vector.extract_strided_slice %get3A_240 {offsets = [4], sizes = [1], strides = [1]} : vector<16xi32> to vector<1xi32>
      %squeeze3A_298 = vector.extract %slice3A_297[0] : i32 from vector<1xi32>
      %mul3A_299 = arith.constant 16 : i32
      %mul3A_300 = arith.muli %add3A_235, %mul3A_299 : i32
      %add3A_301 = arith.constant 4 : i32
      %add3A_302 = arith.addi %mul3A_300, %add3A_301 : i32
      %dma_start3A_303 = arith.constant 0 : i32
      %dma_start3A_304 = tpu.memref_slice %arg12[%add3A_302, %dma_start3A_303] : memref<128x64xf32, #tpu.memory_space<vmem>> -> memref<1x64xf32, #tpu.memory_space<vmem>>
      %dma_start3A_305 = arith.constant 0 : i32
      %dma_start3A_306 = tpu.memref_slice %arg4[%squeeze3A_298, %dma_start3A_305] : memref<1000001x64xf32, #tpu.memory_space<hbm>> -> memref<1x64xf32, #tpu.memory_space<hbm>>
      %dma_start3A_307 = arith.constant 0 : i32
      %dma_start3A_308 = tpu.memref_slice %arg12[%add3A_302, %dma_start3A_307] : memref<128x64xf32, #tpu.memory_space<vmem>> -> memref<1x64xf32, #tpu.memory_space<vmem>>
      %dma_start3A_309 = arith.constant 0 : i32
      %dma_start3A_310 = tpu.memref_slice %arg4[%squeeze3A_298, %dma_start3A_309] : memref<1000001x64xf32, #tpu.memory_space<hbm>> -> memref<1x64xf32, #tpu.memory_space<hbm>>
      tpu.enqueue_dma source(%dma_start3A_310 : memref<1x64xf32, #tpu.memory_space<hbm>>) target(%dma_start3A_308 : memref<1x64xf32, #tpu.memory_space<vmem>>) target_semaphore(%arg15 : memref<!tpu.dma_semaphore, #tpu.memory_space<semaphore_mem>>)
      %slice3A_311 = vector.extract_strided_slice %get3A_240 {offsets = [5], sizes = [1], strides = [1]} : vector<16xi32> to vector<1xi32>
      %squeeze3A_312 = vector.extract %slice3A_311[0] : i32 from vector<1xi32>
      %mul3A_313 = arith.constant 16 : i32
      %mul3A_314 = arith.muli %add3A_235, %mul3A_313 : i32
      %add3A_315 = arith.constant 5 : i32
      %add3A_316 = arith.addi %mul3A_314, %add3A_315 : i32
      %dma_start3A_317 = arith.constant 0 : i32
      %dma_start3A_318 = tpu.memref_slice %arg12[%add3A_316, %dma_start3A_317] : memref<128x64xf32, #tpu.memory_space<vmem>> -> memref<1x64xf32, #tpu.memory_space<vmem>>
      %dma_start3A_319 = arith.constant 0 : i32
      %dma_start3A_320 = tpu.memref_slice %arg4[%squeeze3A_312, %dma_start3A_319] : memref<1000001x64xf32, #tpu.memory_space<hbm>> -> memref<1x64xf32, #tpu.memory_space<hbm>>
      %dma_start3A_321 = arith.constant 0 : i32
      %dma_start3A_322 = tpu.memref_slice %arg12[%add3A_316, %dma_start3A_321] : memref<128x64xf32, #tpu.memory_space<vmem>> -> memref<1x64xf32, #tpu.memory_space<vmem>>
      %dma_start3A_323 = arith.constant 0 : i32
      %dma_start3A_324 = tpu.memref_slice %arg4[%squeeze3A_312, %dma_start3A_323] : memref<1000001x64xf32, #tpu.memory_space<hbm>> -> memref<1x64xf32, #tpu.memory_space<hbm>>
      tpu.enqueue_dma source(%dma_start3A_324 : memref<1x64xf32, #tpu.memory_space<hbm>>) target(%dma_start3A_322 : memref<1x64xf32, #tpu.memory_space<vmem>>) target_semaphore(%arg15 : memref<!tpu.dma_semaphore, #tpu.memory_space<semaphore_mem>>)
      %slice3A_325 = vector.extract_strided_slice %get3A_240 {offsets = [6], sizes = [1], strides = [1]} : vector<16xi32> to vector<1xi32>
      %squeeze3A_326 = vector.extract %slice3A_325[0] : i32 from vector<1xi32>
      %mul3A_327 = arith.constant 16 : i32
      %mul3A_328 = arith.muli %add3A_235, %mul3A_327 : i32
      %add3A_329 = arith.constant 6 : i32
      %add3A_330 = arith.addi %mul3A_328, %add3A_329 : i32
      %dma_start3A_331 = arith.constant 0 : i32
      %dma_start3A_332 = tpu.memref_slice %arg12[%add3A_330, %dma_start3A_331] : memref<128x64xf32, #tpu.memory_space<vmem>> -> memref<1x64xf32, #tpu.memory_space<vmem>>
      %dma_start3A_333 = arith.constant 0 : i32
      %dma_start3A_334 = tpu.memref_slice %arg4[%squeeze3A_326, %dma_start3A_333] : memref<1000001x64xf32, #tpu.memory_space<hbm>> -> memref<1x64xf32, #tpu.memory_space<hbm>>
      %dma_start3A_335 = arith.constant 0 : i32
      %dma_start3A_336 = tpu.memref_slice %arg12[%add3A_330, %dma_start3A_335] : memref<128x64xf32, #tpu.memory_space<vmem>> -> memref<1x64xf32, #tpu.memory_space<vmem>>
      %dma_start3A_337 = arith.constant 0 : i32
      %dma_start3A_338 = tpu.memref_slice %arg4[%squeeze3A_326, %dma_start3A_337] : memref<1000001x64xf32, #tpu.memory_space<hbm>> -> memref<1x64xf32, #tpu.memory_space<hbm>>
      tpu.enqueue_dma source(%dma_start3A_338 : memref<1x64xf32, #tpu.memory_space<hbm>>) target(%dma_start3A_336 : memref<1x64xf32, #tpu.memory_space<vmem>>) target_semaphore(%arg15 : memref<!tpu.dma_semaphore, #tpu.memory_space<semaphore_mem>>)
      %slice3A_339 = vector.extract_strided_slice %get3A_240 {offsets = [7], sizes = [1], strides = [1]} : vector<16xi32> to vector<1xi32>
      %squeeze3A_340 = vector.extract %slice3A_339[0] : i32 from vector<1xi32>
      %mul3A_341 = arith.constant 16 : i32
      %mul3A_342 = arith.muli %add3A_235, %mul3A_341 : i32
      %add3A_343 = arith.constant 7 : i32
      %add3A_344 = arith.addi %mul3A_342, %add3A_343 : i32
      %dma_start3A_345 = arith.constant 0 : i32
      %dma_start3A_346 = tpu.memref_slice %arg12[%add3A_344, %dma_start3A_345] : memref<128x64xf32, #tpu.memory_space<vmem>> -> memref<1x64xf32, #tpu.memory_space<vmem>>
      %dma_start3A_347 = arith.constant 0 : i32
      %dma_start3A_348 = tpu.memref_slice %arg4[%squeeze3A_340, %dma_start3A_347] : memref<1000001x64xf32, #tpu.memory_space<hbm>> -> memref<1x64xf32, #tpu.memory_space<hbm>>
      %dma_start3A_349 = arith.constant 0 : i32
      %dma_start3A_350 = tpu.memref_slice %arg12[%add3A_344, %dma_start3A_349] : memref<128x64xf32, #tpu.memory_space<vmem>> -> memref<1x64xf32, #tpu.memory_space<vmem>>
      %dma_start3A_351 = arith.constant 0 : i32
      %dma_start3A_352 = tpu.memref_slice %arg4[%squeeze3A_340, %dma_start3A_351] : memref<1000001x64xf32, #tpu.memory_space<hbm>> -> memref<1x64xf32, #tpu.memory_space<hbm>>
      tpu.enqueue_dma source(%dma_start3A_352 : memref<1x64xf32, #tpu.memory_space<hbm>>) target(%dma_start3A_350 : memref<1x64xf32, #tpu.memory_space<vmem>>) target_semaphore(%arg15 : memref<!tpu.dma_semaphore, #tpu.memory_space<semaphore_mem>>)
      %slice3A_353 = vector.extract_strided_slice %get3A_240 {offsets = [8], sizes = [1], strides = [1]} : vector<16xi32> to vector<1xi32>
      %squeeze3A_354 = vector.extract %slice3A_353[0] : i32 from vector<1xi32>
      %mul3A_355 = arith.constant 16 : i32
      %mul3A_356 = arith.muli %add3A_235, %mul3A_355 : i32
      %add3A_357 = arith.constant 8 : i32
      %add3A_358 = arith.addi %mul3A_356, %add3A_357 : i32
      %dma_start3A_359 = arith.constant 0 : i32
      %dma_start3A_360 = tpu.memref_slice %arg12[%add3A_358, %dma_start3A_359] : memref<128x64xf32, #tpu.memory_space<vmem>> -> memref<1x64xf32, #tpu.memory_space<vmem>>
      %dma_start3A_361 = arith.constant 0 : i32
      %dma_start3A_362 = tpu.memref_slice %arg4[%squeeze3A_354, %dma_start3A_361] : memref<1000001x64xf32, #tpu.memory_space<hbm>> -> memref<1x64xf32, #tpu.memory_space<hbm>>
      %dma_start3A_363 = arith.constant 0 : i32
      %dma_start3A_364 = tpu.memref_slice %arg12[%add3A_358, %dma_start3A_363] : memref<128x64xf32, #tpu.memory_space<vmem>> -> memref<1x64xf32, #tpu.memory_space<vmem>>
      %dma_start3A_365 = arith.constant 0 : i32
      %dma_start3A_366 = tpu.memref_slice %arg4[%squeeze3A_354, %dma_start3A_365] : memref<1000001x64xf32, #tpu.memory_space<hbm>> -> memref<1x64xf32, #tpu.memory_space<hbm>>
      tpu.enqueue_dma source(%dma_start3A_366 : memref<1x64xf32, #tpu.memory_space<hbm>>) target(%dma_start3A_364 : memref<1x64xf32, #tpu.memory_space<vmem>>) target_semaphore(%arg15 : memref<!tpu.dma_semaphore, #tpu.memory_space<semaphore_mem>>)
      %slice3A_367 = vector.extract_strided_slice %get3A_240 {offsets = [9], sizes = [1], strides = [1]} : vector<16xi32> to vector<1xi32>
      %squeeze3A_368 = vector.extract %slice3A_367[0] : i32 from vector<1xi32>
      %mul3A_369 = arith.constant 16 : i32
      %mul3A_370 = arith.muli %add3A_235, %mul3A_369 : i32
      %add3A_371 = arith.constant 9 : i32
      %add3A_372 = arith.addi %mul3A_370, %add3A_371 : i32
      %dma_start3A_373 = arith.constant 0 : i32
      %dma_start3A_374 = tpu.memref_slice %arg12[%add3A_372, %dma_start3A_373] : memref<128x64xf32, #tpu.memory_space<vmem>> -> memref<1x64xf32, #tpu.memory_space<vmem>>
      %dma_start3A_375 = arith.constant 0 : i32
      %dma_start3A_376 = tpu.memref_slice %arg4[%squeeze3A_368, %dma_start3A_375] : memref<1000001x64xf32, #tpu.memory_space<hbm>> -> memref<1x64xf32, #tpu.memory_space<hbm>>
      %dma_start3A_377 = arith.constant 0 : i32
      %dma_start3A_378 = tpu.memref_slice %arg12[%add3A_372, %dma_start3A_377] : memref<128x64xf32, #tpu.memory_space<vmem>> -> memref<1x64xf32, #tpu.memory_space<vmem>>
      %dma_start3A_379 = arith.constant 0 : i32
      %dma_start3A_380 = tpu.memref_slice %arg4[%squeeze3A_368, %dma_start3A_379] : memref<1000001x64xf32, #tpu.memory_space<hbm>> -> memref<1x64xf32, #tpu.memory_space<hbm>>
      tpu.enqueue_dma source(%dma_start3A_380 : memref<1x64xf32, #tpu.memory_space<hbm>>) target(%dma_start3A_378 : memref<1x64xf32, #tpu.memory_space<vmem>>) target_semaphore(%arg15 : memref<!tpu.dma_semaphore, #tpu.memory_space<semaphore_mem>>)
      %slice3A_381 = vector.extract_strided_slice %get3A_240 {offsets = [10], sizes = [1], strides = [1]} : vector<16xi32> to vector<1xi32>
      %squeeze3A_382 = vector.extract %slice3A_381[0] : i32 from vector<1xi32>
      %mul3A_383 = arith.constant 16 : i32
      %mul3A_384 = arith.muli %add3A_235, %mul3A_383 : i32
      %add3A_385 = arith.constant 10 : i32
      %add3A_386 = arith.addi %mul3A_384, %add3A_385 : i32
      %dma_start3A_387 = arith.constant 0 : i32
      %dma_start3A_388 = tpu.memref_slice %arg12[%add3A_386, %dma_start3A_387] : memref<128x64xf32, #tpu.memory_space<vmem>> -> memref<1x64xf32, #tpu.memory_space<vmem>>
      %dma_start3A_389 = arith.constant 0 : i32
      %dma_start3A_390 = tpu.memref_slice %arg4[%squeeze3A_382, %dma_start3A_389] : memref<1000001x64xf32, #tpu.memory_space<hbm>> -> memref<1x64xf32, #tpu.memory_space<hbm>>
      %dma_start3A_391 = arith.constant 0 : i32
      %dma_start3A_392 = tpu.memref_slice %arg12[%add3A_386, %dma_start3A_391] : memref<128x64xf32, #tpu.memory_space<vmem>> -> memref<1x64xf32, #tpu.memory_space<vmem>>
      %dma_start3A_393 = arith.constant 0 : i32
      %dma_start3A_394 = tpu.memref_slice %arg4[%squeeze3A_382, %dma_start3A_393] : memref<1000001x64xf32, #tpu.memory_space<hbm>> -> memref<1x64xf32, #tpu.memory_space<hbm>>
      tpu.enqueue_dma source(%dma_start3A_394 : memref<1x64xf32, #tpu.memory_space<hbm>>) target(%dma_start3A_392 : memref<1x64xf32, #tpu.memory_space<vmem>>) target_semaphore(%arg15 : memref<!tpu.dma_semaphore, #tpu.memory_space<semaphore_mem>>)
      %slice3A_395 = vector.extract_strided_slice %get3A_240 {offsets = [11], sizes = [1], strides = [1]} : vector<16xi32> to vector<1xi32>
      %squeeze3A_396 = vector.extract %slice3A_395[0] : i32 from vector<1xi32>
      %mul3A_397 = arith.constant 16 : i32
      %mul3A_398 = arith.muli %add3A_235, %mul3A_397 : i32
      %add3A_399 = arith.constant 11 : i32
      %add3A_400 = arith.addi %mul3A_398, %add3A_399 : i32
      %dma_start3A_401 = arith.constant 0 : i32
      %dma_start3A_402 = tpu.memref_slice %arg12[%add3A_400, %dma_start3A_401] : memref<128x64xf32, #tpu.memory_space<vmem>> -> memref<1x64xf32, #tpu.memory_space<vmem>>
      %dma_start3A_403 = arith.constant 0 : i32
      %dma_start3A_404 = tpu.memref_slice %arg4[%squeeze3A_396, %dma_start3A_403] : memref<1000001x64xf32, #tpu.memory_space<hbm>> -> memref<1x64xf32, #tpu.memory_space<hbm>>
      %dma_start3A_405 = arith.constant 0 : i32
      %dma_start3A_406 = tpu.memref_slice %arg12[%add3A_400, %dma_start3A_405] : memref<128x64xf32, #tpu.memory_space<vmem>> -> memref<1x64xf32, #tpu.memory_space<vmem>>
      %dma_start3A_407 = arith.constant 0 : i32
      %dma_start3A_408 = tpu.memref_slice %arg4[%squeeze3A_396, %dma_start3A_407] : memref<1000001x64xf32, #tpu.memory_space<hbm>> -> memref<1x64xf32, #tpu.memory_space<hbm>>
      tpu.enqueue_dma source(%dma_start3A_408 : memref<1x64xf32, #tpu.memory_space<hbm>>) target(%dma_start3A_406 : memref<1x64xf32, #tpu.memory_space<vmem>>) target_semaphore(%arg15 : memref<!tpu.dma_semaphore, #tpu.memory_space<semaphore_mem>>)
      %slice3A_409 = vector.extract_strided_slice %get3A_240 {offsets = [12], sizes = [1], strides = [1]} : vector<16xi32> to vector<1xi32>
      %squeeze3A_410 = vector.extract %slice3A_409[0] : i32 from vector<1xi32>
      %mul3A_411 = arith.constant 16 : i32
      %mul3A_412 = arith.muli %add3A_235, %mul3A_411 : i32
      %add3A_413 = arith.constant 12 : i32
      %add3A_414 = arith.addi %mul3A_412, %add3A_413 : i32
      %dma_start3A_415 = arith.constant 0 : i32
      %dma_start3A_416 = tpu.memref_slice %arg12[%add3A_414, %dma_start3A_415] : memref<128x64xf32, #tpu.memory_space<vmem>> -> memref<1x64xf32, #tpu.memory_space<vmem>>
      %dma_start3A_417 = arith.constant 0 : i32
      %dma_start3A_418 = tpu.memref_slice %arg4[%squeeze3A_410, %dma_start3A_417] : memref<1000001x64xf32, #tpu.memory_space<hbm>> -> memref<1x64xf32, #tpu.memory_space<hbm>>
      %dma_start3A_419 = arith.constant 0 : i32
      %dma_start3A_420 = tpu.memref_slice %arg12[%add3A_414, %dma_start3A_419] : memref<128x64xf32, #tpu.memory_space<vmem>> -> memref<1x64xf32, #tpu.memory_space<vmem>>
      %dma_start3A_421 = arith.constant 0 : i32
      %dma_start3A_422 = tpu.memref_slice %arg4[%squeeze3A_410, %dma_start3A_421] : memref<1000001x64xf32, #tpu.memory_space<hbm>> -> memref<1x64xf32, #tpu.memory_space<hbm>>
      tpu.enqueue_dma source(%dma_start3A_422 : memref<1x64xf32, #tpu.memory_space<hbm>>) target(%dma_start3A_420 : memref<1x64xf32, #tpu.memory_space<vmem>>) target_semaphore(%arg15 : memref<!tpu.dma_semaphore, #tpu.memory_space<semaphore_mem>>)
      %slice3A_423 = vector.extract_strided_slice %get3A_240 {offsets = [13], sizes = [1], strides = [1]} : vector<16xi32> to vector<1xi32>
      %squeeze3A_424 = vector.extract %slice3A_423[0] : i32 from vector<1xi32>
      %mul3A_425 = arith.constant 16 : i32
      %mul3A_426 = arith.muli %add3A_235, %mul3A_425 : i32
      %add3A_427 = arith.constant 13 : i32
      %add3A_428 = arith.addi %mul3A_426, %add3A_427 : i32
      %dma_start3A_429 = arith.constant 0 : i32
      %dma_start3A_430 = tpu.memref_slice %arg12[%add3A_428, %dma_start3A_429] : memref<128x64xf32, #tpu.memory_space<vmem>> -> memref<1x64xf32, #tpu.memory_space<vmem>>
      %dma_start3A_431 = arith.constant 0 : i32
      %dma_start3A_432 = tpu.memref_slice %arg4[%squeeze3A_424, %dma_start3A_431] : memref<1000001x64xf32, #tpu.memory_space<hbm>> -> memref<1x64xf32, #tpu.memory_space<hbm>>
      %dma_start3A_433 = arith.constant 0 : i32
      %dma_start3A_434 = tpu.memref_slice %arg12[%add3A_428, %dma_start3A_433] : memref<128x64xf32, #tpu.memory_space<vmem>> -> memref<1x64xf32, #tpu.memory_space<vmem>>
      %dma_start3A_435 = arith.constant 0 : i32
      %dma_start3A_436 = tpu.memref_slice %arg4[%squeeze3A_424, %dma_start3A_435] : memref<1000001x64xf32, #tpu.memory_space<hbm>> -> memref<1x64xf32, #tpu.memory_space<hbm>>
      tpu.enqueue_dma source(%dma_start3A_436 : memref<1x64xf32, #tpu.memory_space<hbm>>) target(%dma_start3A_434 : memref<1x64xf32, #tpu.memory_space<vmem>>) target_semaphore(%arg15 : memref<!tpu.dma_semaphore, #tpu.memory_space<semaphore_mem>>)
      %slice3A_437 = vector.extract_strided_slice %get3A_240 {offsets = [14], sizes = [1], strides = [1]} : vector<16xi32> to vector<1xi32>
      %squeeze3A_438 = vector.extract %slice3A_437[0] : i32 from vector<1xi32>
      %mul3A_439 = arith.constant 16 : i32
      %mul3A_440 = arith.muli %add3A_235, %mul3A_439 : i32
      %add3A_441 = arith.constant 14 : i32
      %add3A_442 = arith.addi %mul3A_440, %add3A_441 : i32
      %dma_start3A_443 = arith.constant 0 : i32
      %dma_start3A_444 = tpu.memref_slice %arg12[%add3A_442, %dma_start3A_443] : memref<128x64xf32, #tpu.memory_space<vmem>> -> memref<1x64xf32, #tpu.memory_space<vmem>>
      %dma_start3A_445 = arith.constant 0 : i32
      %dma_start3A_446 = tpu.memref_slice %arg4[%squeeze3A_438, %dma_start3A_445] : memref<1000001x64xf32, #tpu.memory_space<hbm>> -> memref<1x64xf32, #tpu.memory_space<hbm>>
      %dma_start3A_447 = arith.constant 0 : i32
      %dma_start3A_448 = tpu.memref_slice %arg12[%add3A_442, %dma_start3A_447] : memref<128x64xf32, #tpu.memory_space<vmem>> -> memref<1x64xf32, #tpu.memory_space<vmem>>
      %dma_start3A_449 = arith.constant 0 : i32
      %dma_start3A_450 = tpu.memref_slice %arg4[%squeeze3A_438, %dma_start3A_449] : memref<1000001x64xf32, #tpu.memory_space<hbm>> -> memref<1x64xf32, #tpu.memory_space<hbm>>
      tpu.enqueue_dma source(%dma_start3A_450 : memref<1x64xf32, #tpu.memory_space<hbm>>) target(%dma_start3A_448 : memref<1x64xf32, #tpu.memory_space<vmem>>) target_semaphore(%arg15 : memref<!tpu.dma_semaphore, #tpu.memory_space<semaphore_mem>>)
      %slice3A_451 = vector.extract_strided_slice %get3A_240 {offsets = [15], sizes = [1], strides = [1]} : vector<16xi32> to vector<1xi32>
      %squeeze3A_452 = vector.extract %slice3A_451[0] : i32 from vector<1xi32>
      %mul3A_453 = arith.constant 16 : i32
      %mul3A_454 = arith.muli %add3A_235, %mul3A_453 : i32
      %add3A_455 = arith.constant 15 : i32
      %add3A_456 = arith.addi %mul3A_454, %add3A_455 : i32
      %dma_start3A_457 = arith.constant 0 : i32
      %dma_start3A_458 = tpu.memref_slice %arg12[%add3A_456, %dma_start3A_457] : memref<128x64xf32, #tpu.memory_space<vmem>> -> memref<1x64xf32, #tpu.memory_space<vmem>>
      %dma_start3A_459 = arith.constant 0 : i32
      %dma_start3A_460 = tpu.memref_slice %arg4[%squeeze3A_452, %dma_start3A_459] : memref<1000001x64xf32, #tpu.memory_space<hbm>> -> memref<1x64xf32, #tpu.memory_space<hbm>>
      %dma_start3A_461 = arith.constant 0 : i32
      %dma_start3A_462 = tpu.memref_slice %arg12[%add3A_456, %dma_start3A_461] : memref<128x64xf32, #tpu.memory_space<vmem>> -> memref<1x64xf32, #tpu.memory_space<vmem>>
      %dma_start3A_463 = arith.constant 0 : i32
      %dma_start3A_464 = tpu.memref_slice %arg4[%squeeze3A_452, %dma_start3A_463] : memref<1000001x64xf32, #tpu.memory_space<hbm>> -> memref<1x64xf32, #tpu.memory_space<hbm>>
      tpu.enqueue_dma source(%dma_start3A_464 : memref<1x64xf32, #tpu.memory_space<hbm>>) target(%dma_start3A_462 : memref<1x64xf32, #tpu.memory_space<vmem>>) target_semaphore(%arg15 : memref<!tpu.dma_semaphore, #tpu.memory_space<semaphore_mem>>)
    }
    %scan3A_6 = arith.constant 8 : i32
    %add3A_7 = arith.constant 0 : i32
    %add3A_8 = arith.addi %mul3A_2, %add3A_7 : i32
    "tpu.region"() ({
      %run_scoped3A = tpu.sem_alloc : memref<!tpu.dma_semaphore, #tpu.memory_space<semaphore_mem>>
      %dma_start3A_231 = arith.constant 0 : i32
      %dma_start3A_232 = arith.constant 0 : i32
      %dma_start3A_233 = tpu.memref_slice %arg7[%dma_start3A_231, %dma_start3A_232] : memref<2x200xi32, #tpu.memory_space<vmem>> -> memref<1x200xi32, #tpu.memory_space<vmem>>
      %dma_start3A_234 = arith.constant 0 : i32
      %dma_start3A_235 = tpu.memref_slice %arg2[%add3A_8, %dma_start3A_234] : memref<4096x200xi32, #tpu.memory_space<hbm>> -> memref<1x200xi32, #tpu.memory_space<hbm>>
      %dma_start3A_236 = arith.constant 0 : i32
      %dma_start3A_237 = arith.constant 0 : i32
      %dma_start3A_238 = tpu.memref_slice %arg7[%dma_start3A_236, %dma_start3A_237] : memref<2x200xi32, #tpu.memory_space<vmem>> -> memref<1x200xi32, #tpu.memory_space<vmem>>
      %dma_start3A_239 = arith.constant 0 : i32
      %dma_start3A_240 = tpu.memref_slice %arg2[%add3A_8, %dma_start3A_239] : memref<4096x200xi32, #tpu.memory_space<hbm>> -> memref<1x200xi32, #tpu.memory_space<hbm>>
      tpu.enqueue_dma source(%dma_start3A_240 : memref<1x200xi32, #tpu.memory_space<hbm>>) target(%dma_start3A_238 : memref<1x200xi32, #tpu.memory_space<vmem>>) target_semaphore(%run_scoped3A : memref<!tpu.dma_semaphore, #tpu.memory_space<semaphore_mem>>)
      %dma_wait3A = arith.constant 0 : i32
      %dma_wait3A_241 = arith.constant 0 : i32
      %dma_wait3A_242 = tpu.memref_slice %arg7[%dma_wait3A, %dma_wait3A_241] : memref<2x200xi32, #tpu.memory_space<vmem>> -> memref<1x200xi32, #tpu.memory_space<vmem>>
      %dma_wait3A_243 = arith.constant 0 : i32
      %dma_wait3A_244 = tpu.memref_slice %arg2[%add3A_8, %dma_wait3A_243] : memref<4096x200xi32, #tpu.memory_space<hbm>> -> memref<1x200xi32, #tpu.memory_space<hbm>>
      %dma_wait3A_245 = arith.constant 0 : i32
      %dma_wait3A_246 = arith.constant 0 : i32
      %dma_wait3A_247 = tpu.memref_slice %arg7[%dma_wait3A_245, %dma_wait3A_246] : memref<2x200xi32, #tpu.memory_space<vmem>> -> memref<1x200xi32, #tpu.memory_space<vmem>>
      %dma_wait3A_248 = arith.constant 0 : i32
      %dma_wait3A_249 = tpu.memref_slice %arg2[%add3A_8, %dma_wait3A_248] : memref<4096x200xi32, #tpu.memory_space<hbm>> -> memref<1x200xi32, #tpu.memory_space<hbm>>
      tpu.wait_dma2 semaphore(%run_scoped3A : memref<!tpu.dma_semaphore, #tpu.memory_space<semaphore_mem>>) src(%dma_wait3A_249 : memref<1x200xi32, #tpu.memory_space<hbm>>) dst(%dma_wait3A_247 : memref<1x200xi32, #tpu.memory_space<vmem>>)
      tpu.yield
    }) : () -> ()
    %scan3A_9 = arith.constant 0 : i32
    %scan3A_10 = arith.constant 12 : i32
    %scan3A_11 = arith.addi %scan3A_9, %scan3A_10 : i32
    %scan3A_12 = arith.constant 1 : i32
    scf.for %scan3A_231 = %scan3A_9 to %scan3A_11 step %scan3A_12  : i32 {
      %mul3A_232 = arith.constant 1 : i32
      %mul3A_233 = arith.muli %scan3A_231, %mul3A_232 : i32
      %add3A_234 = arith.constant 0 : i32
      %add3A_235 = arith.addi %add3A_234, %mul3A_233 : i32
      %mul3A_236 = arith.constant 16 : i32
      %mul3A_237 = arith.muli %add3A_235, %mul3A_236 : i32
      %get3A_238 = arith.constant 0 : i32
      %get3A_239 = arith.index_cast %get3A_238 : i32 to index
      %get3A_240 = arith.index_cast %mul3A_237 : i32 to index
      %get3A_241 = tpu.vector_load %arg7[%get3A_239, %get3A_240] {strides = array<i32>} : memref<2x200xi32, #tpu.memory_space<vmem>>, vector<1x16xi32>,
      %get3A_242 = vector.shape_cast %get3A_241 : vector<1x16xi32> to vector<16xi32>
      %slice3A_243 = vector.extract_strided_slice %get3A_242 {offsets = [0], sizes = [1], strides = [1]} : vector<16xi32> to vector<1xi32>
      %squeeze3A_244 = vector.extract %slice3A_243[0] : i32 from vector<1xi32>
      %mul3A_245 = arith.constant 16 : i32
      %mul3A_246 = arith.muli %add3A_235, %mul3A_245 : i32
      %add3A_247 = arith.constant 0 : i32
      %add3A_248 = arith.addi %mul3A_246, %add3A_247 : i32
      %dma_start3A_249 = arith.constant 0 : i32
      %dma_start3A_250 = tpu.memref_slice %arg9[%add3A_248, %dma_start3A_249] : memref<200x64xf32, #tpu.memory_space<vmem>> -> memref<1x64xf32, #tpu.memory_space<vmem>>
      %dma_start3A_251 = arith.constant 0 : i32
      %dma_start3A_252 = tpu.memref_slice %arg4[%squeeze3A_244, %dma_start3A_251] : memref<1000001x64xf32, #tpu.memory_space<hbm>> -> memref<1x64xf32, #tpu.memory_space<hbm>>
      %dma_start3A_253 = arith.constant 0 : i32
      %dma_start3A_254 = tpu.memref_slice %arg9[%add3A_248, %dma_start3A_253] : memref<200x64xf32, #tpu.memory_space<vmem>> -> memref<1x64xf32, #tpu.memory_space<vmem>>
      %dma_start3A_255 = arith.constant 0 : i32
      %dma_start3A_256 = tpu.memref_slice %arg4[%squeeze3A_244, %dma_start3A_255] : memref<1000001x64xf32, #tpu.memory_space<hbm>> -> memref<1x64xf32, #tpu.memory_space<hbm>>
      tpu.enqueue_dma source(%dma_start3A_256 : memref<1x64xf32, #tpu.memory_space<hbm>>) target(%dma_start3A_254 : memref<1x64xf32, #tpu.memory_space<vmem>>) target_semaphore(%arg13 : memref<!tpu.dma_semaphore, #tpu.memory_space<semaphore_mem>>)
      %slice3A_257 = vector.extract_strided_slice %get3A_242 {offsets = [1], sizes = [1], strides = [1]} : vector<16xi32> to vector<1xi32>
      %squeeze3A_258 = vector.extract %slice3A_257[0] : i32 from vector<1xi32>
      %mul3A_259 = arith.constant 16 : i32
      %mul3A_260 = arith.muli %add3A_235, %mul3A_259 : i32
      %add3A_261 = arith.constant 1 : i32
      %add3A_262 = arith.addi %mul3A_260, %add3A_261 : i32
      %dma_start3A_263 = arith.constant 0 : i32
      %dma_start3A_264 = tpu.memref_slice %arg9[%add3A_262, %dma_start3A_263] : memref<200x64xf32, #tpu.memory_space<vmem>> -> memref<1x64xf32, #tpu.memory_space<vmem>>
      %dma_start3A_265 = arith.constant 0 : i32
      %dma_start3A_266 = tpu.memref_slice %arg4[%squeeze3A_258, %dma_start3A_265] : memref<1000001x64xf32, #tpu.memory_space<hbm>> -> memref<1x64xf32, #tpu.memory_space<hbm>>
      %dma_start3A_267 = arith.constant 0 : i32
      %dma_start3A_268 = tpu.memref_slice %arg9[%add3A_262, %dma_start3A_267] : memref<200x64xf32, #tpu.memory_space<vmem>> -> memref<1x64xf32, #tpu.memory_space<vmem>>
      %dma_start3A_269 = arith.constant 0 : i32
      %dma_start3A_270 = tpu.memref_slice %arg4[%squeeze3A_258, %dma_start3A_269] : memref<1000001x64xf32, #tpu.memory_space<hbm>> -> memref<1x64xf32, #tpu.memory_space<hbm>>
      tpu.enqueue_dma source(%dma_start3A_270 : memref<1x64xf32, #tpu.memory_space<hbm>>) target(%dma_start3A_268 : memref<1x64xf32, #tpu.memory_space<vmem>>) target_semaphore(%arg13 : memref<!tpu.dma_semaphore, #tpu.memory_space<semaphore_mem>>)
      %slice3A_271 = vector.extract_strided_slice %get3A_242 {offsets = [2], sizes = [1], strides = [1]} : vector<16xi32> to vector<1xi32>
      %squeeze3A_272 = vector.extract %slice3A_271[0] : i32 from vector<1xi32>
      %mul3A_273 = arith.constant 16 : i32
      %mul3A_274 = arith.muli %add3A_235, %mul3A_273 : i32
      %add3A_275 = arith.constant 2 : i32
      %add3A_276 = arith.addi %mul3A_274, %add3A_275 : i32
      %dma_start3A_277 = arith.constant 0 : i32
      %dma_start3A_278 = tpu.memref_slice %arg9[%add3A_276, %dma_start3A_277] : memref<200x64xf32, #tpu.memory_space<vmem>> -> memref<1x64xf32, #tpu.memory_space<vmem>>
      %dma_start3A_279 = arith.constant 0 : i32
      %dma_start3A_280 = tpu.memref_slice %arg4[%squeeze3A_272, %dma_start3A_279] : memref<1000001x64xf32, #tpu.memory_space<hbm>> -> memref<1x64xf32, #tpu.memory_space<hbm>>
      %dma_start3A_281 = arith.constant 0 : i32
      %dma_start3A_282 = tpu.memref_slice %arg9[%add3A_276, %dma_start3A_281] : memref<200x64xf32, #tpu.memory_space<vmem>> -> memref<1x64xf32, #tpu.memory_space<vmem>>
      %dma_start3A_283 = arith.constant 0 : i32
      %dma_start3A_284 = tpu.memref_slice %arg4[%squeeze3A_272, %dma_start3A_283] : memref<1000001x64xf32, #tpu.memory_space<hbm>> -> memref<1x64xf32, #tpu.memory_space<hbm>>
      tpu.enqueue_dma source(%dma_start3A_284 : memref<1x64xf32, #tpu.memory_space<hbm>>) target(%dma_start3A_282 : memref<1x64xf32, #tpu.memory_space<vmem>>) target_semaphore(%arg13 : memref<!tpu.dma_semaphore, #tpu.memory_space<semaphore_mem>>)
      %slice3A_285 = vector.extract_strided_slice %get3A_242 {offsets = [3], sizes = [1], strides = [1]} : vector<16xi32> to vector<1xi32>
      %squeeze3A_286 = vector.extract %slice3A_285[0] : i32 from vector<1xi32>
      %mul3A_287 = arith.constant 16 : i32
      %mul3A_288 = arith.muli %add3A_235, %mul3A_287 : i32
      %add3A_289 = arith.constant 3 : i32
      %add3A_290 = arith.addi %mul3A_288, %add3A_289 : i32
      %dma_start3A_291 = arith.constant 0 : i32
      %dma_start3A_292 = tpu.memref_slice %arg9[%add3A_290, %dma_start3A_291] : memref<200x64xf32, #tpu.memory_space<vmem>> -> memref<1x64xf32, #tpu.memory_space<vmem>>
      %dma_start3A_293 = arith.constant 0 : i32
      %dma_start3A_294 = tpu.memref_slice %arg4[%squeeze3A_286, %dma_start3A_293] : memref<1000001x64xf32, #tpu.memory_space<hbm>> -> memref<1x64xf32, #tpu.memory_space<hbm>>
      %dma_start3A_295 = arith.constant 0 : i32
      %dma_start3A_296 = tpu.memref_slice %arg9[%add3A_290, %dma_start3A_295] : memref<200x64xf32, #tpu.memory_space<vmem>> -> memref<1x64xf32, #tpu.memory_space<vmem>>
      %dma_start3A_297 = arith.constant 0 : i32
      %dma_start3A_298 = tpu.memref_slice %arg4[%squeeze3A_286, %dma_start3A_297] : memref<1000001x64xf32, #tpu.memory_space<hbm>> -> memref<1x64xf32, #tpu.memory_space<hbm>>
      tpu.enqueue_dma source(%dma_start3A_298 : memref<1x64xf32, #tpu.memory_space<hbm>>) target(%dma_start3A_296 : memref<1x64xf32, #tpu.memory_space<vmem>>) target_semaphore(%arg13 : memref<!tpu.dma_semaphore, #tpu.memory_space<semaphore_mem>>)
      %slice3A_299 = vector.extract_strided_slice %get3A_242 {offsets = [4], sizes = [1], strides = [1]} : vector<16xi32> to vector<1xi32>
      %squeeze3A_300 = vector.extract %slice3A_299[0] : i32 from vector<1xi32>
      %mul3A_301 = arith.constant 16 : i32
      %mul3A_302 = arith.muli %add3A_235, %mul3A_301 : i32
      %add3A_303 = arith.constant 4 : i32
      %add3A_304 = arith.addi %mul3A_302, %add3A_303 : i32
      %dma_start3A_305 = arith.constant 0 : i32
      %dma_start3A_306 = tpu.memref_slice %arg9[%add3A_304, %dma_start3A_305] : memref<200x64xf32, #tpu.memory_space<vmem>> -> memref<1x64xf32, #tpu.memory_space<vmem>>
      %dma_start3A_307 = arith.constant 0 : i32
      %dma_start3A_308 = tpu.memref_slice %arg4[%squeeze3A_300, %dma_start3A_307] : memref<1000001x64xf32, #tpu.memory_space<hbm>> -> memref<1x64xf32, #tpu.memory_space<hbm>>
      %dma_start3A_309 = arith.constant 0 : i32
      %dma_start3A_310 = tpu.memref_slice %arg9[%add3A_304, %dma_start3A_309] : memref<200x64xf32, #tpu.memory_space<vmem>> -> memref<1x64xf32, #tpu.memory_space<vmem>>
      %dma_start3A_311 = arith.constant 0 : i32
      %dma_start3A_312 = tpu.memref_slice %arg4[%squeeze3A_300, %dma_start3A_311] : memref<1000001x64xf32, #tpu.memory_space<hbm>> -> memref<1x64xf32, #tpu.memory_space<hbm>>
      tpu.enqueue_dma source(%dma_start3A_312 : memref<1x64xf32, #tpu.memory_space<hbm>>) target(%dma_start3A_310 : memref<1x64xf32, #tpu.memory_space<vmem>>) target_semaphore(%arg13 : memref<!tpu.dma_semaphore, #tpu.memory_space<semaphore_mem>>)
      %slice3A_313 = vector.extract_strided_slice %get3A_242 {offsets = [5], sizes = [1], strides = [1]} : vector<16xi32> to vector<1xi32>
      %squeeze3A_314 = vector.extract %slice3A_313[0] : i32 from vector<1xi32>
      %mul3A_315 = arith.constant 16 : i32
      %mul3A_316 = arith.muli %add3A_235, %mul3A_315 : i32
      %add3A_317 = arith.constant 5 : i32
      %add3A_318 = arith.addi %mul3A_316, %add3A_317 : i32
      %dma_start3A_319 = arith.constant 0 : i32
      %dma_start3A_320 = tpu.memref_slice %arg9[%add3A_318, %dma_start3A_319] : memref<200x64xf32, #tpu.memory_space<vmem>> -> memref<1x64xf32, #tpu.memory_space<vmem>>
      %dma_start3A_321 = arith.constant 0 : i32
      %dma_start3A_322 = tpu.memref_slice %arg4[%squeeze3A_314, %dma_start3A_321] : memref<1000001x64xf32, #tpu.memory_space<hbm>> -> memref<1x64xf32, #tpu.memory_space<hbm>>
      %dma_start3A_323 = arith.constant 0 : i32
      %dma_start3A_324 = tpu.memref_slice %arg9[%add3A_318, %dma_start3A_323] : memref<200x64xf32, #tpu.memory_space<vmem>> -> memref<1x64xf32, #tpu.memory_space<vmem>>
      %dma_start3A_325 = arith.constant 0 : i32
      %dma_start3A_326 = tpu.memref_slice %arg4[%squeeze3A_314, %dma_start3A_325] : memref<1000001x64xf32, #tpu.memory_space<hbm>> -> memref<1x64xf32, #tpu.memory_space<hbm>>
      tpu.enqueue_dma source(%dma_start3A_326 : memref<1x64xf32, #tpu.memory_space<hbm>>) target(%dma_start3A_324 : memref<1x64xf32, #tpu.memory_space<vmem>>) target_semaphore(%arg13 : memref<!tpu.dma_semaphore, #tpu.memory_space<semaphore_mem>>)
      %slice3A_327 = vector.extract_strided_slice %get3A_242 {offsets = [6], sizes = [1], strides = [1]} : vector<16xi32> to vector<1xi32>
      %squeeze3A_328 = vector.extract %slice3A_327[0] : i32 from vector<1xi32>
      %mul3A_329 = arith.constant 16 : i32
      %mul3A_330 = arith.muli %add3A_235, %mul3A_329 : i32
      %add3A_331 = arith.constant 6 : i32
      %add3A_332 = arith.addi %mul3A_330, %add3A_331 : i32
      %dma_start3A_333 = arith.constant 0 : i32
      %dma_start3A_334 = tpu.memref_slice %arg9[%add3A_332, %dma_start3A_333] : memref<200x64xf32, #tpu.memory_space<vmem>> -> memref<1x64xf32, #tpu.memory_space<vmem>>
      %dma_start3A_335 = arith.constant 0 : i32
      %dma_start3A_336 = tpu.memref_slice %arg4[%squeeze3A_328, %dma_start3A_335] : memref<1000001x64xf32, #tpu.memory_space<hbm>> -> memref<1x64xf32, #tpu.memory_space<hbm>>
      %dma_start3A_337 = arith.constant 0 : i32
      %dma_start3A_338 = tpu.memref_slice %arg9[%add3A_332, %dma_start3A_337] : memref<200x64xf32, #tpu.memory_space<vmem>> -> memref<1x64xf32, #tpu.memory_space<vmem>>
      %dma_start3A_339 = arith.constant 0 : i32
      %dma_start3A_340 = tpu.memref_slice %arg4[%squeeze3A_328, %dma_start3A_339] : memref<1000001x64xf32, #tpu.memory_space<hbm>> -> memref<1x64xf32, #tpu.memory_space<hbm>>
      tpu.enqueue_dma source(%dma_start3A_340 : memref<1x64xf32, #tpu.memory_space<hbm>>) target(%dma_start3A_338 : memref<1x64xf32, #tpu.memory_space<vmem>>) target_semaphore(%arg13 : memref<!tpu.dma_semaphore, #tpu.memory_space<semaphore_mem>>)
      %slice3A_341 = vector.extract_strided_slice %get3A_242 {offsets = [7], sizes = [1], strides = [1]} : vector<16xi32> to vector<1xi32>
      %squeeze3A_342 = vector.extract %slice3A_341[0] : i32 from vector<1xi32>
      %mul3A_343 = arith.constant 16 : i32
      %mul3A_344 = arith.muli %add3A_235, %mul3A_343 : i32
      %add3A_345 = arith.constant 7 : i32
      %add3A_346 = arith.addi %mul3A_344, %add3A_345 : i32
      %dma_start3A_347 = arith.constant 0 : i32
      %dma_start3A_348 = tpu.memref_slice %arg9[%add3A_346, %dma_start3A_347] : memref<200x64xf32, #tpu.memory_space<vmem>> -> memref<1x64xf32, #tpu.memory_space<vmem>>
      %dma_start3A_349 = arith.constant 0 : i32
      %dma_start3A_350 = tpu.memref_slice %arg4[%squeeze3A_342, %dma_start3A_349] : memref<1000001x64xf32, #tpu.memory_space<hbm>> -> memref<1x64xf32, #tpu.memory_space<hbm>>
      %dma_start3A_351 = arith.constant 0 : i32
      %dma_start3A_352 = tpu.memref_slice %arg9[%add3A_346, %dma_start3A_351] : memref<200x64xf32, #tpu.memory_space<vmem>> -> memref<1x64xf32, #tpu.memory_space<vmem>>
      %dma_start3A_353 = arith.constant 0 : i32
      %dma_start3A_354 = tpu.memref_slice %arg4[%squeeze3A_342, %dma_start3A_353] : memref<1000001x64xf32, #tpu.memory_space<hbm>> -> memref<1x64xf32, #tpu.memory_space<hbm>>
      tpu.enqueue_dma source(%dma_start3A_354 : memref<1x64xf32, #tpu.memory_space<hbm>>) target(%dma_start3A_352 : memref<1x64xf32, #tpu.memory_space<vmem>>) target_semaphore(%arg13 : memref<!tpu.dma_semaphore, #tpu.memory_space<semaphore_mem>>)
      %slice3A_355 = vector.extract_strided_slice %get3A_242 {offsets = [8], sizes = [1], strides = [1]} : vector<16xi32> to vector<1xi32>
      %squeeze3A_356 = vector.extract %slice3A_355[0] : i32 from vector<1xi32>
      %mul3A_357 = arith.constant 16 : i32
      %mul3A_358 = arith.muli %add3A_235, %mul3A_357 : i32
      %add3A_359 = arith.constant 8 : i32
      %add3A_360 = arith.addi %mul3A_358, %add3A_359 : i32
      %dma_start3A_361 = arith.constant 0 : i32
      %dma_start3A_362 = tpu.memref_slice %arg9[%add3A_360, %dma_start3A_361] : memref<200x64xf32, #tpu.memory_space<vmem>> -> memref<1x64xf32, #tpu.memory_space<vmem>>
      %dma_start3A_363 = arith.constant 0 : i32
      %dma_start3A_364 = tpu.memref_slice %arg4[%squeeze3A_356, %dma_start3A_363] : memref<1000001x64xf32, #tpu.memory_space<hbm>> -> memref<1x64xf32, #tpu.memory_space<hbm>>
      %dma_start3A_365 = arith.constant 0 : i32
      %dma_start3A_366 = tpu.memref_slice %arg9[%add3A_360, %dma_start3A_365] : memref<200x64xf32, #tpu.memory_space<vmem>> -> memref<1x64xf32, #tpu.memory_space<vmem>>
      %dma_start3A_367 = arith.constant 0 : i32
      %dma_start3A_368 = tpu.memref_slice %arg4[%squeeze3A_356, %dma_start3A_367] : memref<1000001x64xf32, #tpu.memory_space<hbm>> -> memref<1x64xf32, #tpu.memory_space<hbm>>
      tpu.enqueue_dma source(%dma_start3A_368 : memref<1x64xf32, #tpu.memory_space<hbm>>) target(%dma_start3A_366 : memref<1x64xf32, #tpu.memory_space<vmem>>) target_semaphore(%arg13 : memref<!tpu.dma_semaphore, #tpu.memory_space<semaphore_mem>>)
      %slice3A_369 = vector.extract_strided_slice %get3A_242 {offsets = [9], sizes = [1], strides = [1]} : vector<16xi32> to vector<1xi32>
      %squeeze3A_370 = vector.extract %slice3A_369[0] : i32 from vector<1xi32>
      %mul3A_371 = arith.constant 16 : i32
      %mul3A_372 = arith.muli %add3A_235, %mul3A_371 : i32
      %add3A_373 = arith.constant 9 : i32
      %add3A_374 = arith.addi %mul3A_372, %add3A_373 : i32
      %dma_start3A_375 = arith.constant 0 : i32
      %dma_start3A_376 = tpu.memref_slice %arg9[%add3A_374, %dma_start3A_375] : memref<200x64xf32, #tpu.memory_space<vmem>> -> memref<1x64xf32, #tpu.memory_space<vmem>>
      %dma_start3A_377 = arith.constant 0 : i32
      %dma_start3A_378 = tpu.memref_slice %arg4[%squeeze3A_370, %dma_start3A_377] : memref<1000001x64xf32, #tpu.memory_space<hbm>> -> memref<1x64xf32, #tpu.memory_space<hbm>>
      %dma_start3A_379 = arith.constant 0 : i32
      %dma_start3A_380 = tpu.memref_slice %arg9[%add3A_374, %dma_start3A_379] : memref<200x64xf32, #tpu.memory_space<vmem>> -> memref<1x64xf32, #tpu.memory_space<vmem>>
      %dma_start3A_381 = arith.constant 0 : i32
      %dma_start3A_382 = tpu.memref_slice %arg4[%squeeze3A_370, %dma_start3A_381] : memref<1000001x64xf32, #tpu.memory_space<hbm>> -> memref<1x64xf32, #tpu.memory_space<hbm>>
      tpu.enqueue_dma source(%dma_start3A_382 : memref<1x64xf32, #tpu.memory_space<hbm>>) target(%dma_start3A_380 : memref<1x64xf32, #tpu.memory_space<vmem>>) target_semaphore(%arg13 : memref<!tpu.dma_semaphore, #tpu.memory_space<semaphore_mem>>)
      %slice3A_383 = vector.extract_strided_slice %get3A_242 {offsets = [10], sizes = [1], strides = [1]} : vector<16xi32> to vector<1xi32>
      %squeeze3A_384 = vector.extract %slice3A_383[0] : i32 from vector<1xi32>
      %mul3A_385 = arith.constant 16 : i32
      %mul3A_386 = arith.muli %add3A_235, %mul3A_385 : i32
      %add3A_387 = arith.constant 10 : i32
      %add3A_388 = arith.addi %mul3A_386, %add3A_387 : i32
      %dma_start3A_389 = arith.constant 0 : i32
      %dma_start3A_390 = tpu.memref_slice %arg9[%add3A_388, %dma_start3A_389] : memref<200x64xf32, #tpu.memory_space<vmem>> -> memref<1x64xf32, #tpu.memory_space<vmem>>
      %dma_start3A_391 = arith.constant 0 : i32
      %dma_start3A_392 = tpu.memref_slice %arg4[%squeeze3A_384, %dma_start3A_391] : memref<1000001x64xf32, #tpu.memory_space<hbm>> -> memref<1x64xf32, #tpu.memory_space<hbm>>
      %dma_start3A_393 = arith.constant 0 : i32
      %dma_start3A_394 = tpu.memref_slice %arg9[%add3A_388, %dma_start3A_393] : memref<200x64xf32, #tpu.memory_space<vmem>> -> memref<1x64xf32, #tpu.memory_space<vmem>>
      %dma_start3A_395 = arith.constant 0 : i32
      %dma_start3A_396 = tpu.memref_slice %arg4[%squeeze3A_384, %dma_start3A_395] : memref<1000001x64xf32, #tpu.memory_space<hbm>> -> memref<1x64xf32, #tpu.memory_space<hbm>>
      tpu.enqueue_dma source(%dma_start3A_396 : memref<1x64xf32, #tpu.memory_space<hbm>>) target(%dma_start3A_394 : memref<1x64xf32, #tpu.memory_space<vmem>>) target_semaphore(%arg13 : memref<!tpu.dma_semaphore, #tpu.memory_space<semaphore_mem>>)
      %slice3A_397 = vector.extract_strided_slice %get3A_242 {offsets = [11], sizes = [1], strides = [1]} : vector<16xi32> to vector<1xi32>
      %squeeze3A_398 = vector.extract %slice3A_397[0] : i32 from vector<1xi32>
      %mul3A_399 = arith.constant 16 : i32
      %mul3A_400 = arith.muli %add3A_235, %mul3A_399 : i32
      %add3A_401 = arith.constant 11 : i32
      %add3A_402 = arith.addi %mul3A_400, %add3A_401 : i32
      %dma_start3A_403 = arith.constant 0 : i32
      %dma_start3A_404 = tpu.memref_slice %arg9[%add3A_402, %dma_start3A_403] : memref<200x64xf32, #tpu.memory_space<vmem>> -> memref<1x64xf32, #tpu.memory_space<vmem>>
      %dma_start3A_405 = arith.constant 0 : i32
      %dma_start3A_406 = tpu.memref_slice %arg4[%squeeze3A_398, %dma_start3A_405] : memref<1000001x64xf32, #tpu.memory_space<hbm>> -> memref<1x64xf32, #tpu.memory_space<hbm>>
      %dma_start3A_407 = arith.constant 0 : i32
      %dma_start3A_408 = tpu.memref_slice %arg9[%add3A_402, %dma_start3A_407] : memref<200x64xf32, #tpu.memory_space<vmem>> -> memref<1x64xf32, #tpu.memory_space<vmem>>
      %dma_start3A_409 = arith.constant 0 : i32
      %dma_start3A_410 = tpu.memref_slice %arg4[%squeeze3A_398, %dma_start3A_409] : memref<1000001x64xf32, #tpu.memory_space<hbm>> -> memref<1x64xf32, #tpu.memory_space<hbm>>
      tpu.enqueue_dma source(%dma_start3A_410 : memref<1x64xf32, #tpu.memory_space<hbm>>) target(%dma_start3A_408 : memref<1x64xf32, #tpu.memory_space<vmem>>) target_semaphore(%arg13 : memref<!tpu.dma_semaphore, #tpu.memory_space<semaphore_mem>>)
      %slice3A_411 = vector.extract_strided_slice %get3A_242 {offsets = [12], sizes = [1], strides = [1]} : vector<16xi32> to vector<1xi32>
      %squeeze3A_412 = vector.extract %slice3A_411[0] : i32 from vector<1xi32>
      %mul3A_413 = arith.constant 16 : i32
      %mul3A_414 = arith.muli %add3A_235, %mul3A_413 : i32
      %add3A_415 = arith.constant 12 : i32
      %add3A_416 = arith.addi %mul3A_414, %add3A_415 : i32
      %dma_start3A_417 = arith.constant 0 : i32
      %dma_start3A_418 = tpu.memref_slice %arg9[%add3A_416, %dma_start3A_417] : memref<200x64xf32, #tpu.memory_space<vmem>> -> memref<1x64xf32, #tpu.memory_space<vmem>>
      %dma_start3A_419 = arith.constant 0 : i32
      %dma_start3A_420 = tpu.memref_slice %arg4[%squeeze3A_412, %dma_start3A_419] : memref<1000001x64xf32, #tpu.memory_space<hbm>> -> memref<1x64xf32, #tpu.memory_space<hbm>>
      %dma_start3A_421 = arith.constant 0 : i32
      %dma_start3A_422 = tpu.memref_slice %arg9[%add3A_416, %dma_start3A_421] : memref<200x64xf32, #tpu.memory_space<vmem>> -> memref<1x64xf32, #tpu.memory_space<vmem>>
      %dma_start3A_423 = arith.constant 0 : i32
      %dma_start3A_424 = tpu.memref_slice %arg4[%squeeze3A_412, %dma_start3A_423] : memref<1000001x64xf32, #tpu.memory_space<hbm>> -> memref<1x64xf32, #tpu.memory_space<hbm>>
      tpu.enqueue_dma source(%dma_start3A_424 : memref<1x64xf32, #tpu.memory_space<hbm>>) target(%dma_start3A_422 : memref<1x64xf32, #tpu.memory_space<vmem>>) target_semaphore(%arg13 : memref<!tpu.dma_semaphore, #tpu.memory_space<semaphore_mem>>)
      %slice3A_425 = vector.extract_strided_slice %get3A_242 {offsets = [13], sizes = [1], strides = [1]} : vector<16xi32> to vector<1xi32>
      %squeeze3A_426 = vector.extract %slice3A_425[0] : i32 from vector<1xi32>
      %mul3A_427 = arith.constant 16 : i32
      %mul3A_428 = arith.muli %add3A_235, %mul3A_427 : i32
      %add3A_429 = arith.constant 13 : i32
      %add3A_430 = arith.addi %mul3A_428, %add3A_429 : i32
      %dma_start3A_431 = arith.constant 0 : i32
      %dma_start3A_432 = tpu.memref_slice %arg9[%add3A_430, %dma_start3A_431] : memref<200x64xf32, #tpu.memory_space<vmem>> -> memref<1x64xf32, #tpu.memory_space<vmem>>
      %dma_start3A_433 = arith.constant 0 : i32
      %dma_start3A_434 = tpu.memref_slice %arg4[%squeeze3A_426, %dma_start3A_433] : memref<1000001x64xf32, #tpu.memory_space<hbm>> -> memref<1x64xf32, #tpu.memory_space<hbm>>
      %dma_start3A_435 = arith.constant 0 : i32
      %dma_start3A_436 = tpu.memref_slice %arg9[%add3A_430, %dma_start3A_435] : memref<200x64xf32, #tpu.memory_space<vmem>> -> memref<1x64xf32, #tpu.memory_space<vmem>>
      %dma_start3A_437 = arith.constant 0 : i32
      %dma_start3A_438 = tpu.memref_slice %arg4[%squeeze3A_426, %dma_start3A_437] : memref<1000001x64xf32, #tpu.memory_space<hbm>> -> memref<1x64xf32, #tpu.memory_space<hbm>>
      tpu.enqueue_dma source(%dma_start3A_438 : memref<1x64xf32, #tpu.memory_space<hbm>>) target(%dma_start3A_436 : memref<1x64xf32, #tpu.memory_space<vmem>>) target_semaphore(%arg13 : memref<!tpu.dma_semaphore, #tpu.memory_space<semaphore_mem>>)
      %slice3A_439 = vector.extract_strided_slice %get3A_242 {offsets = [14], sizes = [1], strides = [1]} : vector<16xi32> to vector<1xi32>
      %squeeze3A_440 = vector.extract %slice3A_439[0] : i32 from vector<1xi32>
      %mul3A_441 = arith.constant 16 : i32
      %mul3A_442 = arith.muli %add3A_235, %mul3A_441 : i32
      %add3A_443 = arith.constant 14 : i32
      %add3A_444 = arith.addi %mul3A_442, %add3A_443 : i32
      %dma_start3A_445 = arith.constant 0 : i32
      %dma_start3A_446 = tpu.memref_slice %arg9[%add3A_444, %dma_start3A_445] : memref<200x64xf32, #tpu.memory_space<vmem>> -> memref<1x64xf32, #tpu.memory_space<vmem>>
      %dma_start3A_447 = arith.constant 0 : i32
      %dma_start3A_448 = tpu.memref_slice %arg4[%squeeze3A_440, %dma_start3A_447] : memref<1000001x64xf32, #tpu.memory_space<hbm>> -> memref<1x64xf32, #tpu.memory_space<hbm>>
      %dma_start3A_449 = arith.constant 0 : i32
      %dma_start3A_450 = tpu.memref_slice %arg9[%add3A_444, %dma_start3A_449] : memref<200x64xf32, #tpu.memory_space<vmem>> -> memref<1x64xf32, #tpu.memory_space<vmem>>
      %dma_start3A_451 = arith.constant 0 : i32
      %dma_start3A_452 = tpu.memref_slice %arg4[%squeeze3A_440, %dma_start3A_451] : memref<1000001x64xf32, #tpu.memory_space<hbm>> -> memref<1x64xf32, #tpu.memory_space<hbm>>
      tpu.enqueue_dma source(%dma_start3A_452 : memref<1x64xf32, #tpu.memory_space<hbm>>) target(%dma_start3A_450 : memref<1x64xf32, #tpu.memory_space<vmem>>) target_semaphore(%arg13 : memref<!tpu.dma_semaphore, #tpu.memory_space<semaphore_mem>>)
      %slice3A_453 = vector.extract_strided_slice %get3A_242 {offsets = [15], sizes = [1], strides = [1]} : vector<16xi32> to vector<1xi32>
      %squeeze3A_454 = vector.extract %slice3A_453[0] : i32 from vector<1xi32>
      %mul3A_455 = arith.constant 16 : i32
      %mul3A_456 = arith.muli %add3A_235, %mul3A_455 : i32
      %add3A_457 = arith.constant 15 : i32
      %add3A_458 = arith.addi %mul3A_456, %add3A_457 : i32
      %dma_start3A_459 = arith.constant 0 : i32
      %dma_start3A_460 = tpu.memref_slice %arg9[%add3A_458, %dma_start3A_459] : memref<200x64xf32, #tpu.memory_space<vmem>> -> memref<1x64xf32, #tpu.memory_space<vmem>>
      %dma_start3A_461 = arith.constant 0 : i32
      %dma_start3A_462 = tpu.memref_slice %arg4[%squeeze3A_454, %dma_start3A_461] : memref<1000001x64xf32, #tpu.memory_space<hbm>> -> memref<1x64xf32, #tpu.memory_space<hbm>>
      %dma_start3A_463 = arith.constant 0 : i32
      %dma_start3A_464 = tpu.memref_slice %arg9[%add3A_458, %dma_start3A_463] : memref<200x64xf32, #tpu.memory_space<vmem>> -> memref<1x64xf32, #tpu.memory_space<vmem>>
      %dma_start3A_465 = arith.constant 0 : i32
      %dma_start3A_466 = tpu.memref_slice %arg4[%squeeze3A_454, %dma_start3A_465] : memref<1000001x64xf32, #tpu.memory_space<hbm>> -> memref<1x64xf32, #tpu.memory_space<hbm>>
      tpu.enqueue_dma source(%dma_start3A_466 : memref<1x64xf32, #tpu.memory_space<hbm>>) target(%dma_start3A_464 : memref<1x64xf32, #tpu.memory_space<vmem>>) target_semaphore(%arg13 : memref<!tpu.dma_semaphore, #tpu.memory_space<semaphore_mem>>)
    }
    %scan3A_13 = arith.constant 12 : i32
    %get3A = arith.constant 0 : i32
    %get3A_14 = arith.index_cast %get3A : i32 to index
    %get3A_15 = arith.constant 184 : index
    %get3A_16 = tpu.vector_load %arg7[%get3A_14, %get3A_15] {strides = array<i32>} : memref<2x200xi32, #tpu.memory_space<vmem>>, vector<1x16xi32>,
    %get3A_17 = vector.shape_cast %get3A_16 : vector<1x16xi32> to vector<16xi32>
    %slice3A = vector.extract_strided_slice %get3A_17 {offsets = [8], sizes = [1], strides = [1]} : vector<16xi32> to vector<1xi32>
    %squeeze3A = vector.extract %slice3A[0] : i32 from vector<1xi32>
    %dma_start3A = arith.constant 192 : i32
    %dma_start3A_18 = arith.constant 0 : i32
    %dma_start3A_19 = tpu.memref_slice %arg9[%dma_start3A, %dma_start3A_18] : memref<200x64xf32, #tpu.memory_space<vmem>> -> memref<1x64xf32, #tpu.memory_space<vmem>>
    %dma_start3A_20 = arith.constant 0 : i32
    %dma_start3A_21 = tpu.memref_slice %arg4[%squeeze3A, %dma_start3A_20] : memref<1000001x64xf32, #tpu.memory_space<hbm>> -> memref<1x64xf32, #tpu.memory_space<hbm>>
    %dma_start3A_22 = arith.constant 192 : i32
    %dma_start3A_23 = arith.constant 0 : i32
    %dma_start3A_24 = tpu.memref_slice %arg9[%dma_start3A_22, %dma_start3A_23] : memref<200x64xf32, #tpu.memory_space<vmem>> -> memref<1x64xf32, #tpu.memory_space<vmem>>
    %dma_start3A_25 = arith.constant 0 : i32
    %dma_start3A_26 = tpu.memref_slice %arg4[%squeeze3A, %dma_start3A_25] : memref<1000001x64xf32, #tpu.memory_space<hbm>> -> memref<1x64xf32, #tpu.memory_space<hbm>>
    tpu.enqueue_dma source(%dma_start3A_26 : memref<1x64xf32, #tpu.memory_space<hbm>>) target(%dma_start3A_24 : memref<1x64xf32, #tpu.memory_space<vmem>>) target_semaphore(%arg13 : memref<!tpu.dma_semaphore, #tpu.memory_space<semaphore_mem>>)
    %slice3A_27 = vector.extract_strided_slice %get3A_17 {offsets = [9], sizes = [1], strides = [1]} : vector<16xi32> to vector<1xi32>
    %squeeze3A_28 = vector.extract %slice3A_27[0] : i32 from vector<1xi32>
    %dma_start3A_29 = arith.constant 193 : i32
    %dma_start3A_30 = arith.constant 0 : i32
    %dma_start3A_31 = tpu.memref_slice %arg9[%dma_start3A_29, %dma_start3A_30] : memref<200x64xf32, #tpu.memory_space<vmem>> -> memref<1x64xf32, #tpu.memory_space<vmem>>
    %dma_start3A_32 = arith.constant 0 : i32
    %dma_start3A_33 = tpu.memref_slice %arg4[%squeeze3A_28, %dma_start3A_32] : memref<1000001x64xf32, #tpu.memory_space<hbm>> -> memref<1x64xf32, #tpu.memory_space<hbm>>
    %dma_start3A_34 = arith.constant 193 : i32
    %dma_start3A_35 = arith.constant 0 : i32
    %dma_start3A_36 = tpu.memref_slice %arg9[%dma_start3A_34, %dma_start3A_35] : memref<200x64xf32, #tpu.memory_space<vmem>> -> memref<1x64xf32, #tpu.memory_space<vmem>>
    %dma_start3A_37 = arith.constant 0 : i32
    %dma_start3A_38 = tpu.memref_slice %arg4[%squeeze3A_28, %dma_start3A_37] : memref<1000001x64xf32, #tpu.memory_space<hbm>> -> memref<1x64xf32, #tpu.memory_space<hbm>>
    tpu.enqueue_dma source(%dma_start3A_38 : memref<1x64xf32, #tpu.memory_space<hbm>>) target(%dma_start3A_36 : memref<1x64xf32, #tpu.memory_space<vmem>>) target_semaphore(%arg13 : memref<!tpu.dma_semaphore, #tpu.memory_space<semaphore_mem>>)
    %slice3A_39 = vector.extract_strided_slice %get3A_17 {offsets = [10], sizes = [1], strides = [1]} : vector<16xi32> to vector<1xi32>
    %squeeze3A_40 = vector.extract %slice3A_39[0] : i32 from vector<1xi32>
    %dma_start3A_41 = arith.constant 194 : i32
    %dma_start3A_42 = arith.constant 0 : i32
    %dma_start3A_43 = tpu.memref_slice %arg9[%dma_start3A_41, %dma_start3A_42] : memref<200x64xf32, #tpu.memory_space<vmem>> -> memref<1x64xf32, #tpu.memory_space<vmem>>
    %dma_start3A_44 = arith.constant 0 : i32
    %dma_start3A_45 = tpu.memref_slice %arg4[%squeeze3A_40, %dma_start3A_44] : memref<1000001x64xf32, #tpu.memory_space<hbm>> -> memref<1x64xf32, #tpu.memory_space<hbm>>
    %dma_start3A_46 = arith.constant 194 : i32
    %dma_start3A_47 = arith.constant 0 : i32
    %dma_start3A_48 = tpu.memref_slice %arg9[%dma_start3A_46, %dma_start3A_47] : memref<200x64xf32, #tpu.memory_space<vmem>> -> memref<1x64xf32, #tpu.memory_space<vmem>>
    %dma_start3A_49 = arith.constant 0 : i32
    %dma_start3A_50 = tpu.memref_slice %arg4[%squeeze3A_40, %dma_start3A_49] : memref<1000001x64xf32, #tpu.memory_space<hbm>> -> memref<1x64xf32, #tpu.memory_space<hbm>>
    tpu.enqueue_dma source(%dma_start3A_50 : memref<1x64xf32, #tpu.memory_space<hbm>>) target(%dma_start3A_48 : memref<1x64xf32, #tpu.memory_space<vmem>>) target_semaphore(%arg13 : memref<!tpu.dma_semaphore, #tpu.memory_space<semaphore_mem>>)
    %slice3A_51 = vector.extract_strided_slice %get3A_17 {offsets = [11], sizes = [1], strides = [1]} : vector<16xi32> to vector<1xi32>
    %squeeze3A_52 = vector.extract %slice3A_51[0] : i32 from vector<1xi32>
    %dma_start3A_53 = arith.constant 195 : i32
    %dma_start3A_54 = arith.constant 0 : i32
    %dma_start3A_55 = tpu.memref_slice %arg9[%dma_start3A_53, %dma_start3A_54] : memref<200x64xf32, #tpu.memory_space<vmem>> -> memref<1x64xf32, #tpu.memory_space<vmem>>
    %dma_start3A_56 = arith.constant 0 : i32
    %dma_start3A_57 = tpu.memref_slice %arg4[%squeeze3A_52, %dma_start3A_56] : memref<1000001x64xf32, #tpu.memory_space<hbm>> -> memref<1x64xf32, #tpu.memory_space<hbm>>
    %dma_start3A_58 = arith.constant 195 : i32
    %dma_start3A_59 = arith.constant 0 : i32
    %dma_start3A_60 = tpu.memref_slice %arg9[%dma_start3A_58, %dma_start3A_59] : memref<200x64xf32, #tpu.memory_space<vmem>> -> memref<1x64xf32, #tpu.memory_space<vmem>>
    %dma_start3A_61 = arith.constant 0 : i32
    %dma_start3A_62 = tpu.memref_slice %arg4[%squeeze3A_52, %dma_start3A_61] : memref<1000001x64xf32, #tpu.memory_space<hbm>> -> memref<1x64xf32, #tpu.memory_space<hbm>>
    tpu.enqueue_dma source(%dma_start3A_62 : memref<1x64xf32, #tpu.memory_space<hbm>>) target(%dma_start3A_60 : memref<1x64xf32, #tpu.memory_space<vmem>>) target_semaphore(%arg13 : memref<!tpu.dma_semaphore, #tpu.memory_space<semaphore_mem>>)
    %slice3A_63 = vector.extract_strided_slice %get3A_17 {offsets = [12], sizes = [1], strides = [1]} : vector<16xi32> to vector<1xi32>
    %squeeze3A_64 = vector.extract %slice3A_63[0] : i32 from vector<1xi32>
    %dma_start3A_65 = arith.constant 196 : i32
    %dma_start3A_66 = arith.constant 0 : i32
    %dma_start3A_67 = tpu.memref_slice %arg9[%dma_start3A_65, %dma_start3A_66] : memref<200x64xf32, #tpu.memory_space<vmem>> -> memref<1x64xf32, #tpu.memory_space<vmem>>
    %dma_start3A_68 = arith.constant 0 : i32
    %dma_start3A_69 = tpu.memref_slice %arg4[%squeeze3A_64, %dma_start3A_68] : memref<1000001x64xf32, #tpu.memory_space<hbm>> -> memref<1x64xf32, #tpu.memory_space<hbm>>
    %dma_start3A_70 = arith.constant 196 : i32
    %dma_start3A_71 = arith.constant 0 : i32
    %dma_start3A_72 = tpu.memref_slice %arg9[%dma_start3A_70, %dma_start3A_71] : memref<200x64xf32, #tpu.memory_space<vmem>> -> memref<1x64xf32, #tpu.memory_space<vmem>>
    %dma_start3A_73 = arith.constant 0 : i32
    %dma_start3A_74 = tpu.memref_slice %arg4[%squeeze3A_64, %dma_start3A_73] : memref<1000001x64xf32, #tpu.memory_space<hbm>> -> memref<1x64xf32, #tpu.memory_space<hbm>>
    tpu.enqueue_dma source(%dma_start3A_74 : memref<1x64xf32, #tpu.memory_space<hbm>>) target(%dma_start3A_72 : memref<1x64xf32, #tpu.memory_space<vmem>>) target_semaphore(%arg13 : memref<!tpu.dma_semaphore, #tpu.memory_space<semaphore_mem>>)
    %slice3A_75 = vector.extract_strided_slice %get3A_17 {offsets = [13], sizes = [1], strides = [1]} : vector<16xi32> to vector<1xi32>
    %squeeze3A_76 = vector.extract %slice3A_75[0] : i32 from vector<1xi32>
    %dma_start3A_77 = arith.constant 197 : i32
    %dma_start3A_78 = arith.constant 0 : i32
    %dma_start3A_79 = tpu.memref_slice %arg9[%dma_start3A_77, %dma_start3A_78] : memref<200x64xf32, #tpu.memory_space<vmem>> -> memref<1x64xf32, #tpu.memory_space<vmem>>
    %dma_start3A_80 = arith.constant 0 : i32
    %dma_start3A_81 = tpu.memref_slice %arg4[%squeeze3A_76, %dma_start3A_80] : memref<1000001x64xf32, #tpu.memory_space<hbm>> -> memref<1x64xf32, #tpu.memory_space<hbm>>
    %dma_start3A_82 = arith.constant 197 : i32
    %dma_start3A_83 = arith.constant 0 : i32
    %dma_start3A_84 = tpu.memref_slice %arg9[%dma_start3A_82, %dma_start3A_83] : memref<200x64xf32, #tpu.memory_space<vmem>> -> memref<1x64xf32, #tpu.memory_space<vmem>>
    %dma_start3A_85 = arith.constant 0 : i32
    %dma_start3A_86 = tpu.memref_slice %arg4[%squeeze3A_76, %dma_start3A_85] : memref<1000001x64xf32, #tpu.memory_space<hbm>> -> memref<1x64xf32, #tpu.memory_space<hbm>>
    tpu.enqueue_dma source(%dma_start3A_86 : memref<1x64xf32, #tpu.memory_space<hbm>>) target(%dma_start3A_84 : memref<1x64xf32, #tpu.memory_space<vmem>>) target_semaphore(%arg13 : memref<!tpu.dma_semaphore, #tpu.memory_space<semaphore_mem>>)
    %slice3A_87 = vector.extract_strided_slice %get3A_17 {offsets = [14], sizes = [1], strides = [1]} : vector<16xi32> to vector<1xi32>
    %squeeze3A_88 = vector.extract %slice3A_87[0] : i32 from vector<1xi32>
    %dma_start3A_89 = arith.constant 198 : i32
    %dma_start3A_90 = arith.constant 0 : i32
    %dma_start3A_91 = tpu.memref_slice %arg9[%dma_start3A_89, %dma_start3A_90] : memref<200x64xf32, #tpu.memory_space<vmem>> -> memref<1x64xf32, #tpu.memory_space<vmem>>
    %dma_start3A_92 = arith.constant 0 : i32
    %dma_start3A_93 = tpu.memref_slice %arg4[%squeeze3A_88, %dma_start3A_92] : memref<1000001x64xf32, #tpu.memory_space<hbm>> -> memref<1x64xf32, #tpu.memory_space<hbm>>
    %dma_start3A_94 = arith.constant 198 : i32
    %dma_start3A_95 = arith.constant 0 : i32
    %dma_start3A_96 = tpu.memref_slice %arg9[%dma_start3A_94, %dma_start3A_95] : memref<200x64xf32, #tpu.memory_space<vmem>> -> memref<1x64xf32, #tpu.memory_space<vmem>>
    %dma_start3A_97 = arith.constant 0 : i32
    %dma_start3A_98 = tpu.memref_slice %arg4[%squeeze3A_88, %dma_start3A_97] : memref<1000001x64xf32, #tpu.memory_space<hbm>> -> memref<1x64xf32, #tpu.memory_space<hbm>>
    tpu.enqueue_dma source(%dma_start3A_98 : memref<1x64xf32, #tpu.memory_space<hbm>>) target(%dma_start3A_96 : memref<1x64xf32, #tpu.memory_space<vmem>>) target_semaphore(%arg13 : memref<!tpu.dma_semaphore, #tpu.memory_space<semaphore_mem>>)
    %slice3A_99 = vector.extract_strided_slice %get3A_17 {offsets = [15], sizes = [1], strides = [1]} : vector<16xi32> to vector<1xi32>
    %squeeze3A_100 = vector.extract %slice3A_99[0] : i32 from vector<1xi32>
    %dma_start3A_101 = arith.constant 199 : i32
    %dma_start3A_102 = arith.constant 0 : i32
    %dma_start3A_103 = tpu.memref_slice %arg9[%dma_start3A_101, %dma_start3A_102] : memref<200x64xf32, #tpu.memory_space<vmem>> -> memref<1x64xf32, #tpu.memory_space<vmem>>
    %dma_start3A_104 = arith.constant 0 : i32
    %dma_start3A_105 = tpu.memref_slice %arg4[%squeeze3A_100, %dma_start3A_104] : memref<1000001x64xf32, #tpu.memory_space<hbm>> -> memref<1x64xf32, #tpu.memory_space<hbm>>
    %dma_start3A_106 = arith.constant 199 : i32
    %dma_start3A_107 = arith.constant 0 : i32
    %dma_start3A_108 = tpu.memref_slice %arg9[%dma_start3A_106, %dma_start3A_107] : memref<200x64xf32, #tpu.memory_space<vmem>> -> memref<1x64xf32, #tpu.memory_space<vmem>>
    %dma_start3A_109 = arith.constant 0 : i32
    %dma_start3A_110 = tpu.memref_slice %arg4[%squeeze3A_100, %dma_start3A_109] : memref<1000001x64xf32, #tpu.memory_space<hbm>> -> memref<1x64xf32, #tpu.memory_space<hbm>>
    tpu.enqueue_dma source(%dma_start3A_110 : memref<1x64xf32, #tpu.memory_space<hbm>>) target(%dma_start3A_108 : memref<1x64xf32, #tpu.memory_space<vmem>>) target_semaphore(%arg13 : memref<!tpu.dma_semaphore, #tpu.memory_space<semaphore_mem>>)
    %add3A_111 = arith.constant 1 : i32
    %add3A_112 = arith.addi %mul3A_2, %add3A_111 : i32
    "tpu.region"() ({
      %run_scoped3A = tpu.sem_alloc : memref<!tpu.dma_semaphore, #tpu.memory_space<semaphore_mem>>
      %dma_start3A_231 = arith.constant 1 : i32
      %dma_start3A_232 = arith.constant 0 : i32
      %dma_start3A_233 = tpu.memref_slice %arg7[%dma_start3A_231, %dma_start3A_232] : memref<2x200xi32, #tpu.memory_space<vmem>> -> memref<1x200xi32, #tpu.memory_space<vmem>>
      %dma_start3A_234 = arith.constant 0 : i32
      %dma_start3A_235 = tpu.memref_slice %arg2[%add3A_112, %dma_start3A_234] : memref<4096x200xi32, #tpu.memory_space<hbm>> -> memref<1x200xi32, #tpu.memory_space<hbm>>
      %dma_start3A_236 = arith.constant 1 : i32
      %dma_start3A_237 = arith.constant 0 : i32
      %dma_start3A_238 = tpu.memref_slice %arg7[%dma_start3A_236, %dma_start3A_237] : memref<2x200xi32, #tpu.memory_space<vmem>> -> memref<1x200xi32, #tpu.memory_space<vmem>>
      %dma_start3A_239 = arith.constant 0 : i32
      %dma_start3A_240 = tpu.memref_slice %arg2[%add3A_112, %dma_start3A_239] : memref<4096x200xi32, #tpu.memory_space<hbm>> -> memref<1x200xi32, #tpu.memory_space<hbm>>
      tpu.enqueue_dma source(%dma_start3A_240 : memref<1x200xi32, #tpu.memory_space<hbm>>) target(%dma_start3A_238 : memref<1x200xi32, #tpu.memory_space<vmem>>) target_semaphore(%run_scoped3A : memref<!tpu.dma_semaphore, #tpu.memory_space<semaphore_mem>>)
      %dma_wait3A = arith.constant 1 : i32
      %dma_wait3A_241 = arith.constant 0 : i32
      %dma_wait3A_242 = tpu.memref_slice %arg7[%dma_wait3A, %dma_wait3A_241] : memref<2x200xi32, #tpu.memory_space<vmem>> -> memref<1x200xi32, #tpu.memory_space<vmem>>
      %dma_wait3A_243 = arith.constant 0 : i32
      %dma_wait3A_244 = tpu.memref_slice %arg2[%add3A_112, %dma_wait3A_243] : memref<4096x200xi32, #tpu.memory_space<hbm>> -> memref<1x200xi32, #tpu.memory_space<hbm>>
      %dma_wait3A_245 = arith.constant 1 : i32
      %dma_wait3A_246 = arith.constant 0 : i32
      %dma_wait3A_247 = tpu.memref_slice %arg7[%dma_wait3A_245, %dma_wait3A_246] : memref<2x200xi32, #tpu.memory_space<vmem>> -> memref<1x200xi32, #tpu.memory_space<vmem>>
      %dma_wait3A_248 = arith.constant 0 : i32
      %dma_wait3A_249 = tpu.memref_slice %arg2[%add3A_112, %dma_wait3A_248] : memref<4096x200xi32, #tpu.memory_space<hbm>> -> memref<1x200xi32, #tpu.memory_space<hbm>>
      tpu.wait_dma2 semaphore(%run_scoped3A : memref<!tpu.dma_semaphore, #tpu.memory_space<semaphore_mem>>) src(%dma_wait3A_249 : memref<1x200xi32, #tpu.memory_space<hbm>>) dst(%dma_wait3A_247 : memref<1x200xi32, #tpu.memory_space<vmem>>)
      tpu.yield
    }) : () -> ()
    %scan3A_113 = arith.constant 0 : i32
    %scan3A_114 = arith.constant 12 : i32
    %scan3A_115 = arith.addi %scan3A_113, %scan3A_114 : i32
    %scan3A_116 = arith.constant 1 : i32
    scf.for %scan3A_231 = %scan3A_113 to %scan3A_115 step %scan3A_116  : i32 {
      %mul3A_232 = arith.constant 1 : i32
      %mul3A_233 = arith.muli %scan3A_231, %mul3A_232 : i32
      %add3A_234 = arith.constant 0 : i32
      %add3A_235 = arith.addi %add3A_234, %mul3A_233 : i32
      %mul3A_236 = arith.constant 16 : i32
      %mul3A_237 = arith.muli %add3A_235, %mul3A_236 : i32
      %get3A_238 = arith.constant 1 : i32
      %get3A_239 = arith.index_cast %get3A_238 : i32 to index
      %get3A_240 = arith.index_cast %mul3A_237 : i32 to index
      %get3A_241 = tpu.vector_load %arg7[%get3A_239, %get3A_240] {strides = array<i32>} : memref<2x200xi32, #tpu.memory_space<vmem>>, vector<1x16xi32>,
      %get3A_242 = vector.shape_cast %get3A_241 : vector<1x16xi32> to vector<16xi32>
      %slice3A_243 = vector.extract_strided_slice %get3A_242 {offsets = [0], sizes = [1], strides = [1]} : vector<16xi32> to vector<1xi32>
      %squeeze3A_244 = vector.extract %slice3A_243[0] : i32 from vector<1xi32>
      %mul3A_245 = arith.constant 16 : i32
      %mul3A_246 = arith.muli %add3A_235, %mul3A_245 : i32
      %add3A_247 = arith.constant 0 : i32
      %add3A_248 = arith.addi %mul3A_246, %add3A_247 : i32
      %dma_start3A_249 = arith.constant 0 : i32
      %dma_start3A_250 = tpu.memref_slice %arg10[%add3A_248, %dma_start3A_249] : memref<200x64xf32, #tpu.memory_space<vmem>> -> memref<1x64xf32, #tpu.memory_space<vmem>>
      %dma_start3A_251 = arith.constant 0 : i32
      %dma_start3A_252 = tpu.memref_slice %arg4[%squeeze3A_244, %dma_start3A_251] : memref<1000001x64xf32, #tpu.memory_space<hbm>> -> memref<1x64xf32, #tpu.memory_space<hbm>>
      %dma_start3A_253 = arith.constant 0 : i32
      %dma_start3A_254 = tpu.memref_slice %arg10[%add3A_248, %dma_start3A_253] : memref<200x64xf32, #tpu.memory_space<vmem>> -> memref<1x64xf32, #tpu.memory_space<vmem>>
      %dma_start3A_255 = arith.constant 0 : i32
      %dma_start3A_256 = tpu.memref_slice %arg4[%squeeze3A_244, %dma_start3A_255] : memref<1000001x64xf32, #tpu.memory_space<hbm>> -> memref<1x64xf32, #tpu.memory_space<hbm>>
      tpu.enqueue_dma source(%dma_start3A_256 : memref<1x64xf32, #tpu.memory_space<hbm>>) target(%dma_start3A_254 : memref<1x64xf32, #tpu.memory_space<vmem>>) target_semaphore(%arg14 : memref<!tpu.dma_semaphore, #tpu.memory_space<semaphore_mem>>)
      %slice3A_257 = vector.extract_strided_slice %get3A_242 {offsets = [1], sizes = [1], strides = [1]} : vector<16xi32> to vector<1xi32>
      %squeeze3A_258 = vector.extract %slice3A_257[0] : i32 from vector<1xi32>
      %mul3A_259 = arith.constant 16 : i32
      %mul3A_260 = arith.muli %add3A_235, %mul3A_259 : i32
      %add3A_261 = arith.constant 1 : i32
      %add3A_262 = arith.addi %mul3A_260, %add3A_261 : i32
      %dma_start3A_263 = arith.constant 0 : i32
      %dma_start3A_264 = tpu.memref_slice %arg10[%add3A_262, %dma_start3A_263] : memref<200x64xf32, #tpu.memory_space<vmem>> -> memref<1x64xf32, #tpu.memory_space<vmem>>
      %dma_start3A_265 = arith.constant 0 : i32
      %dma_start3A_266 = tpu.memref_slice %arg4[%squeeze3A_258, %dma_start3A_265] : memref<1000001x64xf32, #tpu.memory_space<hbm>> -> memref<1x64xf32, #tpu.memory_space<hbm>>
      %dma_start3A_267 = arith.constant 0 : i32
      %dma_start3A_268 = tpu.memref_slice %arg10[%add3A_262, %dma_start3A_267] : memref<200x64xf32, #tpu.memory_space<vmem>> -> memref<1x64xf32, #tpu.memory_space<vmem>>
      %dma_start3A_269 = arith.constant 0 : i32
      %dma_start3A_270 = tpu.memref_slice %arg4[%squeeze3A_258, %dma_start3A_269] : memref<1000001x64xf32, #tpu.memory_space<hbm>> -> memref<1x64xf32, #tpu.memory_space<hbm>>
      tpu.enqueue_dma source(%dma_start3A_270 : memref<1x64xf32, #tpu.memory_space<hbm>>) target(%dma_start3A_268 : memref<1x64xf32, #tpu.memory_space<vmem>>) target_semaphore(%arg14 : memref<!tpu.dma_semaphore, #tpu.memory_space<semaphore_mem>>)
      %slice3A_271 = vector.extract_strided_slice %get3A_242 {offsets = [2], sizes = [1], strides = [1]} : vector<16xi32> to vector<1xi32>
      %squeeze3A_272 = vector.extract %slice3A_271[0] : i32 from vector<1xi32>
      %mul3A_273 = arith.constant 16 : i32
      %mul3A_274 = arith.muli %add3A_235, %mul3A_273 : i32
      %add3A_275 = arith.constant 2 : i32
      %add3A_276 = arith.addi %mul3A_274, %add3A_275 : i32
      %dma_start3A_277 = arith.constant 0 : i32
      %dma_start3A_278 = tpu.memref_slice %arg10[%add3A_276, %dma_start3A_277] : memref<200x64xf32, #tpu.memory_space<vmem>> -> memref<1x64xf32, #tpu.memory_space<vmem>>
      %dma_start3A_279 = arith.constant 0 : i32
      %dma_start3A_280 = tpu.memref_slice %arg4[%squeeze3A_272, %dma_start3A_279] : memref<1000001x64xf32, #tpu.memory_space<hbm>> -> memref<1x64xf32, #tpu.memory_space<hbm>>
      %dma_start3A_281 = arith.constant 0 : i32
      %dma_start3A_282 = tpu.memref_slice %arg10[%add3A_276, %dma_start3A_281] : memref<200x64xf32, #tpu.memory_space<vmem>> -> memref<1x64xf32, #tpu.memory_space<vmem>>
      %dma_start3A_283 = arith.constant 0 : i32
      %dma_start3A_284 = tpu.memref_slice %arg4[%squeeze3A_272, %dma_start3A_283] : memref<1000001x64xf32, #tpu.memory_space<hbm>> -> memref<1x64xf32, #tpu.memory_space<hbm>>
      tpu.enqueue_dma source(%dma_start3A_284 : memref<1x64xf32, #tpu.memory_space<hbm>>) target(%dma_start3A_282 : memref<1x64xf32, #tpu.memory_space<vmem>>) target_semaphore(%arg14 : memref<!tpu.dma_semaphore, #tpu.memory_space<semaphore_mem>>)
      %slice3A_285 = vector.extract_strided_slice %get3A_242 {offsets = [3], sizes = [1], strides = [1]} : vector<16xi32> to vector<1xi32>
      %squeeze3A_286 = vector.extract %slice3A_285[0] : i32 from vector<1xi32>
      %mul3A_287 = arith.constant 16 : i32
      %mul3A_288 = arith.muli %add3A_235, %mul3A_287 : i32
      %add3A_289 = arith.constant 3 : i32
      %add3A_290 = arith.addi %mul3A_288, %add3A_289 : i32
      %dma_start3A_291 = arith.constant 0 : i32
      %dma_start3A_292 = tpu.memref_slice %arg10[%add3A_290, %dma_start3A_291] : memref<200x64xf32, #tpu.memory_space<vmem>> -> memref<1x64xf32, #tpu.memory_space<vmem>>
      %dma_start3A_293 = arith.constant 0 : i32
      %dma_start3A_294 = tpu.memref_slice %arg4[%squeeze3A_286, %dma_start3A_293] : memref<1000001x64xf32, #tpu.memory_space<hbm>> -> memref<1x64xf32, #tpu.memory_space<hbm>>
      %dma_start3A_295 = arith.constant 0 : i32
      %dma_start3A_296 = tpu.memref_slice %arg10[%add3A_290, %dma_start3A_295] : memref<200x64xf32, #tpu.memory_space<vmem>> -> memref<1x64xf32, #tpu.memory_space<vmem>>
      %dma_start3A_297 = arith.constant 0 : i32
      %dma_start3A_298 = tpu.memref_slice %arg4[%squeeze3A_286, %dma_start3A_297] : memref<1000001x64xf32, #tpu.memory_space<hbm>> -> memref<1x64xf32, #tpu.memory_space<hbm>>
      tpu.enqueue_dma source(%dma_start3A_298 : memref<1x64xf32, #tpu.memory_space<hbm>>) target(%dma_start3A_296 : memref<1x64xf32, #tpu.memory_space<vmem>>) target_semaphore(%arg14 : memref<!tpu.dma_semaphore, #tpu.memory_space<semaphore_mem>>)
      %slice3A_299 = vector.extract_strided_slice %get3A_242 {offsets = [4], sizes = [1], strides = [1]} : vector<16xi32> to vector<1xi32>
      %squeeze3A_300 = vector.extract %slice3A_299[0] : i32 from vector<1xi32>
      %mul3A_301 = arith.constant 16 : i32
      %mul3A_302 = arith.muli %add3A_235, %mul3A_301 : i32
      %add3A_303 = arith.constant 4 : i32
      %add3A_304 = arith.addi %mul3A_302, %add3A_303 : i32
      %dma_start3A_305 = arith.constant 0 : i32
      %dma_start3A_306 = tpu.memref_slice %arg10[%add3A_304, %dma_start3A_305] : memref<200x64xf32, #tpu.memory_space<vmem>> -> memref<1x64xf32, #tpu.memory_space<vmem>>
      %dma_start3A_307 = arith.constant 0 : i32
      %dma_start3A_308 = tpu.memref_slice %arg4[%squeeze3A_300, %dma_start3A_307] : memref<1000001x64xf32, #tpu.memory_space<hbm>> -> memref<1x64xf32, #tpu.memory_space<hbm>>
      %dma_start3A_309 = arith.constant 0 : i32
      %dma_start3A_310 = tpu.memref_slice %arg10[%add3A_304, %dma_start3A_309] : memref<200x64xf32, #tpu.memory_space<vmem>> -> memref<1x64xf32, #tpu.memory_space<vmem>>
      %dma_start3A_311 = arith.constant 0 : i32
      %dma_start3A_312 = tpu.memref_slice %arg4[%squeeze3A_300, %dma_start3A_311] : memref<1000001x64xf32, #tpu.memory_space<hbm>> -> memref<1x64xf32, #tpu.memory_space<hbm>>
      tpu.enqueue_dma source(%dma_start3A_312 : memref<1x64xf32, #tpu.memory_space<hbm>>) target(%dma_start3A_310 : memref<1x64xf32, #tpu.memory_space<vmem>>) target_semaphore(%arg14 : memref<!tpu.dma_semaphore, #tpu.memory_space<semaphore_mem>>)
      %slice3A_313 = vector.extract_strided_slice %get3A_242 {offsets = [5], sizes = [1], strides = [1]} : vector<16xi32> to vector<1xi32>
      %squeeze3A_314 = vector.extract %slice3A_313[0] : i32 from vector<1xi32>
      %mul3A_315 = arith.constant 16 : i32
      %mul3A_316 = arith.muli %add3A_235, %mul3A_315 : i32
      %add3A_317 = arith.constant 5 : i32
      %add3A_318 = arith.addi %mul3A_316, %add3A_317 : i32
      %dma_start3A_319 = arith.constant 0 : i32
      %dma_start3A_320 = tpu.memref_slice %arg10[%add3A_318, %dma_start3A_319] : memref<200x64xf32, #tpu.memory_space<vmem>> -> memref<1x64xf32, #tpu.memory_space<vmem>>
      %dma_start3A_321 = arith.constant 0 : i32
      %dma_start3A_322 = tpu.memref_slice %arg4[%squeeze3A_314, %dma_start3A_321] : memref<1000001x64xf32, #tpu.memory_space<hbm>> -> memref<1x64xf32, #tpu.memory_space<hbm>>
      %dma_start3A_323 = arith.constant 0 : i32
      %dma_start3A_324 = tpu.memref_slice %arg10[%add3A_318, %dma_start3A_323] : memref<200x64xf32, #tpu.memory_space<vmem>> -> memref<1x64xf32, #tpu.memory_space<vmem>>
      %dma_start3A_325 = arith.constant 0 : i32
      %dma_start3A_326 = tpu.memref_slice %arg4[%squeeze3A_314, %dma_start3A_325] : memref<1000001x64xf32, #tpu.memory_space<hbm>> -> memref<1x64xf32, #tpu.memory_space<hbm>>
      tpu.enqueue_dma source(%dma_start3A_326 : memref<1x64xf32, #tpu.memory_space<hbm>>) target(%dma_start3A_324 : memref<1x64xf32, #tpu.memory_space<vmem>>) target_semaphore(%arg14 : memref<!tpu.dma_semaphore, #tpu.memory_space<semaphore_mem>>)
      %slice3A_327 = vector.extract_strided_slice %get3A_242 {offsets = [6], sizes = [1], strides = [1]} : vector<16xi32> to vector<1xi32>
      %squeeze3A_328 = vector.extract %slice3A_327[0] : i32 from vector<1xi32>
      %mul3A_329 = arith.constant 16 : i32
      %mul3A_330 = arith.muli %add3A_235, %mul3A_329 : i32
      %add3A_331 = arith.constant 6 : i32
      %add3A_332 = arith.addi %mul3A_330, %add3A_331 : i32
      %dma_start3A_333 = arith.constant 0 : i32
      %dma_start3A_334 = tpu.memref_slice %arg10[%add3A_332, %dma_start3A_333] : memref<200x64xf32, #tpu.memory_space<vmem>> -> memref<1x64xf32, #tpu.memory_space<vmem>>
      %dma_start3A_335 = arith.constant 0 : i32
      %dma_start3A_336 = tpu.memref_slice %arg4[%squeeze3A_328, %dma_start3A_335] : memref<1000001x64xf32, #tpu.memory_space<hbm>> -> memref<1x64xf32, #tpu.memory_space<hbm>>
      %dma_start3A_337 = arith.constant 0 : i32
      %dma_start3A_338 = tpu.memref_slice %arg10[%add3A_332, %dma_start3A_337] : memref<200x64xf32, #tpu.memory_space<vmem>> -> memref<1x64xf32, #tpu.memory_space<vmem>>
      %dma_start3A_339 = arith.constant 0 : i32
      %dma_start3A_340 = tpu.memref_slice %arg4[%squeeze3A_328, %dma_start3A_339] : memref<1000001x64xf32, #tpu.memory_space<hbm>> -> memref<1x64xf32, #tpu.memory_space<hbm>>
      tpu.enqueue_dma source(%dma_start3A_340 : memref<1x64xf32, #tpu.memory_space<hbm>>) target(%dma_start3A_338 : memref<1x64xf32, #tpu.memory_space<vmem>>) target_semaphore(%arg14 : memref<!tpu.dma_semaphore, #tpu.memory_space<semaphore_mem>>)
      %slice3A_341 = vector.extract_strided_slice %get3A_242 {offsets = [7], sizes = [1], strides = [1]} : vector<16xi32> to vector<1xi32>
      %squeeze3A_342 = vector.extract %slice3A_341[0] : i32 from vector<1xi32>
      %mul3A_343 = arith.constant 16 : i32
      %mul3A_344 = arith.muli %add3A_235, %mul3A_343 : i32
      %add3A_345 = arith.constant 7 : i32
      %add3A_346 = arith.addi %mul3A_344, %add3A_345 : i32
      %dma_start3A_347 = arith.constant 0 : i32
      %dma_start3A_348 = tpu.memref_slice %arg10[%add3A_346, %dma_start3A_347] : memref<200x64xf32, #tpu.memory_space<vmem>> -> memref<1x64xf32, #tpu.memory_space<vmem>>
      %dma_start3A_349 = arith.constant 0 : i32
      %dma_start3A_350 = tpu.memref_slice %arg4[%squeeze3A_342, %dma_start3A_349] : memref<1000001x64xf32, #tpu.memory_space<hbm>> -> memref<1x64xf32, #tpu.memory_space<hbm>>
      %dma_start3A_351 = arith.constant 0 : i32
      %dma_start3A_352 = tpu.memref_slice %arg10[%add3A_346, %dma_start3A_351] : memref<200x64xf32, #tpu.memory_space<vmem>> -> memref<1x64xf32, #tpu.memory_space<vmem>>
      %dma_start3A_353 = arith.constant 0 : i32
      %dma_start3A_354 = tpu.memref_slice %arg4[%squeeze3A_342, %dma_start3A_353] : memref<1000001x64xf32, #tpu.memory_space<hbm>> -> memref<1x64xf32, #tpu.memory_space<hbm>>
      tpu.enqueue_dma source(%dma_start3A_354 : memref<1x64xf32, #tpu.memory_space<hbm>>) target(%dma_start3A_352 : memref<1x64xf32, #tpu.memory_space<vmem>>) target_semaphore(%arg14 : memref<!tpu.dma_semaphore, #tpu.memory_space<semaphore_mem>>)
      %slice3A_355 = vector.extract_strided_slice %get3A_242 {offsets = [8], sizes = [1], strides = [1]} : vector<16xi32> to vector<1xi32>
      %squeeze3A_356 = vector.extract %slice3A_355[0] : i32 from vector<1xi32>
      %mul3A_357 = arith.constant 16 : i32
      %mul3A_358 = arith.muli %add3A_235, %mul3A_357 : i32
      %add3A_359 = arith.constant 8 : i32
      %add3A_360 = arith.addi %mul3A_358, %add3A_359 : i32
      %dma_start3A_361 = arith.constant 0 : i32
      %dma_start3A_362 = tpu.memref_slice %arg10[%add3A_360, %dma_start3A_361] : memref<200x64xf32, #tpu.memory_space<vmem>> -> memref<1x64xf32, #tpu.memory_space<vmem>>
      %dma_start3A_363 = arith.constant 0 : i32
      %dma_start3A_364 = tpu.memref_slice %arg4[%squeeze3A_356, %dma_start3A_363] : memref<1000001x64xf32, #tpu.memory_space<hbm>> -> memref<1x64xf32, #tpu.memory_space<hbm>>
      %dma_start3A_365 = arith.constant 0 : i32
      %dma_start3A_366 = tpu.memref_slice %arg10[%add3A_360, %dma_start3A_365] : memref<200x64xf32, #tpu.memory_space<vmem>> -> memref<1x64xf32, #tpu.memory_space<vmem>>
      %dma_start3A_367 = arith.constant 0 : i32
      %dma_start3A_368 = tpu.memref_slice %arg4[%squeeze3A_356, %dma_start3A_367] : memref<1000001x64xf32, #tpu.memory_space<hbm>> -> memref<1x64xf32, #tpu.memory_space<hbm>>
      tpu.enqueue_dma source(%dma_start3A_368 : memref<1x64xf32, #tpu.memory_space<hbm>>) target(%dma_start3A_366 : memref<1x64xf32, #tpu.memory_space<vmem>>) target_semaphore(%arg14 : memref<!tpu.dma_semaphore, #tpu.memory_space<semaphore_mem>>)
      %slice3A_369 = vector.extract_strided_slice %get3A_242 {offsets = [9], sizes = [1], strides = [1]} : vector<16xi32> to vector<1xi32>
      %squeeze3A_370 = vector.extract %slice3A_369[0] : i32 from vector<1xi32>
      %mul3A_371 = arith.constant 16 : i32
      %mul3A_372 = arith.muli %add3A_235, %mul3A_371 : i32
      %add3A_373 = arith.constant 9 : i32
      %add3A_374 = arith.addi %mul3A_372, %add3A_373 : i32
      %dma_start3A_375 = arith.constant 0 : i32
      %dma_start3A_376 = tpu.memref_slice %arg10[%add3A_374, %dma_start3A_375] : memref<200x64xf32, #tpu.memory_space<vmem>> -> memref<1x64xf32, #tpu.memory_space<vmem>>
      %dma_start3A_377 = arith.constant 0 : i32
      %dma_start3A_378 = tpu.memref_slice %arg4[%squeeze3A_370, %dma_start3A_377] : memref<1000001x64xf32, #tpu.memory_space<hbm>> -> memref<1x64xf32, #tpu.memory_space<hbm>>
      %dma_start3A_379 = arith.constant 0 : i32
      %dma_start3A_380 = tpu.memref_slice %arg10[%add3A_374, %dma_start3A_379] : memref<200x64xf32, #tpu.memory_space<vmem>> -> memref<1x64xf32, #tpu.memory_space<vmem>>
      %dma_start3A_381 = arith.constant 0 : i32
      %dma_start3A_382 = tpu.memref_slice %arg4[%squeeze3A_370, %dma_start3A_381] : memref<1000001x64xf32, #tpu.memory_space<hbm>> -> memref<1x64xf32, #tpu.memory_space<hbm>>
      tpu.enqueue_dma source(%dma_start3A_382 : memref<1x64xf32, #tpu.memory_space<hbm>>) target(%dma_start3A_380 : memref<1x64xf32, #tpu.memory_space<vmem>>) target_semaphore(%arg14 : memref<!tpu.dma_semaphore, #tpu.memory_space<semaphore_mem>>)
      %slice3A_383 = vector.extract_strided_slice %get3A_242 {offsets = [10], sizes = [1], strides = [1]} : vector<16xi32> to vector<1xi32>
      %squeeze3A_384 = vector.extract %slice3A_383[0] : i32 from vector<1xi32>
      %mul3A_385 = arith.constant 16 : i32
      %mul3A_386 = arith.muli %add3A_235, %mul3A_385 : i32
      %add3A_387 = arith.constant 10 : i32
      %add3A_388 = arith.addi %mul3A_386, %add3A_387 : i32
      %dma_start3A_389 = arith.constant 0 : i32
      %dma_start3A_390 = tpu.memref_slice %arg10[%add3A_388, %dma_start3A_389] : memref<200x64xf32, #tpu.memory_space<vmem>> -> memref<1x64xf32, #tpu.memory_space<vmem>>
      %dma_start3A_391 = arith.constant 0 : i32
      %dma_start3A_392 = tpu.memref_slice %arg4[%squeeze3A_384, %dma_start3A_391] : memref<1000001x64xf32, #tpu.memory_space<hbm>> -> memref<1x64xf32, #tpu.memory_space<hbm>>
      %dma_start3A_393 = arith.constant 0 : i32
      %dma_start3A_394 = tpu.memref_slice %arg10[%add3A_388, %dma_start3A_393] : memref<200x64xf32, #tpu.memory_space<vmem>> -> memref<1x64xf32, #tpu.memory_space<vmem>>
      %dma_start3A_395 = arith.constant 0 : i32
      %dma_start3A_396 = tpu.memref_slice %arg4[%squeeze3A_384, %dma_start3A_395] : memref<1000001x64xf32, #tpu.memory_space<hbm>> -> memref<1x64xf32, #tpu.memory_space<hbm>>
      tpu.enqueue_dma source(%dma_start3A_396 : memref<1x64xf32, #tpu.memory_space<hbm>>) target(%dma_start3A_394 : memref<1x64xf32, #tpu.memory_space<vmem>>) target_semaphore(%arg14 : memref<!tpu.dma_semaphore, #tpu.memory_space<semaphore_mem>>)
      %slice3A_397 = vector.extract_strided_slice %get3A_242 {offsets = [11], sizes = [1], strides = [1]} : vector<16xi32> to vector<1xi32>
      %squeeze3A_398 = vector.extract %slice3A_397[0] : i32 from vector<1xi32>
      %mul3A_399 = arith.constant 16 : i32
      %mul3A_400 = arith.muli %add3A_235, %mul3A_399 : i32
      %add3A_401 = arith.constant 11 : i32
      %add3A_402 = arith.addi %mul3A_400, %add3A_401 : i32
      %dma_start3A_403 = arith.constant 0 : i32
      %dma_start3A_404 = tpu.memref_slice %arg10[%add3A_402, %dma_start3A_403] : memref<200x64xf32, #tpu.memory_space<vmem>> -> memref<1x64xf32, #tpu.memory_space<vmem>>
      %dma_start3A_405 = arith.constant 0 : i32
      %dma_start3A_406 = tpu.memref_slice %arg4[%squeeze3A_398, %dma_start3A_405] : memref<1000001x64xf32, #tpu.memory_space<hbm>> -> memref<1x64xf32, #tpu.memory_space<hbm>>
      %dma_start3A_407 = arith.constant 0 : i32
      %dma_start3A_408 = tpu.memref_slice %arg10[%add3A_402, %dma_start3A_407] : memref<200x64xf32, #tpu.memory_space<vmem>> -> memref<1x64xf32, #tpu.memory_space<vmem>>
      %dma_start3A_409 = arith.constant 0 : i32
      %dma_start3A_410 = tpu.memref_slice %arg4[%squeeze3A_398, %dma_start3A_409] : memref<1000001x64xf32, #tpu.memory_space<hbm>> -> memref<1x64xf32, #tpu.memory_space<hbm>>
      tpu.enqueue_dma source(%dma_start3A_410 : memref<1x64xf32, #tpu.memory_space<hbm>>) target(%dma_start3A_408 : memref<1x64xf32, #tpu.memory_space<vmem>>) target_semaphore(%arg14 : memref<!tpu.dma_semaphore, #tpu.memory_space<semaphore_mem>>)
      %slice3A_411 = vector.extract_strided_slice %get3A_242 {offsets = [12], sizes = [1], strides = [1]} : vector<16xi32> to vector<1xi32>
      %squeeze3A_412 = vector.extract %slice3A_411[0] : i32 from vector<1xi32>
      %mul3A_413 = arith.constant 16 : i32
      %mul3A_414 = arith.muli %add3A_235, %mul3A_413 : i32
      %add3A_415 = arith.constant 12 : i32
      %add3A_416 = arith.addi %mul3A_414, %add3A_415 : i32
      %dma_start3A_417 = arith.constant 0 : i32
      %dma_start3A_418 = tpu.memref_slice %arg10[%add3A_416, %dma_start3A_417] : memref<200x64xf32, #tpu.memory_space<vmem>> -> memref<1x64xf32, #tpu.memory_space<vmem>>
      %dma_start3A_419 = arith.constant 0 : i32
      %dma_start3A_420 = tpu.memref_slice %arg4[%squeeze3A_412, %dma_start3A_419] : memref<1000001x64xf32, #tpu.memory_space<hbm>> -> memref<1x64xf32, #tpu.memory_space<hbm>>
      %dma_start3A_421 = arith.constant 0 : i32
      %dma_start3A_422 = tpu.memref_slice %arg10[%add3A_416, %dma_start3A_421] : memref<200x64xf32, #tpu.memory_space<vmem>> -> memref<1x64xf32, #tpu.memory_space<vmem>>
      %dma_start3A_423 = arith.constant 0 : i32
      %dma_start3A_424 = tpu.memref_slice %arg4[%squeeze3A_412, %dma_start3A_423] : memref<1000001x64xf32, #tpu.memory_space<hbm>> -> memref<1x64xf32, #tpu.memory_space<hbm>>
      tpu.enqueue_dma source(%dma_start3A_424 : memref<1x64xf32, #tpu.memory_space<hbm>>) target(%dma_start3A_422 : memref<1x64xf32, #tpu.memory_space<vmem>>) target_semaphore(%arg14 : memref<!tpu.dma_semaphore, #tpu.memory_space<semaphore_mem>>)
      %slice3A_425 = vector.extract_strided_slice %get3A_242 {offsets = [13], sizes = [1], strides = [1]} : vector<16xi32> to vector<1xi32>
      %squeeze3A_426 = vector.extract %slice3A_425[0] : i32 from vector<1xi32>
      %mul3A_427 = arith.constant 16 : i32
      %mul3A_428 = arith.muli %add3A_235, %mul3A_427 : i32
      %add3A_429 = arith.constant 13 : i32
      %add3A_430 = arith.addi %mul3A_428, %add3A_429 : i32
      %dma_start3A_431 = arith.constant 0 : i32
      %dma_start3A_432 = tpu.memref_slice %arg10[%add3A_430, %dma_start3A_431] : memref<200x64xf32, #tpu.memory_space<vmem>> -> memref<1x64xf32, #tpu.memory_space<vmem>>
      %dma_start3A_433 = arith.constant 0 : i32
      %dma_start3A_434 = tpu.memref_slice %arg4[%squeeze3A_426, %dma_start3A_433] : memref<1000001x64xf32, #tpu.memory_space<hbm>> -> memref<1x64xf32, #tpu.memory_space<hbm>>
      %dma_start3A_435 = arith.constant 0 : i32
      %dma_start3A_436 = tpu.memref_slice %arg10[%add3A_430, %dma_start3A_435] : memref<200x64xf32, #tpu.memory_space<vmem>> -> memref<1x64xf32, #tpu.memory_space<vmem>>
      %dma_start3A_437 = arith.constant 0 : i32
      %dma_start3A_438 = tpu.memref_slice %arg4[%squeeze3A_426, %dma_start3A_437] : memref<1000001x64xf32, #tpu.memory_space<hbm>> -> memref<1x64xf32, #tpu.memory_space<hbm>>
      tpu.enqueue_dma source(%dma_start3A_438 : memref<1x64xf32, #tpu.memory_space<hbm>>) target(%dma_start3A_436 : memref<1x64xf32, #tpu.memory_space<vmem>>) target_semaphore(%arg14 : memref<!tpu.dma_semaphore, #tpu.memory_space<semaphore_mem>>)
      %slice3A_439 = vector.extract_strided_slice %get3A_242 {offsets = [14], sizes = [1], strides = [1]} : vector<16xi32> to vector<1xi32>
      %squeeze3A_440 = vector.extract %slice3A_439[0] : i32 from vector<1xi32>
      %mul3A_441 = arith.constant 16 : i32
      %mul3A_442 = arith.muli %add3A_235, %mul3A_441 : i32
      %add3A_443 = arith.constant 14 : i32
      %add3A_444 = arith.addi %mul3A_442, %add3A_443 : i32
      %dma_start3A_445 = arith.constant 0 : i32
      %dma_start3A_446 = tpu.memref_slice %arg10[%add3A_444, %dma_start3A_445] : memref<200x64xf32, #tpu.memory_space<vmem>> -> memref<1x64xf32, #tpu.memory_space<vmem>>
      %dma_start3A_447 = arith.constant 0 : i32
      %dma_start3A_448 = tpu.memref_slice %arg4[%squeeze3A_440, %dma_start3A_447] : memref<1000001x64xf32, #tpu.memory_space<hbm>> -> memref<1x64xf32, #tpu.memory_space<hbm>>
      %dma_start3A_449 = arith.constant 0 : i32
      %dma_start3A_450 = tpu.memref_slice %arg10[%add3A_444, %dma_start3A_449] : memref<200x64xf32, #tpu.memory_space<vmem>> -> memref<1x64xf32, #tpu.memory_space<vmem>>
      %dma_start3A_451 = arith.constant 0 : i32
      %dma_start3A_452 = tpu.memref_slice %arg4[%squeeze3A_440, %dma_start3A_451] : memref<1000001x64xf32, #tpu.memory_space<hbm>> -> memref<1x64xf32, #tpu.memory_space<hbm>>
      tpu.enqueue_dma source(%dma_start3A_452 : memref<1x64xf32, #tpu.memory_space<hbm>>) target(%dma_start3A_450 : memref<1x64xf32, #tpu.memory_space<vmem>>) target_semaphore(%arg14 : memref<!tpu.dma_semaphore, #tpu.memory_space<semaphore_mem>>)
      %slice3A_453 = vector.extract_strided_slice %get3A_242 {offsets = [15], sizes = [1], strides = [1]} : vector<16xi32> to vector<1xi32>
      %squeeze3A_454 = vector.extract %slice3A_453[0] : i32 from vector<1xi32>
      %mul3A_455 = arith.constant 16 : i32
      %mul3A_456 = arith.muli %add3A_235, %mul3A_455 : i32
      %add3A_457 = arith.constant 15 : i32
      %add3A_458 = arith.addi %mul3A_456, %add3A_457 : i32
      %dma_start3A_459 = arith.constant 0 : i32
      %dma_start3A_460 = tpu.memref_slice %arg10[%add3A_458, %dma_start3A_459] : memref<200x64xf32, #tpu.memory_space<vmem>> -> memref<1x64xf32, #tpu.memory_space<vmem>>
      %dma_start3A_461 = arith.constant 0 : i32
      %dma_start3A_462 = tpu.memref_slice %arg4[%squeeze3A_454, %dma_start3A_461] : memref<1000001x64xf32, #tpu.memory_space<hbm>> -> memref<1x64xf32, #tpu.memory_space<hbm>>
      %dma_start3A_463 = arith.constant 0 : i32
      %dma_start3A_464 = tpu.memref_slice %arg10[%add3A_458, %dma_start3A_463] : memref<200x64xf32, #tpu.memory_space<vmem>> -> memref<1x64xf32, #tpu.memory_space<vmem>>
      %dma_start3A_465 = arith.constant 0 : i32
      %dma_start3A_466 = tpu.memref_slice %arg4[%squeeze3A_454, %dma_start3A_465] : memref<1000001x64xf32, #tpu.memory_space<hbm>> -> memref<1x64xf32, #tpu.memory_space<hbm>>
      tpu.enqueue_dma source(%dma_start3A_466 : memref<1x64xf32, #tpu.memory_space<hbm>>) target(%dma_start3A_464 : memref<1x64xf32, #tpu.memory_space<vmem>>) target_semaphore(%arg14 : memref<!tpu.dma_semaphore, #tpu.memory_space<semaphore_mem>>)
    }
    %scan3A_117 = arith.constant 12 : i32
    %get3A_118 = arith.constant 1 : i32
    %get3A_119 = arith.index_cast %get3A_118 : i32 to index
    %get3A_120 = arith.constant 184 : index
    %get3A_121 = tpu.vector_load %arg7[%get3A_119, %get3A_120] {strides = array<i32>} : memref<2x200xi32, #tpu.memory_space<vmem>>, vector<1x16xi32>,
    %get3A_122 = vector.shape_cast %get3A_121 : vector<1x16xi32> to vector<16xi32>
    %slice3A_123 = vector.extract_strided_slice %get3A_122 {offsets = [8], sizes = [1], strides = [1]} : vector<16xi32> to vector<1xi32>
    %squeeze3A_124 = vector.extract %slice3A_123[0] : i32 from vector<1xi32>
    %dma_start3A_125 = arith.constant 192 : i32
    %dma_start3A_126 = arith.constant 0 : i32
    %dma_start3A_127 = tpu.memref_slice %arg10[%dma_start3A_125, %dma_start3A_126] : memref<200x64xf32, #tpu.memory_space<vmem>> -> memref<1x64xf32, #tpu.memory_space<vmem>>
    %dma_start3A_128 = arith.constant 0 : i32
    %dma_start3A_129 = tpu.memref_slice %arg4[%squeeze3A_124, %dma_start3A_128] : memref<1000001x64xf32, #tpu.memory_space<hbm>> -> memref<1x64xf32, #tpu.memory_space<hbm>>
    %dma_start3A_130 = arith.constant 192 : i32
    %dma_start3A_131 = arith.constant 0 : i32
    %dma_start3A_132 = tpu.memref_slice %arg10[%dma_start3A_130, %dma_start3A_131] : memref<200x64xf32, #tpu.memory_space<vmem>> -> memref<1x64xf32, #tpu.memory_space<vmem>>
    %dma_start3A_133 = arith.constant 0 : i32
    %dma_start3A_134 = tpu.memref_slice %arg4[%squeeze3A_124, %dma_start3A_133] : memref<1000001x64xf32, #tpu.memory_space<hbm>> -> memref<1x64xf32, #tpu.memory_space<hbm>>
    tpu.enqueue_dma source(%dma_start3A_134 : memref<1x64xf32, #tpu.memory_space<hbm>>) target(%dma_start3A_132 : memref<1x64xf32, #tpu.memory_space<vmem>>) target_semaphore(%arg14 : memref<!tpu.dma_semaphore, #tpu.memory_space<semaphore_mem>>)
    %slice3A_135 = vector.extract_strided_slice %get3A_122 {offsets = [9], sizes = [1], strides = [1]} : vector<16xi32> to vector<1xi32>
    %squeeze3A_136 = vector.extract %slice3A_135[0] : i32 from vector<1xi32>
    %dma_start3A_137 = arith.constant 193 : i32
    %dma_start3A_138 = arith.constant 0 : i32
    %dma_start3A_139 = tpu.memref_slice %arg10[%dma_start3A_137, %dma_start3A_138] : memref<200x64xf32, #tpu.memory_space<vmem>> -> memref<1x64xf32, #tpu.memory_space<vmem>>
    %dma_start3A_140 = arith.constant 0 : i32
    %dma_start3A_141 = tpu.memref_slice %arg4[%squeeze3A_136, %dma_start3A_140] : memref<1000001x64xf32, #tpu.memory_space<hbm>> -> memref<1x64xf32, #tpu.memory_space<hbm>>
    %dma_start3A_142 = arith.constant 193 : i32
    %dma_start3A_143 = arith.constant 0 : i32
    %dma_start3A_144 = tpu.memref_slice %arg10[%dma_start3A_142, %dma_start3A_143] : memref<200x64xf32, #tpu.memory_space<vmem>> -> memref<1x64xf32, #tpu.memory_space<vmem>>
    %dma_start3A_145 = arith.constant 0 : i32
    %dma_start3A_146 = tpu.memref_slice %arg4[%squeeze3A_136, %dma_start3A_145] : memref<1000001x64xf32, #tpu.memory_space<hbm>> -> memref<1x64xf32, #tpu.memory_space<hbm>>
    tpu.enqueue_dma source(%dma_start3A_146 : memref<1x64xf32, #tpu.memory_space<hbm>>) target(%dma_start3A_144 : memref<1x64xf32, #tpu.memory_space<vmem>>) target_semaphore(%arg14 : memref<!tpu.dma_semaphore, #tpu.memory_space<semaphore_mem>>)
    %slice3A_147 = vector.extract_strided_slice %get3A_122 {offsets = [10], sizes = [1], strides = [1]} : vector<16xi32> to vector<1xi32>
    %squeeze3A_148 = vector.extract %slice3A_147[0] : i32 from vector<1xi32>
    %dma_start3A_149 = arith.constant 194 : i32
    %dma_start3A_150 = arith.constant 0 : i32
    %dma_start3A_151 = tpu.memref_slice %arg10[%dma_start3A_149, %dma_start3A_150] : memref<200x64xf32, #tpu.memory_space<vmem>> -> memref<1x64xf32, #tpu.memory_space<vmem>>
    %dma_start3A_152 = arith.constant 0 : i32
    %dma_start3A_153 = tpu.memref_slice %arg4[%squeeze3A_148, %dma_start3A_152] : memref<1000001x64xf32, #tpu.memory_space<hbm>> -> memref<1x64xf32, #tpu.memory_space<hbm>>
    %dma_start3A_154 = arith.constant 194 : i32
    %dma_start3A_155 = arith.constant 0 : i32
    %dma_start3A_156 = tpu.memref_slice %arg10[%dma_start3A_154, %dma_start3A_155] : memref<200x64xf32, #tpu.memory_space<vmem>> -> memref<1x64xf32, #tpu.memory_space<vmem>>
    %dma_start3A_157 = arith.constant 0 : i32
    %dma_start3A_158 = tpu.memref_slice %arg4[%squeeze3A_148, %dma_start3A_157] : memref<1000001x64xf32, #tpu.memory_space<hbm>> -> memref<1x64xf32, #tpu.memory_space<hbm>>
    tpu.enqueue_dma source(%dma_start3A_158 : memref<1x64xf32, #tpu.memory_space<hbm>>) target(%dma_start3A_156 : memref<1x64xf32, #tpu.memory_space<vmem>>) target_semaphore(%arg14 : memref<!tpu.dma_semaphore, #tpu.memory_space<semaphore_mem>>)
    %slice3A_159 = vector.extract_strided_slice %get3A_122 {offsets = [11], sizes = [1], strides = [1]} : vector<16xi32> to vector<1xi32>
    %squeeze3A_160 = vector.extract %slice3A_159[0] : i32 from vector<1xi32>
    %dma_start3A_161 = arith.constant 195 : i32
    %dma_start3A_162 = arith.constant 0 : i32
    %dma_start3A_163 = tpu.memref_slice %arg10[%dma_start3A_161, %dma_start3A_162] : memref<200x64xf32, #tpu.memory_space<vmem>> -> memref<1x64xf32, #tpu.memory_space<vmem>>
    %dma_start3A_164 = arith.constant 0 : i32
    %dma_start3A_165 = tpu.memref_slice %arg4[%squeeze3A_160, %dma_start3A_164] : memref<1000001x64xf32, #tpu.memory_space<hbm>> -> memref<1x64xf32, #tpu.memory_space<hbm>>
    %dma_start3A_166 = arith.constant 195 : i32
    %dma_start3A_167 = arith.constant 0 : i32
    %dma_start3A_168 = tpu.memref_slice %arg10[%dma_start3A_166, %dma_start3A_167] : memref<200x64xf32, #tpu.memory_space<vmem>> -> memref<1x64xf32, #tpu.memory_space<vmem>>
    %dma_start3A_169 = arith.constant 0 : i32
    %dma_start3A_170 = tpu.memref_slice %arg4[%squeeze3A_160, %dma_start3A_169] : memref<1000001x64xf32, #tpu.memory_space<hbm>> -> memref<1x64xf32, #tpu.memory_space<hbm>>
    tpu.enqueue_dma source(%dma_start3A_170 : memref<1x64xf32, #tpu.memory_space<hbm>>) target(%dma_start3A_168 : memref<1x64xf32, #tpu.memory_space<vmem>>) target_semaphore(%arg14 : memref<!tpu.dma_semaphore, #tpu.memory_space<semaphore_mem>>)
    %slice3A_171 = vector.extract_strided_slice %get3A_122 {offsets = [12], sizes = [1], strides = [1]} : vector<16xi32> to vector<1xi32>
    %squeeze3A_172 = vector.extract %slice3A_171[0] : i32 from vector<1xi32>
    %dma_start3A_173 = arith.constant 196 : i32
    %dma_start3A_174 = arith.constant 0 : i32
    %dma_start3A_175 = tpu.memref_slice %arg10[%dma_start3A_173, %dma_start3A_174] : memref<200x64xf32, #tpu.memory_space<vmem>> -> memref<1x64xf32, #tpu.memory_space<vmem>>
    %dma_start3A_176 = arith.constant 0 : i32
    %dma_start3A_177 = tpu.memref_slice %arg4[%squeeze3A_172, %dma_start3A_176] : memref<1000001x64xf32, #tpu.memory_space<hbm>> -> memref<1x64xf32, #tpu.memory_space<hbm>>
    %dma_start3A_178 = arith.constant 196 : i32
    %dma_start3A_179 = arith.constant 0 : i32
    %dma_start3A_180 = tpu.memref_slice %arg10[%dma_start3A_178, %dma_start3A_179] : memref<200x64xf32, #tpu.memory_space<vmem>> -> memref<1x64xf32, #tpu.memory_space<vmem>>
    %dma_start3A_181 = arith.constant 0 : i32
    %dma_start3A_182 = tpu.memref_slice %arg4[%squeeze3A_172, %dma_start3A_181] : memref<1000001x64xf32, #tpu.memory_space<hbm>> -> memref<1x64xf32, #tpu.memory_space<hbm>>
    tpu.enqueue_dma source(%dma_start3A_182 : memref<1x64xf32, #tpu.memory_space<hbm>>) target(%dma_start3A_180 : memref<1x64xf32, #tpu.memory_space<vmem>>) target_semaphore(%arg14 : memref<!tpu.dma_semaphore, #tpu.memory_space<semaphore_mem>>)
    %slice3A_183 = vector.extract_strided_slice %get3A_122 {offsets = [13], sizes = [1], strides = [1]} : vector<16xi32> to vector<1xi32>
    %squeeze3A_184 = vector.extract %slice3A_183[0] : i32 from vector<1xi32>
    %dma_start3A_185 = arith.constant 197 : i32
    %dma_start3A_186 = arith.constant 0 : i32
    %dma_start3A_187 = tpu.memref_slice %arg10[%dma_start3A_185, %dma_start3A_186] : memref<200x64xf32, #tpu.memory_space<vmem>> -> memref<1x64xf32, #tpu.memory_space<vmem>>
    %dma_start3A_188 = arith.constant 0 : i32
    %dma_start3A_189 = tpu.memref_slice %arg4[%squeeze3A_184, %dma_start3A_188] : memref<1000001x64xf32, #tpu.memory_space<hbm>> -> memref<1x64xf32, #tpu.memory_space<hbm>>
    %dma_start3A_190 = arith.constant 197 : i32
    %dma_start3A_191 = arith.constant 0 : i32
    %dma_start3A_192 = tpu.memref_slice %arg10[%dma_start3A_190, %dma_start3A_191] : memref<200x64xf32, #tpu.memory_space<vmem>> -> memref<1x64xf32, #tpu.memory_space<vmem>>
    %dma_start3A_193 = arith.constant 0 : i32
    %dma_start3A_194 = tpu.memref_slice %arg4[%squeeze3A_184, %dma_start3A_193] : memref<1000001x64xf32, #tpu.memory_space<hbm>> -> memref<1x64xf32, #tpu.memory_space<hbm>>
    tpu.enqueue_dma source(%dma_start3A_194 : memref<1x64xf32, #tpu.memory_space<hbm>>) target(%dma_start3A_192 : memref<1x64xf32, #tpu.memory_space<vmem>>) target_semaphore(%arg14 : memref<!tpu.dma_semaphore, #tpu.memory_space<semaphore_mem>>)
    %slice3A_195 = vector.extract_strided_slice %get3A_122 {offsets = [14], sizes = [1], strides = [1]} : vector<16xi32> to vector<1xi32>
    %squeeze3A_196 = vector.extract %slice3A_195[0] : i32 from vector<1xi32>
    %dma_start3A_197 = arith.constant 198 : i32
    %dma_start3A_198 = arith.constant 0 : i32
    %dma_start3A_199 = tpu.memref_slice %arg10[%dma_start3A_197, %dma_start3A_198] : memref<200x64xf32, #tpu.memory_space<vmem>> -> memref<1x64xf32, #tpu.memory_space<vmem>>
    %dma_start3A_200 = arith.constant 0 : i32
    %dma_start3A_201 = tpu.memref_slice %arg4[%squeeze3A_196, %dma_start3A_200] : memref<1000001x64xf32, #tpu.memory_space<hbm>> -> memref<1x64xf32, #tpu.memory_space<hbm>>
    %dma_start3A_202 = arith.constant 198 : i32
    %dma_start3A_203 = arith.constant 0 : i32
    %dma_start3A_204 = tpu.memref_slice %arg10[%dma_start3A_202, %dma_start3A_203] : memref<200x64xf32, #tpu.memory_space<vmem>> -> memref<1x64xf32, #tpu.memory_space<vmem>>
    %dma_start3A_205 = arith.constant 0 : i32
    %dma_start3A_206 = tpu.memref_slice %arg4[%squeeze3A_196, %dma_start3A_205] : memref<1000001x64xf32, #tpu.memory_space<hbm>> -> memref<1x64xf32, #tpu.memory_space<hbm>>
    tpu.enqueue_dma source(%dma_start3A_206 : memref<1x64xf32, #tpu.memory_space<hbm>>) target(%dma_start3A_204 : memref<1x64xf32, #tpu.memory_space<vmem>>) target_semaphore(%arg14 : memref<!tpu.dma_semaphore, #tpu.memory_space<semaphore_mem>>)
    %slice3A_207 = vector.extract_strided_slice %get3A_122 {offsets = [15], sizes = [1], strides = [1]} : vector<16xi32> to vector<1xi32>
    %squeeze3A_208 = vector.extract %slice3A_207[0] : i32 from vector<1xi32>
    %dma_start3A_209 = arith.constant 199 : i32
    %dma_start3A_210 = arith.constant 0 : i32
    %dma_start3A_211 = tpu.memref_slice %arg10[%dma_start3A_209, %dma_start3A_210] : memref<200x64xf32, #tpu.memory_space<vmem>> -> memref<1x64xf32, #tpu.memory_space<vmem>>
    %dma_start3A_212 = arith.constant 0 : i32
    %dma_start3A_213 = tpu.memref_slice %arg4[%squeeze3A_208, %dma_start3A_212] : memref<1000001x64xf32, #tpu.memory_space<hbm>> -> memref<1x64xf32, #tpu.memory_space<hbm>>
    %dma_start3A_214 = arith.constant 199 : i32
    %dma_start3A_215 = arith.constant 0 : i32
    %dma_start3A_216 = tpu.memref_slice %arg10[%dma_start3A_214, %dma_start3A_215] : memref<200x64xf32, #tpu.memory_space<vmem>> -> memref<1x64xf32, #tpu.memory_space<vmem>>
    %dma_start3A_217 = arith.constant 0 : i32
    %dma_start3A_218 = tpu.memref_slice %arg4[%squeeze3A_208, %dma_start3A_217] : memref<1000001x64xf32, #tpu.memory_space<hbm>> -> memref<1x64xf32, #tpu.memory_space<hbm>>
    tpu.enqueue_dma source(%dma_start3A_218 : memref<1x64xf32, #tpu.memory_space<hbm>>) target(%dma_start3A_216 : memref<1x64xf32, #tpu.memory_space<vmem>>) target_semaphore(%arg14 : memref<!tpu.dma_semaphore, #tpu.memory_space<semaphore_mem>>)
    %broadcast_in_dim3A = arith.constant 0.000000e+00 : f32
    %broadcast_in_dim3A_219 = vector.broadcast %broadcast_in_dim3A : f32 to vector<16xf32>
    %scan3A_220 = arith.constant 5.000000e-03 : f32
    %scan3A_221 = arith.constant 0 : i32
    %scan3A_222 = arith.constant 64 : i32
    %scan3A_223 = arith.addi %scan3A_221, %scan3A_222 : i32
    %scan3A_224 = arith.constant 1 : i32
    scf.for %scan3A_231 = %scan3A_221 to %scan3A_223 step %scan3A_224  : i32 {
      %mul3A_232 = arith.constant 2 : i32
      %mul3A_233 = arith.muli %scan3A_231, %mul3A_232 : i32
      %add3A_234 = arith.constant 0 : i32
      %add3A_235 = arith.addi %add3A_234, %mul3A_233 : i32
      %add3A_236 = arith.constant 0 : i32
      %add3A_237 = arith.addi %add3A_235, %add3A_236 : i32
      %scan3A_238 = arith.constant 0 : i32
      %scan3A_239 = arith.constant 200 : i32
      %scan3A_240 = arith.addi %scan3A_238, %scan3A_239 : i32
      %scan3A_241 = arith.constant 8 : i32
      scf.for %scan3A_328 = %scan3A_238 to %scan3A_240 step %scan3A_241  : i32 {
        %mul3A_329 = arith.constant 1 : i32
        %mul3A_330 = arith.muli %scan3A_328, %mul3A_329 : i32
        %add3A_331 = arith.constant 0 : i32
        %add3A_332 = arith.addi %add3A_331, %mul3A_330 : i32
        %dma_wait3A = arith.constant 0 : i32
        %dma_wait3A_333 = tpu.memref_slice %arg9[%add3A_332, %dma_wait3A] : memref<200x64xf32, #tpu.memory_space<vmem>> -> memref<1x64xf32, #tpu.memory_space<vmem>>
        %dma_wait3A_334 = arith.constant 0 : i32
        %dma_wait3A_335 = arith.constant 0 : i32
        %dma_wait3A_336 = tpu.memref_slice %arg4[%dma_wait3A_334, %dma_wait3A_335] : memref<1000001x64xf32, #tpu.memory_space<hbm>> -> memref<1x64xf32, #tpu.memory_space<hbm>>
        %dma_wait3A_337 = arith.constant 0 : i32
        %dma_wait3A_338 = tpu.memref_slice %arg9[%add3A_332, %dma_wait3A_337] : memref<200x64xf32, #tpu.memory_space<vmem>> -> memref<1x64xf32, #tpu.memory_space<vmem>>
        %dma_wait3A_339 = arith.constant 0 : i32
        %dma_wait3A_340 = arith.constant 0 : i32
        %dma_wait3A_341 = tpu.memref_slice %arg4[%dma_wait3A_339, %dma_wait3A_340] : memref<1000001x64xf32, #tpu.memory_space<hbm>> -> memref<1x64xf32, #tpu.memory_space<hbm>>
        tpu.wait_dma2 semaphore(%arg13 : memref<!tpu.dma_semaphore, #tpu.memory_space<semaphore_mem>>) src(%dma_wait3A_341 : memref<1x64xf32, #tpu.memory_space<hbm>>) dst(%dma_wait3A_338 : memref<1x64xf32, #tpu.memory_space<vmem>>)
        %scan3A_342 = arith.constant 1 : i32
        %scan3A_343 = arith.addi %scan3A_328, %scan3A_342 : i32
        %mul3A_344 = arith.constant 1 : i32
        %mul3A_345 = arith.muli %scan3A_343, %mul3A_344 : i32
        %add3A_346 = arith.constant 0 : i32
        %add3A_347 = arith.addi %add3A_346, %mul3A_345 : i32
        %dma_wait3A_348 = arith.constant 0 : i32
        %dma_wait3A_349 = tpu.memref_slice %arg9[%add3A_347, %dma_wait3A_348] : memref<200x64xf32, #tpu.memory_space<vmem>> -> memref<1x64xf32, #tpu.memory_space<vmem>>
        %dma_wait3A_350 = arith.constant 0 : i32
        %dma_wait3A_351 = arith.constant 0 : i32
        %dma_wait3A_352 = tpu.memref_slice %arg4[%dma_wait3A_350, %dma_wait3A_351] : memref<1000001x64xf32, #tpu.memory_space<hbm>> -> memref<1x64xf32, #tpu.memory_space<hbm>>
        %dma_wait3A_353 = arith.constant 0 : i32
        %dma_wait3A_354 = tpu.memref_slice %arg9[%add3A_347, %dma_wait3A_353] : memref<200x64xf32, #tpu.memory_space<vmem>> -> memref<1x64xf32, #tpu.memory_space<vmem>>
        %dma_wait3A_355 = arith.constant 0 : i32
        %dma_wait3A_356 = arith.constant 0 : i32
        %dma_wait3A_357 = tpu.memref_slice %arg4[%dma_wait3A_355, %dma_wait3A_356] : memref<1000001x64xf32, #tpu.memory_space<hbm>> -> memref<1x64xf32, #tpu.memory_space<hbm>>
        tpu.wait_dma2 semaphore(%arg13 : memref<!tpu.dma_semaphore, #tpu.memory_space<semaphore_mem>>) src(%dma_wait3A_357 : memref<1x64xf32, #tpu.memory_space<hbm>>) dst(%dma_wait3A_354 : memref<1x64xf32, #tpu.memory_space<vmem>>)
        %scan3A_358 = arith.constant 2 : i32
        %scan3A_359 = arith.addi %scan3A_328, %scan3A_358 : i32
        %mul3A_360 = arith.constant 1 : i32
        %mul3A_361 = arith.muli %scan3A_359, %mul3A_360 : i32
        %add3A_362 = arith.constant 0 : i32
        %add3A_363 = arith.addi %add3A_362, %mul3A_361 : i32
        %dma_wait3A_364 = arith.constant 0 : i32
        %dma_wait3A_365 = tpu.memref_slice %arg9[%add3A_363, %dma_wait3A_364] : memref<200x64xf32, #tpu.memory_space<vmem>> -> memref<1x64xf32, #tpu.memory_space<vmem>>
        %dma_wait3A_366 = arith.constant 0 : i32
        %dma_wait3A_367 = arith.constant 0 : i32
        %dma_wait3A_368 = tpu.memref_slice %arg4[%dma_wait3A_366, %dma_wait3A_367] : memref<1000001x64xf32, #tpu.memory_space<hbm>> -> memref<1x64xf32, #tpu.memory_space<hbm>>
        %dma_wait3A_369 = arith.constant 0 : i32
        %dma_wait3A_370 = tpu.memref_slice %arg9[%add3A_363, %dma_wait3A_369] : memref<200x64xf32, #tpu.memory_space<vmem>> -> memref<1x64xf32, #tpu.memory_space<vmem>>
        %dma_wait3A_371 = arith.constant 0 : i32
        %dma_wait3A_372 = arith.constant 0 : i32
        %dma_wait3A_373 = tpu.memref_slice %arg4[%dma_wait3A_371, %dma_wait3A_372] : memref<1000001x64xf32, #tpu.memory_space<hbm>> -> memref<1x64xf32, #tpu.memory_space<hbm>>
        tpu.wait_dma2 semaphore(%arg13 : memref<!tpu.dma_semaphore, #tpu.memory_space<semaphore_mem>>) src(%dma_wait3A_373 : memref<1x64xf32, #tpu.memory_space<hbm>>) dst(%dma_wait3A_370 : memref<1x64xf32, #tpu.memory_space<vmem>>)
        %scan3A_374 = arith.constant 3 : i32
        %scan3A_375 = arith.addi %scan3A_328, %scan3A_374 : i32
        %mul3A_376 = arith.constant 1 : i32
        %mul3A_377 = arith.muli %scan3A_375, %mul3A_376 : i32
        %add3A_378 = arith.constant 0 : i32
        %add3A_379 = arith.addi %add3A_378, %mul3A_377 : i32
        %dma_wait3A_380 = arith.constant 0 : i32
        %dma_wait3A_381 = tpu.memref_slice %arg9[%add3A_379, %dma_wait3A_380] : memref<200x64xf32, #tpu.memory_space<vmem>> -> memref<1x64xf32, #tpu.memory_space<vmem>>
        %dma_wait3A_382 = arith.constant 0 : i32
        %dma_wait3A_383 = arith.constant 0 : i32
        %dma_wait3A_384 = tpu.memref_slice %arg4[%dma_wait3A_382, %dma_wait3A_383] : memref<1000001x64xf32, #tpu.memory_space<hbm>> -> memref<1x64xf32, #tpu.memory_space<hbm>>
        %dma_wait3A_385 = arith.constant 0 : i32
        %dma_wait3A_386 = tpu.memref_slice %arg9[%add3A_379, %dma_wait3A_385] : memref<200x64xf32, #tpu.memory_space<vmem>> -> memref<1x64xf32, #tpu.memory_space<vmem>>
        %dma_wait3A_387 = arith.constant 0 : i32
        %dma_wait3A_388 = arith.constant 0 : i32
        %dma_wait3A_389 = tpu.memref_slice %arg4[%dma_wait3A_387, %dma_wait3A_388] : memref<1000001x64xf32, #tpu.memory_space<hbm>> -> memref<1x64xf32, #tpu.memory_space<hbm>>
        tpu.wait_dma2 semaphore(%arg13 : memref<!tpu.dma_semaphore, #tpu.memory_space<semaphore_mem>>) src(%dma_wait3A_389 : memref<1x64xf32, #tpu.memory_space<hbm>>) dst(%dma_wait3A_386 : memref<1x64xf32, #tpu.memory_space<vmem>>)
        %scan3A_390 = arith.constant 4 : i32
        %scan3A_391 = arith.addi %scan3A_328, %scan3A_390 : i32
        %mul3A_392 = arith.constant 1 : i32
        %mul3A_393 = arith.muli %scan3A_391, %mul3A_392 : i32
        %add3A_394 = arith.constant 0 : i32
        %add3A_395 = arith.addi %add3A_394, %mul3A_393 : i32
        %dma_wait3A_396 = arith.constant 0 : i32
        %dma_wait3A_397 = tpu.memref_slice %arg9[%add3A_395, %dma_wait3A_396] : memref<200x64xf32, #tpu.memory_space<vmem>> -> memref<1x64xf32, #tpu.memory_space<vmem>>
        %dma_wait3A_398 = arith.constant 0 : i32
        %dma_wait3A_399 = arith.constant 0 : i32
        %dma_wait3A_400 = tpu.memref_slice %arg4[%dma_wait3A_398, %dma_wait3A_399] : memref<1000001x64xf32, #tpu.memory_space<hbm>> -> memref<1x64xf32, #tpu.memory_space<hbm>>
        %dma_wait3A_401 = arith.constant 0 : i32
        %dma_wait3A_402 = tpu.memref_slice %arg9[%add3A_395, %dma_wait3A_401] : memref<200x64xf32, #tpu.memory_space<vmem>> -> memref<1x64xf32, #tpu.memory_space<vmem>>
        %dma_wait3A_403 = arith.constant 0 : i32
        %dma_wait3A_404 = arith.constant 0 : i32
        %dma_wait3A_405 = tpu.memref_slice %arg4[%dma_wait3A_403, %dma_wait3A_404] : memref<1000001x64xf32, #tpu.memory_space<hbm>> -> memref<1x64xf32, #tpu.memory_space<hbm>>
        tpu.wait_dma2 semaphore(%arg13 : memref<!tpu.dma_semaphore, #tpu.memory_space<semaphore_mem>>) src(%dma_wait3A_405 : memref<1x64xf32, #tpu.memory_space<hbm>>) dst(%dma_wait3A_402 : memref<1x64xf32, #tpu.memory_space<vmem>>)
        %scan3A_406 = arith.constant 5 : i32
        %scan3A_407 = arith.addi %scan3A_328, %scan3A_406 : i32
        %mul3A_408 = arith.constant 1 : i32
        %mul3A_409 = arith.muli %scan3A_407, %mul3A_408 : i32
        %add3A_410 = arith.constant 0 : i32
        %add3A_411 = arith.addi %add3A_410, %mul3A_409 : i32
        %dma_wait3A_412 = arith.constant 0 : i32
        %dma_wait3A_413 = tpu.memref_slice %arg9[%add3A_411, %dma_wait3A_412] : memref<200x64xf32, #tpu.memory_space<vmem>> -> memref<1x64xf32, #tpu.memory_space<vmem>>
        %dma_wait3A_414 = arith.constant 0 : i32
        %dma_wait3A_415 = arith.constant 0 : i32
        %dma_wait3A_416 = tpu.memref_slice %arg4[%dma_wait3A_414, %dma_wait3A_415] : memref<1000001x64xf32, #tpu.memory_space<hbm>> -> memref<1x64xf32, #tpu.memory_space<hbm>>
        %dma_wait3A_417 = arith.constant 0 : i32
        %dma_wait3A_418 = tpu.memref_slice %arg9[%add3A_411, %dma_wait3A_417] : memref<200x64xf32, #tpu.memory_space<vmem>> -> memref<1x64xf32, #tpu.memory_space<vmem>>
        %dma_wait3A_419 = arith.constant 0 : i32
        %dma_wait3A_420 = arith.constant 0 : i32
        %dma_wait3A_421 = tpu.memref_slice %arg4[%dma_wait3A_419, %dma_wait3A_420] : memref<1000001x64xf32, #tpu.memory_space<hbm>> -> memref<1x64xf32, #tpu.memory_space<hbm>>
        tpu.wait_dma2 semaphore(%arg13 : memref<!tpu.dma_semaphore, #tpu.memory_space<semaphore_mem>>) src(%dma_wait3A_421 : memref<1x64xf32, #tpu.memory_space<hbm>>) dst(%dma_wait3A_418 : memref<1x64xf32, #tpu.memory_space<vmem>>)
        %scan3A_422 = arith.constant 6 : i32
        %scan3A_423 = arith.addi %scan3A_328, %scan3A_422 : i32
        %mul3A_424 = arith.constant 1 : i32
        %mul3A_425 = arith.muli %scan3A_423, %mul3A_424 : i32
        %add3A_426 = arith.constant 0 : i32
        %add3A_427 = arith.addi %add3A_426, %mul3A_425 : i32
        %dma_wait3A_428 = arith.constant 0 : i32
        %dma_wait3A_429 = tpu.memref_slice %arg9[%add3A_427, %dma_wait3A_428] : memref<200x64xf32, #tpu.memory_space<vmem>> -> memref<1x64xf32, #tpu.memory_space<vmem>>
        %dma_wait3A_430 = arith.constant 0 : i32
        %dma_wait3A_431 = arith.constant 0 : i32
        %dma_wait3A_432 = tpu.memref_slice %arg4[%dma_wait3A_430, %dma_wait3A_431] : memref<1000001x64xf32, #tpu.memory_space<hbm>> -> memref<1x64xf32, #tpu.memory_space<hbm>>
        %dma_wait3A_433 = arith.constant 0 : i32
        %dma_wait3A_434 = tpu.memref_slice %arg9[%add3A_427, %dma_wait3A_433] : memref<200x64xf32, #tpu.memory_space<vmem>> -> memref<1x64xf32, #tpu.memory_space<vmem>>
        %dma_wait3A_435 = arith.constant 0 : i32
        %dma_wait3A_436 = arith.constant 0 : i32
        %dma_wait3A_437 = tpu.memref_slice %arg4[%dma_wait3A_435, %dma_wait3A_436] : memref<1000001x64xf32, #tpu.memory_space<hbm>> -> memref<1x64xf32, #tpu.memory_space<hbm>>
        tpu.wait_dma2 semaphore(%arg13 : memref<!tpu.dma_semaphore, #tpu.memory_space<semaphore_mem>>) src(%dma_wait3A_437 : memref<1x64xf32, #tpu.memory_space<hbm>>) dst(%dma_wait3A_434 : memref<1x64xf32, #tpu.memory_space<vmem>>)
        %scan3A_438 = arith.constant 7 : i32
        %scan3A_439 = arith.addi %scan3A_328, %scan3A_438 : i32
        %mul3A_440 = arith.constant 1 : i32
        %mul3A_441 = arith.muli %scan3A_439, %mul3A_440 : i32
        %add3A_442 = arith.constant 0 : i32
        %add3A_443 = arith.addi %add3A_442, %mul3A_441 : i32
        %dma_wait3A_444 = arith.constant 0 : i32
        %dma_wait3A_445 = tpu.memref_slice %arg9[%add3A_443, %dma_wait3A_444] : memref<200x64xf32, #tpu.memory_space<vmem>> -> memref<1x64xf32, #tpu.memory_space<vmem>>
        %dma_wait3A_446 = arith.constant 0 : i32
        %dma_wait3A_447 = arith.constant 0 : i32
        %dma_wait3A_448 = tpu.memref_slice %arg4[%dma_wait3A_446, %dma_wait3A_447] : memref<1000001x64xf32, #tpu.memory_space<hbm>> -> memref<1x64xf32, #tpu.memory_space<hbm>>
        %dma_wait3A_449 = arith.constant 0 : i32
        %dma_wait3A_450 = tpu.memref_slice %arg9[%add3A_443, %dma_wait3A_449] : memref<200x64xf32, #tpu.memory_space<vmem>> -> memref<1x64xf32, #tpu.memory_space<vmem>>
        %dma_wait3A_451 = arith.constant 0 : i32
        %dma_wait3A_452 = arith.constant 0 : i32
        %dma_wait3A_453 = tpu.memref_slice %arg4[%dma_wait3A_451, %dma_wait3A_452] : memref<1000001x64xf32, #tpu.memory_space<hbm>> -> memref<1x64xf32, #tpu.memory_space<hbm>>
        tpu.wait_dma2 semaphore(%arg13 : memref<!tpu.dma_semaphore, #tpu.memory_space<semaphore_mem>>) src(%dma_wait3A_453 : memref<1x64xf32, #tpu.memory_space<hbm>>) dst(%dma_wait3A_450 : memref<1x64xf32, #tpu.memory_space<vmem>>)
      }
      %scan3A_242 = arith.constant 200 : i32
      %scan3A_243 = arith.constant 0 : i32
      %scan3A_244 = arith.constant 200 : i32
      %scan3A_245 = arith.addi %scan3A_243, %scan3A_244 : i32
      %scan3A_246 = arith.constant 8 : i32
      %scan3A_247:4 = scf.for %scan3A_328 = %scan3A_243 to %scan3A_245 step %scan3A_246 iter_args(%scan3A_329 = %broadcast_in_dim3A_219, %scan3A_330 = %broadcast_in_dim3A_219, %scan3A_331 = %broadcast_in_dim3A_219, %scan3A_332 = %broadcast_in_dim3A_219) -> (vector<16xf32>, vector<16xf32>, vector<16xf32>, vector<16xf32>)  : i32 {
        %mul3A_333 = arith.constant 1 : i32
        %mul3A_334 = arith.muli %scan3A_328, %mul3A_333 : i32
        %add3A_335 = arith.constant 0 : i32
        %add3A_336 = arith.addi %add3A_335, %mul3A_334 : i32
        %get3A_337 = arith.index_cast %add3A_336 : i32 to index
        %get3A_338 = arith.constant 0 : index
        %get3A_339 = tpu.vector_load %arg9[%get3A_337, %get3A_338] {strides = array<i32>} : memref<200x64xf32, #tpu.memory_space<vmem>>, vector<1x16xf32>,
        %get3A_340 = vector.shape_cast %get3A_339 : vector<1x16xf32> to vector<16xf32>
        %add3A_341 = arith.addf %scan3A_329, %get3A_340 : vector<16xf32>
        %get3A_342 = arith.index_cast %add3A_336 : i32 to index
        %get3A_343 = arith.constant 16 : index
        %get3A_344 = tpu.vector_load %arg9[%get3A_342, %get3A_343] {strides = array<i32>} : memref<200x64xf32, #tpu.memory_space<vmem>>, vector<1x16xf32>,
        %get3A_345 = vector.shape_cast %get3A_344 : vector<1x16xf32> to vector<16xf32>
        %add3A_346 = arith.addf %scan3A_330, %get3A_345 : vector<16xf32>
        %get3A_347 = arith.index_cast %add3A_336 : i32 to index
        %get3A_348 = arith.constant 32 : index
        %get3A_349 = tpu.vector_load %arg9[%get3A_347, %get3A_348] {strides = array<i32>} : memref<200x64xf32, #tpu.memory_space<vmem>>, vector<1x16xf32>,
        %get3A_350 = vector.shape_cast %get3A_349 : vector<1x16xf32> to vector<16xf32>
        %add3A_351 = arith.addf %scan3A_331, %get3A_350 : vector<16xf32>
        %get3A_352 = arith.index_cast %add3A_336 : i32 to index
        %get3A_353 = arith.constant 48 : index
        %get3A_354 = tpu.vector_load %arg9[%get3A_352, %get3A_353] {strides = array<i32>} : memref<200x64xf32, #tpu.memory_space<vmem>>, vector<1x16xf32>,
        %get3A_355 = vector.shape_cast %get3A_354 : vector<1x16xf32> to vector<16xf32>
        %add3A_356 = arith.addf %scan3A_332, %get3A_355 : vector<16xf32>
        %scan3A_357 = arith.constant 1 : i32
        %scan3A_358 = arith.addi %scan3A_328, %scan3A_357 : i32
        %mul3A_359 = arith.constant 1 : i32
        %mul3A_360 = arith.muli %scan3A_358, %mul3A_359 : i32
        %add3A_361 = arith.constant 0 : i32
        %add3A_362 = arith.addi %add3A_361, %mul3A_360 : i32
        %get3A_363 = arith.index_cast %add3A_362 : i32 to index
        %get3A_364 = arith.constant 0 : index
        %get3A_365 = tpu.vector_load %arg9[%get3A_363, %get3A_364] {strides = array<i32>} : memref<200x64xf32, #tpu.memory_space<vmem>>, vector<1x16xf32>,
        %get3A_366 = vector.shape_cast %get3A_365 : vector<1x16xf32> to vector<16xf32>
        %add3A_367 = arith.addf %add3A_341, %get3A_366 : vector<16xf32>
        %get3A_368 = arith.index_cast %add3A_362 : i32 to index
        %get3A_369 = arith.constant 16 : index
        %get3A_370 = tpu.vector_load %arg9[%get3A_368, %get3A_369] {strides = array<i32>} : memref<200x64xf32, #tpu.memory_space<vmem>>, vector<1x16xf32>,
        %get3A_371 = vector.shape_cast %get3A_370 : vector<1x16xf32> to vector<16xf32>
        %add3A_372 = arith.addf %add3A_346, %get3A_371 : vector<16xf32>
        %get3A_373 = arith.index_cast %add3A_362 : i32 to index
        %get3A_374 = arith.constant 32 : index
        %get3A_375 = tpu.vector_load %arg9[%get3A_373, %get3A_374] {strides = array<i32>} : memref<200x64xf32, #tpu.memory_space<vmem>>, vector<1x16xf32>,
        %get3A_376 = vector.shape_cast %get3A_375 : vector<1x16xf32> to vector<16xf32>
        %add3A_377 = arith.addf %add3A_351, %get3A_376 : vector<16xf32>
        %get3A_378 = arith.index_cast %add3A_362 : i32 to index
        %get3A_379 = arith.constant 48 : index
        %get3A_380 = tpu.vector_load %arg9[%get3A_378, %get3A_379] {strides = array<i32>} : memref<200x64xf32, #tpu.memory_space<vmem>>, vector<1x16xf32>,
        %get3A_381 = vector.shape_cast %get3A_380 : vector<1x16xf32> to vector<16xf32>
        %add3A_382 = arith.addf %add3A_356, %get3A_381 : vector<16xf32>
        %scan3A_383 = arith.constant 2 : i32
        %scan3A_384 = arith.addi %scan3A_328, %scan3A_383 : i32
        %mul3A_385 = arith.constant 1 : i32
        %mul3A_386 = arith.muli %scan3A_384, %mul3A_385 : i32
        %add3A_387 = arith.constant 0 : i32
        %add3A_388 = arith.addi %add3A_387, %mul3A_386 : i32
        %get3A_389 = arith.index_cast %add3A_388 : i32 to index
        %get3A_390 = arith.constant 0 : index
        %get3A_391 = tpu.vector_load %arg9[%get3A_389, %get3A_390] {strides = array<i32>} : memref<200x64xf32, #tpu.memory_space<vmem>>, vector<1x16xf32>,
        %get3A_392 = vector.shape_cast %get3A_391 : vector<1x16xf32> to vector<16xf32>
        %add3A_393 = arith.addf %add3A_367, %get3A_392 : vector<16xf32>
        %get3A_394 = arith.index_cast %add3A_388 : i32 to index
        %get3A_395 = arith.constant 16 : index
        %get3A_396 = tpu.vector_load %arg9[%get3A_394, %get3A_395] {strides = array<i32>} : memref<200x64xf32, #tpu.memory_space<vmem>>, vector<1x16xf32>,
        %get3A_397 = vector.shape_cast %get3A_396 : vector<1x16xf32> to vector<16xf32>
        %add3A_398 = arith.addf %add3A_372, %get3A_397 : vector<16xf32>
        %get3A_399 = arith.index_cast %add3A_388 : i32 to index
        %get3A_400 = arith.constant 32 : index
        %get3A_401 = tpu.vector_load %arg9[%get3A_399, %get3A_400] {strides = array<i32>} : memref<200x64xf32, #tpu.memory_space<vmem>>, vector<1x16xf32>,
        %get3A_402 = vector.shape_cast %get3A_401 : vector<1x16xf32> to vector<16xf32>
        %add3A_403 = arith.addf %add3A_377, %get3A_402 : vector<16xf32>
        %get3A_404 = arith.index_cast %add3A_388 : i32 to index
        %get3A_405 = arith.constant 48 : index
        %get3A_406 = tpu.vector_load %arg9[%get3A_404, %get3A_405] {strides = array<i32>} : memref<200x64xf32, #tpu.memory_space<vmem>>, vector<1x16xf32>,
        %get3A_407 = vector.shape_cast %get3A_406 : vector<1x16xf32> to vector<16xf32>
        %add3A_408 = arith.addf %add3A_382, %get3A_407 : vector<16xf32>
        %scan3A_409 = arith.constant 3 : i32
        %scan3A_410 = arith.addi %scan3A_328, %scan3A_409 : i32
        %mul3A_411 = arith.constant 1 : i32
        %mul3A_412 = arith.muli %scan3A_410, %mul3A_411 : i32
        %add3A_413 = arith.constant 0 : i32
        %add3A_414 = arith.addi %add3A_413, %mul3A_412 : i32
        %get3A_415 = arith.index_cast %add3A_414 : i32 to index
        %get3A_416 = arith.constant 0 : index
        %get3A_417 = tpu.vector_load %arg9[%get3A_415, %get3A_416] {strides = array<i32>} : memref<200x64xf32, #tpu.memory_space<vmem>>, vector<1x16xf32>,
        %get3A_418 = vector.shape_cast %get3A_417 : vector<1x16xf32> to vector<16xf32>
        %add3A_419 = arith.addf %add3A_393, %get3A_418 : vector<16xf32>
        %get3A_420 = arith.index_cast %add3A_414 : i32 to index
        %get3A_421 = arith.constant 16 : index
        %get3A_422 = tpu.vector_load %arg9[%get3A_420, %get3A_421] {strides = array<i32>} : memref<200x64xf32, #tpu.memory_space<vmem>>, vector<1x16xf32>,
        %get3A_423 = vector.shape_cast %get3A_422 : vector<1x16xf32> to vector<16xf32>
        %add3A_424 = arith.addf %add3A_398, %get3A_423 : vector<16xf32>
        %get3A_425 = arith.index_cast %add3A_414 : i32 to index
        %get3A_426 = arith.constant 32 : index
        %get3A_427 = tpu.vector_load %arg9[%get3A_425, %get3A_426] {strides = array<i32>} : memref<200x64xf32, #tpu.memory_space<vmem>>, vector<1x16xf32>,
        %get3A_428 = vector.shape_cast %get3A_427 : vector<1x16xf32> to vector<16xf32>
        %add3A_429 = arith.addf %add3A_403, %get3A_428 : vector<16xf32>
        %get3A_430 = arith.index_cast %add3A_414 : i32 to index
        %get3A_431 = arith.constant 48 : index
        %get3A_432 = tpu.vector_load %arg9[%get3A_430, %get3A_431] {strides = array<i32>} : memref<200x64xf32, #tpu.memory_space<vmem>>, vector<1x16xf32>,
        %get3A_433 = vector.shape_cast %get3A_432 : vector<1x16xf32> to vector<16xf32>
        %add3A_434 = arith.addf %add3A_408, %get3A_433 : vector<16xf32>
        %scan3A_435 = arith.constant 4 : i32
        %scan3A_436 = arith.addi %scan3A_328, %scan3A_435 : i32
        %mul3A_437 = arith.constant 1 : i32
        %mul3A_438 = arith.muli %scan3A_436, %mul3A_437 : i32
        %add3A_439 = arith.constant 0 : i32
        %add3A_440 = arith.addi %add3A_439, %mul3A_438 : i32
        %get3A_441 = arith.index_cast %add3A_440 : i32 to index
        %get3A_442 = arith.constant 0 : index
        %get3A_443 = tpu.vector_load %arg9[%get3A_441, %get3A_442] {strides = array<i32>} : memref<200x64xf32, #tpu.memory_space<vmem>>, vector<1x16xf32>,
        %get3A_444 = vector.shape_cast %get3A_443 : vector<1x16xf32> to vector<16xf32>
        %add3A_445 = arith.addf %add3A_419, %get3A_444 : vector<16xf32>
        %get3A_446 = arith.index_cast %add3A_440 : i32 to index
        %get3A_447 = arith.constant 16 : index
        %get3A_448 = tpu.vector_load %arg9[%get3A_446, %get3A_447] {strides = array<i32>} : memref<200x64xf32, #tpu.memory_space<vmem>>, vector<1x16xf32>,
        %get3A_449 = vector.shape_cast %get3A_448 : vector<1x16xf32> to vector<16xf32>
        %add3A_450 = arith.addf %add3A_424, %get3A_449 : vector<16xf32>
        %get3A_451 = arith.index_cast %add3A_440 : i32 to index
        %get3A_452 = arith.constant 32 : index
        %get3A_453 = tpu.vector_load %arg9[%get3A_451, %get3A_452] {strides = array<i32>} : memref<200x64xf32, #tpu.memory_space<vmem>>, vector<1x16xf32>,
        %get3A_454 = vector.shape_cast %get3A_453 : vector<1x16xf32> to vector<16xf32>
        %add3A_455 = arith.addf %add3A_429, %get3A_454 : vector<16xf32>
        %get3A_456 = arith.index_cast %add3A_440 : i32 to index
        %get3A_457 = arith.constant 48 : index
        %get3A_458 = tpu.vector_load %arg9[%get3A_456, %get3A_457] {strides = array<i32>} : memref<200x64xf32, #tpu.memory_space<vmem>>, vector<1x16xf32>,
        %get3A_459 = vector.shape_cast %get3A_458 : vector<1x16xf32> to vector<16xf32>
        %add3A_460 = arith.addf %add3A_434, %get3A_459 : vector<16xf32>
        %scan3A_461 = arith.constant 5 : i32
        %scan3A_462 = arith.addi %scan3A_328, %scan3A_461 : i32
        %mul3A_463 = arith.constant 1 : i32
        %mul3A_464 = arith.muli %scan3A_462, %mul3A_463 : i32
        %add3A_465 = arith.constant 0 : i32
        %add3A_466 = arith.addi %add3A_465, %mul3A_464 : i32
        %get3A_467 = arith.index_cast %add3A_466 : i32 to index
        %get3A_468 = arith.constant 0 : index
        %get3A_469 = tpu.vector_load %arg9[%get3A_467, %get3A_468] {strides = array<i32>} : memref<200x64xf32, #tpu.memory_space<vmem>>, vector<1x16xf32>,
        %get3A_470 = vector.shape_cast %get3A_469 : vector<1x16xf32> to vector<16xf32>
        %add3A_471 = arith.addf %add3A_445, %get3A_470 : vector<16xf32>
        %get3A_472 = arith.index_cast %add3A_466 : i32 to index
        %get3A_473 = arith.constant 16 : index
        %get3A_474 = tpu.vector_load %arg9[%get3A_472, %get3A_473] {strides = array<i32>} : memref<200x64xf32, #tpu.memory_space<vmem>>, vector<1x16xf32>,
        %get3A_475 = vector.shape_cast %get3A_474 : vector<1x16xf32> to vector<16xf32>
        %add3A_476 = arith.addf %add3A_450, %get3A_475 : vector<16xf32>
        %get3A_477 = arith.index_cast %add3A_466 : i32 to index
        %get3A_478 = arith.constant 32 : index
        %get3A_479 = tpu.vector_load %arg9[%get3A_477, %get3A_478] {strides = array<i32>} : memref<200x64xf32, #tpu.memory_space<vmem>>, vector<1x16xf32>,
        %get3A_480 = vector.shape_cast %get3A_479 : vector<1x16xf32> to vector<16xf32>
        %add3A_481 = arith.addf %add3A_455, %get3A_480 : vector<16xf32>
        %get3A_482 = arith.index_cast %add3A_466 : i32 to index
        %get3A_483 = arith.constant 48 : index
        %get3A_484 = tpu.vector_load %arg9[%get3A_482, %get3A_483] {strides = array<i32>} : memref<200x64xf32, #tpu.memory_space<vmem>>, vector<1x16xf32>,
        %get3A_485 = vector.shape_cast %get3A_484 : vector<1x16xf32> to vector<16xf32>
        %add3A_486 = arith.addf %add3A_460, %get3A_485 : vector<16xf32>
        %scan3A_487 = arith.constant 6 : i32
        %scan3A_488 = arith.addi %scan3A_328, %scan3A_487 : i32
        %mul3A_489 = arith.constant 1 : i32
        %mul3A_490 = arith.muli %scan3A_488, %mul3A_489 : i32
        %add3A_491 = arith.constant 0 : i32
        %add3A_492 = arith.addi %add3A_491, %mul3A_490 : i32
        %get3A_493 = arith.index_cast %add3A_492 : i32 to index
        %get3A_494 = arith.constant 0 : index
        %get3A_495 = tpu.vector_load %arg9[%get3A_493, %get3A_494] {strides = array<i32>} : memref<200x64xf32, #tpu.memory_space<vmem>>, vector<1x16xf32>,
        %get3A_496 = vector.shape_cast %get3A_495 : vector<1x16xf32> to vector<16xf32>
        %add3A_497 = arith.addf %add3A_471, %get3A_496 : vector<16xf32>
        %get3A_498 = arith.index_cast %add3A_492 : i32 to index
        %get3A_499 = arith.constant 16 : index
        %get3A_500 = tpu.vector_load %arg9[%get3A_498, %get3A_499] {strides = array<i32>} : memref<200x64xf32, #tpu.memory_space<vmem>>, vector<1x16xf32>,
        %get3A_501 = vector.shape_cast %get3A_500 : vector<1x16xf32> to vector<16xf32>
        %add3A_502 = arith.addf %add3A_476, %get3A_501 : vector<16xf32>
        %get3A_503 = arith.index_cast %add3A_492 : i32 to index
        %get3A_504 = arith.constant 32 : index
        %get3A_505 = tpu.vector_load %arg9[%get3A_503, %get3A_504] {strides = array<i32>} : memref<200x64xf32, #tpu.memory_space<vmem>>, vector<1x16xf32>,
        %get3A_506 = vector.shape_cast %get3A_505 : vector<1x16xf32> to vector<16xf32>
        %add3A_507 = arith.addf %add3A_481, %get3A_506 : vector<16xf32>
        %get3A_508 = arith.index_cast %add3A_492 : i32 to index
        %get3A_509 = arith.constant 48 : index
        %get3A_510 = tpu.vector_load %arg9[%get3A_508, %get3A_509] {strides = array<i32>} : memref<200x64xf32, #tpu.memory_space<vmem>>, vector<1x16xf32>,
        %get3A_511 = vector.shape_cast %get3A_510 : vector<1x16xf32> to vector<16xf32>
        %add3A_512 = arith.addf %add3A_486, %get3A_511 : vector<16xf32>
        %scan3A_513 = arith.constant 7 : i32
        %scan3A_514 = arith.addi %scan3A_328, %scan3A_513 : i32
        %mul3A_515 = arith.constant 1 : i32
        %mul3A_516 = arith.muli %scan3A_514, %mul3A_515 : i32
        %add3A_517 = arith.constant 0 : i32
        %add3A_518 = arith.addi %add3A_517, %mul3A_516 : i32
        %get3A_519 = arith.index_cast %add3A_518 : i32 to index
        %get3A_520 = arith.constant 0 : index
        %get3A_521 = tpu.vector_load %arg9[%get3A_519, %get3A_520] {strides = array<i32>} : memref<200x64xf32, #tpu.memory_space<vmem>>, vector<1x16xf32>,
        %get3A_522 = vector.shape_cast %get3A_521 : vector<1x16xf32> to vector<16xf32>
        %add3A_523 = arith.addf %add3A_497, %get3A_522 : vector<16xf32>
        %get3A_524 = arith.index_cast %add3A_518 : i32 to index
        %get3A_525 = arith.constant 16 : index
        %get3A_526 = tpu.vector_load %arg9[%get3A_524, %get3A_525] {strides = array<i32>} : memref<200x64xf32, #tpu.memory_space<vmem>>, vector<1x16xf32>,
        %get3A_527 = vector.shape_cast %get3A_526 : vector<1x16xf32> to vector<16xf32>
        %add3A_528 = arith.addf %add3A_502, %get3A_527 : vector<16xf32>
        %get3A_529 = arith.index_cast %add3A_518 : i32 to index
        %get3A_530 = arith.constant 32 : index
        %get3A_531 = tpu.vector_load %arg9[%get3A_529, %get3A_530] {strides = array<i32>} : memref<200x64xf32, #tpu.memory_space<vmem>>, vector<1x16xf32>,
        %get3A_532 = vector.shape_cast %get3A_531 : vector<1x16xf32> to vector<16xf32>
        %add3A_533 = arith.addf %add3A_507, %get3A_532 : vector<16xf32>
        %get3A_534 = arith.index_cast %add3A_518 : i32 to index
        %get3A_535 = arith.constant 48 : index
        %get3A_536 = tpu.vector_load %arg9[%get3A_534, %get3A_535] {strides = array<i32>} : memref<200x64xf32, #tpu.memory_space<vmem>>, vector<1x16xf32>,
        %get3A_537 = vector.shape_cast %get3A_536 : vector<1x16xf32> to vector<16xf32>
        %add3A_538 = arith.addf %add3A_512, %get3A_537 : vector<16xf32>
        scf.yield %add3A_523, %add3A_528, %add3A_533, %add3A_538 : vector<16xf32>, vector<16xf32>, vector<16xf32>, vector<16xf32>
      }
      %scan3A_248 = arith.constant 200 : i32
      %mul3A_249 = vector.broadcast %scan3A_220 : f32 to vector<16xf32>
      %mul3A_250 = arith.mulf %scan3A_247#0, %mul3A_249 : vector<16xf32>
      %swap3A = arith.index_cast %add3A_237 : i32 to index
      %swap3A_251 = arith.constant 0 : index
      %swap3A_252 = tpu.vector_load %arg11[%swap3A, %swap3A_251] {strides = array<i32>} : memref<128x64xf32, #tpu.memory_space<vmem>>, vector<1x16xf32>,
      %swap3A_253 = vector.shape_cast %swap3A_252 : vector<1x16xf32> to vector<16xf32>
      %swap3A_254 = vector.shape_cast %mul3A_250 : vector<16xf32> to vector<1x16xf32>
      tpu.vector_store %arg11[%swap3A, %swap3A_251], %swap3A_254 {strides = array<i32>} : memref<128x64xf32, #tpu.memory_space<vmem>>, vector<1x16xf32>,
      %mul3A_255 = vector.broadcast %scan3A_220 : f32 to vector<16xf32>
      %mul3A_256 = arith.mulf %scan3A_247#1, %mul3A_255 : vector<16xf32>
      %swap3A_257 = arith.index_cast %add3A_237 : i32 to index
      %swap3A_258 = arith.constant 16 : index
      %swap3A_259 = tpu.vector_load %arg11[%swap3A_257, %swap3A_258] {strides = array<i32>} : memref<128x64xf32, #tpu.memory_space<vmem>>, vector<1x16xf32>,
      %swap3A_260 = vector.shape_cast %swap3A_259 : vector<1x16xf32> to vector<16xf32>
      %swap3A_261 = vector.shape_cast %mul3A_256 : vector<16xf32> to vector<1x16xf32>
      tpu.vector_store %arg11[%swap3A_257, %swap3A_258], %swap3A_261 {strides = array<i32>} : memref<128x64xf32, #tpu.memory_space<vmem>>, vector<1x16xf32>,
      %mul3A_262 = vector.broadcast %scan3A_220 : f32 to vector<16xf32>
      %mul3A_263 = arith.mulf %scan3A_247#2, %mul3A_262 : vector<16xf32>
      %swap3A_264 = arith.index_cast %add3A_237 : i32 to index
      %swap3A_265 = arith.constant 32 : index
      %swap3A_266 = tpu.vector_load %arg11[%swap3A_264, %swap3A_265] {strides = array<i32>} : memref<128x64xf32, #tpu.memory_space<vmem>>, vector<1x16xf32>,
      %swap3A_267 = vector.shape_cast %swap3A_266 : vector<1x16xf32> to vector<16xf32>
      %swap3A_268 = vector.shape_cast %mul3A_263 : vector<16xf32> to vector<1x16xf32>
      tpu.vector_store %arg11[%swap3A_264, %swap3A_265], %swap3A_268 {strides = array<i32>} : memref<128x64xf32, #tpu.memory_space<vmem>>, vector<1x16xf32>,
      %mul3A_269 = vector.broadcast %scan3A_220 : f32 to vector<16xf32>
      %mul3A_270 = arith.mulf %scan3A_247#3, %mul3A_269 : vector<16xf32>
      %swap3A_271 = arith.index_cast %add3A_237 : i32 to index
      %swap3A_272 = arith.constant 48 : index
      %swap3A_273 = tpu.vector_load %arg11[%swap3A_271, %swap3A_272] {strides = array<i32>} : memref<128x64xf32, #tpu.memory_space<vmem>>, vector<1x16xf32>,
      %swap3A_274 = vector.shape_cast %swap3A_273 : vector<1x16xf32> to vector<16xf32>
      %swap3A_275 = vector.shape_cast %mul3A_270 : vector<16xf32> to vector<1x16xf32>
      tpu.vector_store %arg11[%swap3A_271, %swap3A_272], %swap3A_275 {strides = array<i32>} : memref<128x64xf32, #tpu.memory_space<vmem>>, vector<1x16xf32>,
      %add3A_276 = arith.constant 2 : i32
      %add3A_277 = arith.addi %add3A_237, %add3A_276 : i32
      %lt3A = arith.constant 128 : i32
      %lt3A_278 = arith.cmpi slt, %add3A_277, %lt3A : i32
      %convert_element_type3A = arith.extui %lt3A_278 : i1 to i32
      %cond3A = arith.constant 0 : i32
      %cond3A_279 = arith.cmpi ne, %convert_element_type3A, %cond3A : i32
      scf.if %cond3A_279 {
        %add3A_328 = arith.constant 2 : i32
        %add3A_329 = arith.addi %add3A_237, %add3A_328 : i32
        %add3A_330 = arith.addi %mul3A_2, %add3A_329 : i32
        "tpu.region"() ({
          %run_scoped3A = tpu.sem_alloc : memref<!tpu.dma_semaphore, #tpu.memory_space<semaphore_mem>>
          %dma_start3A_437 = arith.constant 0 : i32
          %dma_start3A_438 = arith.constant 0 : i32
          %dma_start3A_439 = tpu.memref_slice %arg7[%dma_start3A_437, %dma_start3A_438] : memref<2x200xi32, #tpu.memory_space<vmem>> -> memref<1x200xi32, #tpu.memory_space<vmem>>
          %dma_start3A_440 = arith.constant 0 : i32
          %dma_start3A_441 = tpu.memref_slice %arg2[%add3A_330, %dma_start3A_440] : memref<4096x200xi32, #tpu.memory_space<hbm>> -> memref<1x200xi32, #tpu.memory_space<hbm>>
          %dma_start3A_442 = arith.constant 0 : i32
          %dma_start3A_443 = arith.constant 0 : i32
          %dma_start3A_444 = tpu.memref_slice %arg7[%dma_start3A_442, %dma_start3A_443] : memref<2x200xi32, #tpu.memory_space<vmem>> -> memref<1x200xi32, #tpu.memory_space<vmem>>
          %dma_start3A_445 = arith.constant 0 : i32
          %dma_start3A_446 = tpu.memref_slice %arg2[%add3A_330, %dma_start3A_445] : memref<4096x200xi32, #tpu.memory_space<hbm>> -> memref<1x200xi32, #tpu.memory_space<hbm>>
          tpu.enqueue_dma source(%dma_start3A_446 : memref<1x200xi32, #tpu.memory_space<hbm>>) target(%dma_start3A_444 : memref<1x200xi32, #tpu.memory_space<vmem>>) target_semaphore(%run_scoped3A : memref<!tpu.dma_semaphore, #tpu.memory_space<semaphore_mem>>)
          %dma_wait3A = arith.constant 0 : i32
          %dma_wait3A_447 = arith.constant 0 : i32
          %dma_wait3A_448 = tpu.memref_slice %arg7[%dma_wait3A, %dma_wait3A_447] : memref<2x200xi32, #tpu.memory_space<vmem>> -> memref<1x200xi32, #tpu.memory_space<vmem>>
          %dma_wait3A_449 = arith.constant 0 : i32
          %dma_wait3A_450 = tpu.memref_slice %arg2[%add3A_330, %dma_wait3A_449] : memref<4096x200xi32, #tpu.memory_space<hbm>> -> memref<1x200xi32, #tpu.memory_space<hbm>>
          %dma_wait3A_451 = arith.constant 0 : i32
          %dma_wait3A_452 = arith.constant 0 : i32
          %dma_wait3A_453 = tpu.memref_slice %arg7[%dma_wait3A_451, %dma_wait3A_452] : memref<2x200xi32, #tpu.memory_space<vmem>> -> memref<1x200xi32, #tpu.memory_space<vmem>>
          %dma_wait3A_454 = arith.constant 0 : i32
          %dma_wait3A_455 = tpu.memref_slice %arg2[%add3A_330, %dma_wait3A_454] : memref<4096x200xi32, #tpu.memory_space<hbm>> -> memref<1x200xi32, #tpu.memory_space<hbm>>
          tpu.wait_dma2 semaphore(%run_scoped3A : memref<!tpu.dma_semaphore, #tpu.memory_space<semaphore_mem>>) src(%dma_wait3A_455 : memref<1x200xi32, #tpu.memory_space<hbm>>) dst(%dma_wait3A_453 : memref<1x200xi32, #tpu.memory_space<vmem>>)
          tpu.yield
        }) : () -> ()
        %scan3A_331 = arith.constant 0 : i32
        %scan3A_332 = arith.constant 12 : i32
        %scan3A_333 = arith.addi %scan3A_331, %scan3A_332 : i32
        %scan3A_334 = arith.constant 1 : i32
        scf.for %scan3A_437 = %scan3A_331 to %scan3A_333 step %scan3A_334  : i32 {
          %mul3A_438 = arith.constant 1 : i32
          %mul3A_439 = arith.muli %scan3A_437, %mul3A_438 : i32
          %add3A_440 = arith.constant 0 : i32
          %add3A_441 = arith.addi %add3A_440, %mul3A_439 : i32
          %mul3A_442 = arith.constant 16 : i32
          %mul3A_443 = arith.muli %add3A_441, %mul3A_442 : i32
          %get3A_444 = arith.constant 0 : i32
          %get3A_445 = arith.index_cast %get3A_444 : i32 to index
          %get3A_446 = arith.index_cast %mul3A_443 : i32 to index
          %get3A_447 = tpu.vector_load %arg7[%get3A_445, %get3A_446] {strides = array<i32>} : memref<2x200xi32, #tpu.memory_space<vmem>>, vector<1x16xi32>,
          %get3A_448 = vector.shape_cast %get3A_447 : vector<1x16xi32> to vector<16xi32>
          %slice3A_449 = vector.extract_strided_slice %get3A_448 {offsets = [0], sizes = [1], strides = [1]} : vector<16xi32> to vector<1xi32>
          %squeeze3A_450 = vector.extract %slice3A_449[0] : i32 from vector<1xi32>
          %mul3A_451 = arith.constant 16 : i32
          %mul3A_452 = arith.muli %add3A_441, %mul3A_451 : i32
          %add3A_453 = arith.constant 0 : i32
          %add3A_454 = arith.addi %mul3A_452, %add3A_453 : i32
          %dma_start3A_455 = arith.constant 0 : i32
          %dma_start3A_456 = tpu.memref_slice %arg9[%add3A_454, %dma_start3A_455] : memref<200x64xf32, #tpu.memory_space<vmem>> -> memref<1x64xf32, #tpu.memory_space<vmem>>
          %dma_start3A_457 = arith.constant 0 : i32
          %dma_start3A_458 = tpu.memref_slice %arg4[%squeeze3A_450, %dma_start3A_457] : memref<1000001x64xf32, #tpu.memory_space<hbm>> -> memref<1x64xf32, #tpu.memory_space<hbm>>
          %dma_start3A_459 = arith.constant 0 : i32
          %dma_start3A_460 = tpu.memref_slice %arg9[%add3A_454, %dma_start3A_459] : memref<200x64xf32, #tpu.memory_space<vmem>> -> memref<1x64xf32, #tpu.memory_space<vmem>>
          %dma_start3A_461 = arith.constant 0 : i32
          %dma_start3A_462 = tpu.memref_slice %arg4[%squeeze3A_450, %dma_start3A_461] : memref<1000001x64xf32, #tpu.memory_space<hbm>> -> memref<1x64xf32, #tpu.memory_space<hbm>>
          tpu.enqueue_dma source(%dma_start3A_462 : memref<1x64xf32, #tpu.memory_space<hbm>>) target(%dma_start3A_460 : memref<1x64xf32, #tpu.memory_space<vmem>>) target_semaphore(%arg13 : memref<!tpu.dma_semaphore, #tpu.memory_space<semaphore_mem>>)
          %slice3A_463 = vector.extract_strided_slice %get3A_448 {offsets = [1], sizes = [1], strides = [1]} : vector<16xi32> to vector<1xi32>
          %squeeze3A_464 = vector.extract %slice3A_463[0] : i32 from vector<1xi32>
          %mul3A_465 = arith.constant 16 : i32
          %mul3A_466 = arith.muli %add3A_441, %mul3A_465 : i32
          %add3A_467 = arith.constant 1 : i32
          %add3A_468 = arith.addi %mul3A_466, %add3A_467 : i32
          %dma_start3A_469 = arith.constant 0 : i32
          %dma_start3A_470 = tpu.memref_slice %arg9[%add3A_468, %dma_start3A_469] : memref<200x64xf32, #tpu.memory_space<vmem>> -> memref<1x64xf32, #tpu.memory_space<vmem>>
          %dma_start3A_471 = arith.constant 0 : i32
          %dma_start3A_472 = tpu.memref_slice %arg4[%squeeze3A_464, %dma_start3A_471] : memref<1000001x64xf32, #tpu.memory_space<hbm>> -> memref<1x64xf32, #tpu.memory_space<hbm>>
          %dma_start3A_473 = arith.constant 0 : i32
          %dma_start3A_474 = tpu.memref_slice %arg9[%add3A_468, %dma_start3A_473] : memref<200x64xf32, #tpu.memory_space<vmem>> -> memref<1x64xf32, #tpu.memory_space<vmem>>
          %dma_start3A_475 = arith.constant 0 : i32
          %dma_start3A_476 = tpu.memref_slice %arg4[%squeeze3A_464, %dma_start3A_475] : memref<1000001x64xf32, #tpu.memory_space<hbm>> -> memref<1x64xf32, #tpu.memory_space<hbm>>
          tpu.enqueue_dma source(%dma_start3A_476 : memref<1x64xf32, #tpu.memory_space<hbm>>) target(%dma_start3A_474 : memref<1x64xf32, #tpu.memory_space<vmem>>) target_semaphore(%arg13 : memref<!tpu.dma_semaphore, #tpu.memory_space<semaphore_mem>>)
          %slice3A_477 = vector.extract_strided_slice %get3A_448 {offsets = [2], sizes = [1], strides = [1]} : vector<16xi32> to vector<1xi32>
          %squeeze3A_478 = vector.extract %slice3A_477[0] : i32 from vector<1xi32>
          %mul3A_479 = arith.constant 16 : i32
          %mul3A_480 = arith.muli %add3A_441, %mul3A_479 : i32
          %add3A_481 = arith.constant 2 : i32
          %add3A_482 = arith.addi %mul3A_480, %add3A_481 : i32
          %dma_start3A_483 = arith.constant 0 : i32
          %dma_start3A_484 = tpu.memref_slice %arg9[%add3A_482, %dma_start3A_483] : memref<200x64xf32, #tpu.memory_space<vmem>> -> memref<1x64xf32, #tpu.memory_space<vmem>>
          %dma_start3A_485 = arith.constant 0 : i32
          %dma_start3A_486 = tpu.memref_slice %arg4[%squeeze3A_478, %dma_start3A_485] : memref<1000001x64xf32, #tpu.memory_space<hbm>> -> memref<1x64xf32, #tpu.memory_space<hbm>>
          %dma_start3A_487 = arith.constant 0 : i32
          %dma_start3A_488 = tpu.memref_slice %arg9[%add3A_482, %dma_start3A_487] : memref<200x64xf32, #tpu.memory_space<vmem>> -> memref<1x64xf32, #tpu.memory_space<vmem>>
          %dma_start3A_489 = arith.constant 0 : i32
          %dma_start3A_490 = tpu.memref_slice %arg4[%squeeze3A_478, %dma_start3A_489] : memref<1000001x64xf32, #tpu.memory_space<hbm>> -> memref<1x64xf32, #tpu.memory_space<hbm>>
          tpu.enqueue_dma source(%dma_start3A_490 : memref<1x64xf32, #tpu.memory_space<hbm>>) target(%dma_start3A_488 : memref<1x64xf32, #tpu.memory_space<vmem>>) target_semaphore(%arg13 : memref<!tpu.dma_semaphore, #tpu.memory_space<semaphore_mem>>)
          %slice3A_491 = vector.extract_strided_slice %get3A_448 {offsets = [3], sizes = [1], strides = [1]} : vector<16xi32> to vector<1xi32>
          %squeeze3A_492 = vector.extract %slice3A_491[0] : i32 from vector<1xi32>
          %mul3A_493 = arith.constant 16 : i32
          %mul3A_494 = arith.muli %add3A_441, %mul3A_493 : i32
          %add3A_495 = arith.constant 3 : i32
          %add3A_496 = arith.addi %mul3A_494, %add3A_495 : i32
          %dma_start3A_497 = arith.constant 0 : i32
          %dma_start3A_498 = tpu.memref_slice %arg9[%add3A_496, %dma_start3A_497] : memref<200x64xf32, #tpu.memory_space<vmem>> -> memref<1x64xf32, #tpu.memory_space<vmem>>
          %dma_start3A_499 = arith.constant 0 : i32
          %dma_start3A_500 = tpu.memref_slice %arg4[%squeeze3A_492, %dma_start3A_499] : memref<1000001x64xf32, #tpu.memory_space<hbm>> -> memref<1x64xf32, #tpu.memory_space<hbm>>
          %dma_start3A_501 = arith.constant 0 : i32
          %dma_start3A_502 = tpu.memref_slice %arg9[%add3A_496, %dma_start3A_501] : memref<200x64xf32, #tpu.memory_space<vmem>> -> memref<1x64xf32, #tpu.memory_space<vmem>>
          %dma_start3A_503 = arith.constant 0 : i32
          %dma_start3A_504 = tpu.memref_slice %arg4[%squeeze3A_492, %dma_start3A_503] : memref<1000001x64xf32, #tpu.memory_space<hbm>> -> memref<1x64xf32, #tpu.memory_space<hbm>>
          tpu.enqueue_dma source(%dma_start3A_504 : memref<1x64xf32, #tpu.memory_space<hbm>>) target(%dma_start3A_502 : memref<1x64xf32, #tpu.memory_space<vmem>>) target_semaphore(%arg13 : memref<!tpu.dma_semaphore, #tpu.memory_space<semaphore_mem>>)
          %slice3A_505 = vector.extract_strided_slice %get3A_448 {offsets = [4], sizes = [1], strides = [1]} : vector<16xi32> to vector<1xi32>
          %squeeze3A_506 = vector.extract %slice3A_505[0] : i32 from vector<1xi32>
          %mul3A_507 = arith.constant 16 : i32
          %mul3A_508 = arith.muli %add3A_441, %mul3A_507 : i32
          %add3A_509 = arith.constant 4 : i32
          %add3A_510 = arith.addi %mul3A_508, %add3A_509 : i32
          %dma_start3A_511 = arith.constant 0 : i32
          %dma_start3A_512 = tpu.memref_slice %arg9[%add3A_510, %dma_start3A_511] : memref<200x64xf32, #tpu.memory_space<vmem>> -> memref<1x64xf32, #tpu.memory_space<vmem>>
          %dma_start3A_513 = arith.constant 0 : i32
          %dma_start3A_514 = tpu.memref_slice %arg4[%squeeze3A_506, %dma_start3A_513] : memref<1000001x64xf32, #tpu.memory_space<hbm>> -> memref<1x64xf32, #tpu.memory_space<hbm>>
          %dma_start3A_515 = arith.constant 0 : i32
          %dma_start3A_516 = tpu.memref_slice %arg9[%add3A_510, %dma_start3A_515] : memref<200x64xf32, #tpu.memory_space<vmem>> -> memref<1x64xf32, #tpu.memory_space<vmem>>
          %dma_start3A_517 = arith.constant 0 : i32
          %dma_start3A_518 = tpu.memref_slice %arg4[%squeeze3A_506, %dma_start3A_517] : memref<1000001x64xf32, #tpu.memory_space<hbm>> -> memref<1x64xf32, #tpu.memory_space<hbm>>
          tpu.enqueue_dma source(%dma_start3A_518 : memref<1x64xf32, #tpu.memory_space<hbm>>) target(%dma_start3A_516 : memref<1x64xf32, #tpu.memory_space<vmem>>) target_semaphore(%arg13 : memref<!tpu.dma_semaphore, #tpu.memory_space<semaphore_mem>>)
          %slice3A_519 = vector.extract_strided_slice %get3A_448 {offsets = [5], sizes = [1], strides = [1]} : vector<16xi32> to vector<1xi32>
          %squeeze3A_520 = vector.extract %slice3A_519[0] : i32 from vector<1xi32>
          %mul3A_521 = arith.constant 16 : i32
          %mul3A_522 = arith.muli %add3A_441, %mul3A_521 : i32
          %add3A_523 = arith.constant 5 : i32
          %add3A_524 = arith.addi %mul3A_522, %add3A_523 : i32
          %dma_start3A_525 = arith.constant 0 : i32
          %dma_start3A_526 = tpu.memref_slice %arg9[%add3A_524, %dma_start3A_525] : memref<200x64xf32, #tpu.memory_space<vmem>> -> memref<1x64xf32, #tpu.memory_space<vmem>>
          %dma_start3A_527 = arith.constant 0 : i32
          %dma_start3A_528 = tpu.memref_slice %arg4[%squeeze3A_520, %dma_start3A_527] : memref<1000001x64xf32, #tpu.memory_space<hbm>> -> memref<1x64xf32, #tpu.memory_space<hbm>>
          %dma_start3A_529 = arith.constant 0 : i32
          %dma_start3A_530 = tpu.memref_slice %arg9[%add3A_524, %dma_start3A_529] : memref<200x64xf32, #tpu.memory_space<vmem>> -> memref<1x64xf32, #tpu.memory_space<vmem>>
          %dma_start3A_531 = arith.constant 0 : i32
          %dma_start3A_532 = tpu.memref_slice %arg4[%squeeze3A_520, %dma_start3A_531] : memref<1000001x64xf32, #tpu.memory_space<hbm>> -> memref<1x64xf32, #tpu.memory_space<hbm>>
          tpu.enqueue_dma source(%dma_start3A_532 : memref<1x64xf32, #tpu.memory_space<hbm>>) target(%dma_start3A_530 : memref<1x64xf32, #tpu.memory_space<vmem>>) target_semaphore(%arg13 : memref<!tpu.dma_semaphore, #tpu.memory_space<semaphore_mem>>)
          %slice3A_533 = vector.extract_strided_slice %get3A_448 {offsets = [6], sizes = [1], strides = [1]} : vector<16xi32> to vector<1xi32>
          %squeeze3A_534 = vector.extract %slice3A_533[0] : i32 from vector<1xi32>
          %mul3A_535 = arith.constant 16 : i32
          %mul3A_536 = arith.muli %add3A_441, %mul3A_535 : i32
          %add3A_537 = arith.constant 6 : i32
          %add3A_538 = arith.addi %mul3A_536, %add3A_537 : i32
          %dma_start3A_539 = arith.constant 0 : i32
          %dma_start3A_540 = tpu.memref_slice %arg9[%add3A_538, %dma_start3A_539] : memref<200x64xf32, #tpu.memory_space<vmem>> -> memref<1x64xf32, #tpu.memory_space<vmem>>
          %dma_start3A_541 = arith.constant 0 : i32
          %dma_start3A_542 = tpu.memref_slice %arg4[%squeeze3A_534, %dma_start3A_541] : memref<1000001x64xf32, #tpu.memory_space<hbm>> -> memref<1x64xf32, #tpu.memory_space<hbm>>
          %dma_start3A_543 = arith.constant 0 : i32
          %dma_start3A_544 = tpu.memref_slice %arg9[%add3A_538, %dma_start3A_543] : memref<200x64xf32, #tpu.memory_space<vmem>> -> memref<1x64xf32, #tpu.memory_space<vmem>>
          %dma_start3A_545 = arith.constant 0 : i32
          %dma_start3A_546 = tpu.memref_slice %arg4[%squeeze3A_534, %dma_start3A_545] : memref<1000001x64xf32, #tpu.memory_space<hbm>> -> memref<1x64xf32, #tpu.memory_space<hbm>>
          tpu.enqueue_dma source(%dma_start3A_546 : memref<1x64xf32, #tpu.memory_space<hbm>>) target(%dma_start3A_544 : memref<1x64xf32, #tpu.memory_space<vmem>>) target_semaphore(%arg13 : memref<!tpu.dma_semaphore, #tpu.memory_space<semaphore_mem>>)
          %slice3A_547 = vector.extract_strided_slice %get3A_448 {offsets = [7], sizes = [1], strides = [1]} : vector<16xi32> to vector<1xi32>
          %squeeze3A_548 = vector.extract %slice3A_547[0] : i32 from vector<1xi32>
          %mul3A_549 = arith.constant 16 : i32
          %mul3A_550 = arith.muli %add3A_441, %mul3A_549 : i32
          %add3A_551 = arith.constant 7 : i32
          %add3A_552 = arith.addi %mul3A_550, %add3A_551 : i32
          %dma_start3A_553 = arith.constant 0 : i32
          %dma_start3A_554 = tpu.memref_slice %arg9[%add3A_552, %dma_start3A_553] : memref<200x64xf32, #tpu.memory_space<vmem>> -> memref<1x64xf32, #tpu.memory_space<vmem>>
          %dma_start3A_555 = arith.constant 0 : i32
          %dma_start3A_556 = tpu.memref_slice %arg4[%squeeze3A_548, %dma_start3A_555] : memref<1000001x64xf32, #tpu.memory_space<hbm>> -> memref<1x64xf32, #tpu.memory_space<hbm>>
          %dma_start3A_557 = arith.constant 0 : i32
          %dma_start3A_558 = tpu.memref_slice %arg9[%add3A_552, %dma_start3A_557] : memref<200x64xf32, #tpu.memory_space<vmem>> -> memref<1x64xf32, #tpu.memory_space<vmem>>
          %dma_start3A_559 = arith.constant 0 : i32
          %dma_start3A_560 = tpu.memref_slice %arg4[%squeeze3A_548, %dma_start3A_559] : memref<1000001x64xf32, #tpu.memory_space<hbm>> -> memref<1x64xf32, #tpu.memory_space<hbm>>
          tpu.enqueue_dma source(%dma_start3A_560 : memref<1x64xf32, #tpu.memory_space<hbm>>) target(%dma_start3A_558 : memref<1x64xf32, #tpu.memory_space<vmem>>) target_semaphore(%arg13 : memref<!tpu.dma_semaphore, #tpu.memory_space<semaphore_mem>>)
          %slice3A_561 = vector.extract_strided_slice %get3A_448 {offsets = [8], sizes = [1], strides = [1]} : vector<16xi32> to vector<1xi32>
          %squeeze3A_562 = vector.extract %slice3A_561[0] : i32 from vector<1xi32>
          %mul3A_563 = arith.constant 16 : i32
          %mul3A_564 = arith.muli %add3A_441, %mul3A_563 : i32
          %add3A_565 = arith.constant 8 : i32
          %add3A_566 = arith.addi %mul3A_564, %add3A_565 : i32
          %dma_start3A_567 = arith.constant 0 : i32
          %dma_start3A_568 = tpu.memref_slice %arg9[%add3A_566, %dma_start3A_567] : memref<200x64xf32, #tpu.memory_space<vmem>> -> memref<1x64xf32, #tpu.memory_space<vmem>>
          %dma_start3A_569 = arith.constant 0 : i32
          %dma_start3A_570 = tpu.memref_slice %arg4[%squeeze3A_562, %dma_start3A_569] : memref<1000001x64xf32, #tpu.memory_space<hbm>> -> memref<1x64xf32, #tpu.memory_space<hbm>>
          %dma_start3A_571 = arith.constant 0 : i32
          %dma_start3A_572 = tpu.memref_slice %arg9[%add3A_566, %dma_start3A_571] : memref<200x64xf32, #tpu.memory_space<vmem>> -> memref<1x64xf32, #tpu.memory_space<vmem>>
          %dma_start3A_573 = arith.constant 0 : i32
          %dma_start3A_574 = tpu.memref_slice %arg4[%squeeze3A_562, %dma_start3A_573] : memref<1000001x64xf32, #tpu.memory_space<hbm>> -> memref<1x64xf32, #tpu.memory_space<hbm>>
          tpu.enqueue_dma source(%dma_start3A_574 : memref<1x64xf32, #tpu.memory_space<hbm>>) target(%dma_start3A_572 : memref<1x64xf32, #tpu.memory_space<vmem>>) target_semaphore(%arg13 : memref<!tpu.dma_semaphore, #tpu.memory_space<semaphore_mem>>)
          %slice3A_575 = vector.extract_strided_slice %get3A_448 {offsets = [9], sizes = [1], strides = [1]} : vector<16xi32> to vector<1xi32>
          %squeeze3A_576 = vector.extract %slice3A_575[0] : i32 from vector<1xi32>
          %mul3A_577 = arith.constant 16 : i32
          %mul3A_578 = arith.muli %add3A_441, %mul3A_577 : i32
          %add3A_579 = arith.constant 9 : i32
          %add3A_580 = arith.addi %mul3A_578, %add3A_579 : i32
          %dma_start3A_581 = arith.constant 0 : i32
          %dma_start3A_582 = tpu.memref_slice %arg9[%add3A_580, %dma_start3A_581] : memref<200x64xf32, #tpu.memory_space<vmem>> -> memref<1x64xf32, #tpu.memory_space<vmem>>
          %dma_start3A_583 = arith.constant 0 : i32
          %dma_start3A_584 = tpu.memref_slice %arg4[%squeeze3A_576, %dma_start3A_583] : memref<1000001x64xf32, #tpu.memory_space<hbm>> -> memref<1x64xf32, #tpu.memory_space<hbm>>
          %dma_start3A_585 = arith.constant 0 : i32
          %dma_start3A_586 = tpu.memref_slice %arg9[%add3A_580, %dma_start3A_585] : memref<200x64xf32, #tpu.memory_space<vmem>> -> memref<1x64xf32, #tpu.memory_space<vmem>>
          %dma_start3A_587 = arith.constant 0 : i32
          %dma_start3A_588 = tpu.memref_slice %arg4[%squeeze3A_576, %dma_start3A_587] : memref<1000001x64xf32, #tpu.memory_space<hbm>> -> memref<1x64xf32, #tpu.memory_space<hbm>>
          tpu.enqueue_dma source(%dma_start3A_588 : memref<1x64xf32, #tpu.memory_space<hbm>>) target(%dma_start3A_586 : memref<1x64xf32, #tpu.memory_space<vmem>>) target_semaphore(%arg13 : memref<!tpu.dma_semaphore, #tpu.memory_space<semaphore_mem>>)
          %slice3A_589 = vector.extract_strided_slice %get3A_448 {offsets = [10], sizes = [1], strides = [1]} : vector<16xi32> to vector<1xi32>
          %squeeze3A_590 = vector.extract %slice3A_589[0] : i32 from vector<1xi32>
          %mul3A_591 = arith.constant 16 : i32
          %mul3A_592 = arith.muli %add3A_441, %mul3A_591 : i32
          %add3A_593 = arith.constant 10 : i32
          %add3A_594 = arith.addi %mul3A_592, %add3A_593 : i32
          %dma_start3A_595 = arith.constant 0 : i32
          %dma_start3A_596 = tpu.memref_slice %arg9[%add3A_594, %dma_start3A_595] : memref<200x64xf32, #tpu.memory_space<vmem>> -> memref<1x64xf32, #tpu.memory_space<vmem>>
          %dma_start3A_597 = arith.constant 0 : i32
          %dma_start3A_598 = tpu.memref_slice %arg4[%squeeze3A_590, %dma_start3A_597] : memref<1000001x64xf32, #tpu.memory_space<hbm>> -> memref<1x64xf32, #tpu.memory_space<hbm>>
          %dma_start3A_599 = arith.constant 0 : i32
          %dma_start3A_600 = tpu.memref_slice %arg9[%add3A_594, %dma_start3A_599] : memref<200x64xf32, #tpu.memory_space<vmem>> -> memref<1x64xf32, #tpu.memory_space<vmem>>
          %dma_start3A_601 = arith.constant 0 : i32
          %dma_start3A_602 = tpu.memref_slice %arg4[%squeeze3A_590, %dma_start3A_601] : memref<1000001x64xf32, #tpu.memory_space<hbm>> -> memref<1x64xf32, #tpu.memory_space<hbm>>
          tpu.enqueue_dma source(%dma_start3A_602 : memref<1x64xf32, #tpu.memory_space<hbm>>) target(%dma_start3A_600 : memref<1x64xf32, #tpu.memory_space<vmem>>) target_semaphore(%arg13 : memref<!tpu.dma_semaphore, #tpu.memory_space<semaphore_mem>>)
          %slice3A_603 = vector.extract_strided_slice %get3A_448 {offsets = [11], sizes = [1], strides = [1]} : vector<16xi32> to vector<1xi32>
          %squeeze3A_604 = vector.extract %slice3A_603[0] : i32 from vector<1xi32>
          %mul3A_605 = arith.constant 16 : i32
          %mul3A_606 = arith.muli %add3A_441, %mul3A_605 : i32
          %add3A_607 = arith.constant 11 : i32
          %add3A_608 = arith.addi %mul3A_606, %add3A_607 : i32
          %dma_start3A_609 = arith.constant 0 : i32
          %dma_start3A_610 = tpu.memref_slice %arg9[%add3A_608, %dma_start3A_609] : memref<200x64xf32, #tpu.memory_space<vmem>> -> memref<1x64xf32, #tpu.memory_space<vmem>>
          %dma_start3A_611 = arith.constant 0 : i32
          %dma_start3A_612 = tpu.memref_slice %arg4[%squeeze3A_604, %dma_start3A_611] : memref<1000001x64xf32, #tpu.memory_space<hbm>> -> memref<1x64xf32, #tpu.memory_space<hbm>>
          %dma_start3A_613 = arith.constant 0 : i32
          %dma_start3A_614 = tpu.memref_slice %arg9[%add3A_608, %dma_start3A_613] : memref<200x64xf32, #tpu.memory_space<vmem>> -> memref<1x64xf32, #tpu.memory_space<vmem>>
          %dma_start3A_615 = arith.constant 0 : i32
          %dma_start3A_616 = tpu.memref_slice %arg4[%squeeze3A_604, %dma_start3A_615] : memref<1000001x64xf32, #tpu.memory_space<hbm>> -> memref<1x64xf32, #tpu.memory_space<hbm>>
          tpu.enqueue_dma source(%dma_start3A_616 : memref<1x64xf32, #tpu.memory_space<hbm>>) target(%dma_start3A_614 : memref<1x64xf32, #tpu.memory_space<vmem>>) target_semaphore(%arg13 : memref<!tpu.dma_semaphore, #tpu.memory_space<semaphore_mem>>)
          %slice3A_617 = vector.extract_strided_slice %get3A_448 {offsets = [12], sizes = [1], strides = [1]} : vector<16xi32> to vector<1xi32>
          %squeeze3A_618 = vector.extract %slice3A_617[0] : i32 from vector<1xi32>
          %mul3A_619 = arith.constant 16 : i32
          %mul3A_620 = arith.muli %add3A_441, %mul3A_619 : i32
          %add3A_621 = arith.constant 12 : i32
          %add3A_622 = arith.addi %mul3A_620, %add3A_621 : i32
          %dma_start3A_623 = arith.constant 0 : i32
          %dma_start3A_624 = tpu.memref_slice %arg9[%add3A_622, %dma_start3A_623] : memref<200x64xf32, #tpu.memory_space<vmem>> -> memref<1x64xf32, #tpu.memory_space<vmem>>
          %dma_start3A_625 = arith.constant 0 : i32
          %dma_start3A_626 = tpu.memref_slice %arg4[%squeeze3A_618, %dma_start3A_625] : memref<1000001x64xf32, #tpu.memory_space<hbm>> -> memref<1x64xf32, #tpu.memory_space<hbm>>
          %dma_start3A_627 = arith.constant 0 : i32
          %dma_start3A_628 = tpu.memref_slice %arg9[%add3A_622, %dma_start3A_627] : memref<200x64xf32, #tpu.memory_space<vmem>> -> memref<1x64xf32, #tpu.memory_space<vmem>>
          %dma_start3A_629 = arith.constant 0 : i32
          %dma_start3A_630 = tpu.memref_slice %arg4[%squeeze3A_618, %dma_start3A_629] : memref<1000001x64xf32, #tpu.memory_space<hbm>> -> memref<1x64xf32, #tpu.memory_space<hbm>>
          tpu.enqueue_dma source(%dma_start3A_630 : memref<1x64xf32, #tpu.memory_space<hbm>>) target(%dma_start3A_628 : memref<1x64xf32, #tpu.memory_space<vmem>>) target_semaphore(%arg13 : memref<!tpu.dma_semaphore, #tpu.memory_space<semaphore_mem>>)
          %slice3A_631 = vector.extract_strided_slice %get3A_448 {offsets = [13], sizes = [1], strides = [1]} : vector<16xi32> to vector<1xi32>
          %squeeze3A_632 = vector.extract %slice3A_631[0] : i32 from vector<1xi32>
          %mul3A_633 = arith.constant 16 : i32
          %mul3A_634 = arith.muli %add3A_441, %mul3A_633 : i32
          %add3A_635 = arith.constant 13 : i32
          %add3A_636 = arith.addi %mul3A_634, %add3A_635 : i32
          %dma_start3A_637 = arith.constant 0 : i32
          %dma_start3A_638 = tpu.memref_slice %arg9[%add3A_636, %dma_start3A_637] : memref<200x64xf32, #tpu.memory_space<vmem>> -> memref<1x64xf32, #tpu.memory_space<vmem>>
          %dma_start3A_639 = arith.constant 0 : i32
          %dma_start3A_640 = tpu.memref_slice %arg4[%squeeze3A_632, %dma_start3A_639] : memref<1000001x64xf32, #tpu.memory_space<hbm>> -> memref<1x64xf32, #tpu.memory_space<hbm>>
          %dma_start3A_641 = arith.constant 0 : i32
          %dma_start3A_642 = tpu.memref_slice %arg9[%add3A_636, %dma_start3A_641] : memref<200x64xf32, #tpu.memory_space<vmem>> -> memref<1x64xf32, #tpu.memory_space<vmem>>
          %dma_start3A_643 = arith.constant 0 : i32
          %dma_start3A_644 = tpu.memref_slice %arg4[%squeeze3A_632, %dma_start3A_643] : memref<1000001x64xf32, #tpu.memory_space<hbm>> -> memref<1x64xf32, #tpu.memory_space<hbm>>
          tpu.enqueue_dma source(%dma_start3A_644 : memref<1x64xf32, #tpu.memory_space<hbm>>) target(%dma_start3A_642 : memref<1x64xf32, #tpu.memory_space<vmem>>) target_semaphore(%arg13 : memref<!tpu.dma_semaphore, #tpu.memory_space<semaphore_mem>>)
          %slice3A_645 = vector.extract_strided_slice %get3A_448 {offsets = [14], sizes = [1], strides = [1]} : vector<16xi32> to vector<1xi32>
          %squeeze3A_646 = vector.extract %slice3A_645[0] : i32 from vector<1xi32>
          %mul3A_647 = arith.constant 16 : i32
          %mul3A_648 = arith.muli %add3A_441, %mul3A_647 : i32
          %add3A_649 = arith.constant 14 : i32
          %add3A_650 = arith.addi %mul3A_648, %add3A_649 : i32
          %dma_start3A_651 = arith.constant 0 : i32
          %dma_start3A_652 = tpu.memref_slice %arg9[%add3A_650, %dma_start3A_651] : memref<200x64xf32, #tpu.memory_space<vmem>> -> memref<1x64xf32, #tpu.memory_space<vmem>>
          %dma_start3A_653 = arith.constant 0 : i32
          %dma_start3A_654 = tpu.memref_slice %arg4[%squeeze3A_646, %dma_start3A_653] : memref<1000001x64xf32, #tpu.memory_space<hbm>> -> memref<1x64xf32, #tpu.memory_space<hbm>>
          %dma_start3A_655 = arith.constant 0 : i32
          %dma_start3A_656 = tpu.memref_slice %arg9[%add3A_650, %dma_start3A_655] : memref<200x64xf32, #tpu.memory_space<vmem>> -> memref<1x64xf32, #tpu.memory_space<vmem>>
          %dma_start3A_657 = arith.constant 0 : i32
          %dma_start3A_658 = tpu.memref_slice %arg4[%squeeze3A_646, %dma_start3A_657] : memref<1000001x64xf32, #tpu.memory_space<hbm>> -> memref<1x64xf32, #tpu.memory_space<hbm>>
          tpu.enqueue_dma source(%dma_start3A_658 : memref<1x64xf32, #tpu.memory_space<hbm>>) target(%dma_start3A_656 : memref<1x64xf32, #tpu.memory_space<vmem>>) target_semaphore(%arg13 : memref<!tpu.dma_semaphore, #tpu.memory_space<semaphore_mem>>)
          %slice3A_659 = vector.extract_strided_slice %get3A_448 {offsets = [15], sizes = [1], strides = [1]} : vector<16xi32> to vector<1xi32>
          %squeeze3A_660 = vector.extract %slice3A_659[0] : i32 from vector<1xi32>
          %mul3A_661 = arith.constant 16 : i32
          %mul3A_662 = arith.muli %add3A_441, %mul3A_661 : i32
          %add3A_663 = arith.constant 15 : i32
          %add3A_664 = arith.addi %mul3A_662, %add3A_663 : i32
          %dma_start3A_665 = arith.constant 0 : i32
          %dma_start3A_666 = tpu.memref_slice %arg9[%add3A_664, %dma_start3A_665] : memref<200x64xf32, #tpu.memory_space<vmem>> -> memref<1x64xf32, #tpu.memory_space<vmem>>
          %dma_start3A_667 = arith.constant 0 : i32
          %dma_start3A_668 = tpu.memref_slice %arg4[%squeeze3A_660, %dma_start3A_667] : memref<1000001x64xf32, #tpu.memory_space<hbm>> -> memref<1x64xf32, #tpu.memory_space<hbm>>
          %dma_start3A_669 = arith.constant 0 : i32
          %dma_start3A_670 = tpu.memref_slice %arg9[%add3A_664, %dma_start3A_669] : memref<200x64xf32, #tpu.memory_space<vmem>> -> memref<1x64xf32, #tpu.memory_space<vmem>>
          %dma_start3A_671 = arith.constant 0 : i32
          %dma_start3A_672 = tpu.memref_slice %arg4[%squeeze3A_660, %dma_start3A_671] : memref<1000001x64xf32, #tpu.memory_space<hbm>> -> memref<1x64xf32, #tpu.memory_space<hbm>>
          tpu.enqueue_dma source(%dma_start3A_672 : memref<1x64xf32, #tpu.memory_space<hbm>>) target(%dma_start3A_670 : memref<1x64xf32, #tpu.memory_space<vmem>>) target_semaphore(%arg13 : memref<!tpu.dma_semaphore, #tpu.memory_space<semaphore_mem>>)
        }
        %scan3A_335 = arith.constant 12 : i32
        %get3A_336 = arith.constant 0 : i32
        %get3A_337 = arith.index_cast %get3A_336 : i32 to index
        %get3A_338 = arith.constant 184 : index
        %get3A_339 = tpu.vector_load %arg7[%get3A_337, %get3A_338] {strides = array<i32>} : memref<2x200xi32, #tpu.memory_space<vmem>>, vector<1x16xi32>,
        %get3A_340 = vector.shape_cast %get3A_339 : vector<1x16xi32> to vector<16xi32>
        %slice3A_341 = vector.extract_strided_slice %get3A_340 {offsets = [8], sizes = [1], strides = [1]} : vector<16xi32> to vector<1xi32>
        %squeeze3A_342 = vector.extract %slice3A_341[0] : i32 from vector<1xi32>
        %dma_start3A_343 = arith.constant 192 : i32
        %dma_start3A_344 = arith.constant 0 : i32
        %dma_start3A_345 = tpu.memref_slice %arg9[%dma_start3A_343, %dma_start3A_344] : memref<200x64xf32, #tpu.memory_space<vmem>> -> memref<1x64xf32, #tpu.memory_space<vmem>>
        %dma_start3A_346 = arith.constant 0 : i32
        %dma_start3A_347 = tpu.memref_slice %arg4[%squeeze3A_342, %dma_start3A_346] : memref<1000001x64xf32, #tpu.memory_space<hbm>> -> memref<1x64xf32, #tpu.memory_space<hbm>>
        %dma_start3A_348 = arith.constant 192 : i32
        %dma_start3A_349 = arith.constant 0 : i32
        %dma_start3A_350 = tpu.memref_slice %arg9[%dma_start3A_348, %dma_start3A_349] : memref<200x64xf32, #tpu.memory_space<vmem>> -> memref<1x64xf32, #tpu.memory_space<vmem>>
        %dma_start3A_351 = arith.constant 0 : i32
        %dma_start3A_352 = tpu.memref_slice %arg4[%squeeze3A_342, %dma_start3A_351] : memref<1000001x64xf32, #tpu.memory_space<hbm>> -> memref<1x64xf32, #tpu.memory_space<hbm>>
        tpu.enqueue_dma source(%dma_start3A_352 : memref<1x64xf32, #tpu.memory_space<hbm>>) target(%dma_start3A_350 : memref<1x64xf32, #tpu.memory_space<vmem>>) target_semaphore(%arg13 : memref<!tpu.dma_semaphore, #tpu.memory_space<semaphore_mem>>)
        %slice3A_353 = vector.extract_strided_slice %get3A_340 {offsets = [9], sizes = [1], strides = [1]} : vector<16xi32> to vector<1xi32>
        %squeeze3A_354 = vector.extract %slice3A_353[0] : i32 from vector<1xi32>
        %dma_start3A_355 = arith.constant 193 : i32
        %dma_start3A_356 = arith.constant 0 : i32
        %dma_start3A_357 = tpu.memref_slice %arg9[%dma_start3A_355, %dma_start3A_356] : memref<200x64xf32, #tpu.memory_space<vmem>> -> memref<1x64xf32, #tpu.memory_space<vmem>>
        %dma_start3A_358 = arith.constant 0 : i32
        %dma_start3A_359 = tpu.memref_slice %arg4[%squeeze3A_354, %dma_start3A_358] : memref<1000001x64xf32, #tpu.memory_space<hbm>> -> memref<1x64xf32, #tpu.memory_space<hbm>>
        %dma_start3A_360 = arith.constant 193 : i32
        %dma_start3A_361 = arith.constant 0 : i32
        %dma_start3A_362 = tpu.memref_slice %arg9[%dma_start3A_360, %dma_start3A_361] : memref<200x64xf32, #tpu.memory_space<vmem>> -> memref<1x64xf32, #tpu.memory_space<vmem>>
        %dma_start3A_363 = arith.constant 0 : i32
        %dma_start3A_364 = tpu.memref_slice %arg4[%squeeze3A_354, %dma_start3A_363] : memref<1000001x64xf32, #tpu.memory_space<hbm>> -> memref<1x64xf32, #tpu.memory_space<hbm>>
        tpu.enqueue_dma source(%dma_start3A_364 : memref<1x64xf32, #tpu.memory_space<hbm>>) target(%dma_start3A_362 : memref<1x64xf32, #tpu.memory_space<vmem>>) target_semaphore(%arg13 : memref<!tpu.dma_semaphore, #tpu.memory_space<semaphore_mem>>)
        %slice3A_365 = vector.extract_strided_slice %get3A_340 {offsets = [10], sizes = [1], strides = [1]} : vector<16xi32> to vector<1xi32>
        %squeeze3A_366 = vector.extract %slice3A_365[0] : i32 from vector<1xi32>
        %dma_start3A_367 = arith.constant 194 : i32
        %dma_start3A_368 = arith.constant 0 : i32
        %dma_start3A_369 = tpu.memref_slice %arg9[%dma_start3A_367, %dma_start3A_368] : memref<200x64xf32, #tpu.memory_space<vmem>> -> memref<1x64xf32, #tpu.memory_space<vmem>>
        %dma_start3A_370 = arith.constant 0 : i32
        %dma_start3A_371 = tpu.memref_slice %arg4[%squeeze3A_366, %dma_start3A_370] : memref<1000001x64xf32, #tpu.memory_space<hbm>> -> memref<1x64xf32, #tpu.memory_space<hbm>>
        %dma_start3A_372 = arith.constant 194 : i32
        %dma_start3A_373 = arith.constant 0 : i32
        %dma_start3A_374 = tpu.memref_slice %arg9[%dma_start3A_372, %dma_start3A_373] : memref<200x64xf32, #tpu.memory_space<vmem>> -> memref<1x64xf32, #tpu.memory_space<vmem>>
        %dma_start3A_375 = arith.constant 0 : i32
        %dma_start3A_376 = tpu.memref_slice %arg4[%squeeze3A_366, %dma_start3A_375] : memref<1000001x64xf32, #tpu.memory_space<hbm>> -> memref<1x64xf32, #tpu.memory_space<hbm>>
        tpu.enqueue_dma source(%dma_start3A_376 : memref<1x64xf32, #tpu.memory_space<hbm>>) target(%dma_start3A_374 : memref<1x64xf32, #tpu.memory_space<vmem>>) target_semaphore(%arg13 : memref<!tpu.dma_semaphore, #tpu.memory_space<semaphore_mem>>)
        %slice3A_377 = vector.extract_strided_slice %get3A_340 {offsets = [11], sizes = [1], strides = [1]} : vector<16xi32> to vector<1xi32>
        %squeeze3A_378 = vector.extract %slice3A_377[0] : i32 from vector<1xi32>
        %dma_start3A_379 = arith.constant 195 : i32
        %dma_start3A_380 = arith.constant 0 : i32
        %dma_start3A_381 = tpu.memref_slice %arg9[%dma_start3A_379, %dma_start3A_380] : memref<200x64xf32, #tpu.memory_space<vmem>> -> memref<1x64xf32, #tpu.memory_space<vmem>>
        %dma_start3A_382 = arith.constant 0 : i32
        %dma_start3A_383 = tpu.memref_slice %arg4[%squeeze3A_378, %dma_start3A_382] : memref<1000001x64xf32, #tpu.memory_space<hbm>> -> memref<1x64xf32, #tpu.memory_space<hbm>>
        %dma_start3A_384 = arith.constant 195 : i32
        %dma_start3A_385 = arith.constant 0 : i32
        %dma_start3A_386 = tpu.memref_slice %arg9[%dma_start3A_384, %dma_start3A_385] : memref<200x64xf32, #tpu.memory_space<vmem>> -> memref<1x64xf32, #tpu.memory_space<vmem>>
        %dma_start3A_387 = arith.constant 0 : i32
        %dma_start3A_388 = tpu.memref_slice %arg4[%squeeze3A_378, %dma_start3A_387] : memref<1000001x64xf32, #tpu.memory_space<hbm>> -> memref<1x64xf32, #tpu.memory_space<hbm>>
        tpu.enqueue_dma source(%dma_start3A_388 : memref<1x64xf32, #tpu.memory_space<hbm>>) target(%dma_start3A_386 : memref<1x64xf32, #tpu.memory_space<vmem>>) target_semaphore(%arg13 : memref<!tpu.dma_semaphore, #tpu.memory_space<semaphore_mem>>)
        %slice3A_389 = vector.extract_strided_slice %get3A_340 {offsets = [12], sizes = [1], strides = [1]} : vector<16xi32> to vector<1xi32>
        %squeeze3A_390 = vector.extract %slice3A_389[0] : i32 from vector<1xi32>
        %dma_start3A_391 = arith.constant 196 : i32
        %dma_start3A_392 = arith.constant 0 : i32
        %dma_start3A_393 = tpu.memref_slice %arg9[%dma_start3A_391, %dma_start3A_392] : memref<200x64xf32, #tpu.memory_space<vmem>> -> memref<1x64xf32, #tpu.memory_space<vmem>>
        %dma_start3A_394 = arith.constant 0 : i32
        %dma_start3A_395 = tpu.memref_slice %arg4[%squeeze3A_390, %dma_start3A_394] : memref<1000001x64xf32, #tpu.memory_space<hbm>> -> memref<1x64xf32, #tpu.memory_space<hbm>>
        %dma_start3A_396 = arith.constant 196 : i32
        %dma_start3A_397 = arith.constant 0 : i32
        %dma_start3A_398 = tpu.memref_slice %arg9[%dma_start3A_396, %dma_start3A_397] : memref<200x64xf32, #tpu.memory_space<vmem>> -> memref<1x64xf32, #tpu.memory_space<vmem>>
        %dma_start3A_399 = arith.constant 0 : i32
        %dma_start3A_400 = tpu.memref_slice %arg4[%squeeze3A_390, %dma_start3A_399] : memref<1000001x64xf32, #tpu.memory_space<hbm>> -> memref<1x64xf32, #tpu.memory_space<hbm>>
        tpu.enqueue_dma source(%dma_start3A_400 : memref<1x64xf32, #tpu.memory_space<hbm>>) target(%dma_start3A_398 : memref<1x64xf32, #tpu.memory_space<vmem>>) target_semaphore(%arg13 : memref<!tpu.dma_semaphore, #tpu.memory_space<semaphore_mem>>)
        %slice3A_401 = vector.extract_strided_slice %get3A_340 {offsets = [13], sizes = [1], strides = [1]} : vector<16xi32> to vector<1xi32>
        %squeeze3A_402 = vector.extract %slice3A_401[0] : i32 from vector<1xi32>
        %dma_start3A_403 = arith.constant 197 : i32
        %dma_start3A_404 = arith.constant 0 : i32
        %dma_start3A_405 = tpu.memref_slice %arg9[%dma_start3A_403, %dma_start3A_404] : memref<200x64xf32, #tpu.memory_space<vmem>> -> memref<1x64xf32, #tpu.memory_space<vmem>>
        %dma_start3A_406 = arith.constant 0 : i32
        %dma_start3A_407 = tpu.memref_slice %arg4[%squeeze3A_402, %dma_start3A_406] : memref<1000001x64xf32, #tpu.memory_space<hbm>> -> memref<1x64xf32, #tpu.memory_space<hbm>>
        %dma_start3A_408 = arith.constant 197 : i32
        %dma_start3A_409 = arith.constant 0 : i32
        %dma_start3A_410 = tpu.memref_slice %arg9[%dma_start3A_408, %dma_start3A_409] : memref<200x64xf32, #tpu.memory_space<vmem>> -> memref<1x64xf32, #tpu.memory_space<vmem>>
        %dma_start3A_411 = arith.constant 0 : i32
        %dma_start3A_412 = tpu.memref_slice %arg4[%squeeze3A_402, %dma_start3A_411] : memref<1000001x64xf32, #tpu.memory_space<hbm>> -> memref<1x64xf32, #tpu.memory_space<hbm>>
        tpu.enqueue_dma source(%dma_start3A_412 : memref<1x64xf32, #tpu.memory_space<hbm>>) target(%dma_start3A_410 : memref<1x64xf32, #tpu.memory_space<vmem>>) target_semaphore(%arg13 : memref<!tpu.dma_semaphore, #tpu.memory_space<semaphore_mem>>)
        %slice3A_413 = vector.extract_strided_slice %get3A_340 {offsets = [14], sizes = [1], strides = [1]} : vector<16xi32> to vector<1xi32>
        %squeeze3A_414 = vector.extract %slice3A_413[0] : i32 from vector<1xi32>
        %dma_start3A_415 = arith.constant 198 : i32
        %dma_start3A_416 = arith.constant 0 : i32
        %dma_start3A_417 = tpu.memref_slice %arg9[%dma_start3A_415, %dma_start3A_416] : memref<200x64xf32, #tpu.memory_space<vmem>> -> memref<1x64xf32, #tpu.memory_space<vmem>>
        %dma_start3A_418 = arith.constant 0 : i32
        %dma_start3A_419 = tpu.memref_slice %arg4[%squeeze3A_414, %dma_start3A_418] : memref<1000001x64xf32, #tpu.memory_space<hbm>> -> memref<1x64xf32, #tpu.memory_space<hbm>>
        %dma_start3A_420 = arith.constant 198 : i32
        %dma_start3A_421 = arith.constant 0 : i32
        %dma_start3A_422 = tpu.memref_slice %arg9[%dma_start3A_420, %dma_start3A_421] : memref<200x64xf32, #tpu.memory_space<vmem>> -> memref<1x64xf32, #tpu.memory_space<vmem>>
        %dma_start3A_423 = arith.constant 0 : i32
        %dma_start3A_424 = tpu.memref_slice %arg4[%squeeze3A_414, %dma_start3A_423] : memref<1000001x64xf32, #tpu.memory_space<hbm>> -> memref<1x64xf32, #tpu.memory_space<hbm>>
        tpu.enqueue_dma source(%dma_start3A_424 : memref<1x64xf32, #tpu.memory_space<hbm>>) target(%dma_start3A_422 : memref<1x64xf32, #tpu.memory_space<vmem>>) target_semaphore(%arg13 : memref<!tpu.dma_semaphore, #tpu.memory_space<semaphore_mem>>)
        %slice3A_425 = vector.extract_strided_slice %get3A_340 {offsets = [15], sizes = [1], strides = [1]} : vector<16xi32> to vector<1xi32>
        %squeeze3A_426 = vector.extract %slice3A_425[0] : i32 from vector<1xi32>
        %dma_start3A_427 = arith.constant 199 : i32
        %dma_start3A_428 = arith.constant 0 : i32
        %dma_start3A_429 = tpu.memref_slice %arg9[%dma_start3A_427, %dma_start3A_428] : memref<200x64xf32, #tpu.memory_space<vmem>> -> memref<1x64xf32, #tpu.memory_space<vmem>>
        %dma_start3A_430 = arith.constant 0 : i32
        %dma_start3A_431 = tpu.memref_slice %arg4[%squeeze3A_426, %dma_start3A_430] : memref<1000001x64xf32, #tpu.memory_space<hbm>> -> memref<1x64xf32, #tpu.memory_space<hbm>>
        %dma_start3A_432 = arith.constant 199 : i32
        %dma_start3A_433 = arith.constant 0 : i32
        %dma_start3A_434 = tpu.memref_slice %arg9[%dma_start3A_432, %dma_start3A_433] : memref<200x64xf32, #tpu.memory_space<vmem>> -> memref<1x64xf32, #tpu.memory_space<vmem>>
        %dma_start3A_435 = arith.constant 0 : i32
        %dma_start3A_436 = tpu.memref_slice %arg4[%squeeze3A_426, %dma_start3A_435] : memref<1000001x64xf32, #tpu.memory_space<hbm>> -> memref<1x64xf32, #tpu.memory_space<hbm>>
        tpu.enqueue_dma source(%dma_start3A_436 : memref<1x64xf32, #tpu.memory_space<hbm>>) target(%dma_start3A_434 : memref<1x64xf32, #tpu.memory_space<vmem>>) target_semaphore(%arg13 : memref<!tpu.dma_semaphore, #tpu.memory_space<semaphore_mem>>)
      } else {
      }
      %add3A_280 = arith.constant 1 : i32
      %add3A_281 = arith.addi %add3A_235, %add3A_280 : i32
      %scan3A_282 = arith.constant 0 : i32
      %scan3A_283 = arith.constant 200 : i32
      %scan3A_284 = arith.addi %scan3A_282, %scan3A_283 : i32
      %scan3A_285 = arith.constant 8 : i32
      scf.for %scan3A_328 = %scan3A_282 to %scan3A_284 step %scan3A_285  : i32 {
        %mul3A_329 = arith.constant 1 : i32
        %mul3A_330 = arith.muli %scan3A_328, %mul3A_329 : i32
        %add3A_331 = arith.constant 0 : i32
        %add3A_332 = arith.addi %add3A_331, %mul3A_330 : i32
        %dma_wait3A = arith.constant 0 : i32
        %dma_wait3A_333 = tpu.memref_slice %arg10[%add3A_332, %dma_wait3A] : memref<200x64xf32, #tpu.memory_space<vmem>> -> memref<1x64xf32, #tpu.memory_space<vmem>>
        %dma_wait3A_334 = arith.constant 0 : i32
        %dma_wait3A_335 = arith.constant 0 : i32
        %dma_wait3A_336 = tpu.memref_slice %arg4[%dma_wait3A_334, %dma_wait3A_335] : memref<1000001x64xf32, #tpu.memory_space<hbm>> -> memref<1x64xf32, #tpu.memory_space<hbm>>
        %dma_wait3A_337 = arith.constant 0 : i32
        %dma_wait3A_338 = tpu.memref_slice %arg10[%add3A_332, %dma_wait3A_337] : memref<200x64xf32, #tpu.memory_space<vmem>> -> memref<1x64xf32, #tpu.memory_space<vmem>>
        %dma_wait3A_339 = arith.constant 0 : i32
        %dma_wait3A_340 = arith.constant 0 : i32
        %dma_wait3A_341 = tpu.memref_slice %arg4[%dma_wait3A_339, %dma_wait3A_340] : memref<1000001x64xf32, #tpu.memory_space<hbm>> -> memref<1x64xf32, #tpu.memory_space<hbm>>
        tpu.wait_dma2 semaphore(%arg14 : memref<!tpu.dma_semaphore, #tpu.memory_space<semaphore_mem>>) src(%dma_wait3A_341 : memref<1x64xf32, #tpu.memory_space<hbm>>) dst(%dma_wait3A_338 : memref<1x64xf32, #tpu.memory_space<vmem>>)
        %scan3A_342 = arith.constant 1 : i32
        %scan3A_343 = arith.addi %scan3A_328, %scan3A_342 : i32
        %mul3A_344 = arith.constant 1 : i32
        %mul3A_345 = arith.muli %scan3A_343, %mul3A_344 : i32
        %add3A_346 = arith.constant 0 : i32
        %add3A_347 = arith.addi %add3A_346, %mul3A_345 : i32
        %dma_wait3A_348 = arith.constant 0 : i32
        %dma_wait3A_349 = tpu.memref_slice %arg10[%add3A_347, %dma_wait3A_348] : memref<200x64xf32, #tpu.memory_space<vmem>> -> memref<1x64xf32, #tpu.memory_space<vmem>>
        %dma_wait3A_350 = arith.constant 0 : i32
        %dma_wait3A_351 = arith.constant 0 : i32
        %dma_wait3A_352 = tpu.memref_slice %arg4[%dma_wait3A_350, %dma_wait3A_351] : memref<1000001x64xf32, #tpu.memory_space<hbm>> -> memref<1x64xf32, #tpu.memory_space<hbm>>
        %dma_wait3A_353 = arith.constant 0 : i32
        %dma_wait3A_354 = tpu.memref_slice %arg10[%add3A_347, %dma_wait3A_353] : memref<200x64xf32, #tpu.memory_space<vmem>> -> memref<1x64xf32, #tpu.memory_space<vmem>>
        %dma_wait3A_355 = arith.constant 0 : i32
        %dma_wait3A_356 = arith.constant 0 : i32
        %dma_wait3A_357 = tpu.memref_slice %arg4[%dma_wait3A_355, %dma_wait3A_356] : memref<1000001x64xf32, #tpu.memory_space<hbm>> -> memref<1x64xf32, #tpu.memory_space<hbm>>
        tpu.wait_dma2 semaphore(%arg14 : memref<!tpu.dma_semaphore, #tpu.memory_space<semaphore_mem>>) src(%dma_wait3A_357 : memref<1x64xf32, #tpu.memory_space<hbm>>) dst(%dma_wait3A_354 : memref<1x64xf32, #tpu.memory_space<vmem>>)
        %scan3A_358 = arith.constant 2 : i32
        %scan3A_359 = arith.addi %scan3A_328, %scan3A_358 : i32
        %mul3A_360 = arith.constant 1 : i32
        %mul3A_361 = arith.muli %scan3A_359, %mul3A_360 : i32
        %add3A_362 = arith.constant 0 : i32
        %add3A_363 = arith.addi %add3A_362, %mul3A_361 : i32
        %dma_wait3A_364 = arith.constant 0 : i32
        %dma_wait3A_365 = tpu.memref_slice %arg10[%add3A_363, %dma_wait3A_364] : memref<200x64xf32, #tpu.memory_space<vmem>> -> memref<1x64xf32, #tpu.memory_space<vmem>>
        %dma_wait3A_366 = arith.constant 0 : i32
        %dma_wait3A_367 = arith.constant 0 : i32
        %dma_wait3A_368 = tpu.memref_slice %arg4[%dma_wait3A_366, %dma_wait3A_367] : memref<1000001x64xf32, #tpu.memory_space<hbm>> -> memref<1x64xf32, #tpu.memory_space<hbm>>
        %dma_wait3A_369 = arith.constant 0 : i32
        %dma_wait3A_370 = tpu.memref_slice %arg10[%add3A_363, %dma_wait3A_369] : memref<200x64xf32, #tpu.memory_space<vmem>> -> memref<1x64xf32, #tpu.memory_space<vmem>>
        %dma_wait3A_371 = arith.constant 0 : i32
        %dma_wait3A_372 = arith.constant 0 : i32
        %dma_wait3A_373 = tpu.memref_slice %arg4[%dma_wait3A_371, %dma_wait3A_372] : memref<1000001x64xf32, #tpu.memory_space<hbm>> -> memref<1x64xf32, #tpu.memory_space<hbm>>
        tpu.wait_dma2 semaphore(%arg14 : memref<!tpu.dma_semaphore, #tpu.memory_space<semaphore_mem>>) src(%dma_wait3A_373 : memref<1x64xf32, #tpu.memory_space<hbm>>) dst(%dma_wait3A_370 : memref<1x64xf32, #tpu.memory_space<vmem>>)
        %scan3A_374 = arith.constant 3 : i32
        %scan3A_375 = arith.addi %scan3A_328, %scan3A_374 : i32
        %mul3A_376 = arith.constant 1 : i32
        %mul3A_377 = arith.muli %scan3A_375, %mul3A_376 : i32
        %add3A_378 = arith.constant 0 : i32
        %add3A_379 = arith.addi %add3A_378, %mul3A_377 : i32
        %dma_wait3A_380 = arith.constant 0 : i32
        %dma_wait3A_381 = tpu.memref_slice %arg10[%add3A_379, %dma_wait3A_380] : memref<200x64xf32, #tpu.memory_space<vmem>> -> memref<1x64xf32, #tpu.memory_space<vmem>>
        %dma_wait3A_382 = arith.constant 0 : i32
        %dma_wait3A_383 = arith.constant 0 : i32
        %dma_wait3A_384 = tpu.memref_slice %arg4[%dma_wait3A_382, %dma_wait3A_383] : memref<1000001x64xf32, #tpu.memory_space<hbm>> -> memref<1x64xf32, #tpu.memory_space<hbm>>
        %dma_wait3A_385 = arith.constant 0 : i32
        %dma_wait3A_386 = tpu.memref_slice %arg10[%add3A_379, %dma_wait3A_385] : memref<200x64xf32, #tpu.memory_space<vmem>> -> memref<1x64xf32, #tpu.memory_space<vmem>>
        %dma_wait3A_387 = arith.constant 0 : i32
        %dma_wait3A_388 = arith.constant 0 : i32
        %dma_wait3A_389 = tpu.memref_slice %arg4[%dma_wait3A_387, %dma_wait3A_388] : memref<1000001x64xf32, #tpu.memory_space<hbm>> -> memref<1x64xf32, #tpu.memory_space<hbm>>
        tpu.wait_dma2 semaphore(%arg14 : memref<!tpu.dma_semaphore, #tpu.memory_space<semaphore_mem>>) src(%dma_wait3A_389 : memref<1x64xf32, #tpu.memory_space<hbm>>) dst(%dma_wait3A_386 : memref<1x64xf32, #tpu.memory_space<vmem>>)
        %scan3A_390 = arith.constant 4 : i32
        %scan3A_391 = arith.addi %scan3A_328, %scan3A_390 : i32
        %mul3A_392 = arith.constant 1 : i32
        %mul3A_393 = arith.muli %scan3A_391, %mul3A_392 : i32
        %add3A_394 = arith.constant 0 : i32
        %add3A_395 = arith.addi %add3A_394, %mul3A_393 : i32
        %dma_wait3A_396 = arith.constant 0 : i32
        %dma_wait3A_397 = tpu.memref_slice %arg10[%add3A_395, %dma_wait3A_396] : memref<200x64xf32, #tpu.memory_space<vmem>> -> memref<1x64xf32, #tpu.memory_space<vmem>>
        %dma_wait3A_398 = arith.constant 0 : i32
        %dma_wait3A_399 = arith.constant 0 : i32
        %dma_wait3A_400 = tpu.memref_slice %arg4[%dma_wait3A_398, %dma_wait3A_399] : memref<1000001x64xf32, #tpu.memory_space<hbm>> -> memref<1x64xf32, #tpu.memory_space<hbm>>
        %dma_wait3A_401 = arith.constant 0 : i32
        %dma_wait3A_402 = tpu.memref_slice %arg10[%add3A_395, %dma_wait3A_401] : memref<200x64xf32, #tpu.memory_space<vmem>> -> memref<1x64xf32, #tpu.memory_space<vmem>>
        %dma_wait3A_403 = arith.constant 0 : i32
        %dma_wait3A_404 = arith.constant 0 : i32
        %dma_wait3A_405 = tpu.memref_slice %arg4[%dma_wait3A_403, %dma_wait3A_404] : memref<1000001x64xf32, #tpu.memory_space<hbm>> -> memref<1x64xf32, #tpu.memory_space<hbm>>
        tpu.wait_dma2 semaphore(%arg14 : memref<!tpu.dma_semaphore, #tpu.memory_space<semaphore_mem>>) src(%dma_wait3A_405 : memref<1x64xf32, #tpu.memory_space<hbm>>) dst(%dma_wait3A_402 : memref<1x64xf32, #tpu.memory_space<vmem>>)
        %scan3A_406 = arith.constant 5 : i32
        %scan3A_407 = arith.addi %scan3A_328, %scan3A_406 : i32
        %mul3A_408 = arith.constant 1 : i32
        %mul3A_409 = arith.muli %scan3A_407, %mul3A_408 : i32
        %add3A_410 = arith.constant 0 : i32
        %add3A_411 = arith.addi %add3A_410, %mul3A_409 : i32
        %dma_wait3A_412 = arith.constant 0 : i32
        %dma_wait3A_413 = tpu.memref_slice %arg10[%add3A_411, %dma_wait3A_412] : memref<200x64xf32, #tpu.memory_space<vmem>> -> memref<1x64xf32, #tpu.memory_space<vmem>>
        %dma_wait3A_414 = arith.constant 0 : i32
        %dma_wait3A_415 = arith.constant 0 : i32
        %dma_wait3A_416 = tpu.memref_slice %arg4[%dma_wait3A_414, %dma_wait3A_415] : memref<1000001x64xf32, #tpu.memory_space<hbm>> -> memref<1x64xf32, #tpu.memory_space<hbm>>
        %dma_wait3A_417 = arith.constant 0 : i32
        %dma_wait3A_418 = tpu.memref_slice %arg10[%add3A_411, %dma_wait3A_417] : memref<200x64xf32, #tpu.memory_space<vmem>> -> memref<1x64xf32, #tpu.memory_space<vmem>>
        %dma_wait3A_419 = arith.constant 0 : i32
        %dma_wait3A_420 = arith.constant 0 : i32
        %dma_wait3A_421 = tpu.memref_slice %arg4[%dma_wait3A_419, %dma_wait3A_420] : memref<1000001x64xf32, #tpu.memory_space<hbm>> -> memref<1x64xf32, #tpu.memory_space<hbm>>
        tpu.wait_dma2 semaphore(%arg14 : memref<!tpu.dma_semaphore, #tpu.memory_space<semaphore_mem>>) src(%dma_wait3A_421 : memref<1x64xf32, #tpu.memory_space<hbm>>) dst(%dma_wait3A_418 : memref<1x64xf32, #tpu.memory_space<vmem>>)
        %scan3A_422 = arith.constant 6 : i32
        %scan3A_423 = arith.addi %scan3A_328, %scan3A_422 : i32
        %mul3A_424 = arith.constant 1 : i32
        %mul3A_425 = arith.muli %scan3A_423, %mul3A_424 : i32
        %add3A_426 = arith.constant 0 : i32
        %add3A_427 = arith.addi %add3A_426, %mul3A_425 : i32
        %dma_wait3A_428 = arith.constant 0 : i32
        %dma_wait3A_429 = tpu.memref_slice %arg10[%add3A_427, %dma_wait3A_428] : memref<200x64xf32, #tpu.memory_space<vmem>> -> memref<1x64xf32, #tpu.memory_space<vmem>>
        %dma_wait3A_430 = arith.constant 0 : i32
        %dma_wait3A_431 = arith.constant 0 : i32
        %dma_wait3A_432 = tpu.memref_slice %arg4[%dma_wait3A_430, %dma_wait3A_431] : memref<1000001x64xf32, #tpu.memory_space<hbm>> -> memref<1x64xf32, #tpu.memory_space<hbm>>
        %dma_wait3A_433 = arith.constant 0 : i32
        %dma_wait3A_434 = tpu.memref_slice %arg10[%add3A_427, %dma_wait3A_433] : memref<200x64xf32, #tpu.memory_space<vmem>> -> memref<1x64xf32, #tpu.memory_space<vmem>>
        %dma_wait3A_435 = arith.constant 0 : i32
        %dma_wait3A_436 = arith.constant 0 : i32
        %dma_wait3A_437 = tpu.memref_slice %arg4[%dma_wait3A_435, %dma_wait3A_436] : memref<1000001x64xf32, #tpu.memory_space<hbm>> -> memref<1x64xf32, #tpu.memory_space<hbm>>
        tpu.wait_dma2 semaphore(%arg14 : memref<!tpu.dma_semaphore, #tpu.memory_space<semaphore_mem>>) src(%dma_wait3A_437 : memref<1x64xf32, #tpu.memory_space<hbm>>) dst(%dma_wait3A_434 : memref<1x64xf32, #tpu.memory_space<vmem>>)
        %scan3A_438 = arith.constant 7 : i32
        %scan3A_439 = arith.addi %scan3A_328, %scan3A_438 : i32
        %mul3A_440 = arith.constant 1 : i32
        %mul3A_441 = arith.muli %scan3A_439, %mul3A_440 : i32
        %add3A_442 = arith.constant 0 : i32
        %add3A_443 = arith.addi %add3A_442, %mul3A_441 : i32
        %dma_wait3A_444 = arith.constant 0 : i32
        %dma_wait3A_445 = tpu.memref_slice %arg10[%add3A_443, %dma_wait3A_444] : memref<200x64xf32, #tpu.memory_space<vmem>> -> memref<1x64xf32, #tpu.memory_space<vmem>>
        %dma_wait3A_446 = arith.constant 0 : i32
        %dma_wait3A_447 = arith.constant 0 : i32
        %dma_wait3A_448 = tpu.memref_slice %arg4[%dma_wait3A_446, %dma_wait3A_447] : memref<1000001x64xf32, #tpu.memory_space<hbm>> -> memref<1x64xf32, #tpu.memory_space<hbm>>
        %dma_wait3A_449 = arith.constant 0 : i32
        %dma_wait3A_450 = tpu.memref_slice %arg10[%add3A_443, %dma_wait3A_449] : memref<200x64xf32, #tpu.memory_space<vmem>> -> memref<1x64xf32, #tpu.memory_space<vmem>>
        %dma_wait3A_451 = arith.constant 0 : i32
        %dma_wait3A_452 = arith.constant 0 : i32
        %dma_wait3A_453 = tpu.memref_slice %arg4[%dma_wait3A_451, %dma_wait3A_452] : memref<1000001x64xf32, #tpu.memory_space<hbm>> -> memref<1x64xf32, #tpu.memory_space<hbm>>
        tpu.wait_dma2 semaphore(%arg14 : memref<!tpu.dma_semaphore, #tpu.memory_space<semaphore_mem>>) src(%dma_wait3A_453 : memref<1x64xf32, #tpu.memory_space<hbm>>) dst(%dma_wait3A_450 : memref<1x64xf32, #tpu.memory_space<vmem>>)
      }
      %scan3A_286 = arith.constant 200 : i32
      %scan3A_287 = arith.constant 0 : i32
      %scan3A_288 = arith.constant 200 : i32
      %scan3A_289 = arith.addi %scan3A_287, %scan3A_288 : i32
      %scan3A_290 = arith.constant 8 : i32
      %scan3A_291:4 = scf.for %scan3A_328 = %scan3A_287 to %scan3A_289 step %scan3A_290 iter_args(%scan3A_329 = %broadcast_in_dim3A_219, %scan3A_330 = %broadcast_in_dim3A_219, %scan3A_331 = %broadcast_in_dim3A_219, %scan3A_332 = %broadcast_in_dim3A_219) -> (vector<16xf32>, vector<16xf32>, vector<16xf32>, vector<16xf32>)  : i32 {
        %mul3A_333 = arith.constant 1 : i32
        %mul3A_334 = arith.muli %scan3A_328, %mul3A_333 : i32
        %add3A_335 = arith.constant 0 : i32
        %add3A_336 = arith.addi %add3A_335, %mul3A_334 : i32
        %get3A_337 = arith.index_cast %add3A_336 : i32 to index
        %get3A_338 = arith.constant 0 : index
        %get3A_339 = tpu.vector_load %arg10[%get3A_337, %get3A_338] {strides = array<i32>} : memref<200x64xf32, #tpu.memory_space<vmem>>, vector<1x16xf32>,
        %get3A_340 = vector.shape_cast %get3A_339 : vector<1x16xf32> to vector<16xf32>
        %add3A_341 = arith.addf %scan3A_329, %get3A_340 : vector<16xf32>
        %get3A_342 = arith.index_cast %add3A_336 : i32 to index
        %get3A_343 = arith.constant 16 : index
        %get3A_344 = tpu.vector_load %arg10[%get3A_342, %get3A_343] {strides = array<i32>} : memref<200x64xf32, #tpu.memory_space<vmem>>, vector<1x16xf32>,
        %get3A_345 = vector.shape_cast %get3A_344 : vector<1x16xf32> to vector<16xf32>
        %add3A_346 = arith.addf %scan3A_330, %get3A_345 : vector<16xf32>
        %get3A_347 = arith.index_cast %add3A_336 : i32 to index
        %get3A_348 = arith.constant 32 : index
        %get3A_349 = tpu.vector_load %arg10[%get3A_347, %get3A_348] {strides = array<i32>} : memref<200x64xf32, #tpu.memory_space<vmem>>, vector<1x16xf32>,
        %get3A_350 = vector.shape_cast %get3A_349 : vector<1x16xf32> to vector<16xf32>
        %add3A_351 = arith.addf %scan3A_331, %get3A_350 : vector<16xf32>
        %get3A_352 = arith.index_cast %add3A_336 : i32 to index
        %get3A_353 = arith.constant 48 : index
        %get3A_354 = tpu.vector_load %arg10[%get3A_352, %get3A_353] {strides = array<i32>} : memref<200x64xf32, #tpu.memory_space<vmem>>, vector<1x16xf32>,
        %get3A_355 = vector.shape_cast %get3A_354 : vector<1x16xf32> to vector<16xf32>
        %add3A_356 = arith.addf %scan3A_332, %get3A_355 : vector<16xf32>
        %scan3A_357 = arith.constant 1 : i32
        %scan3A_358 = arith.addi %scan3A_328, %scan3A_357 : i32
        %mul3A_359 = arith.constant 1 : i32
        %mul3A_360 = arith.muli %scan3A_358, %mul3A_359 : i32
        %add3A_361 = arith.constant 0 : i32
        %add3A_362 = arith.addi %add3A_361, %mul3A_360 : i32
        %get3A_363 = arith.index_cast %add3A_362 : i32 to index
        %get3A_364 = arith.constant 0 : index
        %get3A_365 = tpu.vector_load %arg10[%get3A_363, %get3A_364] {strides = array<i32>} : memref<200x64xf32, #tpu.memory_space<vmem>>, vector<1x16xf32>,
        %get3A_366 = vector.shape_cast %get3A_365 : vector<1x16xf32> to vector<16xf32>
        %add3A_367 = arith.addf %add3A_341, %get3A_366 : vector<16xf32>
        %get3A_368 = arith.index_cast %add3A_362 : i32 to index
        %get3A_369 = arith.constant 16 : index
        %get3A_370 = tpu.vector_load %arg10[%get3A_368, %get3A_369] {strides = array<i32>} : memref<200x64xf32, #tpu.memory_space<vmem>>, vector<1x16xf32>,
        %get3A_371 = vector.shape_cast %get3A_370 : vector<1x16xf32> to vector<16xf32>
        %add3A_372 = arith.addf %add3A_346, %get3A_371 : vector<16xf32>
        %get3A_373 = arith.index_cast %add3A_362 : i32 to index
        %get3A_374 = arith.constant 32 : index
        %get3A_375 = tpu.vector_load %arg10[%get3A_373, %get3A_374] {strides = array<i32>} : memref<200x64xf32, #tpu.memory_space<vmem>>, vector<1x16xf32>,
        %get3A_376 = vector.shape_cast %get3A_375 : vector<1x16xf32> to vector<16xf32>
        %add3A_377 = arith.addf %add3A_351, %get3A_376 : vector<16xf32>
        %get3A_378 = arith.index_cast %add3A_362 : i32 to index
        %get3A_379 = arith.constant 48 : index
        %get3A_380 = tpu.vector_load %arg10[%get3A_378, %get3A_379] {strides = array<i32>} : memref<200x64xf32, #tpu.memory_space<vmem>>, vector<1x16xf32>,
        %get3A_381 = vector.shape_cast %get3A_380 : vector<1x16xf32> to vector<16xf32>
        %add3A_382 = arith.addf %add3A_356, %get3A_381 : vector<16xf32>
        %scan3A_383 = arith.constant 2 : i32
        %scan3A_384 = arith.addi %scan3A_328, %scan3A_383 : i32
        %mul3A_385 = arith.constant 1 : i32
        %mul3A_386 = arith.muli %scan3A_384, %mul3A_385 : i32
        %add3A_387 = arith.constant 0 : i32
        %add3A_388 = arith.addi %add3A_387, %mul3A_386 : i32
        %get3A_389 = arith.index_cast %add3A_388 : i32 to index
        %get3A_390 = arith.constant 0 : index
        %get3A_391 = tpu.vector_load %arg10[%get3A_389, %get3A_390] {strides = array<i32>} : memref<200x64xf32, #tpu.memory_space<vmem>>, vector<1x16xf32>,
        %get3A_392 = vector.shape_cast %get3A_391 : vector<1x16xf32> to vector<16xf32>
        %add3A_393 = arith.addf %add3A_367, %get3A_392 : vector<16xf32>
        %get3A_394 = arith.index_cast %add3A_388 : i32 to index
        %get3A_395 = arith.constant 16 : index
        %get3A_396 = tpu.vector_load %arg10[%get3A_394, %get3A_395] {strides = array<i32>} : memref<200x64xf32, #tpu.memory_space<vmem>>, vector<1x16xf32>,
        %get3A_397 = vector.shape_cast %get3A_396 : vector<1x16xf32> to vector<16xf32>
        %add3A_398 = arith.addf %add3A_372, %get3A_397 : vector<16xf32>
        %get3A_399 = arith.index_cast %add3A_388 : i32 to index
        %get3A_400 = arith.constant 32 : index
        %get3A_401 = tpu.vector_load %arg10[%get3A_399, %get3A_400] {strides = array<i32>} : memref<200x64xf32, #tpu.memory_space<vmem>>, vector<1x16xf32>,
        %get3A_402 = vector.shape_cast %get3A_401 : vector<1x16xf32> to vector<16xf32>
        %add3A_403 = arith.addf %add3A_377, %get3A_402 : vector<16xf32>
        %get3A_404 = arith.index_cast %add3A_388 : i32 to index
        %get3A_405 = arith.constant 48 : index
        %get3A_406 = tpu.vector_load %arg10[%get3A_404, %get3A_405] {strides = array<i32>} : memref<200x64xf32, #tpu.memory_space<vmem>>, vector<1x16xf32>,
        %get3A_407 = vector.shape_cast %get3A_406 : vector<1x16xf32> to vector<16xf32>
        %add3A_408 = arith.addf %add3A_382, %get3A_407 : vector<16xf32>
        %scan3A_409 = arith.constant 3 : i32
        %scan3A_410 = arith.addi %scan3A_328, %scan3A_409 : i32
        %mul3A_411 = arith.constant 1 : i32
        %mul3A_412 = arith.muli %scan3A_410, %mul3A_411 : i32
        %add3A_413 = arith.constant 0 : i32
        %add3A_414 = arith.addi %add3A_413, %mul3A_412 : i32
        %get3A_415 = arith.index_cast %add3A_414 : i32 to index
        %get3A_416 = arith.constant 0 : index
        %get3A_417 = tpu.vector_load %arg10[%get3A_415, %get3A_416] {strides = array<i32>} : memref<200x64xf32, #tpu.memory_space<vmem>>, vector<1x16xf32>,
        %get3A_418 = vector.shape_cast %get3A_417 : vector<1x16xf32> to vector<16xf32>
        %add3A_419 = arith.addf %add3A_393, %get3A_418 : vector<16xf32>
        %get3A_420 = arith.index_cast %add3A_414 : i32 to index
        %get3A_421 = arith.constant 16 : index
        %get3A_422 = tpu.vector_load %arg10[%get3A_420, %get3A_421] {strides = array<i32>} : memref<200x64xf32, #tpu.memory_space<vmem>>, vector<1x16xf32>,
        %get3A_423 = vector.shape_cast %get3A_422 : vector<1x16xf32> to vector<16xf32>
        %add3A_424 = arith.addf %add3A_398, %get3A_423 : vector<16xf32>
        %get3A_425 = arith.index_cast %add3A_414 : i32 to index
        %get3A_426 = arith.constant 32 : index
        %get3A_427 = tpu.vector_load %arg10[%get3A_425, %get3A_426] {strides = array<i32>} : memref<200x64xf32, #tpu.memory_space<vmem>>, vector<1x16xf32>,
        %get3A_428 = vector.shape_cast %get3A_427 : vector<1x16xf32> to vector<16xf32>
        %add3A_429 = arith.addf %add3A_403, %get3A_428 : vector<16xf32>
        %get3A_430 = arith.index_cast %add3A_414 : i32 to index
        %get3A_431 = arith.constant 48 : index
        %get3A_432 = tpu.vector_load %arg10[%get3A_430, %get3A_431] {strides = array<i32>} : memref<200x64xf32, #tpu.memory_space<vmem>>, vector<1x16xf32>,
        %get3A_433 = vector.shape_cast %get3A_432 : vector<1x16xf32> to vector<16xf32>
        %add3A_434 = arith.addf %add3A_408, %get3A_433 : vector<16xf32>
        %scan3A_435 = arith.constant 4 : i32
        %scan3A_436 = arith.addi %scan3A_328, %scan3A_435 : i32
        %mul3A_437 = arith.constant 1 : i32
        %mul3A_438 = arith.muli %scan3A_436, %mul3A_437 : i32
        %add3A_439 = arith.constant 0 : i32
        %add3A_440 = arith.addi %add3A_439, %mul3A_438 : i32
        %get3A_441 = arith.index_cast %add3A_440 : i32 to index
        %get3A_442 = arith.constant 0 : index
        %get3A_443 = tpu.vector_load %arg10[%get3A_441, %get3A_442] {strides = array<i32>} : memref<200x64xf32, #tpu.memory_space<vmem>>, vector<1x16xf32>,
        %get3A_444 = vector.shape_cast %get3A_443 : vector<1x16xf32> to vector<16xf32>
        %add3A_445 = arith.addf %add3A_419, %get3A_444 : vector<16xf32>
        %get3A_446 = arith.index_cast %add3A_440 : i32 to index
        %get3A_447 = arith.constant 16 : index
        %get3A_448 = tpu.vector_load %arg10[%get3A_446, %get3A_447] {strides = array<i32>} : memref<200x64xf32, #tpu.memory_space<vmem>>, vector<1x16xf32>,
        %get3A_449 = vector.shape_cast %get3A_448 : vector<1x16xf32> to vector<16xf32>
        %add3A_450 = arith.addf %add3A_424, %get3A_449 : vector<16xf32>
        %get3A_451 = arith.index_cast %add3A_440 : i32 to index
        %get3A_452 = arith.constant 32 : index
        %get3A_453 = tpu.vector_load %arg10[%get3A_451, %get3A_452] {strides = array<i32>} : memref<200x64xf32, #tpu.memory_space<vmem>>, vector<1x16xf32>,
        %get3A_454 = vector.shape_cast %get3A_453 : vector<1x16xf32> to vector<16xf32>
        %add3A_455 = arith.addf %add3A_429, %get3A_454 : vector<16xf32>
        %get3A_456 = arith.index_cast %add3A_440 : i32 to index
        %get3A_457 = arith.constant 48 : index
        %get3A_458 = tpu.vector_load %arg10[%get3A_456, %get3A_457] {strides = array<i32>} : memref<200x64xf32, #tpu.memory_space<vmem>>, vector<1x16xf32>,
        %get3A_459 = vector.shape_cast %get3A_458 : vector<1x16xf32> to vector<16xf32>
        %add3A_460 = arith.addf %add3A_434, %get3A_459 : vector<16xf32>
        %scan3A_461 = arith.constant 5 : i32
        %scan3A_462 = arith.addi %scan3A_328, %scan3A_461 : i32
        %mul3A_463 = arith.constant 1 : i32
        %mul3A_464 = arith.muli %scan3A_462, %mul3A_463 : i32
        %add3A_465 = arith.constant 0 : i32
        %add3A_466 = arith.addi %add3A_465, %mul3A_464 : i32
        %get3A_467 = arith.index_cast %add3A_466 : i32 to index
        %get3A_468 = arith.constant 0 : index
        %get3A_469 = tpu.vector_load %arg10[%get3A_467, %get3A_468] {strides = array<i32>} : memref<200x64xf32, #tpu.memory_space<vmem>>, vector<1x16xf32>,
        %get3A_470 = vector.shape_cast %get3A_469 : vector<1x16xf32> to vector<16xf32>
        %add3A_471 = arith.addf %add3A_445, %get3A_470 : vector<16xf32>
        %get3A_472 = arith.index_cast %add3A_466 : i32 to index
        %get3A_473 = arith.constant 16 : index
        %get3A_474 = tpu.vector_load %arg10[%get3A_472, %get3A_473] {strides = array<i32>} : memref<200x64xf32, #tpu.memory_space<vmem>>, vector<1x16xf32>,
        %get3A_475 = vector.shape_cast %get3A_474 : vector<1x16xf32> to vector<16xf32>
        %add3A_476 = arith.addf %add3A_450, %get3A_475 : vector<16xf32>
        %get3A_477 = arith.index_cast %add3A_466 : i32 to index
        %get3A_478 = arith.constant 32 : index
        %get3A_479 = tpu.vector_load %arg10[%get3A_477, %get3A_478] {strides = array<i32>} : memref<200x64xf32, #tpu.memory_space<vmem>>, vector<1x16xf32>,
        %get3A_480 = vector.shape_cast %get3A_479 : vector<1x16xf32> to vector<16xf32>
        %add3A_481 = arith.addf %add3A_455, %get3A_480 : vector<16xf32>
        %get3A_482 = arith.index_cast %add3A_466 : i32 to index
        %get3A_483 = arith.constant 48 : index
        %get3A_484 = tpu.vector_load %arg10[%get3A_482, %get3A_483] {strides = array<i32>} : memref<200x64xf32, #tpu.memory_space<vmem>>, vector<1x16xf32>,
        %get3A_485 = vector.shape_cast %get3A_484 : vector<1x16xf32> to vector<16xf32>
        %add3A_486 = arith.addf %add3A_460, %get3A_485 : vector<16xf32>
        %scan3A_487 = arith.constant 6 : i32
        %scan3A_488 = arith.addi %scan3A_328, %scan3A_487 : i32
        %mul3A_489 = arith.constant 1 : i32
        %mul3A_490 = arith.muli %scan3A_488, %mul3A_489 : i32
        %add3A_491 = arith.constant 0 : i32
        %add3A_492 = arith.addi %add3A_491, %mul3A_490 : i32
        %get3A_493 = arith.index_cast %add3A_492 : i32 to index
        %get3A_494 = arith.constant 0 : index
        %get3A_495 = tpu.vector_load %arg10[%get3A_493, %get3A_494] {strides = array<i32>} : memref<200x64xf32, #tpu.memory_space<vmem>>, vector<1x16xf32>,
        %get3A_496 = vector.shape_cast %get3A_495 : vector<1x16xf32> to vector<16xf32>
        %add3A_497 = arith.addf %add3A_471, %get3A_496 : vector<16xf32>
        %get3A_498 = arith.index_cast %add3A_492 : i32 to index
        %get3A_499 = arith.constant 16 : index
        %get3A_500 = tpu.vector_load %arg10[%get3A_498, %get3A_499] {strides = array<i32>} : memref<200x64xf32, #tpu.memory_space<vmem>>, vector<1x16xf32>,
        %get3A_501 = vector.shape_cast %get3A_500 : vector<1x16xf32> to vector<16xf32>
        %add3A_502 = arith.addf %add3A_476, %get3A_501 : vector<16xf32>
        %get3A_503 = arith.index_cast %add3A_492 : i32 to index
        %get3A_504 = arith.constant 32 : index
        %get3A_505 = tpu.vector_load %arg10[%get3A_503, %get3A_504] {strides = array<i32>} : memref<200x64xf32, #tpu.memory_space<vmem>>, vector<1x16xf32>,
        %get3A_506 = vector.shape_cast %get3A_505 : vector<1x16xf32> to vector<16xf32>
        %add3A_507 = arith.addf %add3A_481, %get3A_506 : vector<16xf32>
        %get3A_508 = arith.index_cast %add3A_492 : i32 to index
        %get3A_509 = arith.constant 48 : index
        %get3A_510 = tpu.vector_load %arg10[%get3A_508, %get3A_509] {strides = array<i32>} : memref<200x64xf32, #tpu.memory_space<vmem>>, vector<1x16xf32>,
        %get3A_511 = vector.shape_cast %get3A_510 : vector<1x16xf32> to vector<16xf32>
        %add3A_512 = arith.addf %add3A_486, %get3A_511 : vector<16xf32>
        %scan3A_513 = arith.constant 7 : i32
        %scan3A_514 = arith.addi %scan3A_328, %scan3A_513 : i32
        %mul3A_515 = arith.constant 1 : i32
        %mul3A_516 = arith.muli %scan3A_514, %mul3A_515 : i32
        %add3A_517 = arith.constant 0 : i32
        %add3A_518 = arith.addi %add3A_517, %mul3A_516 : i32
        %get3A_519 = arith.index_cast %add3A_518 : i32 to index
        %get3A_520 = arith.constant 0 : index
        %get3A_521 = tpu.vector_load %arg10[%get3A_519, %get3A_520] {strides = array<i32>} : memref<200x64xf32, #tpu.memory_space<vmem>>, vector<1x16xf32>,
        %get3A_522 = vector.shape_cast %get3A_521 : vector<1x16xf32> to vector<16xf32>
        %add3A_523 = arith.addf %add3A_497, %get3A_522 : vector<16xf32>
        %get3A_524 = arith.index_cast %add3A_518 : i32 to index
        %get3A_525 = arith.constant 16 : index
        %get3A_526 = tpu.vector_load %arg10[%get3A_524, %get3A_525] {strides = array<i32>} : memref<200x64xf32, #tpu.memory_space<vmem>>, vector<1x16xf32>,
        %get3A_527 = vector.shape_cast %get3A_526 : vector<1x16xf32> to vector<16xf32>
        %add3A_528 = arith.addf %add3A_502, %get3A_527 : vector<16xf32>
        %get3A_529 = arith.index_cast %add3A_518 : i32 to index
        %get3A_530 = arith.constant 32 : index
        %get3A_531 = tpu.vector_load %arg10[%get3A_529, %get3A_530] {strides = array<i32>} : memref<200x64xf32, #tpu.memory_space<vmem>>, vector<1x16xf32>,
        %get3A_532 = vector.shape_cast %get3A_531 : vector<1x16xf32> to vector<16xf32>
        %add3A_533 = arith.addf %add3A_507, %get3A_532 : vector<16xf32>
        %get3A_534 = arith.index_cast %add3A_518 : i32 to index
        %get3A_535 = arith.constant 48 : index
        %get3A_536 = tpu.vector_load %arg10[%get3A_534, %get3A_535] {strides = array<i32>} : memref<200x64xf32, #tpu.memory_space<vmem>>, vector<1x16xf32>,
        %get3A_537 = vector.shape_cast %get3A_536 : vector<1x16xf32> to vector<16xf32>
        %add3A_538 = arith.addf %add3A_512, %get3A_537 : vector<16xf32>
        scf.yield %add3A_523, %add3A_528, %add3A_533, %add3A_538 : vector<16xf32>, vector<16xf32>, vector<16xf32>, vector<16xf32>
      }
      %scan3A_292 = arith.constant 200 : i32
      %mul3A_293 = vector.broadcast %scan3A_220 : f32 to vector<16xf32>
      %mul3A_294 = arith.mulf %scan3A_291#0, %mul3A_293 : vector<16xf32>
      %swap3A_295 = arith.index_cast %add3A_281 : i32 to index
      %swap3A_296 = arith.constant 0 : index
      %swap3A_297 = tpu.vector_load %arg11[%swap3A_295, %swap3A_296] {strides = array<i32>} : memref<128x64xf32, #tpu.memory_space<vmem>>, vector<1x16xf32>,
      %swap3A_298 = vector.shape_cast %swap3A_297 : vector<1x16xf32> to vector<16xf32>
      %swap3A_299 = vector.shape_cast %mul3A_294 : vector<16xf32> to vector<1x16xf32>
      tpu.vector_store %arg11[%swap3A_295, %swap3A_296], %swap3A_299 {strides = array<i32>} : memref<128x64xf32, #tpu.memory_space<vmem>>, vector<1x16xf32>,
      %mul3A_300 = vector.broadcast %scan3A_220 : f32 to vector<16xf32>
      %mul3A_301 = arith.mulf %scan3A_291#1, %mul3A_300 : vector<16xf32>
      %swap3A_302 = arith.index_cast %add3A_281 : i32 to index
      %swap3A_303 = arith.constant 16 : index
      %swap3A_304 = tpu.vector_load %arg11[%swap3A_302, %swap3A_303] {strides = array<i32>} : memref<128x64xf32, #tpu.memory_space<vmem>>, vector<1x16xf32>,
      %swap3A_305 = vector.shape_cast %swap3A_304 : vector<1x16xf32> to vector<16xf32>
      %swap3A_306 = vector.shape_cast %mul3A_301 : vector<16xf32> to vector<1x16xf32>
      tpu.vector_store %arg11[%swap3A_302, %swap3A_303], %swap3A_306 {strides = array<i32>} : memref<128x64xf32, #tpu.memory_space<vmem>>, vector<1x16xf32>,
      %mul3A_307 = vector.broadcast %scan3A_220 : f32 to vector<16xf32>
      %mul3A_308 = arith.mulf %scan3A_291#2, %mul3A_307 : vector<16xf32>
      %swap3A_309 = arith.index_cast %add3A_281 : i32 to index
      %swap3A_310 = arith.constant 32 : index
      %swap3A_311 = tpu.vector_load %arg11[%swap3A_309, %swap3A_310] {strides = array<i32>} : memref<128x64xf32, #tpu.memory_space<vmem>>, vector<1x16xf32>,
      %swap3A_312 = vector.shape_cast %swap3A_311 : vector<1x16xf32> to vector<16xf32>
      %swap3A_313 = vector.shape_cast %mul3A_308 : vector<16xf32> to vector<1x16xf32>
      tpu.vector_store %arg11[%swap3A_309, %swap3A_310], %swap3A_313 {strides = array<i32>} : memref<128x64xf32, #tpu.memory_space<vmem>>, vector<1x16xf32>,
      %mul3A_314 = vector.broadcast %scan3A_220 : f32 to vector<16xf32>
      %mul3A_315 = arith.mulf %scan3A_291#3, %mul3A_314 : vector<16xf32>
      %swap3A_316 = arith.index_cast %add3A_281 : i32 to index
      %swap3A_317 = arith.constant 48 : index
      %swap3A_318 = tpu.vector_load %arg11[%swap3A_316, %swap3A_317] {strides = array<i32>} : memref<128x64xf32, #tpu.memory_space<vmem>>, vector<1x16xf32>,
      %swap3A_319 = vector.shape_cast %swap3A_318 : vector<1x16xf32> to vector<16xf32>
      %swap3A_320 = vector.shape_cast %mul3A_315 : vector<16xf32> to vector<1x16xf32>
      tpu.vector_store %arg11[%swap3A_316, %swap3A_317], %swap3A_320 {strides = array<i32>} : memref<128x64xf32, #tpu.memory_space<vmem>>, vector<1x16xf32>,
      %add3A_321 = arith.constant 2 : i32
      %add3A_322 = arith.addi %add3A_281, %add3A_321 : i32
      %lt3A_323 = arith.constant 128 : i32
      %lt3A_324 = arith.cmpi slt, %add3A_322, %lt3A_323 : i32
      %convert_element_type3A_325 = arith.extui %lt3A_324 : i1 to i32
      %cond3A_326 = arith.constant 0 : i32
      %cond3A_327 = arith.cmpi ne, %convert_element_type3A_325, %cond3A_326 : i32
      scf.if %cond3A_327 {
        %add3A_328 = arith.constant 2 : i32
        %add3A_329 = arith.addi %add3A_281, %add3A_328 : i32
        %add3A_330 = arith.addi %mul3A_2, %add3A_329 : i32
        "tpu.region"() ({
          %run_scoped3A = tpu.sem_alloc : memref<!tpu.dma_semaphore, #tpu.memory_space<semaphore_mem>>
          %dma_start3A_437 = arith.constant 1 : i32
          %dma_start3A_438 = arith.constant 0 : i32
          %dma_start3A_439 = tpu.memref_slice %arg7[%dma_start3A_437, %dma_start3A_438] : memref<2x200xi32, #tpu.memory_space<vmem>> -> memref<1x200xi32, #tpu.memory_space<vmem>>
          %dma_start3A_440 = arith.constant 0 : i32
          %dma_start3A_441 = tpu.memref_slice %arg2[%add3A_330, %dma_start3A_440] : memref<4096x200xi32, #tpu.memory_space<hbm>> -> memref<1x200xi32, #tpu.memory_space<hbm>>
          %dma_start3A_442 = arith.constant 1 : i32
          %dma_start3A_443 = arith.constant 0 : i32
          %dma_start3A_444 = tpu.memref_slice %arg7[%dma_start3A_442, %dma_start3A_443] : memref<2x200xi32, #tpu.memory_space<vmem>> -> memref<1x200xi32, #tpu.memory_space<vmem>>
          %dma_start3A_445 = arith.constant 0 : i32
          %dma_start3A_446 = tpu.memref_slice %arg2[%add3A_330, %dma_start3A_445] : memref<4096x200xi32, #tpu.memory_space<hbm>> -> memref<1x200xi32, #tpu.memory_space<hbm>>
          tpu.enqueue_dma source(%dma_start3A_446 : memref<1x200xi32, #tpu.memory_space<hbm>>) target(%dma_start3A_444 : memref<1x200xi32, #tpu.memory_space<vmem>>) target_semaphore(%run_scoped3A : memref<!tpu.dma_semaphore, #tpu.memory_space<semaphore_mem>>)
          %dma_wait3A = arith.constant 1 : i32
          %dma_wait3A_447 = arith.constant 0 : i32
          %dma_wait3A_448 = tpu.memref_slice %arg7[%dma_wait3A, %dma_wait3A_447] : memref<2x200xi32, #tpu.memory_space<vmem>> -> memref<1x200xi32, #tpu.memory_space<vmem>>
          %dma_wait3A_449 = arith.constant 0 : i32
          %dma_wait3A_450 = tpu.memref_slice %arg2[%add3A_330, %dma_wait3A_449] : memref<4096x200xi32, #tpu.memory_space<hbm>> -> memref<1x200xi32, #tpu.memory_space<hbm>>
          %dma_wait3A_451 = arith.constant 1 : i32
          %dma_wait3A_452 = arith.constant 0 : i32
          %dma_wait3A_453 = tpu.memref_slice %arg7[%dma_wait3A_451, %dma_wait3A_452] : memref<2x200xi32, #tpu.memory_space<vmem>> -> memref<1x200xi32, #tpu.memory_space<vmem>>
          %dma_wait3A_454 = arith.constant 0 : i32
          %dma_wait3A_455 = tpu.memref_slice %arg2[%add3A_330, %dma_wait3A_454] : memref<4096x200xi32, #tpu.memory_space<hbm>> -> memref<1x200xi32, #tpu.memory_space<hbm>>
          tpu.wait_dma2 semaphore(%run_scoped3A : memref<!tpu.dma_semaphore, #tpu.memory_space<semaphore_mem>>) src(%dma_wait3A_455 : memref<1x200xi32, #tpu.memory_space<hbm>>) dst(%dma_wait3A_453 : memref<1x200xi32, #tpu.memory_space<vmem>>)
          tpu.yield
        }) : () -> ()
        %scan3A_331 = arith.constant 0 : i32
        %scan3A_332 = arith.constant 12 : i32
        %scan3A_333 = arith.addi %scan3A_331, %scan3A_332 : i32
        %scan3A_334 = arith.constant 1 : i32
        scf.for %scan3A_437 = %scan3A_331 to %scan3A_333 step %scan3A_334  : i32 {
          %mul3A_438 = arith.constant 1 : i32
          %mul3A_439 = arith.muli %scan3A_437, %mul3A_438 : i32
          %add3A_440 = arith.constant 0 : i32
          %add3A_441 = arith.addi %add3A_440, %mul3A_439 : i32
          %mul3A_442 = arith.constant 16 : i32
          %mul3A_443 = arith.muli %add3A_441, %mul3A_442 : i32
          %get3A_444 = arith.constant 1 : i32
          %get3A_445 = arith.index_cast %get3A_444 : i32 to index
          %get3A_446 = arith.index_cast %mul3A_443 : i32 to index
          %get3A_447 = tpu.vector_load %arg7[%get3A_445, %get3A_446] {strides = array<i32>} : memref<2x200xi32, #tpu.memory_space<vmem>>, vector<1x16xi32>,
          %get3A_448 = vector.shape_cast %get3A_447 : vector<1x16xi32> to vector<16xi32>
          %slice3A_449 = vector.extract_strided_slice %get3A_448 {offsets = [0], sizes = [1], strides = [1]} : vector<16xi32> to vector<1xi32>
          %squeeze3A_450 = vector.extract %slice3A_449[0] : i32 from vector<1xi32>
          %mul3A_451 = arith.constant 16 : i32
          %mul3A_452 = arith.muli %add3A_441, %mul3A_451 : i32
          %add3A_453 = arith.constant 0 : i32
          %add3A_454 = arith.addi %mul3A_452, %add3A_453 : i32
          %dma_start3A_455 = arith.constant 0 : i32
          %dma_start3A_456 = tpu.memref_slice %arg10[%add3A_454, %dma_start3A_455] : memref<200x64xf32, #tpu.memory_space<vmem>> -> memref<1x64xf32, #tpu.memory_space<vmem>>
          %dma_start3A_457 = arith.constant 0 : i32
          %dma_start3A_458 = tpu.memref_slice %arg4[%squeeze3A_450, %dma_start3A_457] : memref<1000001x64xf32, #tpu.memory_space<hbm>> -> memref<1x64xf32, #tpu.memory_space<hbm>>
          %dma_start3A_459 = arith.constant 0 : i32
          %dma_start3A_460 = tpu.memref_slice %arg10[%add3A_454, %dma_start3A_459] : memref<200x64xf32, #tpu.memory_space<vmem>> -> memref<1x64xf32, #tpu.memory_space<vmem>>
          %dma_start3A_461 = arith.constant 0 : i32
          %dma_start3A_462 = tpu.memref_slice %arg4[%squeeze3A_450, %dma_start3A_461] : memref<1000001x64xf32, #tpu.memory_space<hbm>> -> memref<1x64xf32, #tpu.memory_space<hbm>>
          tpu.enqueue_dma source(%dma_start3A_462 : memref<1x64xf32, #tpu.memory_space<hbm>>) target(%dma_start3A_460 : memref<1x64xf32, #tpu.memory_space<vmem>>) target_semaphore(%arg14 : memref<!tpu.dma_semaphore, #tpu.memory_space<semaphore_mem>>)
          %slice3A_463 = vector.extract_strided_slice %get3A_448 {offsets = [1], sizes = [1], strides = [1]} : vector<16xi32> to vector<1xi32>
          %squeeze3A_464 = vector.extract %slice3A_463[0] : i32 from vector<1xi32>
          %mul3A_465 = arith.constant 16 : i32
          %mul3A_466 = arith.muli %add3A_441, %mul3A_465 : i32
          %add3A_467 = arith.constant 1 : i32
          %add3A_468 = arith.addi %mul3A_466, %add3A_467 : i32
          %dma_start3A_469 = arith.constant 0 : i32
          %dma_start3A_470 = tpu.memref_slice %arg10[%add3A_468, %dma_start3A_469] : memref<200x64xf32, #tpu.memory_space<vmem>> -> memref<1x64xf32, #tpu.memory_space<vmem>>
          %dma_start3A_471 = arith.constant 0 : i32
          %dma_start3A_472 = tpu.memref_slice %arg4[%squeeze3A_464, %dma_start3A_471] : memref<1000001x64xf32, #tpu.memory_space<hbm>> -> memref<1x64xf32, #tpu.memory_space<hbm>>
          %dma_start3A_473 = arith.constant 0 : i32
          %dma_start3A_474 = tpu.memref_slice %arg10[%add3A_468, %dma_start3A_473] : memref<200x64xf32, #tpu.memory_space<vmem>> -> memref<1x64xf32, #tpu.memory_space<vmem>>
          %dma_start3A_475 = arith.constant 0 : i32
          %dma_start3A_476 = tpu.memref_slice %arg4[%squeeze3A_464, %dma_start3A_475] : memref<1000001x64xf32, #tpu.memory_space<hbm>> -> memref<1x64xf32, #tpu.memory_space<hbm>>
          tpu.enqueue_dma source(%dma_start3A_476 : memref<1x64xf32, #tpu.memory_space<hbm>>) target(%dma_start3A_474 : memref<1x64xf32, #tpu.memory_space<vmem>>) target_semaphore(%arg14 : memref<!tpu.dma_semaphore, #tpu.memory_space<semaphore_mem>>)
          %slice3A_477 = vector.extract_strided_slice %get3A_448 {offsets = [2], sizes = [1], strides = [1]} : vector<16xi32> to vector<1xi32>
          %squeeze3A_478 = vector.extract %slice3A_477[0] : i32 from vector<1xi32>
          %mul3A_479 = arith.constant 16 : i32
          %mul3A_480 = arith.muli %add3A_441, %mul3A_479 : i32
          %add3A_481 = arith.constant 2 : i32
          %add3A_482 = arith.addi %mul3A_480, %add3A_481 : i32
          %dma_start3A_483 = arith.constant 0 : i32
          %dma_start3A_484 = tpu.memref_slice %arg10[%add3A_482, %dma_start3A_483] : memref<200x64xf32, #tpu.memory_space<vmem>> -> memref<1x64xf32, #tpu.memory_space<vmem>>
          %dma_start3A_485 = arith.constant 0 : i32
          %dma_start3A_486 = tpu.memref_slice %arg4[%squeeze3A_478, %dma_start3A_485] : memref<1000001x64xf32, #tpu.memory_space<hbm>> -> memref<1x64xf32, #tpu.memory_space<hbm>>
          %dma_start3A_487 = arith.constant 0 : i32
          %dma_start3A_488 = tpu.memref_slice %arg10[%add3A_482, %dma_start3A_487] : memref<200x64xf32, #tpu.memory_space<vmem>> -> memref<1x64xf32, #tpu.memory_space<vmem>>
          %dma_start3A_489 = arith.constant 0 : i32
          %dma_start3A_490 = tpu.memref_slice %arg4[%squeeze3A_478, %dma_start3A_489] : memref<1000001x64xf32, #tpu.memory_space<hbm>> -> memref<1x64xf32, #tpu.memory_space<hbm>>
          tpu.enqueue_dma source(%dma_start3A_490 : memref<1x64xf32, #tpu.memory_space<hbm>>) target(%dma_start3A_488 : memref<1x64xf32, #tpu.memory_space<vmem>>) target_semaphore(%arg14 : memref<!tpu.dma_semaphore, #tpu.memory_space<semaphore_mem>>)
          %slice3A_491 = vector.extract_strided_slice %get3A_448 {offsets = [3], sizes = [1], strides = [1]} : vector<16xi32> to vector<1xi32>
          %squeeze3A_492 = vector.extract %slice3A_491[0] : i32 from vector<1xi32>
          %mul3A_493 = arith.constant 16 : i32
          %mul3A_494 = arith.muli %add3A_441, %mul3A_493 : i32
          %add3A_495 = arith.constant 3 : i32
          %add3A_496 = arith.addi %mul3A_494, %add3A_495 : i32
          %dma_start3A_497 = arith.constant 0 : i32
          %dma_start3A_498 = tpu.memref_slice %arg10[%add3A_496, %dma_start3A_497] : memref<200x64xf32, #tpu.memory_space<vmem>> -> memref<1x64xf32, #tpu.memory_space<vmem>>
          %dma_start3A_499 = arith.constant 0 : i32
          %dma_start3A_500 = tpu.memref_slice %arg4[%squeeze3A_492, %dma_start3A_499] : memref<1000001x64xf32, #tpu.memory_space<hbm>> -> memref<1x64xf32, #tpu.memory_space<hbm>>
          %dma_start3A_501 = arith.constant 0 : i32
          %dma_start3A_502 = tpu.memref_slice %arg10[%add3A_496, %dma_start3A_501] : memref<200x64xf32, #tpu.memory_space<vmem>> -> memref<1x64xf32, #tpu.memory_space<vmem>>
          %dma_start3A_503 = arith.constant 0 : i32
          %dma_start3A_504 = tpu.memref_slice %arg4[%squeeze3A_492, %dma_start3A_503] : memref<1000001x64xf32, #tpu.memory_space<hbm>> -> memref<1x64xf32, #tpu.memory_space<hbm>>
          tpu.enqueue_dma source(%dma_start3A_504 : memref<1x64xf32, #tpu.memory_space<hbm>>) target(%dma_start3A_502 : memref<1x64xf32, #tpu.memory_space<vmem>>) target_semaphore(%arg14 : memref<!tpu.dma_semaphore, #tpu.memory_space<semaphore_mem>>)
          %slice3A_505 = vector.extract_strided_slice %get3A_448 {offsets = [4], sizes = [1], strides = [1]} : vector<16xi32> to vector<1xi32>
          %squeeze3A_506 = vector.extract %slice3A_505[0] : i32 from vector<1xi32>
          %mul3A_507 = arith.constant 16 : i32
          %mul3A_508 = arith.muli %add3A_441, %mul3A_507 : i32
          %add3A_509 = arith.constant 4 : i32
          %add3A_510 = arith.addi %mul3A_508, %add3A_509 : i32
          %dma_start3A_511 = arith.constant 0 : i32
          %dma_start3A_512 = tpu.memref_slice %arg10[%add3A_510, %dma_start3A_511] : memref<200x64xf32, #tpu.memory_space<vmem>> -> memref<1x64xf32, #tpu.memory_space<vmem>>
          %dma_start3A_513 = arith.constant 0 : i32
          %dma_start3A_514 = tpu.memref_slice %arg4[%squeeze3A_506, %dma_start3A_513] : memref<1000001x64xf32, #tpu.memory_space<hbm>> -> memref<1x64xf32, #tpu.memory_space<hbm>>
          %dma_start3A_515 = arith.constant 0 : i32
          %dma_start3A_516 = tpu.memref_slice %arg10[%add3A_510, %dma_start3A_515] : memref<200x64xf32, #tpu.memory_space<vmem>> -> memref<1x64xf32, #tpu.memory_space<vmem>>
          %dma_start3A_517 = arith.constant 0 : i32
          %dma_start3A_518 = tpu.memref_slice %arg4[%squeeze3A_506, %dma_start3A_517] : memref<1000001x64xf32, #tpu.memory_space<hbm>> -> memref<1x64xf32, #tpu.memory_space<hbm>>
          tpu.enqueue_dma source(%dma_start3A_518 : memref<1x64xf32, #tpu.memory_space<hbm>>) target(%dma_start3A_516 : memref<1x64xf32, #tpu.memory_space<vmem>>) target_semaphore(%arg14 : memref<!tpu.dma_semaphore, #tpu.memory_space<semaphore_mem>>)
          %slice3A_519 = vector.extract_strided_slice %get3A_448 {offsets = [5], sizes = [1], strides = [1]} : vector<16xi32> to vector<1xi32>
          %squeeze3A_520 = vector.extract %slice3A_519[0] : i32 from vector<1xi32>
          %mul3A_521 = arith.constant 16 : i32
          %mul3A_522 = arith.muli %add3A_441, %mul3A_521 : i32
          %add3A_523 = arith.constant 5 : i32
          %add3A_524 = arith.addi %mul3A_522, %add3A_523 : i32
          %dma_start3A_525 = arith.constant 0 : i32
          %dma_start3A_526 = tpu.memref_slice %arg10[%add3A_524, %dma_start3A_525] : memref<200x64xf32, #tpu.memory_space<vmem>> -> memref<1x64xf32, #tpu.memory_space<vmem>>
          %dma_start3A_527 = arith.constant 0 : i32
          %dma_start3A_528 = tpu.memref_slice %arg4[%squeeze3A_520, %dma_start3A_527] : memref<1000001x64xf32, #tpu.memory_space<hbm>> -> memref<1x64xf32, #tpu.memory_space<hbm>>
          %dma_start3A_529 = arith.constant 0 : i32
          %dma_start3A_530 = tpu.memref_slice %arg10[%add3A_524, %dma_start3A_529] : memref<200x64xf32, #tpu.memory_space<vmem>> -> memref<1x64xf32, #tpu.memory_space<vmem>>
          %dma_start3A_531 = arith.constant 0 : i32
          %dma_start3A_532 = tpu.memref_slice %arg4[%squeeze3A_520, %dma_start3A_531] : memref<1000001x64xf32, #tpu.memory_space<hbm>> -> memref<1x64xf32, #tpu.memory_space<hbm>>
          tpu.enqueue_dma source(%dma_start3A_532 : memref<1x64xf32, #tpu.memory_space<hbm>>) target(%dma_start3A_530 : memref<1x64xf32, #tpu.memory_space<vmem>>) target_semaphore(%arg14 : memref<!tpu.dma_semaphore, #tpu.memory_space<semaphore_mem>>)
          %slice3A_533 = vector.extract_strided_slice %get3A_448 {offsets = [6], sizes = [1], strides = [1]} : vector<16xi32> to vector<1xi32>
          %squeeze3A_534 = vector.extract %slice3A_533[0] : i32 from vector<1xi32>
          %mul3A_535 = arith.constant 16 : i32
          %mul3A_536 = arith.muli %add3A_441, %mul3A_535 : i32
          %add3A_537 = arith.constant 6 : i32
          %add3A_538 = arith.addi %mul3A_536, %add3A_537 : i32
          %dma_start3A_539 = arith.constant 0 : i32
          %dma_start3A_540 = tpu.memref_slice %arg10[%add3A_538, %dma_start3A_539] : memref<200x64xf32, #tpu.memory_space<vmem>> -> memref<1x64xf32, #tpu.memory_space<vmem>>
          %dma_start3A_541 = arith.constant 0 : i32
          %dma_start3A_542 = tpu.memref_slice %arg4[%squeeze3A_534, %dma_start3A_541] : memref<1000001x64xf32, #tpu.memory_space<hbm>> -> memref<1x64xf32, #tpu.memory_space<hbm>>
          %dma_start3A_543 = arith.constant 0 : i32
          %dma_start3A_544 = tpu.memref_slice %arg10[%add3A_538, %dma_start3A_543] : memref<200x64xf32, #tpu.memory_space<vmem>> -> memref<1x64xf32, #tpu.memory_space<vmem>>
          %dma_start3A_545 = arith.constant 0 : i32
          %dma_start3A_546 = tpu.memref_slice %arg4[%squeeze3A_534, %dma_start3A_545] : memref<1000001x64xf32, #tpu.memory_space<hbm>> -> memref<1x64xf32, #tpu.memory_space<hbm>>
          tpu.enqueue_dma source(%dma_start3A_546 : memref<1x64xf32, #tpu.memory_space<hbm>>) target(%dma_start3A_544 : memref<1x64xf32, #tpu.memory_space<vmem>>) target_semaphore(%arg14 : memref<!tpu.dma_semaphore, #tpu.memory_space<semaphore_mem>>)
          %slice3A_547 = vector.extract_strided_slice %get3A_448 {offsets = [7], sizes = [1], strides = [1]} : vector<16xi32> to vector<1xi32>
          %squeeze3A_548 = vector.extract %slice3A_547[0] : i32 from vector<1xi32>
          %mul3A_549 = arith.constant 16 : i32
          %mul3A_550 = arith.muli %add3A_441, %mul3A_549 : i32
          %add3A_551 = arith.constant 7 : i32
          %add3A_552 = arith.addi %mul3A_550, %add3A_551 : i32
          %dma_start3A_553 = arith.constant 0 : i32
          %dma_start3A_554 = tpu.memref_slice %arg10[%add3A_552, %dma_start3A_553] : memref<200x64xf32, #tpu.memory_space<vmem>> -> memref<1x64xf32, #tpu.memory_space<vmem>>
          %dma_start3A_555 = arith.constant 0 : i32
          %dma_start3A_556 = tpu.memref_slice %arg4[%squeeze3A_548, %dma_start3A_555] : memref<1000001x64xf32, #tpu.memory_space<hbm>> -> memref<1x64xf32, #tpu.memory_space<hbm>>
          %dma_start3A_557 = arith.constant 0 : i32
          %dma_start3A_558 = tpu.memref_slice %arg10[%add3A_552, %dma_start3A_557] : memref<200x64xf32, #tpu.memory_space<vmem>> -> memref<1x64xf32, #tpu.memory_space<vmem>>
          %dma_start3A_559 = arith.constant 0 : i32
          %dma_start3A_560 = tpu.memref_slice %arg4[%squeeze3A_548, %dma_start3A_559] : memref<1000001x64xf32, #tpu.memory_space<hbm>> -> memref<1x64xf32, #tpu.memory_space<hbm>>
          tpu.enqueue_dma source(%dma_start3A_560 : memref<1x64xf32, #tpu.memory_space<hbm>>) target(%dma_start3A_558 : memref<1x64xf32, #tpu.memory_space<vmem>>) target_semaphore(%arg14 : memref<!tpu.dma_semaphore, #tpu.memory_space<semaphore_mem>>)
          %slice3A_561 = vector.extract_strided_slice %get3A_448 {offsets = [8], sizes = [1], strides = [1]} : vector<16xi32> to vector<1xi32>
          %squeeze3A_562 = vector.extract %slice3A_561[0] : i32 from vector<1xi32>
          %mul3A_563 = arith.constant 16 : i32
          %mul3A_564 = arith.muli %add3A_441, %mul3A_563 : i32
          %add3A_565 = arith.constant 8 : i32
          %add3A_566 = arith.addi %mul3A_564, %add3A_565 : i32
          %dma_start3A_567 = arith.constant 0 : i32
          %dma_start3A_568 = tpu.memref_slice %arg10[%add3A_566, %dma_start3A_567] : memref<200x64xf32, #tpu.memory_space<vmem>> -> memref<1x64xf32, #tpu.memory_space<vmem>>
          %dma_start3A_569 = arith.constant 0 : i32
          %dma_start3A_570 = tpu.memref_slice %arg4[%squeeze3A_562, %dma_start3A_569] : memref<1000001x64xf32, #tpu.memory_space<hbm>> -> memref<1x64xf32, #tpu.memory_space<hbm>>
          %dma_start3A_571 = arith.constant 0 : i32
          %dma_start3A_572 = tpu.memref_slice %arg10[%add3A_566, %dma_start3A_571] : memref<200x64xf32, #tpu.memory_space<vmem>> -> memref<1x64xf32, #tpu.memory_space<vmem>>
          %dma_start3A_573 = arith.constant 0 : i32
          %dma_start3A_574 = tpu.memref_slice %arg4[%squeeze3A_562, %dma_start3A_573] : memref<1000001x64xf32, #tpu.memory_space<hbm>> -> memref<1x64xf32, #tpu.memory_space<hbm>>
          tpu.enqueue_dma source(%dma_start3A_574 : memref<1x64xf32, #tpu.memory_space<hbm>>) target(%dma_start3A_572 : memref<1x64xf32, #tpu.memory_space<vmem>>) target_semaphore(%arg14 : memref<!tpu.dma_semaphore, #tpu.memory_space<semaphore_mem>>)
          %slice3A_575 = vector.extract_strided_slice %get3A_448 {offsets = [9], sizes = [1], strides = [1]} : vector<16xi32> to vector<1xi32>
          %squeeze3A_576 = vector.extract %slice3A_575[0] : i32 from vector<1xi32>
          %mul3A_577 = arith.constant 16 : i32
          %mul3A_578 = arith.muli %add3A_441, %mul3A_577 : i32
          %add3A_579 = arith.constant 9 : i32
          %add3A_580 = arith.addi %mul3A_578, %add3A_579 : i32
          %dma_start3A_581 = arith.constant 0 : i32
          %dma_start3A_582 = tpu.memref_slice %arg10[%add3A_580, %dma_start3A_581] : memref<200x64xf32, #tpu.memory_space<vmem>> -> memref<1x64xf32, #tpu.memory_space<vmem>>
          %dma_start3A_583 = arith.constant 0 : i32
          %dma_start3A_584 = tpu.memref_slice %arg4[%squeeze3A_576, %dma_start3A_583] : memref<1000001x64xf32, #tpu.memory_space<hbm>> -> memref<1x64xf32, #tpu.memory_space<hbm>>
          %dma_start3A_585 = arith.constant 0 : i32
          %dma_start3A_586 = tpu.memref_slice %arg10[%add3A_580, %dma_start3A_585] : memref<200x64xf32, #tpu.memory_space<vmem>> -> memref<1x64xf32, #tpu.memory_space<vmem>>
          %dma_start3A_587 = arith.constant 0 : i32
          %dma_start3A_588 = tpu.memref_slice %arg4[%squeeze3A_576, %dma_start3A_587] : memref<1000001x64xf32, #tpu.memory_space<hbm>> -> memref<1x64xf32, #tpu.memory_space<hbm>>
          tpu.enqueue_dma source(%dma_start3A_588 : memref<1x64xf32, #tpu.memory_space<hbm>>) target(%dma_start3A_586 : memref<1x64xf32, #tpu.memory_space<vmem>>) target_semaphore(%arg14 : memref<!tpu.dma_semaphore, #tpu.memory_space<semaphore_mem>>)
          %slice3A_589 = vector.extract_strided_slice %get3A_448 {offsets = [10], sizes = [1], strides = [1]} : vector<16xi32> to vector<1xi32>
          %squeeze3A_590 = vector.extract %slice3A_589[0] : i32 from vector<1xi32>
          %mul3A_591 = arith.constant 16 : i32
          %mul3A_592 = arith.muli %add3A_441, %mul3A_591 : i32
          %add3A_593 = arith.constant 10 : i32
          %add3A_594 = arith.addi %mul3A_592, %add3A_593 : i32
          %dma_start3A_595 = arith.constant 0 : i32
          %dma_start3A_596 = tpu.memref_slice %arg10[%add3A_594, %dma_start3A_595] : memref<200x64xf32, #tpu.memory_space<vmem>> -> memref<1x64xf32, #tpu.memory_space<vmem>>
          %dma_start3A_597 = arith.constant 0 : i32
          %dma_start3A_598 = tpu.memref_slice %arg4[%squeeze3A_590, %dma_start3A_597] : memref<1000001x64xf32, #tpu.memory_space<hbm>> -> memref<1x64xf32, #tpu.memory_space<hbm>>
          %dma_start3A_599 = arith.constant 0 : i32
          %dma_start3A_600 = tpu.memref_slice %arg10[%add3A_594, %dma_start3A_599] : memref<200x64xf32, #tpu.memory_space<vmem>> -> memref<1x64xf32, #tpu.memory_space<vmem>>
          %dma_start3A_601 = arith.constant 0 : i32
          %dma_start3A_602 = tpu.memref_slice %arg4[%squeeze3A_590, %dma_start3A_601] : memref<1000001x64xf32, #tpu.memory_space<hbm>> -> memref<1x64xf32, #tpu.memory_space<hbm>>
          tpu.enqueue_dma source(%dma_start3A_602 : memref<1x64xf32, #tpu.memory_space<hbm>>) target(%dma_start3A_600 : memref<1x64xf32, #tpu.memory_space<vmem>>) target_semaphore(%arg14 : memref<!tpu.dma_semaphore, #tpu.memory_space<semaphore_mem>>)
          %slice3A_603 = vector.extract_strided_slice %get3A_448 {offsets = [11], sizes = [1], strides = [1]} : vector<16xi32> to vector<1xi32>
          %squeeze3A_604 = vector.extract %slice3A_603[0] : i32 from vector<1xi32>
          %mul3A_605 = arith.constant 16 : i32
          %mul3A_606 = arith.muli %add3A_441, %mul3A_605 : i32
          %add3A_607 = arith.constant 11 : i32
          %add3A_608 = arith.addi %mul3A_606, %add3A_607 : i32
          %dma_start3A_609 = arith.constant 0 : i32
          %dma_start3A_610 = tpu.memref_slice %arg10[%add3A_608, %dma_start3A_609] : memref<200x64xf32, #tpu.memory_space<vmem>> -> memref<1x64xf32, #tpu.memory_space<vmem>>
          %dma_start3A_611 = arith.constant 0 : i32
          %dma_start3A_612 = tpu.memref_slice %arg4[%squeeze3A_604, %dma_start3A_611] : memref<1000001x64xf32, #tpu.memory_space<hbm>> -> memref<1x64xf32, #tpu.memory_space<hbm>>
          %dma_start3A_613 = arith.constant 0 : i32
          %dma_start3A_614 = tpu.memref_slice %arg10[%add3A_608, %dma_start3A_613] : memref<200x64xf32, #tpu.memory_space<vmem>> -> memref<1x64xf32, #tpu.memory_space<vmem>>
          %dma_start3A_615 = arith.constant 0 : i32
          %dma_start3A_616 = tpu.memref_slice %arg4[%squeeze3A_604, %dma_start3A_615] : memref<1000001x64xf32, #tpu.memory_space<hbm>> -> memref<1x64xf32, #tpu.memory_space<hbm>>
          tpu.enqueue_dma source(%dma_start3A_616 : memref<1x64xf32, #tpu.memory_space<hbm>>) target(%dma_start3A_614 : memref<1x64xf32, #tpu.memory_space<vmem>>) target_semaphore(%arg14 : memref<!tpu.dma_semaphore, #tpu.memory_space<semaphore_mem>>)
          %slice3A_617 = vector.extract_strided_slice %get3A_448 {offsets = [12], sizes = [1], strides = [1]} : vector<16xi32> to vector<1xi32>
          %squeeze3A_618 = vector.extract %slice3A_617[0] : i32 from vector<1xi32>
          %mul3A_619 = arith.constant 16 : i32
          %mul3A_620 = arith.muli %add3A_441, %mul3A_619 : i32
          %add3A_621 = arith.constant 12 : i32
          %add3A_622 = arith.addi %mul3A_620, %add3A_621 : i32
          %dma_start3A_623 = arith.constant 0 : i32
          %dma_start3A_624 = tpu.memref_slice %arg10[%add3A_622, %dma_start3A_623] : memref<200x64xf32, #tpu.memory_space<vmem>> -> memref<1x64xf32, #tpu.memory_space<vmem>>
          %dma_start3A_625 = arith.constant 0 : i32
          %dma_start3A_626 = tpu.memref_slice %arg4[%squeeze3A_618, %dma_start3A_625] : memref<1000001x64xf32, #tpu.memory_space<hbm>> -> memref<1x64xf32, #tpu.memory_space<hbm>>
          %dma_start3A_627 = arith.constant 0 : i32
          %dma_start3A_628 = tpu.memref_slice %arg10[%add3A_622, %dma_start3A_627] : memref<200x64xf32, #tpu.memory_space<vmem>> -> memref<1x64xf32, #tpu.memory_space<vmem>>
          %dma_start3A_629 = arith.constant 0 : i32
          %dma_start3A_630 = tpu.memref_slice %arg4[%squeeze3A_618, %dma_start3A_629] : memref<1000001x64xf32, #tpu.memory_space<hbm>> -> memref<1x64xf32, #tpu.memory_space<hbm>>
          tpu.enqueue_dma source(%dma_start3A_630 : memref<1x64xf32, #tpu.memory_space<hbm>>) target(%dma_start3A_628 : memref<1x64xf32, #tpu.memory_space<vmem>>) target_semaphore(%arg14 : memref<!tpu.dma_semaphore, #tpu.memory_space<semaphore_mem>>)
          %slice3A_631 = vector.extract_strided_slice %get3A_448 {offsets = [13], sizes = [1], strides = [1]} : vector<16xi32> to vector<1xi32>
          %squeeze3A_632 = vector.extract %slice3A_631[0] : i32 from vector<1xi32>
          %mul3A_633 = arith.constant 16 : i32
          %mul3A_634 = arith.muli %add3A_441, %mul3A_633 : i32
          %add3A_635 = arith.constant 13 : i32
          %add3A_636 = arith.addi %mul3A_634, %add3A_635 : i32
          %dma_start3A_637 = arith.constant 0 : i32
          %dma_start3A_638 = tpu.memref_slice %arg10[%add3A_636, %dma_start3A_637] : memref<200x64xf32, #tpu.memory_space<vmem>> -> memref<1x64xf32, #tpu.memory_space<vmem>>
          %dma_start3A_639 = arith.constant 0 : i32
          %dma_start3A_640 = tpu.memref_slice %arg4[%squeeze3A_632, %dma_start3A_639] : memref<1000001x64xf32, #tpu.memory_space<hbm>> -> memref<1x64xf32, #tpu.memory_space<hbm>>
          %dma_start3A_641 = arith.constant 0 : i32
          %dma_start3A_642 = tpu.memref_slice %arg10[%add3A_636, %dma_start3A_641] : memref<200x64xf32, #tpu.memory_space<vmem>> -> memref<1x64xf32, #tpu.memory_space<vmem>>
          %dma_start3A_643 = arith.constant 0 : i32
          %dma_start3A_644 = tpu.memref_slice %arg4[%squeeze3A_632, %dma_start3A_643] : memref<1000001x64xf32, #tpu.memory_space<hbm>> -> memref<1x64xf32, #tpu.memory_space<hbm>>
          tpu.enqueue_dma source(%dma_start3A_644 : memref<1x64xf32, #tpu.memory_space<hbm>>) target(%dma_start3A_642 : memref<1x64xf32, #tpu.memory_space<vmem>>) target_semaphore(%arg14 : memref<!tpu.dma_semaphore, #tpu.memory_space<semaphore_mem>>)
          %slice3A_645 = vector.extract_strided_slice %get3A_448 {offsets = [14], sizes = [1], strides = [1]} : vector<16xi32> to vector<1xi32>
          %squeeze3A_646 = vector.extract %slice3A_645[0] : i32 from vector<1xi32>
          %mul3A_647 = arith.constant 16 : i32
          %mul3A_648 = arith.muli %add3A_441, %mul3A_647 : i32
          %add3A_649 = arith.constant 14 : i32
          %add3A_650 = arith.addi %mul3A_648, %add3A_649 : i32
          %dma_start3A_651 = arith.constant 0 : i32
          %dma_start3A_652 = tpu.memref_slice %arg10[%add3A_650, %dma_start3A_651] : memref<200x64xf32, #tpu.memory_space<vmem>> -> memref<1x64xf32, #tpu.memory_space<vmem>>
          %dma_start3A_653 = arith.constant 0 : i32
          %dma_start3A_654 = tpu.memref_slice %arg4[%squeeze3A_646, %dma_start3A_653] : memref<1000001x64xf32, #tpu.memory_space<hbm>> -> memref<1x64xf32, #tpu.memory_space<hbm>>
          %dma_start3A_655 = arith.constant 0 : i32
          %dma_start3A_656 = tpu.memref_slice %arg10[%add3A_650, %dma_start3A_655] : memref<200x64xf32, #tpu.memory_space<vmem>> -> memref<1x64xf32, #tpu.memory_space<vmem>>
          %dma_start3A_657 = arith.constant 0 : i32
          %dma_start3A_658 = tpu.memref_slice %arg4[%squeeze3A_646, %dma_start3A_657] : memref<1000001x64xf32, #tpu.memory_space<hbm>> -> memref<1x64xf32, #tpu.memory_space<hbm>>
          tpu.enqueue_dma source(%dma_start3A_658 : memref<1x64xf32, #tpu.memory_space<hbm>>) target(%dma_start3A_656 : memref<1x64xf32, #tpu.memory_space<vmem>>) target_semaphore(%arg14 : memref<!tpu.dma_semaphore, #tpu.memory_space<semaphore_mem>>)
          %slice3A_659 = vector.extract_strided_slice %get3A_448 {offsets = [15], sizes = [1], strides = [1]} : vector<16xi32> to vector<1xi32>
          %squeeze3A_660 = vector.extract %slice3A_659[0] : i32 from vector<1xi32>
          %mul3A_661 = arith.constant 16 : i32
          %mul3A_662 = arith.muli %add3A_441, %mul3A_661 : i32
          %add3A_663 = arith.constant 15 : i32
          %add3A_664 = arith.addi %mul3A_662, %add3A_663 : i32
          %dma_start3A_665 = arith.constant 0 : i32
          %dma_start3A_666 = tpu.memref_slice %arg10[%add3A_664, %dma_start3A_665] : memref<200x64xf32, #tpu.memory_space<vmem>> -> memref<1x64xf32, #tpu.memory_space<vmem>>
          %dma_start3A_667 = arith.constant 0 : i32
          %dma_start3A_668 = tpu.memref_slice %arg4[%squeeze3A_660, %dma_start3A_667] : memref<1000001x64xf32, #tpu.memory_space<hbm>> -> memref<1x64xf32, #tpu.memory_space<hbm>>
          %dma_start3A_669 = arith.constant 0 : i32
          %dma_start3A_670 = tpu.memref_slice %arg10[%add3A_664, %dma_start3A_669] : memref<200x64xf32, #tpu.memory_space<vmem>> -> memref<1x64xf32, #tpu.memory_space<vmem>>
          %dma_start3A_671 = arith.constant 0 : i32
          %dma_start3A_672 = tpu.memref_slice %arg4[%squeeze3A_660, %dma_start3A_671] : memref<1000001x64xf32, #tpu.memory_space<hbm>> -> memref<1x64xf32, #tpu.memory_space<hbm>>
          tpu.enqueue_dma source(%dma_start3A_672 : memref<1x64xf32, #tpu.memory_space<hbm>>) target(%dma_start3A_670 : memref<1x64xf32, #tpu.memory_space<vmem>>) target_semaphore(%arg14 : memref<!tpu.dma_semaphore, #tpu.memory_space<semaphore_mem>>)
        }
        %scan3A_335 = arith.constant 12 : i32
        %get3A_336 = arith.constant 1 : i32
        %get3A_337 = arith.index_cast %get3A_336 : i32 to index
        %get3A_338 = arith.constant 184 : index
        %get3A_339 = tpu.vector_load %arg7[%get3A_337, %get3A_338] {strides = array<i32>} : memref<2x200xi32, #tpu.memory_space<vmem>>, vector<1x16xi32>,
        %get3A_340 = vector.shape_cast %get3A_339 : vector<1x16xi32> to vector<16xi32>
        %slice3A_341 = vector.extract_strided_slice %get3A_340 {offsets = [8], sizes = [1], strides = [1]} : vector<16xi32> to vector<1xi32>
        %squeeze3A_342 = vector.extract %slice3A_341[0] : i32 from vector<1xi32>
        %dma_start3A_343 = arith.constant 192 : i32
        %dma_start3A_344 = arith.constant 0 : i32
        %dma_start3A_345 = tpu.memref_slice %arg10[%dma_start3A_343, %dma_start3A_344] : memref<200x64xf32, #tpu.memory_space<vmem>> -> memref<1x64xf32, #tpu.memory_space<vmem>>
        %dma_start3A_346 = arith.constant 0 : i32
        %dma_start3A_347 = tpu.memref_slice %arg4[%squeeze3A_342, %dma_start3A_346] : memref<1000001x64xf32, #tpu.memory_space<hbm>> -> memref<1x64xf32, #tpu.memory_space<hbm>>
        %dma_start3A_348 = arith.constant 192 : i32
        %dma_start3A_349 = arith.constant 0 : i32
        %dma_start3A_350 = tpu.memref_slice %arg10[%dma_start3A_348, %dma_start3A_349] : memref<200x64xf32, #tpu.memory_space<vmem>> -> memref<1x64xf32, #tpu.memory_space<vmem>>
        %dma_start3A_351 = arith.constant 0 : i32
        %dma_start3A_352 = tpu.memref_slice %arg4[%squeeze3A_342, %dma_start3A_351] : memref<1000001x64xf32, #tpu.memory_space<hbm>> -> memref<1x64xf32, #tpu.memory_space<hbm>>
        tpu.enqueue_dma source(%dma_start3A_352 : memref<1x64xf32, #tpu.memory_space<hbm>>) target(%dma_start3A_350 : memref<1x64xf32, #tpu.memory_space<vmem>>) target_semaphore(%arg14 : memref<!tpu.dma_semaphore, #tpu.memory_space<semaphore_mem>>)
        %slice3A_353 = vector.extract_strided_slice %get3A_340 {offsets = [9], sizes = [1], strides = [1]} : vector<16xi32> to vector<1xi32>
        %squeeze3A_354 = vector.extract %slice3A_353[0] : i32 from vector<1xi32>
        %dma_start3A_355 = arith.constant 193 : i32
        %dma_start3A_356 = arith.constant 0 : i32
        %dma_start3A_357 = tpu.memref_slice %arg10[%dma_start3A_355, %dma_start3A_356] : memref<200x64xf32, #tpu.memory_space<vmem>> -> memref<1x64xf32, #tpu.memory_space<vmem>>
        %dma_start3A_358 = arith.constant 0 : i32
        %dma_start3A_359 = tpu.memref_slice %arg4[%squeeze3A_354, %dma_start3A_358] : memref<1000001x64xf32, #tpu.memory_space<hbm>> -> memref<1x64xf32, #tpu.memory_space<hbm>>
        %dma_start3A_360 = arith.constant 193 : i32
        %dma_start3A_361 = arith.constant 0 : i32
        %dma_start3A_362 = tpu.memref_slice %arg10[%dma_start3A_360, %dma_start3A_361] : memref<200x64xf32, #tpu.memory_space<vmem>> -> memref<1x64xf32, #tpu.memory_space<vmem>>
        %dma_start3A_363 = arith.constant 0 : i32
        %dma_start3A_364 = tpu.memref_slice %arg4[%squeeze3A_354, %dma_start3A_363] : memref<1000001x64xf32, #tpu.memory_space<hbm>> -> memref<1x64xf32, #tpu.memory_space<hbm>>
        tpu.enqueue_dma source(%dma_start3A_364 : memref<1x64xf32, #tpu.memory_space<hbm>>) target(%dma_start3A_362 : memref<1x64xf32, #tpu.memory_space<vmem>>) target_semaphore(%arg14 : memref<!tpu.dma_semaphore, #tpu.memory_space<semaphore_mem>>)
        %slice3A_365 = vector.extract_strided_slice %get3A_340 {offsets = [10], sizes = [1], strides = [1]} : vector<16xi32> to vector<1xi32>
        %squeeze3A_366 = vector.extract %slice3A_365[0] : i32 from vector<1xi32>
        %dma_start3A_367 = arith.constant 194 : i32
        %dma_start3A_368 = arith.constant 0 : i32
        %dma_start3A_369 = tpu.memref_slice %arg10[%dma_start3A_367, %dma_start3A_368] : memref<200x64xf32, #tpu.memory_space<vmem>> -> memref<1x64xf32, #tpu.memory_space<vmem>>
        %dma_start3A_370 = arith.constant 0 : i32
        %dma_start3A_371 = tpu.memref_slice %arg4[%squeeze3A_366, %dma_start3A_370] : memref<1000001x64xf32, #tpu.memory_space<hbm>> -> memref<1x64xf32, #tpu.memory_space<hbm>>
        %dma_start3A_372 = arith.constant 194 : i32
        %dma_start3A_373 = arith.constant 0 : i32
        %dma_start3A_374 = tpu.memref_slice %arg10[%dma_start3A_372, %dma_start3A_373] : memref<200x64xf32, #tpu.memory_space<vmem>> -> memref<1x64xf32, #tpu.memory_space<vmem>>
        %dma_start3A_375 = arith.constant 0 : i32
        %dma_start3A_376 = tpu.memref_slice %arg4[%squeeze3A_366, %dma_start3A_375] : memref<1000001x64xf32, #tpu.memory_space<hbm>> -> memref<1x64xf32, #tpu.memory_space<hbm>>
        tpu.enqueue_dma source(%dma_start3A_376 : memref<1x64xf32, #tpu.memory_space<hbm>>) target(%dma_start3A_374 : memref<1x64xf32, #tpu.memory_space<vmem>>) target_semaphore(%arg14 : memref<!tpu.dma_semaphore, #tpu.memory_space<semaphore_mem>>)
        %slice3A_377 = vector.extract_strided_slice %get3A_340 {offsets = [11], sizes = [1], strides = [1]} : vector<16xi32> to vector<1xi32>
        %squeeze3A_378 = vector.extract %slice3A_377[0] : i32 from vector<1xi32>
        %dma_start3A_379 = arith.constant 195 : i32
        %dma_start3A_380 = arith.constant 0 : i32
        %dma_start3A_381 = tpu.memref_slice %arg10[%dma_start3A_379, %dma_start3A_380] : memref<200x64xf32, #tpu.memory_space<vmem>> -> memref<1x64xf32, #tpu.memory_space<vmem>>
        %dma_start3A_382 = arith.constant 0 : i32
        %dma_start3A_383 = tpu.memref_slice %arg4[%squeeze3A_378, %dma_start3A_382] : memref<1000001x64xf32, #tpu.memory_space<hbm>> -> memref<1x64xf32, #tpu.memory_space<hbm>>
        %dma_start3A_384 = arith.constant 195 : i32
        %dma_start3A_385 = arith.constant 0 : i32
        %dma_start3A_386 = tpu.memref_slice %arg10[%dma_start3A_384, %dma_start3A_385] : memref<200x64xf32, #tpu.memory_space<vmem>> -> memref<1x64xf32, #tpu.memory_space<vmem>>
        %dma_start3A_387 = arith.constant 0 : i32
        %dma_start3A_388 = tpu.memref_slice %arg4[%squeeze3A_378, %dma_start3A_387] : memref<1000001x64xf32, #tpu.memory_space<hbm>> -> memref<1x64xf32, #tpu.memory_space<hbm>>
        tpu.enqueue_dma source(%dma_start3A_388 : memref<1x64xf32, #tpu.memory_space<hbm>>) target(%dma_start3A_386 : memref<1x64xf32, #tpu.memory_space<vmem>>) target_semaphore(%arg14 : memref<!tpu.dma_semaphore, #tpu.memory_space<semaphore_mem>>)
        %slice3A_389 = vector.extract_strided_slice %get3A_340 {offsets = [12], sizes = [1], strides = [1]} : vector<16xi32> to vector<1xi32>
        %squeeze3A_390 = vector.extract %slice3A_389[0] : i32 from vector<1xi32>
        %dma_start3A_391 = arith.constant 196 : i32
        %dma_start3A_392 = arith.constant 0 : i32
        %dma_start3A_393 = tpu.memref_slice %arg10[%dma_start3A_391, %dma_start3A_392] : memref<200x64xf32, #tpu.memory_space<vmem>> -> memref<1x64xf32, #tpu.memory_space<vmem>>
        %dma_start3A_394 = arith.constant 0 : i32
        %dma_start3A_395 = tpu.memref_slice %arg4[%squeeze3A_390, %dma_start3A_394] : memref<1000001x64xf32, #tpu.memory_space<hbm>> -> memref<1x64xf32, #tpu.memory_space<hbm>>
        %dma_start3A_396 = arith.constant 196 : i32
        %dma_start3A_397 = arith.constant 0 : i32
        %dma_start3A_398 = tpu.memref_slice %arg10[%dma_start3A_396, %dma_start3A_397] : memref<200x64xf32, #tpu.memory_space<vmem>> -> memref<1x64xf32, #tpu.memory_space<vmem>>
        %dma_start3A_399 = arith.constant 0 : i32
        %dma_start3A_400 = tpu.memref_slice %arg4[%squeeze3A_390, %dma_start3A_399] : memref<1000001x64xf32, #tpu.memory_space<hbm>> -> memref<1x64xf32, #tpu.memory_space<hbm>>
        tpu.enqueue_dma source(%dma_start3A_400 : memref<1x64xf32, #tpu.memory_space<hbm>>) target(%dma_start3A_398 : memref<1x64xf32, #tpu.memory_space<vmem>>) target_semaphore(%arg14 : memref<!tpu.dma_semaphore, #tpu.memory_space<semaphore_mem>>)
        %slice3A_401 = vector.extract_strided_slice %get3A_340 {offsets = [13], sizes = [1], strides = [1]} : vector<16xi32> to vector<1xi32>
        %squeeze3A_402 = vector.extract %slice3A_401[0] : i32 from vector<1xi32>
        %dma_start3A_403 = arith.constant 197 : i32
        %dma_start3A_404 = arith.constant 0 : i32
        %dma_start3A_405 = tpu.memref_slice %arg10[%dma_start3A_403, %dma_start3A_404] : memref<200x64xf32, #tpu.memory_space<vmem>> -> memref<1x64xf32, #tpu.memory_space<vmem>>
        %dma_start3A_406 = arith.constant 0 : i32
        %dma_start3A_407 = tpu.memref_slice %arg4[%squeeze3A_402, %dma_start3A_406] : memref<1000001x64xf32, #tpu.memory_space<hbm>> -> memref<1x64xf32, #tpu.memory_space<hbm>>
        %dma_start3A_408 = arith.constant 197 : i32
        %dma_start3A_409 = arith.constant 0 : i32
        %dma_start3A_410 = tpu.memref_slice %arg10[%dma_start3A_408, %dma_start3A_409] : memref<200x64xf32, #tpu.memory_space<vmem>> -> memref<1x64xf32, #tpu.memory_space<vmem>>
        %dma_start3A_411 = arith.constant 0 : i32
        %dma_start3A_412 = tpu.memref_slice %arg4[%squeeze3A_402, %dma_start3A_411] : memref<1000001x64xf32, #tpu.memory_space<hbm>> -> memref<1x64xf32, #tpu.memory_space<hbm>>
        tpu.enqueue_dma source(%dma_start3A_412 : memref<1x64xf32, #tpu.memory_space<hbm>>) target(%dma_start3A_410 : memref<1x64xf32, #tpu.memory_space<vmem>>) target_semaphore(%arg14 : memref<!tpu.dma_semaphore, #tpu.memory_space<semaphore_mem>>)
        %slice3A_413 = vector.extract_strided_slice %get3A_340 {offsets = [14], sizes = [1], strides = [1]} : vector<16xi32> to vector<1xi32>
        %squeeze3A_414 = vector.extract %slice3A_413[0] : i32 from vector<1xi32>
        %dma_start3A_415 = arith.constant 198 : i32
        %dma_start3A_416 = arith.constant 0 : i32
        %dma_start3A_417 = tpu.memref_slice %arg10[%dma_start3A_415, %dma_start3A_416] : memref<200x64xf32, #tpu.memory_space<vmem>> -> memref<1x64xf32, #tpu.memory_space<vmem>>
        %dma_start3A_418 = arith.constant 0 : i32
        %dma_start3A_419 = tpu.memref_slice %arg4[%squeeze3A_414, %dma_start3A_418] : memref<1000001x64xf32, #tpu.memory_space<hbm>> -> memref<1x64xf32, #tpu.memory_space<hbm>>
        %dma_start3A_420 = arith.constant 198 : i32
        %dma_start3A_421 = arith.constant 0 : i32
        %dma_start3A_422 = tpu.memref_slice %arg10[%dma_start3A_420, %dma_start3A_421] : memref<200x64xf32, #tpu.memory_space<vmem>> -> memref<1x64xf32, #tpu.memory_space<vmem>>
        %dma_start3A_423 = arith.constant 0 : i32
        %dma_start3A_424 = tpu.memref_slice %arg4[%squeeze3A_414, %dma_start3A_423] : memref<1000001x64xf32, #tpu.memory_space<hbm>> -> memref<1x64xf32, #tpu.memory_space<hbm>>
        tpu.enqueue_dma source(%dma_start3A_424 : memref<1x64xf32, #tpu.memory_space<hbm>>) target(%dma_start3A_422 : memref<1x64xf32, #tpu.memory_space<vmem>>) target_semaphore(%arg14 : memref<!tpu.dma_semaphore, #tpu.memory_space<semaphore_mem>>)
        %slice3A_425 = vector.extract_strided_slice %get3A_340 {offsets = [15], sizes = [1], strides = [1]} : vector<16xi32> to vector<1xi32>
        %squeeze3A_426 = vector.extract %slice3A_425[0] : i32 from vector<1xi32>
        %dma_start3A_427 = arith.constant 199 : i32
        %dma_start3A_428 = arith.constant 0 : i32
        %dma_start3A_429 = tpu.memref_slice %arg10[%dma_start3A_427, %dma_start3A_428] : memref<200x64xf32, #tpu.memory_space<vmem>> -> memref<1x64xf32, #tpu.memory_space<vmem>>
        %dma_start3A_430 = arith.constant 0 : i32
        %dma_start3A_431 = tpu.memref_slice %arg4[%squeeze3A_426, %dma_start3A_430] : memref<1000001x64xf32, #tpu.memory_space<hbm>> -> memref<1x64xf32, #tpu.memory_space<hbm>>
        %dma_start3A_432 = arith.constant 199 : i32
        %dma_start3A_433 = arith.constant 0 : i32
        %dma_start3A_434 = tpu.memref_slice %arg10[%dma_start3A_432, %dma_start3A_433] : memref<200x64xf32, #tpu.memory_space<vmem>> -> memref<1x64xf32, #tpu.memory_space<vmem>>
        %dma_start3A_435 = arith.constant 0 : i32
        %dma_start3A_436 = tpu.memref_slice %arg4[%squeeze3A_426, %dma_start3A_435] : memref<1000001x64xf32, #tpu.memory_space<hbm>> -> memref<1x64xf32, #tpu.memory_space<hbm>>
        tpu.enqueue_dma source(%dma_start3A_436 : memref<1x64xf32, #tpu.memory_space<hbm>>) target(%dma_start3A_434 : memref<1x64xf32, #tpu.memory_space<vmem>>) target_semaphore(%arg14 : memref<!tpu.dma_semaphore, #tpu.memory_space<semaphore_mem>>)
      } else {
      }
    }
    %scan3A_225 = arith.constant 64 : i32
    %scan3A_226 = arith.constant 0 : i32
    %scan3A_227 = arith.constant 128 : i32
    %scan3A_228 = arith.addi %scan3A_226, %scan3A_227 : i32
    %scan3A_229 = arith.constant 8 : i32
    scf.for %scan3A_231 = %scan3A_226 to %scan3A_228 step %scan3A_229  : i32 {
      %mul3A_232 = arith.constant 1 : i32
      %mul3A_233 = arith.muli %scan3A_231, %mul3A_232 : i32
      %add3A_234 = arith.constant 0 : i32
      %add3A_235 = arith.addi %add3A_234, %mul3A_233 : i32
      %dma_wait3A = arith.constant 0 : i32
      %dma_wait3A_236 = tpu.memref_slice %arg12[%add3A_235, %dma_wait3A] : memref<128x64xf32, #tpu.memory_space<vmem>> -> memref<1x64xf32, #tpu.memory_space<vmem>>
      %dma_wait3A_237 = arith.constant 0 : i32
      %dma_wait3A_238 = arith.constant 0 : i32
      %dma_wait3A_239 = tpu.memref_slice %arg4[%dma_wait3A_237, %dma_wait3A_238] : memref<1000001x64xf32, #tpu.memory_space<hbm>> -> memref<1x64xf32, #tpu.memory_space<hbm>>
      %dma_wait3A_240 = arith.constant 0 : i32
      %dma_wait3A_241 = tpu.memref_slice %arg12[%add3A_235, %dma_wait3A_240] : memref<128x64xf32, #tpu.memory_space<vmem>> -> memref<1x64xf32, #tpu.memory_space<vmem>>
      %dma_wait3A_242 = arith.constant 0 : i32
      %dma_wait3A_243 = arith.constant 0 : i32
      %dma_wait3A_244 = tpu.memref_slice %arg4[%dma_wait3A_242, %dma_wait3A_243] : memref<1000001x64xf32, #tpu.memory_space<hbm>> -> memref<1x64xf32, #tpu.memory_space<hbm>>
      tpu.wait_dma2 semaphore(%arg15 : memref<!tpu.dma_semaphore, #tpu.memory_space<semaphore_mem>>) src(%dma_wait3A_244 : memref<1x64xf32, #tpu.memory_space<hbm>>) dst(%dma_wait3A_241 : memref<1x64xf32, #tpu.memory_space<vmem>>)
      %scan3A_245 = arith.constant 1 : i32
      %scan3A_246 = arith.addi %scan3A_231, %scan3A_245 : i32
      %mul3A_247 = arith.constant 1 : i32
      %mul3A_248 = arith.muli %scan3A_246, %mul3A_247 : i32
      %add3A_249 = arith.constant 0 : i32
      %add3A_250 = arith.addi %add3A_249, %mul3A_248 : i32
      %dma_wait3A_251 = arith.constant 0 : i32
      %dma_wait3A_252 = tpu.memref_slice %arg12[%add3A_250, %dma_wait3A_251] : memref<128x64xf32, #tpu.memory_space<vmem>> -> memref<1x64xf32, #tpu.memory_space<vmem>>
      %dma_wait3A_253 = arith.constant 0 : i32
      %dma_wait3A_254 = arith.constant 0 : i32
      %dma_wait3A_255 = tpu.memref_slice %arg4[%dma_wait3A_253, %dma_wait3A_254] : memref<1000001x64xf32, #tpu.memory_space<hbm>> -> memref<1x64xf32, #tpu.memory_space<hbm>>
      %dma_wait3A_256 = arith.constant 0 : i32
      %dma_wait3A_257 = tpu.memref_slice %arg12[%add3A_250, %dma_wait3A_256] : memref<128x64xf32, #tpu.memory_space<vmem>> -> memref<1x64xf32, #tpu.memory_space<vmem>>
      %dma_wait3A_258 = arith.constant 0 : i32
      %dma_wait3A_259 = arith.constant 0 : i32
      %dma_wait3A_260 = tpu.memref_slice %arg4[%dma_wait3A_258, %dma_wait3A_259] : memref<1000001x64xf32, #tpu.memory_space<hbm>> -> memref<1x64xf32, #tpu.memory_space<hbm>>
      tpu.wait_dma2 semaphore(%arg15 : memref<!tpu.dma_semaphore, #tpu.memory_space<semaphore_mem>>) src(%dma_wait3A_260 : memref<1x64xf32, #tpu.memory_space<hbm>>) dst(%dma_wait3A_257 : memref<1x64xf32, #tpu.memory_space<vmem>>)
      %scan3A_261 = arith.constant 2 : i32
      %scan3A_262 = arith.addi %scan3A_231, %scan3A_261 : i32
      %mul3A_263 = arith.constant 1 : i32
      %mul3A_264 = arith.muli %scan3A_262, %mul3A_263 : i32
      %add3A_265 = arith.constant 0 : i32
      %add3A_266 = arith.addi %add3A_265, %mul3A_264 : i32
      %dma_wait3A_267 = arith.constant 0 : i32
      %dma_wait3A_268 = tpu.memref_slice %arg12[%add3A_266, %dma_wait3A_267] : memref<128x64xf32, #tpu.memory_space<vmem>> -> memref<1x64xf32, #tpu.memory_space<vmem>>
      %dma_wait3A_269 = arith.constant 0 : i32
      %dma_wait3A_270 = arith.constant 0 : i32
      %dma_wait3A_271 = tpu.memref_slice %arg4[%dma_wait3A_269, %dma_wait3A_270] : memref<1000001x64xf32, #tpu.memory_space<hbm>> -> memref<1x64xf32, #tpu.memory_space<hbm>>
      %dma_wait3A_272 = arith.constant 0 : i32
      %dma_wait3A_273 = tpu.memref_slice %arg12[%add3A_266, %dma_wait3A_272] : memref<128x64xf32, #tpu.memory_space<vmem>> -> memref<1x64xf32, #tpu.memory_space<vmem>>
      %dma_wait3A_274 = arith.constant 0 : i32
      %dma_wait3A_275 = arith.constant 0 : i32
      %dma_wait3A_276 = tpu.memref_slice %arg4[%dma_wait3A_274, %dma_wait3A_275] : memref<1000001x64xf32, #tpu.memory_space<hbm>> -> memref<1x64xf32, #tpu.memory_space<hbm>>
      tpu.wait_dma2 semaphore(%arg15 : memref<!tpu.dma_semaphore, #tpu.memory_space<semaphore_mem>>) src(%dma_wait3A_276 : memref<1x64xf32, #tpu.memory_space<hbm>>) dst(%dma_wait3A_273 : memref<1x64xf32, #tpu.memory_space<vmem>>)
      %scan3A_277 = arith.constant 3 : i32
      %scan3A_278 = arith.addi %scan3A_231, %scan3A_277 : i32
      %mul3A_279 = arith.constant 1 : i32
      %mul3A_280 = arith.muli %scan3A_278, %mul3A_279 : i32
      %add3A_281 = arith.constant 0 : i32
      %add3A_282 = arith.addi %add3A_281, %mul3A_280 : i32
      %dma_wait3A_283 = arith.constant 0 : i32
      %dma_wait3A_284 = tpu.memref_slice %arg12[%add3A_282, %dma_wait3A_283] : memref<128x64xf32, #tpu.memory_space<vmem>> -> memref<1x64xf32, #tpu.memory_space<vmem>>
      %dma_wait3A_285 = arith.constant 0 : i32
      %dma_wait3A_286 = arith.constant 0 : i32
      %dma_wait3A_287 = tpu.memref_slice %arg4[%dma_wait3A_285, %dma_wait3A_286] : memref<1000001x64xf32, #tpu.memory_space<hbm>> -> memref<1x64xf32, #tpu.memory_space<hbm>>
      %dma_wait3A_288 = arith.constant 0 : i32
      %dma_wait3A_289 = tpu.memref_slice %arg12[%add3A_282, %dma_wait3A_288] : memref<128x64xf32, #tpu.memory_space<vmem>> -> memref<1x64xf32, #tpu.memory_space<vmem>>
      %dma_wait3A_290 = arith.constant 0 : i32
      %dma_wait3A_291 = arith.constant 0 : i32
      %dma_wait3A_292 = tpu.memref_slice %arg4[%dma_wait3A_290, %dma_wait3A_291] : memref<1000001x64xf32, #tpu.memory_space<hbm>> -> memref<1x64xf32, #tpu.memory_space<hbm>>
      tpu.wait_dma2 semaphore(%arg15 : memref<!tpu.dma_semaphore, #tpu.memory_space<semaphore_mem>>) src(%dma_wait3A_292 : memref<1x64xf32, #tpu.memory_space<hbm>>) dst(%dma_wait3A_289 : memref<1x64xf32, #tpu.memory_space<vmem>>)
      %scan3A_293 = arith.constant 4 : i32
      %scan3A_294 = arith.addi %scan3A_231, %scan3A_293 : i32
      %mul3A_295 = arith.constant 1 : i32
      %mul3A_296 = arith.muli %scan3A_294, %mul3A_295 : i32
      %add3A_297 = arith.constant 0 : i32
      %add3A_298 = arith.addi %add3A_297, %mul3A_296 : i32
      %dma_wait3A_299 = arith.constant 0 : i32
      %dma_wait3A_300 = tpu.memref_slice %arg12[%add3A_298, %dma_wait3A_299] : memref<128x64xf32, #tpu.memory_space<vmem>> -> memref<1x64xf32, #tpu.memory_space<vmem>>
      %dma_wait3A_301 = arith.constant 0 : i32
      %dma_wait3A_302 = arith.constant 0 : i32
      %dma_wait3A_303 = tpu.memref_slice %arg4[%dma_wait3A_301, %dma_wait3A_302] : memref<1000001x64xf32, #tpu.memory_space<hbm>> -> memref<1x64xf32, #tpu.memory_space<hbm>>
      %dma_wait3A_304 = arith.constant 0 : i32
      %dma_wait3A_305 = tpu.memref_slice %arg12[%add3A_298, %dma_wait3A_304] : memref<128x64xf32, #tpu.memory_space<vmem>> -> memref<1x64xf32, #tpu.memory_space<vmem>>
      %dma_wait3A_306 = arith.constant 0 : i32
      %dma_wait3A_307 = arith.constant 0 : i32
      %dma_wait3A_308 = tpu.memref_slice %arg4[%dma_wait3A_306, %dma_wait3A_307] : memref<1000001x64xf32, #tpu.memory_space<hbm>> -> memref<1x64xf32, #tpu.memory_space<hbm>>
      tpu.wait_dma2 semaphore(%arg15 : memref<!tpu.dma_semaphore, #tpu.memory_space<semaphore_mem>>) src(%dma_wait3A_308 : memref<1x64xf32, #tpu.memory_space<hbm>>) dst(%dma_wait3A_305 : memref<1x64xf32, #tpu.memory_space<vmem>>)
      %scan3A_309 = arith.constant 5 : i32
      %scan3A_310 = arith.addi %scan3A_231, %scan3A_309 : i32
      %mul3A_311 = arith.constant 1 : i32
      %mul3A_312 = arith.muli %scan3A_310, %mul3A_311 : i32
      %add3A_313 = arith.constant 0 : i32
      %add3A_314 = arith.addi %add3A_313, %mul3A_312 : i32
      %dma_wait3A_315 = arith.constant 0 : i32
      %dma_wait3A_316 = tpu.memref_slice %arg12[%add3A_314, %dma_wait3A_315] : memref<128x64xf32, #tpu.memory_space<vmem>> -> memref<1x64xf32, #tpu.memory_space<vmem>>
      %dma_wait3A_317 = arith.constant 0 : i32
      %dma_wait3A_318 = arith.constant 0 : i32
      %dma_wait3A_319 = tpu.memref_slice %arg4[%dma_wait3A_317, %dma_wait3A_318] : memref<1000001x64xf32, #tpu.memory_space<hbm>> -> memref<1x64xf32, #tpu.memory_space<hbm>>
      %dma_wait3A_320 = arith.constant 0 : i32
      %dma_wait3A_321 = tpu.memref_slice %arg12[%add3A_314, %dma_wait3A_320] : memref<128x64xf32, #tpu.memory_space<vmem>> -> memref<1x64xf32, #tpu.memory_space<vmem>>
      %dma_wait3A_322 = arith.constant 0 : i32
      %dma_wait3A_323 = arith.constant 0 : i32
      %dma_wait3A_324 = tpu.memref_slice %arg4[%dma_wait3A_322, %dma_wait3A_323] : memref<1000001x64xf32, #tpu.memory_space<hbm>> -> memref<1x64xf32, #tpu.memory_space<hbm>>
      tpu.wait_dma2 semaphore(%arg15 : memref<!tpu.dma_semaphore, #tpu.memory_space<semaphore_mem>>) src(%dma_wait3A_324 : memref<1x64xf32, #tpu.memory_space<hbm>>) dst(%dma_wait3A_321 : memref<1x64xf32, #tpu.memory_space<vmem>>)
      %scan3A_325 = arith.constant 6 : i32
      %scan3A_326 = arith.addi %scan3A_231, %scan3A_325 : i32
      %mul3A_327 = arith.constant 1 : i32
      %mul3A_328 = arith.muli %scan3A_326, %mul3A_327 : i32
      %add3A_329 = arith.constant 0 : i32
      %add3A_330 = arith.addi %add3A_329, %mul3A_328 : i32
      %dma_wait3A_331 = arith.constant 0 : i32
      %dma_wait3A_332 = tpu.memref_slice %arg12[%add3A_330, %dma_wait3A_331] : memref<128x64xf32, #tpu.memory_space<vmem>> -> memref<1x64xf32, #tpu.memory_space<vmem>>
      %dma_wait3A_333 = arith.constant 0 : i32
      %dma_wait3A_334 = arith.constant 0 : i32
      %dma_wait3A_335 = tpu.memref_slice %arg4[%dma_wait3A_333, %dma_wait3A_334] : memref<1000001x64xf32, #tpu.memory_space<hbm>> -> memref<1x64xf32, #tpu.memory_space<hbm>>
      %dma_wait3A_336 = arith.constant 0 : i32
      %dma_wait3A_337 = tpu.memref_slice %arg12[%add3A_330, %dma_wait3A_336] : memref<128x64xf32, #tpu.memory_space<vmem>> -> memref<1x64xf32, #tpu.memory_space<vmem>>
      %dma_wait3A_338 = arith.constant 0 : i32
      %dma_wait3A_339 = arith.constant 0 : i32
      %dma_wait3A_340 = tpu.memref_slice %arg4[%dma_wait3A_338, %dma_wait3A_339] : memref<1000001x64xf32, #tpu.memory_space<hbm>> -> memref<1x64xf32, #tpu.memory_space<hbm>>
      tpu.wait_dma2 semaphore(%arg15 : memref<!tpu.dma_semaphore, #tpu.memory_space<semaphore_mem>>) src(%dma_wait3A_340 : memref<1x64xf32, #tpu.memory_space<hbm>>) dst(%dma_wait3A_337 : memref<1x64xf32, #tpu.memory_space<vmem>>)
      %scan3A_341 = arith.constant 7 : i32
      %scan3A_342 = arith.addi %scan3A_231, %scan3A_341 : i32
      %mul3A_343 = arith.constant 1 : i32
      %mul3A_344 = arith.muli %scan3A_342, %mul3A_343 : i32
      %add3A_345 = arith.constant 0 : i32
      %add3A_346 = arith.addi %add3A_345, %mul3A_344 : i32
      %dma_wait3A_347 = arith.constant 0 : i32
      %dma_wait3A_348 = tpu.memref_slice %arg12[%add3A_346, %dma_wait3A_347] : memref<128x64xf32, #tpu.memory_space<vmem>> -> memref<1x64xf32, #tpu.memory_space<vmem>>
      %dma_wait3A_349 = arith.constant 0 : i32
      %dma_wait3A_350 = arith.constant 0 : i32
      %dma_wait3A_351 = tpu.memref_slice %arg4[%dma_wait3A_349, %dma_wait3A_350] : memref<1000001x64xf32, #tpu.memory_space<hbm>> -> memref<1x64xf32, #tpu.memory_space<hbm>>
      %dma_wait3A_352 = arith.constant 0 : i32
      %dma_wait3A_353 = tpu.memref_slice %arg12[%add3A_346, %dma_wait3A_352] : memref<128x64xf32, #tpu.memory_space<vmem>> -> memref<1x64xf32, #tpu.memory_space<vmem>>
      %dma_wait3A_354 = arith.constant 0 : i32
      %dma_wait3A_355 = arith.constant 0 : i32
      %dma_wait3A_356 = tpu.memref_slice %arg4[%dma_wait3A_354, %dma_wait3A_355] : memref<1000001x64xf32, #tpu.memory_space<hbm>> -> memref<1x64xf32, #tpu.memory_space<hbm>>
      tpu.wait_dma2 semaphore(%arg15 : memref<!tpu.dma_semaphore, #tpu.memory_space<semaphore_mem>>) src(%dma_wait3A_356 : memref<1x64xf32, #tpu.memory_space<hbm>>) dst(%dma_wait3A_353 : memref<1x64xf32, #tpu.memory_space<vmem>>)
    }
    %scan3A_230 = arith.constant 128 : i32
    "tpu.region"() ({
      %run_scoped3A = tpu.sem_alloc : memref<!tpu.dma_semaphore, #tpu.memory_space<semaphore_mem>>
      %dma_start3A_231 = arith.constant 0 : i32
      %dma_start3A_232 = tpu.memref_slice %arg5[%mul3A_2, %dma_start3A_231] : memref<4096x64xf32, #tpu.memory_space<hbm>> -> memref<128x64xf32, #tpu.memory_space<hbm>>
      %dma_start3A_233 = arith.constant 0 : i32
      %dma_start3A_234 = tpu.memref_slice %arg5[%mul3A_2, %dma_start3A_233] : memref<4096x64xf32, #tpu.memory_space<hbm>> -> memref<128x64xf32, #tpu.memory_space<hbm>>
      tpu.enqueue_dma source(%arg11 : memref<128x64xf32, #tpu.memory_space<vmem>>) target(%dma_start3A_234 : memref<128x64xf32, #tpu.memory_space<hbm>>) target_semaphore(%run_scoped3A : memref<!tpu.dma_semaphore, #tpu.memory_space<semaphore_mem>>)
      %dma_wait3A = arith.constant 0 : i32
      %dma_wait3A_235 = tpu.memref_slice %arg5[%mul3A_2, %dma_wait3A] : memref<4096x64xf32, #tpu.memory_space<hbm>> -> memref<128x64xf32, #tpu.memory_space<hbm>>
      %dma_wait3A_236 = arith.constant 0 : i32
      %dma_wait3A_237 = tpu.memref_slice %arg5[%mul3A_2, %dma_wait3A_236] : memref<4096x64xf32, #tpu.memory_space<hbm>> -> memref<128x64xf32, #tpu.memory_space<hbm>>
      tpu.wait_dma2 semaphore(%run_scoped3A : memref<!tpu.dma_semaphore, #tpu.memory_space<semaphore_mem>>) src(%arg11 : memref<128x64xf32, #tpu.memory_space<vmem>>) dst(%dma_wait3A_237 : memref<128x64xf32, #tpu.memory_space<hbm>>)
      tpu.yield
    }) : () -> ()
    "tpu.region"() ({
      %run_scoped3A = tpu.sem_alloc : memref<!tpu.dma_semaphore, #tpu.memory_space<semaphore_mem>>
      %dma_start3A_231 = arith.constant 0 : i32
      %dma_start3A_232 = tpu.memref_slice %arg6[%mul3A_2, %dma_start3A_231] : memref<4096x64xf32, #tpu.memory_space<hbm>> -> memref<128x64xf32, #tpu.memory_space<hbm>>
      %dma_start3A_233 = arith.constant 0 : i32
      %dma_start3A_234 = tpu.memref_slice %arg6[%mul3A_2, %dma_start3A_233] : memref<4096x64xf32, #tpu.memory_space<hbm>> -> memref<128x64xf32, #tpu.memory_space<hbm>>
      tpu.enqueue_dma source(%arg12 : memref<128x64xf32, #tpu.memory_space<vmem>>) target(%dma_start3A_234 : memref<128x64xf32, #tpu.memory_space<hbm>>) target_semaphore(%run_scoped3A : memref<!tpu.dma_semaphore, #tpu.memory_space<semaphore_mem>>)
      %dma_wait3A = arith.constant 0 : i32
      %dma_wait3A_235 = tpu.memref_slice %arg6[%mul3A_2, %dma_wait3A] : memref<4096x64xf32, #tpu.memory_space<hbm>> -> memref<128x64xf32, #tpu.memory_space<hbm>>
      %dma_wait3A_236 = arith.constant 0 : i32
      %dma_wait3A_237 = tpu.memref_slice %arg6[%mul3A_2, %dma_wait3A_236] : memref<4096x64xf32, #tpu.memory_space<hbm>> -> memref<128x64xf32, #tpu.memory_space<hbm>>
      tpu.wait_dma2 semaphore(%run_scoped3A : memref<!tpu.dma_semaphore, #tpu.memory_space<semaphore_mem>>) src(%arg12 : memref<128x64xf32, #tpu.memory_space<vmem>>) dst(%dma_wait3A_237 : memref<128x64xf32, #tpu.memory_space<hbm>>)
      tpu.yield
    }) : () -> ()
    return
  }
}

module attributes {stable_mosaic.version = 14 : i64} {
  func.func @_mlp_body(%arg0: memref<4096x64xf32, #tpu.memory_space<vmem>>, %arg1: memref<4096x64xf32, #tpu.memory_space<vmem>>, %arg2: memref<4096x64xf32, #tpu.memory_space<vmem>>, %arg3: memref<64x192xf32, #tpu.memory_space<vmem>>, %arg4: memref<1x64xf32, #tpu.memory_space<vmem>>, %arg5: memref<1x64xf32, #tpu.memory_space<vmem>>, %arg6: memref<1x1xf32, #tpu.memory_space<vmem>>, %arg7: memref<4096x1xf32, #tpu.memory_space<vmem>>) attributes {dimension_semantics = [], scalar_prefetch = 0 : i64, scratch_operands = 0 : i64, tpu.core_type = #tpu.core_type<tc>} {
    %get3A = arith.constant 0 : index
    %get3A_0 = arith.constant 0 : index
    %get3A_1 = vector.load %arg0[%get3A, %get3A_0] : memref<4096x64xf32, #tpu.memory_space<vmem>>, vector<4096x64xf32>
    %get3A_2 = arith.constant 0 : index
    %get3A_3 = arith.constant 0 : index
    %get3A_4 = vector.load %arg3[%get3A_2, %get3A_3] : memref<64x192xf32, #tpu.memory_space<vmem>>, vector<64x64xf32>
    %dot_general3A = arith.constant dense<0.000000e+00> : vector<4096x64xf32>
    %dot_general3A_5 = tpu.matmul %get3A_1, %get3A_4, %dot_general3A {dimension_numbers = #tpu.dot_dimension_numbers<[1], [1], [0], [0], [0, 0, 1, 0], [], []>, transpose_lhs_hint = false} : vector<4096x64xf32>, vector<64x64xf32>, vector<4096x64xf32> -> vector<4096x64xf32>
    %get3A_6 = arith.constant 0 : index
    %get3A_7 = arith.constant 0 : index
    %get3A_8 = vector.load %arg1[%get3A_6, %get3A_7] : memref<4096x64xf32, #tpu.memory_space<vmem>>, vector<4096x64xf32>
    %get3A_9 = arith.constant 0 : index
    %get3A_10 = arith.constant 64 : index
    %get3A_11 = vector.load %arg3[%get3A_9, %get3A_10] : memref<64x192xf32, #tpu.memory_space<vmem>>, vector<64x64xf32>
    %dot_general3A_12 = arith.constant dense<0.000000e+00> : vector<4096x64xf32>
    %dot_general3A_13 = tpu.matmul %get3A_8, %get3A_11, %dot_general3A_12 {dimension_numbers = #tpu.dot_dimension_numbers<[1], [1], [0], [0], [0, 0, 1, 0], [], []>, transpose_lhs_hint = false} : vector<4096x64xf32>, vector<64x64xf32>, vector<4096x64xf32> -> vector<4096x64xf32>
    %add3A = arith.addf %dot_general3A_5, %dot_general3A_13 : vector<4096x64xf32>
    %get3A_14 = arith.constant 0 : index
    %get3A_15 = arith.constant 0 : index
    %get3A_16 = vector.load %arg2[%get3A_14, %get3A_15] : memref<4096x64xf32, #tpu.memory_space<vmem>>, vector<4096x64xf32>
    %get3A_17 = arith.constant 0 : index
    %get3A_18 = arith.constant 128 : index
    %get3A_19 = vector.load %arg3[%get3A_17, %get3A_18] : memref<64x192xf32, #tpu.memory_space<vmem>>, vector<64x64xf32>
    %dot_general3A_20 = arith.constant dense<0.000000e+00> : vector<4096x64xf32>
    %dot_general3A_21 = tpu.matmul %get3A_16, %get3A_19, %dot_general3A_20 {dimension_numbers = #tpu.dot_dimension_numbers<[1], [1], [0], [0], [0, 0, 1, 0], [], []>, transpose_lhs_hint = false} : vector<4096x64xf32>, vector<64x64xf32>, vector<4096x64xf32> -> vector<4096x64xf32>
    %add3A_22 = arith.addf %add3A, %dot_general3A_21 : vector<4096x64xf32>
    %get3A_23 = arith.constant 0 : index
    %get3A_24 = arith.constant 0 : index
    %get3A_25 = vector.load %arg4[%get3A_23, %get3A_24] : memref<1x64xf32, #tpu.memory_space<vmem>>, vector<1x64xf32>
    %add3A_26 = vector.broadcast %get3A_25 : vector<1x64xf32> to vector<4096x64xf32>
    %add3A_27 = arith.addf %add3A_22, %add3A_26 : vector<4096x64xf32>
    %max3A = arith.constant 0.000000e+00 : f32
    %max3A_28 = vector.broadcast %max3A : f32 to vector<4096x64xf32>
    %max3A_29 = arith.maximumf %add3A_27, %max3A_28 : vector<4096x64xf32>
    %get3A_30 = arith.constant 0 : index
    %get3A_31 = arith.constant 0 : index
    %get3A_32 = vector.load %arg5[%get3A_30, %get3A_31] : memref<1x64xf32, #tpu.memory_space<vmem>>, vector<1x64xf32>
    %mul3A = vector.broadcast %get3A_32 : vector<1x64xf32> to vector<4096x64xf32>
    %mul3A_33 = arith.mulf %max3A_29, %mul3A : vector<4096x64xf32>
    %reduce_sum3A = arith.constant dense<0.000000e+00> : vector<4096xf32>
    %reduce_sum3A_34 = vector.multi_reduction <add>, %mul3A_33, %reduce_sum3A [1] : vector<4096x64xf32> to vector<4096xf32>
    %broadcast_in_dim3A = vector.shape_cast %reduce_sum3A_34 : vector<4096xf32> to vector<4096x1xf32>
    %get3A_35 = arith.constant 0 : index
    %get3A_36 = arith.constant 0 : index
    %get3A_37 = vector.load %arg6[%get3A_35, %get3A_36] : memref<1x1xf32, #tpu.memory_space<vmem>>, vector<1x1xf32>
    %add3A_38 = vector.broadcast %get3A_37 : vector<1x1xf32> to vector<4096x1xf32>
    %add3A_39 = arith.addf %broadcast_in_dim3A, %add3A_38 : vector<4096x1xf32>
    %swap3A = arith.constant 0 : index
    %swap3A_40 = arith.constant 0 : index
    %swap3A_41 = vector.load %arg7[%swap3A, %swap3A_40] : memref<4096x1xf32, #tpu.memory_space<vmem>>, vector<4096x1xf32>
    tpu.vector_store %arg7[%swap3A, %swap3A_40], %add3A_39 {strides = array<i32>} : memref<4096x1xf32, #tpu.memory_space<vmem>>, vector<4096x1xf32>,
    return
  }
}

</mosaic_0001>

<sc_bundles>
// kernel: gather_offload_async_start
scs
__scs_entry_jumppad:
0x0: {  	(pc) =	sbr.rel $0x88, $3  }
0x1: {  	(tag) =	ssettag $0x0;
	lr =	simm.s32 $0x1  }
0x2: {  	[smem:$0x3F98] =	sst lr;
	_ =	strace $0xD0000000  }
0x3: {  	_ = 	snop  }
0x4: {  	_ = 	snop  }
0x5: {  	_ = 	snop  }
0x6: {  	_ = 	snop  }
0x7: {  	_ = 	snop  }
__scs_overlays_trampoline_lowered:
0x8: {  	[smem:$0x3FA7] =	sst s0  }
0x9: {  	[smem:$0x3FA8] =	sst s1  }
0xa: {  	[smem:$0x3FA9] =	sst s2  }
0xb: {  	[smem:$0x3FAA] =	sst s3  }
0xc: {  	[smem:$0x3FAB] =	sst s4  }
0xd: {  	[smem:$0x3FAC] =	sst s5  }
0xe: {  	[smem:$0x3FAD] =	sst s6  }
0xf: {  	[smem:$0x3FAE] =	sst s7  }
0x10: {  	[smem:$0x3FAF] =	sst s8  }
0x11: {  	[smem:$0x3FB0] =	sst s9;
	s0 =	simm.s32 @!p0 $0x0  }
0x12: {  	s1 =	sld [smem:$0x3F96];
	s0 =	simm.s32 @p0 $0x1  }
0x13: {  	[smem:$0x3FB1] =	sst s0;
	s0 =	simm.s32 @!p1 $0x0  }
0x14: {  	s2 =	sld [smem:$0x3F95];
	s0 =	simm.s32 @p1 $0x1  }
0x15: {  	[smem:$0x3FB2] =	sst s0;
	s0 =	simm.s32 @!p2 $0x0  }
0x16: {  	s3 =	sld [smem:$0x3FDB];
	s0 =	simm.s32 @p2 $0x1  }
0x17: {  	s4 =	simm.s32 $0x1BF5;
	[smem:$0x3FB4] =	sst s0  }
0x18: {  	s0 =	sld [smem:$0x3F97];
	_ =	swait.ge [sflag:s4], $0x0  }
0x19: {  	s7 =	sld [smem:$0x3F98]  }
0x1a: {  	s8 =	sadd.s32 $0xFFFFE003, lr  }
0x1b: {  	s9 =	sadd.s32 $0xFFFFFEF7, lr;
	s5 =	simm.s32 $0xFFFFFFFF;
	p2 =	slt.u32 s8, $0xFFFFF086  }
0x1c: {  	p1 =	slt.u32 s9, $0xF7A;
	s5 =	simm.s32 @!p2 $0x0  }
0x1d: {  	s5 =	simm.s32 @p1 $0x1;
	p0 =	seq.s32 s7, s2  }
0x1e: {  	s7 =	smul.u32 @!p0 $0xF7A, s2;
	p2 =	seq.s32 @!p0 s5, $0x0  }
0x1f: {  	s9 =	smul.u32 $0xF7A, s1;
	s8 =	simm.s32 @!p0 $0x1BF5;
	p2 =	por !p2, p0  }
0x20: {  	[sflag:s8] =	ssyncset.s32 @!p0 $0xFFFFF086;
	s6 =	sadd.s32 @!p0 s3, s7;
	s7 =	simm.s32 @!p0 $0x108  }
0x21: {  	s3 =	sadd.s32 s3, s9;
	s6 =	sadd.s32 @!p0 $0x88, s6;
	s7 =	simm.s32 @p2 $0x1082  }
0x22: {  	[simem:s7], [sflag:s8] =	dma.local @!p0 [hbm:s6], $0xF7A  }
0x23: {  	s9 =	sor.u32 $0xD0000000, s2;
	s6 =	simm.s32 $0x108;
	_ =	swait.ge @!p0 [sflag:s8], $0x0  }
0x24: {  	s3 =	sadd.s32 $0x88, s3;
	s6 =	simm.s32 @!p1 $0x1082;
	[sflag:s4] =	ssyncset.s32 $0xFFFFF086  }
0x25: {  	[simem:s6], [sflag:s4] =	dma.local [hbm:s3], $0xF7A  }
0x26: {  	[smem:$0x3F98] =	sst s1;
	(tag) =	ssettag s2;
	_ =	strace s9  }
0x27: {  	s1 =	sld [smem:$0x3FA8]  }
0x28: {  	s2 =	sld [smem:$0x3FA9]  }
0x29: {  	s4 =	sld [smem:$0x3FAB]  }
0x2a: {  	p0 =	seq.s32 s5, $0x0;
	s5 =	sld [smem:$0x3FAC]  }
0x2b: {  	s6 =	sld [smem:$0x3FAD]  }
0x2c: {  	s7 =	sld [smem:$0x3FAE]  }
0x2d: {  	s3 =	simm.s32 $0x108;
	s8 =	sld [smem:$0x3FAF]  }
0x2e: {  	s3 =	simm.s32 @!p0 $0x1082;
	s9 =	sld [smem:$0x3FB0]  }
0x2f: {  	lr =	sadd.s32 s0, s3;
	s0 =	sld [smem:$0x3FA7]  }
0x30: {  	s3 =	sld [smem:$0x3FAA]  }
0x31: {  	[smem:$0x3FB3] =	sst s10  }
0x32: {  	s10 =	sld [smem:$0x3FB1];
	_ =	sdelay $0x3  }
0x33: {  	p0 =	seq.s32 s10, $0x1;
	s10 =	sld [smem:$0x3FB3];
	_ =	sdelay $0x3  }
0x34: {  	[smem:$0x3FB3] =	sst s10  }
0x35: {  	s10 =	sld [smem:$0x3FB2];
	_ =	sdelay $0x3  }
0x36: {  	p1 =	seq.s32 s10, $0x1;
	s10 =	sld [smem:$0x3FB3];
	_ =	sdelay $0x3  }
0x37: {  	[smem:$0x3FB3] =	sst s10  }
0x38: {  	s10 =	sld [smem:$0x3FB4]  }
0x39: {  	_ = 	snop;
	(pc) =	sbr.ind lr, $3  }
0x3a: {  	_ = 	snop  }
0x3b: {  	_ = 	snop  }
0x3c: {  	p2 =	seq.s32 s10, $0x1;
	s10 =	sld [smem:$0x3FB3]  }
0x3d: {  	_ =	shalt  }
0x3e: {  	_ =	shalt  }
0x3f: {  	_ =	shalt  }
0x40: {  	_ =	shalt  }
0x41: {  	_ =	shalt  }
0x42: {  	_ =	shalt  }
0x43: {  	_ =	shalt  }
0x44: {  	_ =	shalt  }
0x45: {  	_ =	shalt  }
0x46: {  	_ =	shalt  }
0x47: {  	_ =	shalt  }
0x48: {  	_ =	shalt  }
0x49: {  	_ =	shalt  }
0x4a: {  	_ =	shalt  }
0x4b: {  	_ =	shalt  }
0x4c: {  	_ =	shalt  }
0x4d: {  	_ =	shalt  }
0x4e: {  	_ =	shalt  }
0x4f: {  	_ =	shalt  }
0x50: {  	_ =	shalt  }
0x51: {  	_ =	shalt  }
0x52: {  	_ =	shalt  }
0x53: {  	_ =	shalt  }
0x54: {  	_ =	shalt  }
0x55: {  	_ =	shalt  }
0x56: {  	_ =	shalt  }
0x57: {  	_ =	shalt  }
0x58: {  	_ =	shalt  }
0x59: {  	_ =	shalt  }
0x5a: {  	_ =	shalt  }
0x5b: {  	_ =	shalt  }
0x5c: {  	_ =	shalt  }
0x5d: {  	_ =	shalt  }
0x5e: {  	_ =	shalt  }
0x5f: {  	_ =	shalt  }
0x60: {  	_ =	shalt  }
0x61: {  	_ =	shalt  }
0x62: {  	_ =	shalt  }
0x63: {  	_ =	shalt  }
0x64: {  	_ =	shalt  }
0x65: {  	_ =	shalt  }
0x66: {  	_ =	shalt  }
0x67: {  	_ =	shalt  }
0x68: {  	_ =	shalt  }
0x69: {  	_ =	shalt  }
0x6a: {  	_ =	shalt  }
0x6b: {  	_ =	shalt  }
0x6c: {  	_ =	shalt  }
0x6d: {  	_ =	shalt  }
0x6e: {  	_ =	shalt  }
0x6f: {  	_ =	shalt  }
0x70: {  	_ =	shalt  }
0x71: {  	_ =	shalt  }
0x72: {  	_ =	shalt  }
0x73: {  	_ =	shalt  }
0x74: {  	_ =	shalt  }
0x75: {  	_ =	shalt  }
0x76: {  	_ =	shalt  }
0x77: {  	_ =	shalt  }
0x78: {  	_ =	shalt  }
0x79: {  	_ =	shalt  }
0x7a: {  	_ =	shalt  }
0x7b: {  	_ =	shalt  }
0x7c: {  	_ =	shalt  }
0x7d: {  	_ =	shalt  }
0x7e: {  	_ =	shalt  }
0x7f: {  	_ =	shalt  }
0x80: {  	_ =	shalt  }
0x81: {  	_ =	shalt  }
0x82: {  	_ =	shalt  }
0x83: {  	_ =	shalt  }
0x84: {  	_ =	shalt  }
0x85: {  	_ =	shalt  }
0x86: {  	_ =	shalt  }
0x87: {  	_ =	shalt  }
.Lfunc_end0:
.L_simem_size_0:
called_computation_lowered:
.L_overlay_start_0:
0x88: {  	s2 =	sld [smem:$0x3FD9]  }
0x89: {  	s3 =	sld [smem:$0x3FFE];
	_ =	sdelay $0x1  }
0x8a: {  	s1 =	srdreg.scid  }
0x8b: {  	s0 =	sand.u32 $0x1, s1  }
0x8c: {  	s16 =	sshll.u32 s0, $0xA;
	s2 =	sadd.s32 s3, s2  }
0x8d: {  	s2 =	sadd.s32 s2, s16  }
0x8e: {  	[smem:$0x3FBF] =	sst s2  }
0x8f: {  	_ = 	snop  }
0x90: {  	(tm) =	ssettm $0x1  }
0x91: {  	s17 =	sld [smem:$0x3FFB];
	_ =	sdelay $0x3  }
0x92: {  	_ =	strace s17  }
0x93: {  	s2 =	sld [smem:$0x3FFC];
	_ =	sdelay $0x3  }
0x94: {  	_ =	strace s2  }
0x95: {  	s2 =	sld [smem:$0x3FFD];
	_ =	sdelay $0x3  }
0x96: {  	_ =	strace s2  }
0x97: {  	_ =	strace $0x8FFFFFFF  }
0x98: {  	s18 =	sld [smem:$0x3FDB];
	_ =	sdelay $0x1  }
0x99: {  	s19 =	simm.s32 $_scs_section_size  }
0x9a: {  	s4 =	simm.s32 $_size__tile_overlayer_lowered;
	s5 =	simm.s32 $_tile_overlayer_lowered  }
0x9b: {  	s22 =	simm.s32 $0x1BFF;
	s21 =	sshll.u32 s5, $0x1;
	s2 =	sadd.s32 s19, s18  }
0x9c: {  	s6 =	simm.s32 $0x0;
	s20 =	sshll.u32 s4, $0x1;
	s4 =	sadd.s32 s21, s2  }
0x9d: {  	[timem:s6], [sflag:s22] =	dma.local [hbm:s4], s20  }
0x9e: {  	_ =	swait.ge [sflag:s22], s20  }
0x9f: {  	s3 =	ssub.s32 $0x0, s20;
	[sflag:s22] =	ssyncset.done $0x0  }
0xa0: {  	[sflag:s22] =	ssyncadd.s32 s3;
	_ =	sdelay $0x1  }
0xa1: {  	s23 =	simm.s32 $0x1B8B  }
0xa2: {  	_ =	swait.ge [sflag:s23], $0x1  }
0xa3: {  	[sflag:s23] =	ssyncset.done $0x0  }
0xa4: {  	s25 =	simm.s32 $0x1B8E;
	s24 =	sld [smem:$0x3FFE];
	[sflag:s23] =	ssyncadd.s32 $0xFFFFFFFF  }
0xa5: {  	s26 =	simm.s32 $execute0_lowered;
	[smem:$0x3FD2] =	sst s25  }
0xa6: {  	s4 =	sshll.u32 s26, $0x1;
	_ =	strace $0x80000046;
	[dreg:$0x1] =	wrdreg $0xFFFFFFFF  }
0xa7: {  	s28 =	simm.s32 $_size_execute0_lowered;
	s2 =	sadd.s32 s2, s4;
	[dreg:$0x0] =	wrdreg $0x0  }
0xa8: {  	s4 =	sshll.u32 s28, $0x1;
	[dreg:$0x2] =	wrdreg s2  }
0xa9: {  	[dreg:$0x3] =	wrdreg s4  }
0xaa: {  	[dreg:$0x4] =	wrdreg $0xC0  }
0xab: {  	_ =	task [dreg:s6], $0x5FFFF  }
0xac: {  	[dreg:$0x1] =	wrdreg $0xFFFFFFFF  }
0xad: {  	[dreg:$0x0] =	wrdreg $0x60  }
0xae: {  	[dreg:$0x2] =	wrdreg s24  }
0xaf: {  	[dreg:$0x3] =	wrdreg $0x9  }
0xb0: {  	_ =	task.clear_ibuf [dreg:s6], $0x4FFFF;
	_ =	strace $0x90000046  }
0xb1: {  	s29 =	simm.s32 $0x9;
	_ =	strace $0x80000048  }
0xb2: {  	_ =	swait.ge [sflag:s29], $0x1  }
0xb3: {  	[sflag:s29] =	ssyncadd.s32 $0xFFFFFFFF  }
0xb4: {  	_ =	strace $0x90000048  }
0xb5: {  	_ =	sfence  }
0xb6: {  	s30 =	sld [smem:$0x0];
	_ =	sdelay $0x2  }
0xb7: {  	s31 =	sshll.u32 s1, $0xD;
	s1 =	sshrl.u32 s1, $0x2  }
0xb8: {  	s3 =	sand.u32 $0x4000, s31;
	s1 =	sadd.s32 s1, s30  }
0xb9: {  	s0 =	sor.u32 s3, s0;
	s1 =	sshll.u32 s1, $0x11  }
0xba: {  	s0 =	sor.u32 s1, s0  }
0xbb: {  	s0 =	sadd.s32 $0x8F2B, s0  }
0xbc: {  	[sflag:s0] =	ssyncadd.remote.s32 $0x1  }
0xbd: {  	_ =	sfence.sel $0xFFFF  }
0xbe: {  	[dreg:$0x0] =	wrdreg $0xFFFFFFFF;
	(pc) =	sbr.abs _section_cstart, $3  }
0xbf: {  	[dreg:$0x1] =	wrdreg $0xFFFFFFFF  }
0xc0: {  	_ =	task.clear_ibuf [dreg:s6], $0x2FFFF;
	_ =	strace $0x9FFFFFFF  }
0xc1: {  	(tm) =	ssettm $0x7FFFFFFF  }
tec
execute0_lowered:
.L_overlay_start_1:
0x0: {  	(tag) =	ssettag $0x1  }
0x1: {  	s7 =	rddreg [dreg:$0x0]  }
0x2: {  	s0 =	rddreg [dreg:$0x1];
	_ =	strace $0x80000047  }
0x3: {  	s1 =	srdreg.scid;
	s4 =	simm.s32 $0x1;
	s9 =	simm.s32 $0x3  }
0x4: {  	s12 =	simm.s32 $0x0;
	s10 =	simm.s32 $0x0;
	s5 =	sshll.u32 s1, $0x4  }
.Ltmp0:
0x5: {  	s1 =	stileid.u32;
	s5 =	sand.u32 $0x10, s5;
	(pc) =	sbr.rel .LBB2_1-.Ltmp0, $4  }
0x6: {  	s2 =	sadd.s32 $0xF64400, s7;
	s3 =	sadd.s32 $0x1EA6800, s7;
	s6 =	sor.u32 s1, s5  }
0x7: {  	[sflag:s4] =	ssyncpa.u1 $0x0;
	s5 =	simm.s32 $0x2;
	s6 =	sshll.u32 s6, $0x7  }
0x8: {  	s7 =	sadd.s32 $0x1EA6A00, s7;
	[sflag:s5] =	ssyncpa.u1 $0x0;
	s8 =	sadd.s32 $0x80, s6  }
0x9: {  	vm0 =	vmmov $0xff;
	vm1 =	vcmask $0x3F20;
	[sflag:s9] =	ssyncpa.u1 $0x0;
	s9 =	simm.s32 $0x80;
	s11 =	smov.u32 s6  }
.LBB2_9:
0xa: {  	p0 =	seq.s32 s10, $0x2  }
.Ltmp1:
0xb: {  	_ = 	snop;
	(pc) =	sbr.rel @p0 .LBB2_11-.Ltmp1, $1  }
0xc: {  	_ =	sdelay $0x3  }
.LBB2_10:
0xd: {  	s12 =	sadd.s32 $0x80, s11  }
0xe: {  	s13 =	smov.u32 s6;
	p0 =	slt.s32 s12, s8  }
0xf: {  	s13 =	smov.u32 @p0 s12  }
0x10: {  	s10 =	sadd.s32 $0x1, s10;
	s12 =	smov.u32 s11;
	s11 =	smov.u32 s13  }
.LBB2_1:
0x11: {  	p0 =	sne.s32 s10, $0x0  }
.Ltmp2:
0x12: {  	_ = 	snop;
	(pc) =	sbr.rel @!p0 .LBB2_2-.Ltmp2, $1  }
0x13: {  	_ =	sdelay $0x3  }
0x14: {  	s13 =	sand.u32 $0x1, s10  }
0x15: {  	p0 =	seq.s32 s13, $0x0  }
.Ltmp3:
0x16: {  	_ = 	snop;
	(pc) =	sbr.rel @p0 .LBB2_9-.Ltmp3, $1  }
0x17: {  	_ =	sdelay $0x3  }
0x18: {  	_ =	swait.ge [sflag:s5], $0x80  }
0x19: {  	[sflag:s5] =	ssyncset.done $0x0  }
0x1a: {  	s13 =	simm.s32 $0x0;
	[sflag:s5] =	ssyncadd.s32 $0xFFFFFF80  }
0x1b: {  	v0 =	vld.msk [tilespmem:s13+$0x80 ss:$0x1], $0xffff;
	_ =	sdelay $0x4  }
0x1c: {  	vm2 =	vgt.s32 v0, $0x0  }
0x1d: {  	v0 =	vnsel vm2, $0x0, v0  }
0x1e: {  	v0 =	vmin.u32 v0, $0xF423F  }
0x1f: {  	v0 =	vshll.u32 v0, $0x4;
	_ =	sdelay $0x3  }
0x20: {  	s13 =	simm.s32 $0x4100  }
0x21: {  	[tilespmem:s13], [sflag:$0x1] =	stream.indirect_vreg.gather [hbm:s2], $0x80, v0, vm0, $0x38;
	[tilespmem:$0x8100] =	vst v63  }
0x22: {  	s14 =	simm.s32 $0x4500;
	s31 =	simm.s32 $0x10  }
0x23: {  	[tilespmem:s14], [sflag:$0x1] =	stream.indirect_vreg.gather [hbm:s2], $0x80, v0, vm1, $0x38;
	[tilespmem:$0x8100] =	vst v63  }
0x24: {  	s14 =	simm.s32 $0x80;
	v0 =	vld.msk [tilespmem:s31+$0x80 ss:$0x1], $0xffff  }
.LBB2_5:
0x25: {  	p0 =	sne.s32 s14, $0x1C0;
	_ =	sdelay $0x4  }
0x26: {  	vm2 =	vgt.s32 v0, $0x0  }
0x27: {  	v0 =	vnsel vm2, $0x0, v0  }
0x28: {  	v0 =	vmin.u32 v0, $0xF423F  }
0x29: {  	v0 =	vshll.u32 v0, $0x4;
	_ =	sdelay $0x3  }
.Ltmp4:
0x2a: {  	s13 =	sadd.s32 $0x800, s13;
	(pc) =	sbr.rel @p0 .LBB2_5-.Ltmp4, $4  }
0x2b: {  	[tilespmem:s13], [sflag:$0x1] =	stream.indirect_vreg.gather [hbm:s2], $0x80, v0, vm0, $0x38;
	[tilespmem:$0x8100] =	vst v63  }
0x2c: {  	s15 =	sshra.s32 s14, $0x2;
	s16 =	sadd.s32 $0x400, s13  }
0x2d: {  	[tilespmem:s16], [sflag:$0x1] =	stream.indirect_vreg.gather [hbm:s2], $0x80, v0, vm1, $0x38;
	[tilespmem:$0x8100] =	vst v63  }
0x2e: {  	s14 =	sadd.s32 $0x40, s14;
	v0 =	vld.msk [tilespmem:s15+$0x80 ss:$0x1], $0xffff  }
0x2f: {  	_ =	sdelay $0x3  }
0x30: {  	vm2 =	vgt.s32 v0, $0x0  }
0x31: {  	v0 =	vnsel vm2, $0x0, v0  }
0x32: {  	v0 =	vmin.u32 v0, $0xF423F  }
0x33: {  	v0 =	vshll.u32 v0, $0x4;
	_ =	sdelay $0x3  }
0x34: {  	s13 =	sadd.s32 $0x800, s13  }
0x35: {  	[tilespmem:s13], [sflag:$0x1] =	stream.indirect_vreg.gather [hbm:s2], $0x80, v0, vm0, $0x38;
	[tilespmem:$0x8100] =	vst v63  }
0x36: {  	s13 =	sadd.s32 $0x400, s13  }
0x37: {  	[tilespmem:s13], [sflag:$0x1] =	stream.indirect_vreg.gather [hbm:s2], $0x80, v0, vm1, $0x38;
	[tilespmem:$0x8100] =	vst v63  }
0x38: {  	s12 =	sshll.u32 s12, $0x4;
	s14 =	simm.s32 $0x80;
	_ =	swait.ge [sflag:s4], $0x4000  }
0x39: {  	s15 =	simm.s32 $0x4500;
	s12 =	sadd.s32 s12, s7;
	[sflag:s4] =	ssyncset.done $0x0  }
0x3a: {  	s16 =	sadd.s32 $0x0, s12;
	s13 =	simm.s32 $0x4100;
	[sflag:s4] =	ssyncadd.s32 $0xFFFFC000  }
.LBB2_7:
0x3b: {  	[hbm:s16] =	stream.linear.scatter [tilespmem:s13], [sflag:$0x3], $0x400, $0x38;
	[tilespmem:$0x8100] =	vst v63  }
0x3c: {  	s16 =	smov.u32 s14;
	s13 =	smov.u32 s15;
	p0 =	sne.s32 s14, $0x780  }
.Ltmp5:
0x3d: {  	s14 =	sadd.s32 $0x80, s14;
	(pc) =	sbr.rel @p0 .LBB2_7-.Ltmp5, $2  }
0x3e: {  	_ =	sdelay $0x2  }
0x3f: {  	s15 =	sadd.s32 $0x400, s15;
	s16 =	sadd.s32 s16, s12  }
.Ltmp6:
0x40: {  	(pc) =	sbr.rel .LBB2_9-.Ltmp6, $2  }
0x41: {  	_ =	sdelay $0x2  }
0x42: {  	[hbm:s16] =	stream.linear.scatter [tilespmem:s13], [sflag:$0x3], $0x400, $0x38;
	[tilespmem:$0x8100] =	vst v63  }
.LBB2_2:
.Ltmp7:
0x43: {  	(pc) =	sbr.rel .LBB2_10-.Ltmp7, $4  }
0x44: {  	_ = 	snop  }
0x45: {  	s12 =	sshrl.u32 s11, $0x3  }
0x46: {  	s13 =	sand.u32 $0x7, s11;
	s12 =	sadd.s32 s3, s12  }
0x47: {  	[tilespmem:s9], [sflag:$0x2] =	stream.linear.gather [hbm4b:s12+s13], $0x80, $0x38;
	[tilespmem:$0x8100] =	vst v63  }
.LBB2_11:
0x48: {  	s2 =	simm.s32 $0x3  }
0x49: {  	_ =	swait.ge [sflag:s2], $0x4000  }
0x4a: {  	[sflag:s2] =	ssyncset.done $0x0  }
0x4b: {  	[sflag:s2] =	ssyncadd.s32 $0xFFFFC000  }
0x4c: {  	_ =	sfence.sel $0x180000  }
0x4d: {  	s3 =	simm.s32 $0x2;
	[bflag:$0x0] =	sbarrier.arrive $0xFFFF  }
0x4e: {  	[sflag:s3] =	ssyncpa.u1 $0x1  }
0x4f: {  	s31 =	simm.s32 $0x1;
	[sflag:s2] =	ssyncpa.u1 $0x1  }
0x50: {  	[sflag:s31] =	ssyncpa.u1 $0x1  }
0x51: {  	p0 =	sne.s32 s1, $0x0;
	_ =	strace $0x90000047  }
0x52: {  	s0 =	sadd.s32 @!p0 $0x100000, s0;
	[bflag:$0x2] =	sbarrier.arrive $0xFFFF  }
0x53: {  	[sflag:s0] =	ssyncadd.tile.s32 @!p0 $0x1;
	_ =	shalt  }
.Lfunc_end2:
_tile_overlayer_lowered:
.L_overlay_start_2:
0x54: {  	(tag) =	ssettag $0x2  }
0x55: {  	s0 =	rddreg [dreg:$0x0];
	s2 =	stileid.u32  }
0x56: {  	s1 =	rddreg [dreg:$0x1];
	p0 =	sne.s32 s2, $0x0  }
0x57: {  	s3 =	rddreg [dreg:$0x2];
	[bflag:$0x3] =	sbarrier.arrive $0xFFFF;
	s2 =	simm.s32 @!p0 $0x1C01  }
0x58: {  	[timem:s3], [sflag:s2] =	dma.local @!p0 [hbm:s0], s1  }
0x59: {  	s0 =	simm.s32 @!p0 $0x1  }
0x5a: {  	_ =	swait.ge @!p0 [sflag:s0], s1  }
0x5b: {  	s1 =	ssub.s32 @!p0 $0x0, s1;
	[sflag:s0] =	ssyncset.done @!p0 $0x0  }
0x5c: {  	[sflag:s0] =	ssyncadd.s32 @!p0 s1  }
0x5d: {  	[bflag:$0x3] =	sbarrier.arrive $0xFFFF  }
0x5e: {  	_ =	shalt  }

// kernel: kernel.4.cloned.1.call-start
scs
__scs_entry_jumppad:
0x0: {  	(pc) =	sbr.rel $0x88, $3  }
0x1: {  	(tag) =	ssettag $0x0;
	lr =	simm.s32 $0x1  }
0x2: {  	[smem:$0x3F98] =	sst lr;
	_ =	strace $0xD0000000  }
0x3: {  	_ = 	snop  }
0x4: {  	_ = 	snop  }
0x5: {  	_ = 	snop  }
0x6: {  	_ = 	snop  }
0x7: {  	_ = 	snop  }
__scs_overlays_trampoline_lowered:
0x8: {  	[smem:$0x3FA7] =	sst s0  }
0x9: {  	[smem:$0x3FA8] =	sst s1  }
0xa: {  	[smem:$0x3FA9] =	sst s2  }
0xb: {  	[smem:$0x3FAA] =	sst s3  }
0xc: {  	[smem:$0x3FAB] =	sst s4  }
0xd: {  	[smem:$0x3FAC] =	sst s5  }
0xe: {  	[smem:$0x3FAD] =	sst s6  }
0xf: {  	[smem:$0x3FAE] =	sst s7  }
0x10: {  	[smem:$0x3FAF] =	sst s8  }
0x11: {  	[smem:$0x3FB0] =	sst s9;
	s0 =	simm.s32 @!p0 $0x0  }
0x12: {  	s1 =	sld [smem:$0x3F96];
	s0 =	simm.s32 @p0 $0x1  }
0x13: {  	[smem:$0x3FB1] =	sst s0;
	s0 =	simm.s32 @!p1 $0x0  }
0x14: {  	s2 =	sld [smem:$0x3F95];
	s0 =	simm.s32 @p1 $0x1  }
0x15: {  	[smem:$0x3FB2] =	sst s0;
	s0 =	simm.s32 @!p2 $0x0  }
0x16: {  	s3 =	sld [smem:$0x3FDB];
	s0 =	simm.s32 @p2 $0x1  }
0x17: {  	s4 =	simm.s32 $0x1BF5;
	[smem:$0x3FB4] =	sst s0  }
0x18: {  	s0 =	sld [smem:$0x3F97];
	_ =	swait.ge [sflag:s4], $0x0  }
0x19: {  	s7 =	sld [smem:$0x3F98]  }
0x1a: {  	s8 =	sadd.s32 $0xFFFFE003, lr  }
0x1b: {  	s9 =	sadd.s32 $0xFFFFFEF7, lr;
	s5 =	simm.s32 $0xFFFFFFFF;
	p2 =	slt.u32 s8, $0xFFFFF086  }
0x1c: {  	p1 =	slt.u32 s9, $0xF7A;
	s5 =	simm.s32 @!p2 $0x0  }
0x1d: {  	s5 =	simm.s32 @p1 $0x1;
	p0 =	seq.s32 s7, s2  }
0x1e: {  	s7 =	smul.u32 @!p0 $0xF7A, s2;
	p2 =	seq.s32 @!p0 s5, $0x0  }
0x1f: {  	s9 =	smul.u32 $0xF7A, s1;
	s8 =	simm.s32 @!p0 $0x1BF5;
	p2 =	por !p2, p0  }
0x20: {  	[sflag:s8] =	ssyncset.s32 @!p0 $0xFFFFF086;
	s6 =	sadd.s32 @!p0 s3, s7;
	s7 =	simm.s32 @!p0 $0x108  }
0x21: {  	s3 =	sadd.s32 s3, s9;
	s6 =	sadd.s32 @!p0 $0x88, s6;
	s7 =	simm.s32 @p2 $0x1082  }
0x22: {  	[simem:s7], [sflag:s8] =	dma.local @!p0 [hbm:s6], $0xF7A  }
0x23: {  	s9 =	sor.u32 $0xD0000000, s2;
	s6 =	simm.s32 $0x108;
	_ =	swait.ge @!p0 [sflag:s8], $0x0  }
0x24: {  	s3 =	sadd.s32 $0x88, s3;
	s6 =	simm.s32 @!p1 $0x1082;
	[sflag:s4] =	ssyncset.s32 $0xFFFFF086  }
0x25: {  	[simem:s6], [sflag:s4] =	dma.local [hbm:s3], $0xF7A  }
0x26: {  	[smem:$0x3F98] =	sst s1;
	(tag) =	ssettag s2;
	_ =	strace s9  }
0x27: {  	s1 =	sld [smem:$0x3FA8]  }
0x28: {  	s2 =	sld [smem:$0x3FA9]  }
0x29: {  	s4 =	sld [smem:$0x3FAB]  }
0x2a: {  	p0 =	seq.s32 s5, $0x0;
	s5 =	sld [smem:$0x3FAC]  }
0x2b: {  	s6 =	sld [smem:$0x3FAD]  }
0x2c: {  	s7 =	sld [smem:$0x3FAE]  }
0x2d: {  	s3 =	simm.s32 $0x108;
	s8 =	sld [smem:$0x3FAF]  }
0x2e: {  	s3 =	simm.s32 @!p0 $0x1082;
	s9 =	sld [smem:$0x3FB0]  }
0x2f: {  	lr =	sadd.s32 s0, s3;
	s0 =	sld [smem:$0x3FA7]  }
0x30: {  	s3 =	sld [smem:$0x3FAA]  }
0x31: {  	[smem:$0x3FB3] =	sst s10  }
0x32: {  	s10 =	sld [smem:$0x3FB1];
	_ =	sdelay $0x3  }
0x33: {  	p0 =	seq.s32 s10, $0x1;
	s10 =	sld [smem:$0x3FB3];
	_ =	sdelay $0x3  }
0x34: {  	[smem:$0x3FB3] =	sst s10  }
0x35: {  	s10 =	sld [smem:$0x3FB2];
	_ =	sdelay $0x3  }
0x36: {  	p1 =	seq.s32 s10, $0x1;
	s10 =	sld [smem:$0x3FB3];
	_ =	sdelay $0x3  }
0x37: {  	[smem:$0x3FB3] =	sst s10  }
0x38: {  	s10 =	sld [smem:$0x3FB4]  }
0x39: {  	_ = 	snop;
	(pc) =	sbr.ind lr, $3  }
0x3a: {  	_ = 	snop  }
0x3b: {  	_ = 	snop  }
0x3c: {  	p2 =	seq.s32 s10, $0x1;
	s10 =	sld [smem:$0x3FB3]  }
0x3d: {  	_ =	shalt  }
0x3e: {  	_ =	shalt  }
0x3f: {  	_ =	shalt  }
0x40: {  	_ =	shalt  }
0x41: {  	_ =	shalt  }
0x42: {  	_ =	shalt  }
0x43: {  	_ =	shalt  }
0x44: {  	_ =	shalt  }
0x45: {  	_ =	shalt  }
0x46: {  	_ =	shalt  }
0x47: {  	_ =	shalt  }
0x48: {  	_ =	shalt  }
0x49: {  	_ =	shalt  }
0x4a: {  	_ =	shalt  }
0x4b: {  	_ =	shalt  }
0x4c: {  	_ =	shalt  }
0x4d: {  	_ =	shalt  }
0x4e: {  	_ =	shalt  }
0x4f: {  	_ =	shalt  }
0x50: {  	_ =	shalt  }
0x51: {  	_ =	shalt  }
0x52: {  	_ =	shalt  }
0x53: {  	_ =	shalt  }
0x54: {  	_ =	shalt  }
0x55: {  	_ =	shalt  }
0x56: {  	_ =	shalt  }
0x57: {  	_ =	shalt  }
0x58: {  	_ =	shalt  }
0x59: {  	_ =	shalt  }
0x5a: {  	_ =	shalt  }
0x5b: {  	_ =	shalt  }
0x5c: {  	_ =	shalt  }
0x5d: {  	_ =	shalt  }
0x5e: {  	_ =	shalt  }
0x5f: {  	_ =	shalt  }
0x60: {  	_ =	shalt  }
0x61: {  	_ =	shalt  }
0x62: {  	_ =	shalt  }
0x63: {  	_ =	shalt  }
0x64: {  	_ =	shalt  }
0x65: {  	_ =	shalt  }
0x66: {  	_ =	shalt  }
0x67: {  	_ =	shalt  }
0x68: {  	_ =	shalt  }
0x69: {  	_ =	shalt  }
0x6a: {  	_ =	shalt  }
0x6b: {  	_ =	shalt  }
0x6c: {  	_ =	shalt  }
0x6d: {  	_ =	shalt  }
0x6e: {  	_ =	shalt  }
0x6f: {  	_ =	shalt  }
0x70: {  	_ =	shalt  }
0x71: {  	_ =	shalt  }
0x72: {  	_ =	shalt  }
0x73: {  	_ =	shalt  }
0x74: {  	_ =	shalt  }
0x75: {  	_ =	shalt  }
0x76: {  	_ =	shalt  }
0x77: {  	_ =	shalt  }
0x78: {  	_ =	shalt  }
0x79: {  	_ =	shalt  }
0x7a: {  	_ =	shalt  }
0x7b: {  	_ =	shalt  }
0x7c: {  	_ =	shalt  }
0x7d: {  	_ =	shalt  }
0x7e: {  	_ =	shalt  }
0x7f: {  	_ =	shalt  }
0x80: {  	_ =	shalt  }
0x81: {  	_ =	shalt  }
0x82: {  	_ =	shalt  }
0x83: {  	_ =	shalt  }
0x84: {  	_ =	shalt  }
0x85: {  	_ =	shalt  }
0x86: {  	_ =	shalt  }
0x87: {  	_ =	shalt  }
.Lfunc_end0:
.L_simem_size_0:
called_computation.1_lowered:
.L_overlay_start_0:
0x88: {  	s2 =	sld [smem:$0x3FD9]  }
0x89: {  	s3 =	sld [smem:$0x3FFE];
	_ =	sdelay $0x1  }
0x8a: {  	s1 =	srdreg.scid  }
0x8b: {  	s0 =	sand.u32 $0x1, s1  }
0x8c: {  	s17 =	sshll.u32 s0, $0xA;
	s2 =	sadd.s32 s3, s2  }
0x8d: {  	s2 =	sadd.s32 s2, s17  }
0x8e: {  	[smem:$0x3FBF] =	sst s2  }
0x8f: {  	_ = 	snop  }
0x90: {  	s18 =	sld [smem:$0x3FD0];
	(tm) =	ssettm $0x1  }
0x91: {  	s19 =	sld [smem:$0x3FFB];
	_ =	sdelay $0x3  }
0x92: {  	_ =	strace s19  }
0x93: {  	s2 =	sld [smem:$0x3FFC];
	_ =	sdelay $0x3  }
0x94: {  	_ =	strace s2  }
0x95: {  	s2 =	sld [smem:$0x3FFD];
	_ =	sdelay $0x3  }
0x96: {  	_ =	strace s2  }
0x97: {  	_ =	strace $0x8FFFFFFF  }
0x98: {  	s20 =	sld [smem:$0x3FDB];
	_ =	sdelay $0x1  }
0x99: {  	s4 =	simm.s32 $_scs_section_size  }
0x9a: {  	s5 =	simm.s32 $_size__tile_overlayer_lowered;
	s6 =	simm.s32 $_tile_overlayer_lowered  }
0x9b: {  	s7 =	simm.s32 $0x1BFF;
	s21 =	sshll.u32 s6, $0x1;
	s4 =	sadd.s32 s4, s20  }
0x9c: {  	s22 =	simm.s32 $0x0;
	s5 =	sshll.u32 s5, $0x1;
	s6 =	sadd.s32 s21, s4  }
0x9d: {  	[timem:s22], [sflag:s7] =	dma.local [hbm:s6], s5  }
0x9e: {  	_ =	swait.ge [sflag:s7], s5  }
0x9f: {  	s5 =	ssub.s32 $0x0, s5;
	[sflag:s7] =	ssyncset.done $0x0  }
0xa0: {  	[sflag:s7] =	ssyncadd.s32 s5;
	_ =	sdelay $0x1  }
0xa1: {  	s23 =	simm.s32 $0x1B8B  }
0xa2: {  	_ =	swait.ge [sflag:s23], $0x1  }
0xa3: {  	[sflag:s23] =	ssyncset.done $0x0  }
0xa4: {  	[sflag:s23] =	ssyncadd.s32 $0xFFFFFFFF  }
0xa5: {  	s5 =	sld [smem:$0x0]  }
0xa6: {  	s6 =	sand.u32 $0xFFFFFFFE, s1  }
0xa7: {  	p0 =	sne.s32 s1, s6  }
0xa8: {  	s6 =	sshll.u32 @p0 s6, $0xE  }
0xa9: {  	s6 =	sadd.s32 @p0 $0x11B8D, s6;
	s7 =	sshll.u32 @p0 s5, $0x11  }
0xaa: {  	s6 =	sor.u32 @p0 s7, s6  }
0xab: {  	[sflag:s6] =	ssyncadd.remote.s32 @p0 $0x1;
	_ =	sdelay $0x1  }
0xac: {  	s6 =	simm.s32 @p0 $0x1B8D  }
0xad: {  	_ =	swait.eq @p0 [sflag:s6], $0x1  }
0xae: {  	[sflag:s6] =	ssyncadd.s32 @p0 $0xFFFFFFFF  }
0xaf: {  	s7 =	sshll.u32 @!p0 s1, $0xE  }
0xb0: {  	s7 =	sor.u32 @!p0 $0x4000, s7;
	s6 =	simm.s32 @!p0 $0x1B8D  }
0xb1: {  	s5 =	sshll.u32 @!p0 s5, $0x11;
	s7 =	sadd.s32 @!p0 $0x11B8D, s7;
	_ =	swait.eq @!p0 [sflag:s6], $0x1  }
0xb2: {  	s5 =	sor.u32 @!p0 s5, s7;
	[sflag:s6] =	ssyncadd.s32 @!p0 $0xFFFFFFFF  }
0xb3: {  	s25 =	simm.s32 $0x1B8E;
	s24 =	sld [smem:$0x3FFE];
	[sflag:s5] =	ssyncadd.remote.s32 @!p0 $0x1  }
0xb4: {  	s26 =	simm.s32 $execute0_lowered;
	[smem:$0x3FD2] =	sst s25  }
0xb5: {  	s6 =	sshll.u32 s26, $0x1;
	_ =	strace $0x80000049;
	[dreg:$0x1] =	wrdreg $0xFFFFFFFF  }
0xb6: {  	s28 =	simm.s32 $_size_execute0_lowered;
	s4 =	sadd.s32 s4, s6;
	[dreg:$0x0] =	wrdreg $0x0  }
0xb7: {  	s6 =	sshll.u32 s28, $0x1;
	[dreg:$0x2] =	wrdreg s4  }
0xb8: {  	[dreg:$0x3] =	wrdreg s6  }
0xb9: {  	[dreg:$0x4] =	wrdreg $0xC0  }
0xba: {  	_ =	task [dreg:s22], $0x5FFFF  }
0xbb: {  	[dreg:$0x1] =	wrdreg $0xFFFFFFFF  }
0xbc: {  	[dreg:$0x0] =	wrdreg $0x60  }
0xbd: {  	[dreg:$0x2] =	wrdreg s24  }
0xbe: {  	[dreg:$0x3] =	wrdreg s18  }
0xbf: {  	[dreg:$0x4] =	wrdreg $0xA  }
0xc0: {  	_ =	task.clear_ibuf [dreg:s22], $0x5FFFF;
	_ =	strace $0x90000049  }
0xc1: {  	s29 =	simm.s32 $0xA;
	_ =	strace $0x8000004B  }
0xc2: {  	_ =	swait.ge [sflag:s29], $0x1  }
0xc3: {  	[sflag:s29] =	ssyncadd.s32 $0xFFFFFFFF  }
0xc4: {  	_ =	strace $0x9000004B  }
0xc5: {  	_ =	sfence  }
0xc6: {  	s30 =	sld [smem:$0x0];
	_ =	sdelay $0x2  }
0xc7: {  	s31 =	sshll.u32 s1, $0xD;
	s1 =	sshrl.u32 s1, $0x2  }
0xc8: {  	s4 =	sand.u32 $0x4000, s31;
	s1 =	sadd.s32 s1, s30  }
0xc9: {  	s0 =	sor.u32 s4, s0;
	s1 =	sshll.u32 s1, $0x11  }
0xca: {  	s0 =	sor.u32 s1, s0  }
0xcb: {  	s0 =	sadd.s32 $0x8F2B, s0  }
0xcc: {  	[sflag:s0] =	ssyncadd.remote.s32 $0x1  }
0xcd: {  	_ =	sfence.sel $0xFFFF  }
0xce: {  	[dreg:$0x0] =	wrdreg $0xFFFFFFFF;
	(pc) =	sbr.abs _section_cstart, $3  }
0xcf: {  	[dreg:$0x1] =	wrdreg $0xFFFFFFFF  }
0xd0: {  	_ =	task.clear_ibuf [dreg:s22], $0x2FFFF;
	_ =	strace $0x9FFFFFFF  }
0xd1: {  	(tm) =	ssettm $0x7FFFFFFF  }
tec
execute0_lowered:
.L_overlay_start_1:
0x0: {  	(tag) =	ssettag $0x1  }
0x1: {  	s0 =	rddreg [dreg:$0x0]  }
0x2: {  	s1 =	rddreg [dreg:$0x1]  }
0x3: {  	s3 =	srdreg.scid;
	s2 =	simm.s32 $0x0;
	s4 =	stileid.u32  }
0x4: {  	s6 =	sand.u32 $0x1, s3;
	[smem:$0x7FF] =	sst s2;
	s22 =	sshll.u32 s4, $0x8  }
0x5: {  	s24 =	sadd.s32 $0xF44400, s0;
	s5 =	sadd.s32 $0x1E00, s0;
	s23 =	sshll.u32 s6, $0x7  }
0x6: {  	_ =	strace $0x8000004A;
	s6 =	ssub.s32 $0x2, s6;
	s31 =	sor.u32 s23, s22  }
0x7: {  	[dreg:$0x4] =	wrdreg s24;
	s8 =	sshrl.u32 s6, $0x1;
	s9 =	sshrl.u32 s31, $0x3  }
0x8: {  	s6 =	ssub.s32 s6, s8;
	[dreg:$0x3] =	wrdreg s31;
	s1 =	sadd.s32 s1, s9  }
0x9: {  	s25 =	sshll.u32 s31, $0x5;
	s29 =	smax.u32 s6, $0x1;
	[dreg:$0x6] =	wrdreg s1  }
0xa: {  	s7 =	sshll.u32 s31, $0x4;
	s3 =	sadd.s32 s24, s25;
	[dreg:$0xa] =	wrdreg s29  }
0xb: {  	s0 =	sadd.s32 s7, s0;
	s26 =	sadd.s32 $0x10, s3;
	[dreg:$0x5] =	wrdreg s3  }
0xc: {  	s12 =	simm.s32 $0x4;
	s28 =	sadd.s32 $0x1EB6A00, s0;
	[dreg:$0x7] =	wrdreg s26  }
0xd: {  	s10 =	simm.s32 $0x3;
	s0 =	sadd.s32 $0x1EC6A00, s0;
	[dreg:$0x8] =	wrdreg s28  }
0xe: {  	s7 =	simm.s32 $0x1;
	s30 =	sadd.s32 $0x80, s3;
	[dreg:$0x9] =	wrdreg s0  }
0xf: {  	s9 =	simm.s32 $0x2;
	s1 =	simm.s32 $0x0;
	[dreg:$0xb] =	wrdreg s30  }
.LBB2_1:
0x10: {  	[dreg:$0xc] =	wrdreg s1  }
0x11: {  	s8 =	simm.s32 $0x200;
	s0 =	rddreg [dreg:$0x6]  }
0x12: {  	[tilespmem:s8], [sflag:$0x4] =	stream.linear.gather [hbm4b:s0+s2], $0x80, $0x38;
	[tilespmem:$0x14A80] =	vst v63  }
0x13: {  	_ =	swait.ge [sflag:s12], $0x80  }
0x14: {  	[sflag:s12] =	ssyncset.done $0x0  }
0x15: {  	[sflag:s12] =	ssyncadd.s32 $0xFFFFFF80  }
0x16: {  	v0 =	vld [tilespmem:s8+$0x0];
	_ =	sdelay $0x4  }
0x17: {  	v0 =	vshll.u32 v0, $0x4  }
0x18: {  	(v2sf) =	vpush v0, $0x0  }
0x19: {  	(v2sf) =	vpush v0, $0x1  }
0x1a: {  	(v2sf) =	vpush v0, $0x2;
	_ =	sdelay $0x1  }
0x1b: {  	(v2sf) =	vpush v0, $0x4;
	_ =	sdelay $0x1  }
0x1c: {  	(v2sf) =	vpush v0, $0x3  }
0x1d: {  	(v2sf) =	vpush v0, $0x5  }
0x1e: {  	s11 =	simm.s32 $0x2000;
	s6 =	simm.s32 $0x0;
	(v2sf) =	vpush v0, $0x6  }
.LBB2_2:
0x1f: {  	p0 =	sne.s32 s11, $0xE000  }
0x20: {  	s0 =	sadd.s32 $0x10B00, s6;
	s16 =	sadd.s32 $0x11000, s6;
	s13 =	smov.u32 s11  }
0x21: {  	s11 =	sadd.s32 $0x2000, s11;
	s19 =	sadd.s32 $0x10E00, s6;
	s14 =	sadd.s32 $0x11080, s6;
	(v2sf) =	vpush v0, $0x7  }
0x22: {  	s21 =	sadd.s32 $0x10D00, s6;
	s18 =	sadd.s32 $0x10E80, s6;
	s15 =	sadd.s32 $0x11100, s6  }
0x23: {  	s22 =	sadd.s32 $0x10A80, s6;
	s23 =	sadd.s32 $0x10C80, s6;
	(v2sf) =	vpush v0, $0x8  }
0x24: {  	s24 =	sadd.s32 $0x10D80, s6;
	s8 =	sadd.s32 $0x10, s8  }
0x25: {  	s25 =	sadd.s32 $0x10B80, s6;
	s17 =	sadd.s32 $0x10F80, s6;
	s20 =	spop (v2sf);
	(v2sf) =	vpush v0, $0x9  }
0x26: {  	s26 =	sand.u32 $0x1FFFFFF0, s20;
	s20 =	sadd.s32 $0x10F00, s6;
	s28 =	spop (v2sf)  }
0x27: {  	s26 =	sadd.s32 s5, s26;
	s28 =	sand.u32 $0x1FFFFFF0, s28;
	s29 =	spop (v2sf);
	(v2sf) =	vpush v0, $0xA  }
0x28: {  	[tilespmem:s22], [sflag:$0x3] =	stream.linear.gather [hbm4b:s26+s2], $0x80, $0x38;
	[tilespmem:$0x14A80] =	vst v63  }
0x29: {  	s22 =	sadd.s32 s5, s28;
	s26 =	sadd.s32 $0x10C00, s6;
	s28 =	spop (v2sf);
	(v2sf) =	vpush v0, $0xB  }
0x2a: {  	[tilespmem:s0], [sflag:$0x3] =	stream.linear.gather [hbm4b:s22+s2], $0x80, $0x38;
	[tilespmem:$0x14A80] =	vst v63  }
0x2b: {  	s0 =	sand.u32 $0x1FFFFFF0, s29;
	s22 =	sand.u32 $0x1FFFFFF0, s28;
	s28 =	spop (v2sf);
	(v2sf) =	vpush v0, $0xC  }
0x2c: {  	s0 =	sadd.s32 s5, s0;
	s28 =	sand.u32 $0x1FFFFFF0, s28;
	s29 =	spop (v2sf)  }
0x2d: {  	[tilespmem:s25], [sflag:$0x3] =	stream.linear.gather [hbm4b:s0+s2], $0x80, $0x38;
	(v2sf) =	vpush v0, $0xD;
	[tilespmem:$0x14A80] =	vst v63  }
0x2e: {  	s0 =	sadd.s32 s5, s28;
	s25 =	sand.u32 $0x1FFFFFF0, s29;
	s28 =	spop (v2sf)  }
0x2f: {  	[tilespmem:s26], [sflag:$0x3] =	stream.linear.gather [hbm4b:s0+s2], $0x80, $0x38;
	(v2sf) =	vpush v0, $0xE;
	[tilespmem:$0x14A80] =	vst v63  }
0x30: {  	s0 =	sadd.s32 s5, s22;
	s22 =	sand.u32 $0x1FFFFFF0, s28;
	s26 =	spop (v2sf)  }
0x31: {  	[tilespmem:s23], [sflag:$0x3] =	stream.linear.gather [hbm4b:s0+s2], $0x80, $0x38;
	(v2sf) =	vpush v0, $0xF;
	[tilespmem:$0x14A80] =	vst v63  }
0x32: {  	s0 =	sadd.s32 s5, s25;
	s23 =	sand.u32 $0x1FFFFFF0, s26;
	s25 =	spop (v2sf)  }
0x33: {  	[tilespmem:s21], [sflag:$0x3] =	stream.linear.gather [hbm4b:s0+s2], $0x80, $0x38;
	[tilespmem:$0x14A80] =	vst v63  }
0x34: {  	s0 =	sadd.s32 s5, s22;
	s21 =	sand.u32 $0x1FFFFFF0, s25;
	s22 =	spop (v2sf)  }
0x35: {  	[tilespmem:s24], [sflag:$0x3] =	stream.linear.gather [hbm4b:s0+s2], $0x80, $0x38;
	[tilespmem:$0x14A80] =	vst v63  }
0x36: {  	s0 =	sadd.s32 s5, s23;
	s22 =	sand.u32 $0x1FFFFFF0, s22;
	s23 =	spop (v2sf)  }
0x37: {  	[tilespmem:s19], [sflag:$0x3] =	stream.linear.gather [hbm4b:s0+s2], $0x80, $0x38;
	[tilespmem:$0x14A80] =	vst v63  }
0x38: {  	s0 =	sadd.s32 s5, s21;
	s19 =	sand.u32 $0x1FFFFFF0, s23;
	s21 =	spop (v2sf)  }
0x39: {  	[tilespmem:s18], [sflag:$0x3] =	stream.linear.gather [hbm4b:s0+s2], $0x80, $0x38;
	[tilespmem:$0x14A80] =	vst v63  }
0x3a: {  	s0 =	sadd.s32 s5, s22;
	s18 =	sand.u32 $0x1FFFFFF0, s21;
	s21 =	spop (v2sf)  }
0x3b: {  	[tilespmem:s20], [sflag:$0x3] =	stream.linear.gather [hbm4b:s0+s2], $0x80, $0x38;
	[tilespmem:$0x14A80] =	vst v63  }
0x3c: {  	s0 =	sadd.s32 s5, s19;
	s19 =	sand.u32 $0x1FFFFFF0, s21;
	s20 =	spop (v2sf)  }
0x3d: {  	[tilespmem:s17], [sflag:$0x3] =	stream.linear.gather [hbm4b:s0+s2], $0x80, $0x38;
	[tilespmem:$0x14A80] =	vst v63  }
0x3e: {  	s0 =	sadd.s32 s5, s18;
	s17 =	sand.u32 $0x1FFFFFF0, s20;
	s18 =	spop (v2sf)  }
0x3f: {  	[tilespmem:s16], [sflag:$0x3] =	stream.linear.gather [hbm4b:s0+s2], $0x80, $0x38;
	[tilespmem:$0x14A80] =	vst v63  }
0x40: {  	s0 =	sadd.s32 s5, s19;
	s16 =	sand.u32 $0x1FFFFFF0, s18;
	s18 =	spop (v2sf)  }
0x41: {  	[tilespmem:s14], [sflag:$0x3] =	stream.linear.gather [hbm4b:s0+s2], $0x80, $0x38;
	[tilespmem:$0x14A80] =	vst v63  }
0x42: {  	s0 =	sadd.s32 s5, s17;
	s14 =	sand.u32 $0x1FFFFFF0, s18  }
0x43: {  	[tilespmem:s15], [sflag:$0x3] =	stream.linear.gather [hbm4b:s0+s2], $0x80, $0x38;
	[tilespmem:$0x14A80] =	vst v63  }
0x44: {  	s0 =	sadd.s32 $0x11180, s6;
	s15 =	sadd.s32 s5, s16  }
0x45: {  	[tilespmem:s0], [sflag:$0x3] =	stream.linear.gather [hbm4b:s15+s2], $0x80, $0x38;
	[tilespmem:$0x14A80] =	vst v63  }
0x46: {  	s0 =	sadd.s32 $0x11200, s6;
	s6 =	sadd.s32 s5, s14  }
0x47: {  	[tilespmem:s0], [sflag:$0x3] =	stream.linear.gather [hbm4b:s6+s2], $0x80, $0x38;
	[tilespmem:$0x14A80] =	vst v63  }
0x48: {  	v0 =	vld [tilespmem:s8+$0x0];
	_ =	sdelay $0x4  }
0x49: {  	v0 =	vshll.u32 v0, $0x4  }
0x4a: {  	(v2sf) =	vpush v0, $0x0  }
0x4b: {  	(v2sf) =	vpush v0, $0x1  }
0x4c: {  	(v2sf) =	vpush v0, $0x2;
	_ =	sdelay $0x1  }
0x4d: {  	(v2sf) =	vpush v0, $0x4  }
.Ltmp0:
0x4e: {  	(pc) =	sbr.rel @p0 .LBB2_2-.Ltmp0, $3  }
0x4f: {  	(v2sf) =	vpush v0, $0x3  }
0x50: {  	(v2sf) =	vpush v0, $0x5;
	_ =	sdelay $0x1  }
0x51: {  	s6 =	sshra.s32 s13, $0x2;
	(v2sf) =	vpush v0, $0x6  }
0x52: {  	_ =	sdelay $0x1  }
0x53: {  	s0 =	sadd.s32 $0x10B00, s6;
	s13 =	sadd.s32 $0x11000, s6  }
0x54: {  	s14 =	sadd.s32 $0x10E00, s6;
	s8 =	sadd.s32 $0x11080, s6;
	(v2sf) =	vpush v0, $0x7;
	s15 =	sadd.s32 $0x10D00, s6  }
0x55: {  	s16 =	sadd.s32 $0x10E80, s6;
	s11 =	sadd.s32 $0x11100, s6;
	s17 =	sadd.s32 $0x10A80, s6  }
0x56: {  	s18 =	sadd.s32 $0x10C80, s6;
	s19 =	sadd.s32 $0x10D80, s6;
	(v2sf) =	vpush v0, $0x8;
	s20 =	spop (v2sf)  }
0x57: {  	s21 =	sadd.s32 $0x10B80, s6;
	s20 =	sand.u32 $0x1FFFFFF0, s20;
	s22 =	spop (v2sf)  }
0x58: {  	(v2sf) =	vpush v0, $0x9;
	s20 =	sadd.s32 s5, s20;
	s22 =	sand.u32 $0x1FFFFFF0, s22;
	s23 =	spop (v2sf)  }
0x59: {  	[tilespmem:s17], [sflag:$0x3] =	stream.linear.gather [hbm4b:s20+s2], $0x80, $0x38;
	[tilespmem:$0x14A80] =	vst v63  }
0x5a: {  	s24 =	sadd.s32 $0x10C00, s6;
	(v2sf) =	vpush v0, $0xA;
	s3 =	sadd.s32 s5, s22;
	s4 =	spop (v2sf)  }
0x5b: {  	[tilespmem:s0], [sflag:$0x3] =	stream.linear.gather [hbm4b:s3+s2], $0x80, $0x38;
	[tilespmem:$0x14A80] =	vst v63  }
0x5c: {  	s17 =	sadd.s32 $0x10F80, s6;
	s23 =	sand.u32 $0x1FFFFFF0, s23;
	(v2sf) =	vpush v0, $0xB;
	s25 =	spop (v2sf)  }
0x5d: {  	s20 =	sadd.s32 s5, s23;
	s0 =	sadd.s32 $0x10F00, s6;
	s23 =	sand.u32 $0x1FFFFFF0, s25  }
0x5e: {  	(v2sf) =	vpush v0, $0xC;
	[tilespmem:s21], [sflag:$0x3] =	stream.linear.gather [hbm4b:s20+s2], $0x80, $0x38;
	[tilespmem:$0x14A80] =	vst v63  }
0x5f: {  	s26 =	sand.u32 $0x1FFFFFF0, s4;
	s30 =	spop (v2sf);
	s31 =	sadd.s32 s5, s23  }
0x60: {  	(v2sf) =	vpush v0, $0xD;
	[tilespmem:s24], [sflag:$0x3] =	stream.linear.gather [hbm4b:s31+s2], $0x80, $0x38;
	[tilespmem:$0x14A80] =	vst v63  }
0x61: {  	s20 =	sadd.s32 s5, s26;
	s21 =	sand.u32 $0x1FFFFFF0, s30;
	s1 =	spop (v2sf)  }
0x62: {  	(v2sf) =	vpush v0, $0xE;
	[tilespmem:s18], [sflag:$0x3] =	stream.linear.gather [hbm4b:s20+s2], $0x80, $0x38;
	[tilespmem:$0x14A80] =	vst v63  }
0x63: {  	s21 =	sadd.s32 s5, s21;
	s3 =	sand.u32 $0x1FFFFFF0, s1;
	s4 =	spop (v2sf)  }
0x64: {  	(v2sf) =	vpush v0, $0xF;
	[tilespmem:s15], [sflag:$0x3] =	stream.linear.gather [hbm4b:s21+s2], $0x80, $0x38;
	[tilespmem:$0x14A80] =	vst v63  }
0x65: {  	s22 =	spop (v2sf);
	s18 =	sadd.s32 s5, s3;
	s21 =	sand.u32 $0x1FFFFFF0, s4  }
0x66: {  	[tilespmem:s19], [sflag:$0x3] =	stream.linear.gather [hbm4b:s18+s2], $0x80, $0x38;
	[tilespmem:$0x14A80] =	vst v63  }
0x67: {  	s23 =	sand.u32 $0x1FFFFFF0, s22;
	s15 =	sadd.s32 s5, s21;
	s24 =	spop (v2sf)  }
0x68: {  	[tilespmem:s14], [sflag:$0x3] =	stream.linear.gather [hbm4b:s15+s2], $0x80, $0x38;
	[tilespmem:$0x14A80] =	vst v63  }
0x69: {  	s18 =	sadd.s32 s5, s23;
	s25 =	sand.u32 $0x1FFFFFF0, s24;
	s26 =	spop (v2sf)  }
0x6a: {  	[tilespmem:s16], [sflag:$0x3] =	stream.linear.gather [hbm4b:s18+s2], $0x80, $0x38;
	[tilespmem:$0x14A80] =	vst v63  }
0x6b: {  	s15 =	sand.u32 $0x1FFFFFF0, s26;
	s14 =	sadd.s32 s5, s25;
	s30 =	spop (v2sf)  }
0x6c: {  	[tilespmem:s0], [sflag:$0x3] =	stream.linear.gather [hbm4b:s14+s2], $0x80, $0x38;
	[tilespmem:$0x14A80] =	vst v63  }
0x6d: {  	s15 =	sadd.s32 s5, s15;
	s31 =	sand.u32 $0x1FFFFFF0, s30;
	s1 =	spop (v2sf)  }
0x6e: {  	[tilespmem:s17], [sflag:$0x3] =	stream.linear.gather [hbm4b:s15+s2], $0x80, $0x38;
	[tilespmem:$0x14A80] =	vst v63  }
0x6f: {  	s0 =	sadd.s32 s5, s31;
	s14 =	sand.u32 $0x1FFFFFF0, s1;
	s3 =	spop (v2sf)  }
0x70: {  	[tilespmem:s13], [sflag:$0x3] =	stream.linear.gather [hbm4b:s0+s2], $0x80, $0x38;
	[tilespmem:$0x14A80] =	vst v63  }
0x71: {  	s4 =	sand.u32 $0x1FFFFFF0, s3;
	s15 =	spop (v2sf);
	s14 =	sadd.s32 s5, s14  }
0x72: {  	[tilespmem:s8], [sflag:$0x3] =	stream.linear.gather [hbm4b:s14+s2], $0x80, $0x38;
	[tilespmem:$0x14A80] =	vst v63  }
0x73: {  	s16 =	sand.u32 $0x1FFFFFF0, s15;
	s17 =	spop (v2sf);
	s0 =	sadd.s32 s5, s4  }
0x74: {  	[tilespmem:s11], [sflag:$0x3] =	stream.linear.gather [hbm4b:s0+s2], $0x80, $0x38;
	[tilespmem:$0x14A80] =	vst v63  }
0x75: {  	s19 =	sadd.s32 $0x11180, s6;
	s18 =	sand.u32 $0x1FFFFFF0, s17;
	s8 =	sadd.s32 s5, s16  }
0x76: {  	[tilespmem:s19], [sflag:$0x3] =	stream.linear.gather [hbm4b:s8+s2], $0x80, $0x38;
	[tilespmem:$0x14A80] =	vst v63  }
0x77: {  	s20 =	sadd.s32 $0x11200, s6;
	s0 =	sadd.s32 s5, s18  }
0x78: {  	[tilespmem:s20], [sflag:$0x3] =	stream.linear.gather [hbm4b:s0+s2], $0x80, $0x38;
	[tilespmem:$0x14A80] =	vst v63  }
0x79: {  	s21 =	simm.s32 $0x0;
	s1 =	rddreg [dreg:$0x5]  }
0x7a: {  	[tilespmem:s21], [sflag:$0x4] =	stream.linear.gather [hbm4b:s1+s21], $0x80, $0x38;
	[tilespmem:$0x14A80] =	vst v63  }
0x7b: {  	s22 =	rddreg [dreg:$0xb];
	s3 =	simm.s32 $0x100  }
0x7c: {  	[tilespmem:s3], [sflag:$0x4] =	stream.linear.gather [hbm4b:s22+s21], $0x80, $0x38;
	[tilespmem:$0x14A80] =	vst v63  }
0x7d: {  	_ =	swait.ge [sflag:s12], $0x100  }
0x7e: {  	s23 =	sand.u32 $0x70, s21;
	s0 =	sand.u32 $0x100, s21;
	[sflag:s12] =	ssyncset.done $0x0  }
0x7f: {  	s0 =	sor.u32 s23, s0;
	[sflag:s12] =	ssyncadd.s32 $0xFFFFFF00  }
0x80: {  	v63 =	vld [tilespmem:s0+$0x0];
	_ =	sdelay $0x4  }
0x81: {  	v0 =	vshll.u32 v63, $0x4  }
0x82: {  	(v2sf) =	vpush v0, $0x0  }
0x83: {  	(v2sf) =	vpush v0, $0x1  }
0x84: {  	(v2sf) =	vpush v0, $0x2  }
0x85: {  	(v2sf) =	vpush v0, $0x3  }
0x86: {  	(v2sf) =	vpush v0, $0x4;
	_ =	sdelay $0x4  }
0x87: {  	(v2sf) =	vpush v0, $0x5;
	_ =	sdelay $0x2  }
0x88: {  	s6 =	simm.s32 $0x2000  }
0x89: {  	s24 =	simm.s32 $0x300;
	s30 =	simm.s32 $0x280;
	s15 =	simm.s32 $0x20;
	(v2sf) =	vpush v0, $0x6  }
0x8a: {  	s13 =	simm.s32 $0x0;
	s17 =	simm.s32 $0x900;
	s14 =	simm.s32 $0x4000  }
0x8b: {  	s16 =	simm.s32 $0x40;
	s11 =	simm.s32 $0x20;
	s31 =	spop (v2sf)  }
0x8c: {  	s18 =	simm.s32 $0x880;
	s8 =	simm.s32 $0x10;
	s25 =	spop (v2sf)  }
0x8d: {  	s19 =	simm.s32 $0x800;
	s20 =	simm.s32 $0x400;
	(v2sf) =	vpush v0, $0x7;
	s4 =	spop (v2sf)  }
0x8e: {  	s1 =	simm.s32 $0x380;
	s23 =	sand.u32 $0x1FFFFFF0, s31;
	s26 =	spop (v2sf)  }
0x8f: {  	s22 =	simm.s32 $0x680;
	s23 =	sadd.s32 s5, s23;
	s31 =	spop (v2sf);
	(v2sf) =	vpush v0, $0x8  }
0x90: {  	[tilespmem:s30], [sflag:$0x1] =	stream.linear.gather [hbm4b:s23+s2], $0x80, $0x38;
	[tilespmem:$0x14A80] =	vst v63  }
0x91: {  	s21 =	simm.s32 $0x700;
	s3 =	sand.u32 $0x1FFFFFF0, s25;
	s25 =	sand.u32 $0x1FFFFFF0, s4;
	(v2sf) =	vpush v0, $0x9  }
0x92: {  	s23 =	sadd.s32 s5, s3;
	s25 =	sadd.s32 s5, s25;
	s30 =	sand.u32 $0x1FFFFFF0, s26  }
0x93: {  	[tilespmem:s24], [sflag:$0x1] =	stream.linear.gather [hbm4b:s23+s2], $0x80, $0x38;
	(v2sf) =	vpush v0, $0xA;
	[tilespmem:$0x14A80] =	vst v63  }
0x94: {  	s26 =	simm.s32 $0x500;
	s3 =	sand.u32 $0x1FFFFFF0, s31;
	s4 =	spop (v2sf)  }
0x95: {  	[tilespmem:s1], [sflag:$0x1] =	stream.linear.gather [hbm4b:s25+s2], $0x80, $0x38;
	(v2sf) =	vpush v0, $0xB;
	[tilespmem:$0x14A80] =	vst v63  }
0x96: {  	s23 =	simm.s32 $0x780;
	s24 =	sand.u32 $0x1FFFFFF0, s4;
	s1 =	sadd.s32 s5, s30  }
0x97: {  	(v2sf) =	vpush v0, $0xC;
	[tilespmem:s20], [sflag:$0x1] =	stream.linear.gather [hbm4b:s1+s2], $0x80, $0x38;
	[tilespmem:$0x14A80] =	vst v63  }
0x98: {  	s31 =	spop (v2sf);
	s25 =	sadd.s32 s5, s3;
	s20 =	simm.s32 $0x480  }
0x99: {  	(v2sf) =	vpush v0, $0xD;
	[tilespmem:s20], [sflag:$0x1] =	stream.linear.gather [hbm4b:s25+s2], $0x80, $0x38;
	[tilespmem:$0x14A80] =	vst v63  }
0x9a: {  	s30 =	sadd.s32 s5, s24;
	s24 =	simm.s32 $0x600;
	s28 =	sand.u32 $0x1FFFFFF0, s31  }
0x9b: {  	(v2sf) =	vpush v0, $0xE;
	[tilespmem:s26], [sflag:$0x1] =	stream.linear.gather [hbm4b:s30+s2], $0x80, $0x38;
	[tilespmem:$0x14A80] =	vst v63  }
0x9c: {  	s25 =	simm.s32 $0x580;
	s20 =	simm.s32 $0xA00;
	s29 =	spop (v2sf);
	(v2sf) =	vpush v0, $0xF  }
.LBB2_4:
0x9d: {  	s0 =	sadd.s32 s5, s28  }
0x9e: {  	s28 =	sand.u32 $0x1FFFFFF0, s29;
	s29 =	spop (v2sf);
	s26 =	smov.u32 s14  }
0x9f: {  	[tilespmem:s25], [sflag:$0x1] =	stream.linear.gather [hbm4b:s0+s2], $0x80, $0x38;
	[tilespmem:$0x14A80] =	vst v63  }
0xa0: {  	s0 =	sadd.s32 s5, s28;
	s25 =	sand.u32 $0x1FFFFFF0, s29;
	s28 =	spop (v2sf)  }
0xa1: {  	[tilespmem:s24], [sflag:$0x1] =	stream.linear.gather [hbm4b:s0+s2], $0x80, $0x38;
	[tilespmem:$0x14A80] =	vst v63  }
0xa2: {  	s0 =	sadd.s32 s5, s25;
	s24 =	sand.u32 $0x1FFFFFF0, s28;
	s25 =	spop (v2sf)  }
0xa3: {  	[tilespmem:s22], [sflag:$0x1] =	stream.linear.gather [hbm4b:s0+s2], $0x80, $0x38;
	[tilespmem:$0x14A80] =	vst v63  }
0xa4: {  	s0 =	sadd.s32 s5, s24;
	s22 =	sand.u32 $0x1FFFFFF0, s25;
	s24 =	spop (v2sf)  }
0xa5: {  	[tilespmem:s21], [sflag:$0x1] =	stream.linear.gather [hbm4b:s0+s2], $0x80, $0x38;
	[tilespmem:$0x14A80] =	vst v63  }
0xa6: {  	s0 =	sadd.s32 s5, s22;
	s21 =	sand.u32 $0x1FFFFFF0, s24;
	s22 =	spop (v2sf)  }
0xa7: {  	[tilespmem:s23], [sflag:$0x1] =	stream.linear.gather [hbm4b:s0+s2], $0x80, $0x38;
	[tilespmem:$0x14A80] =	vst v63  }
0xa8: {  	s0 =	sadd.s32 s5, s21;
	s21 =	sand.u32 $0x1FFFFFF0, s22;
	s22 =	spop (v2sf)  }
0xa9: {  	[tilespmem:s19], [sflag:$0x1] =	stream.linear.gather [hbm4b:s0+s2], $0x80, $0x38;
	[tilespmem:$0x14A80] =	vst v63  }
0xaa: {  	s0 =	sadd.s32 s5, s21;
	s19 =	sand.u32 $0x1FFFFFF0, s22;
	s21 =	spop (v2sf)  }
0xab: {  	[tilespmem:s18], [sflag:$0x1] =	stream.linear.gather [hbm4b:s0+s2], $0x80, $0x38;
	[tilespmem:$0x14A80] =	vst v63  }
0xac: {  	s0 =	sadd.s32 s5, s19;
	s18 =	sand.u32 $0x1FFFFFF0, s21;
	s19 =	spop (v2sf)  }
0xad: {  	[tilespmem:s17], [sflag:$0x1] =	stream.linear.gather [hbm4b:s0+s2], $0x80, $0x38;
	[tilespmem:$0x14A80] =	vst v63  }
0xae: {  	s0 =	sadd.s32 $0x980, s13;
	s13 =	sadd.s32 s5, s18;
	s17 =	sand.u32 $0x1FFFFFF0, s19  }
0xaf: {  	[tilespmem:s0], [sflag:$0x1] =	stream.linear.gather [hbm4b:s13+s2], $0x80, $0x38;
	[tilespmem:$0x14A80] =	vst v63  }
0xb0: {  	s0 =	sand.u32 $0x70, s8;
	s8 =	sand.u32 $0x100, s11;
	s11 =	sadd.s32 s5, s17  }
0xb1: {  	[tilespmem:s20], [sflag:$0x1] =	stream.linear.gather [hbm4b:s11+s2], $0x80, $0x38;
	[tilespmem:$0x14A80] =	vst v63  }
0xb2: {  	p0 =	sne.s32 s14, $0x16000;
	s14 =	sadd.s32 $0x2000, s14;
	s0 =	sor.u32 s0, s8  }
0xb3: {  	s8 =	smov.u32 s15;
	s11 =	smov.u32 s16;
	v0 =	vld [tilespmem:s0+$0x0];
	_ =	sdelay $0x4  }
0xb4: {  	s13 =	sshra.s32 s6, $0x2;
	s6 =	smov.u32 s26;
	s15 =	sadd.s32 $0x10, s15;
	v0 =	vshll.u32 v0, $0x4  }
0xb5: {  	s17 =	sadd.s32 $0x900, s13;
	s16 =	sadd.s32 $0x20, s16;
	s0 =	sadd.s32 $0x300, s13;
	(v2sf) =	vpush v0, $0x0  }
0xb6: {  	s28 =	sadd.s32 $0x280, s13;
	s19 =	sadd.s32 $0x800, s13;
	s18 =	sadd.s32 $0x880, s13;
	(v2sf) =	vpush v0, $0x1  }
0xb7: {  	s22 =	sadd.s32 $0x680, s13;
	s21 =	sadd.s32 $0x700, s13;
	s23 =	sadd.s32 $0x780, s13;
	(v2sf) =	vpush v0, $0x2  }
0xb8: {  	s25 =	sadd.s32 $0x580, s13;
	s24 =	sadd.s32 $0x600, s13  }
0xb9: {  	s26 =	sadd.s32 $0x500, s13;
	(v2sf) =	vpush v0, $0x3  }
0xba: {  	s29 =	sadd.s32 $0x480, s13  }
0xbb: {  	(v2sf) =	vpush v0, $0x4  }
0xbc: {  	s20 =	sadd.s32 $0xA00, s13  }
0xbd: {  	(v2sf) =	vpush v0, $0x5;
	_ =	sdelay $0x1  }
0xbe: {  	s30 =	sadd.s32 $0x380, s13;
	(v2sf) =	vpush v0, $0x6;
	_ =	sdelay $0x1  }
0xbf: {  	s31 =	sadd.s32 $0x400, s13;
	(v2sf) =	vpush v0, $0x7;
	_ =	sdelay $0x1  }
0xc0: {  	(v2sf) =	vpush v0, $0x8  }
0xc1: {  	s1 =	spop (v2sf)  }
0xc2: {  	s1 =	sand.u32 $0x1FFFFFF0, s1;
	s4 =	spop (v2sf);
	(v2sf) =	vpush v0, $0x9  }
0xc3: {  	s1 =	sadd.s32 s5, s1;
	s4 =	sand.u32 $0x1FFFFFF0, s4;
	s3 =	spop (v2sf)  }
0xc4: {  	[tilespmem:s28], [sflag:$0x1] =	stream.linear.gather [hbm4b:s1+s2], $0x80, $0x38;
	(v2sf) =	vpush v0, $0xA;
	[tilespmem:$0x14A80] =	vst v63  }
0xc5: {  	s1 =	sadd.s32 s5, s4;
	s3 =	sand.u32 $0x1FFFFFF0, s3;
	s4 =	spop (v2sf)  }
0xc6: {  	[tilespmem:s0], [sflag:$0x1] =	stream.linear.gather [hbm4b:s1+s2], $0x80, $0x38;
	(v2sf) =	vpush v0, $0xB;
	[tilespmem:$0x14A80] =	vst v63  }
0xc7: {  	s0 =	sadd.s32 s5, s3;
	s1 =	sand.u32 $0x1FFFFFF0, s4;
	s3 =	spop (v2sf)  }
0xc8: {  	[tilespmem:s30], [sflag:$0x1] =	stream.linear.gather [hbm4b:s0+s2], $0x80, $0x38;
	(v2sf) =	vpush v0, $0xC;
	[tilespmem:$0x14A80] =	vst v63  }
0xc9: {  	s0 =	sadd.s32 s5, s1;
	s1 =	sand.u32 $0x1FFFFFF0, s3;
	s3 =	spop (v2sf)  }
0xca: {  	[tilespmem:s31], [sflag:$0x1] =	stream.linear.gather [hbm4b:s0+s2], $0x80, $0x38;
	[tilespmem:$0x14A80] =	vst v63  }
.Ltmp1:
0xcb: {  	(v2sf) =	vpush v0, $0xD;
	(pc) =	sbr.rel @p0 .LBB2_4-.Ltmp1, $4  }
0xcc: {  	s0 =	sadd.s32 s5, s1;
	s1 =	sand.u32 $0x1FFFFFF0, s3;
	s3 =	spop (v2sf)  }
0xcd: {  	[tilespmem:s29], [sflag:$0x1] =	stream.linear.gather [hbm4b:s0+s2], $0x80, $0x38;
	(v2sf) =	vpush v0, $0xE;
	[tilespmem:$0x14A80] =	vst v63  }
0xce: {  	s0 =	sadd.s32 s5, s1;
	s28 =	sand.u32 $0x1FFFFFF0, s3;
	s29 =	spop (v2sf)  }
0xcf: {  	[tilespmem:s26], [sflag:$0x1] =	stream.linear.gather [hbm4b:s0+s2], $0x80, $0x38;
	(v2sf) =	vpush v0, $0xF;
	[tilespmem:$0x14A80] =	vst v63  }
0xd0: {  	s0 =	sadd.s32 s5, s28;
	s1 =	sand.u32 $0x1FFFFFF0, s29;
	s3 =	spop (v2sf)  }
0xd1: {  	[tilespmem:s25], [sflag:$0x1] =	stream.linear.gather [hbm4b:s0+s2], $0x80, $0x38;
	[tilespmem:$0x14A80] =	vst v63  }
0xd2: {  	s1 =	sadd.s32 s5, s1;
	s3 =	sand.u32 $0x1FFFFFF0, s3;
	s4 =	spop (v2sf)  }
0xd3: {  	[tilespmem:s24], [sflag:$0x1] =	stream.linear.gather [hbm4b:s1+s2], $0x80, $0x38;
	[tilespmem:$0x14A80] =	vst v63  }
0xd4: {  	s14 =	sadd.s32 s5, s3;
	s16 =	spop (v2sf)  }
0xd5: {  	[tilespmem:s22], [sflag:$0x1] =	stream.linear.gather [hbm4b:s14+s2], $0x80, $0x38;
	[tilespmem:$0x14A80] =	vst v63  }
0xd6: {  	s15 =	sand.u32 $0x1FFFFFF0, s4;
	s24 =	sand.u32 $0x1FFFFFF0, s16;
	s25 =	spop (v2sf)  }
0xd7: {  	s22 =	sadd.s32 s5, s15;
	s26 =	sadd.s32 s5, s24;
	s30 =	sand.u32 $0x1FFFFFF0, s25  }
0xd8: {  	[tilespmem:s21], [sflag:$0x1] =	stream.linear.gather [hbm4b:s22+s2], $0x80, $0x38;
	[tilespmem:$0x14A80] =	vst v63  }
0xd9: {  	s24 =	sand.u32 $0x100, s11;
	s31 =	spop (v2sf);
	s1 =	sadd.s32 s5, s30  }
0xda: {  	[tilespmem:s23], [sflag:$0x1] =	stream.linear.gather [hbm4b:s26+s2], $0x80, $0x38;
	[tilespmem:$0x14A80] =	vst v63  }
0xdb: {  	s22 =	sadd.s32 $0x980, s13;
	s3 =	sand.u32 $0x1FFFFFF0, s31;
	s4 =	spop (v2sf)  }
0xdc: {  	[tilespmem:s19], [sflag:$0x1] =	stream.linear.gather [hbm4b:s1+s2], $0x80, $0x38;
	[tilespmem:$0x14A80] =	vst v63  }
0xdd: {  	s14 =	sadd.s32 s5, s3;
	s15 =	sand.u32 $0x1FFFFFF0, s4;
	s16 =	spop (v2sf)  }
0xde: {  	[tilespmem:s18], [sflag:$0x1] =	stream.linear.gather [hbm4b:s14+s2], $0x80, $0x38;
	[tilespmem:$0x14A80] =	vst v63  }
0xdf: {  	s18 =	sadd.s32 s5, s15;
	s19 =	sand.u32 $0x1FFFFFF0, s16;
	s21 =	spop (v2sf)  }
0xe0: {  	[tilespmem:s17], [sflag:$0x1] =	stream.linear.gather [hbm4b:s18+s2], $0x80, $0x38;
	[tilespmem:$0x14A80] =	vst v63  }
0xe1: {  	s23 =	sand.u32 $0x70, s8;
	s1 =	sadd.s32 s5, s19;
	s3 =	sand.u32 $0x1FFFFFF0, s21  }
0xe2: {  	[tilespmem:s22], [sflag:$0x1] =	stream.linear.gather [hbm4b:s1+s2], $0x80, $0x38;
	[tilespmem:$0x14A80] =	vst v63  }
0xe3: {  	s0 =	sor.u32 s23, s24;
	s3 =	sadd.s32 s5, s3  }
0xe4: {  	[tilespmem:s20], [sflag:$0x1] =	stream.linear.gather [hbm4b:s3+s2], $0x80, $0x38;
	[tilespmem:$0x14A80] =	vst v63  }
0xe5: {  	v0 =	vld [tilespmem:s0+$0x0];
	_ =	sdelay $0x4  }
0xe6: {  	v0 =	vshll.u32 v0, $0x4  }
0xe7: {  	(v2sf) =	vpush v0, $0x0  }
0xe8: {  	(v2sf) =	vpush v0, $0x1  }
0xe9: {  	(v2sf) =	vpush v0, $0x2;
	_ =	sdelay $0x1  }
0xea: {  	(v2sf) =	vpush v0, $0x3;
	_ =	sdelay $0x1  }
0xeb: {  	(v2sf) =	vpush v0, $0x4;
	_ =	sdelay $0x1  }
0xec: {  	(v2sf) =	vpush v0, $0x5;
	_ =	sdelay $0x1  }
0xed: {  	s6 =	sshra.s32 s6, $0x2;
	(v2sf) =	vpush v0, $0x6  }
0xee: {  	s11 =	sadd.s32 $0x880, s6;
	s25 =	sadd.s32 $0x280, s6  }
0xef: {  	s13 =	sadd.s32 $0x800, s6;
	s8 =	sadd.s32 $0x900, s6;
	s4 =	sadd.s32 $0x700, s6;
	(v2sf) =	vpush v0, $0x7  }
0xf0: {  	s14 =	sadd.s32 $0x780, s6;
	s15 =	sadd.s32 $0x580, s6;
	s16 =	sadd.s32 $0x600, s6  }
0xf1: {  	s19 =	sadd.s32 $0x380, s6;
	s17 =	sadd.s32 $0x500, s6;
	s18 =	sadd.s32 $0x480, s6;
	(v2sf) =	vpush v0, $0x8  }
0xf2: {  	s21 =	sadd.s32 $0x400, s6;
	s3 =	sadd.s32 $0x680, s6;
	s26 =	spop (v2sf)  }
0xf3: {  	s0 =	sadd.s32 $0x300, s6;
	s20 =	sand.u32 $0x1FFFFFF0, s26;
	s30 =	spop (v2sf);
	(v2sf) =	vpush v0, $0x9  }
0xf4: {  	s20 =	sadd.s32 s5, s20;
	s22 =	sand.u32 $0x1FFFFFF0, s30;
	s31 =	spop (v2sf)  }
0xf5: {  	(v2sf) =	vpush v0, $0xA;
	[tilespmem:s25], [sflag:$0x1] =	stream.linear.gather [hbm4b:s20+s2], $0x80, $0x38;
	[tilespmem:$0x14A80] =	vst v63  }
0xf6: {  	s22 =	sadd.s32 s5, s22;
	s24 =	sand.u32 $0x1FFFFFF0, s31;
	s25 =	spop (v2sf)  }
0xf7: {  	(v2sf) =	vpush v0, $0xB;
	[tilespmem:s0], [sflag:$0x1] =	stream.linear.gather [hbm4b:s22+s2], $0x80, $0x38;
	[tilespmem:$0x14A80] =	vst v63  }
0xf8: {  	s26 =	sadd.s32 s5, s24;
	s30 =	sand.u32 $0x1FFFFFF0, s25;
	s31 =	spop (v2sf)  }
0xf9: {  	(v2sf) =	vpush v0, $0xC;
	[tilespmem:s19], [sflag:$0x1] =	stream.linear.gather [hbm4b:s26+s2], $0x80, $0x38;
	[tilespmem:$0x14A80] =	vst v63  }
0xfa: {  	s20 =	sand.u32 $0x1FFFFFF0, s31;
	s22 =	spop (v2sf);
	s19 =	sadd.s32 s5, s30  }
0xfb: {  	(v2sf) =	vpush v0, $0xD;
	[tilespmem:s21], [sflag:$0x1] =	stream.linear.gather [hbm4b:s19+s2], $0x80, $0x38;
	[tilespmem:$0x14A80] =	vst v63  }
0xfc: {  	s23 =	sadd.s32 s5, s20;
	s24 =	sand.u32 $0x1FFFFFF0, s22;
	s25 =	spop (v2sf)  }
0xfd: {  	(v2sf) =	vpush v0, $0xE;
	[tilespmem:s18], [sflag:$0x1] =	stream.linear.gather [hbm4b:s23+s2], $0x80, $0x38;
	[tilespmem:$0x14A80] =	vst v63  }
0xfe: {  	s26 =	sadd.s32 s5, s24;
	s30 =	sand.u32 $0x1FFFFFF0, s25;
	s31 =	spop (v2sf)  }
0xff: {  	(v2sf) =	vpush v0, $0xF;
	[tilespmem:s17], [sflag:$0x1] =	stream.linear.gather [hbm4b:s26+s2], $0x80, $0x38;
	[tilespmem:$0x14A80] =	vst v63  }
0x100: {  	s19 =	spop (v2sf);
	s18 =	sand.u32 $0x1FFFFFF0, s31;
	s17 =	sadd.s32 s5, s30  }
0x101: {  	[tilespmem:s15], [sflag:$0x1] =	stream.linear.gather [hbm4b:s17+s2], $0x80, $0x38;
	[tilespmem:$0x14A80] =	vst v63  }
0x102: {  	s21 =	sand.u32 $0x1FFFFFF0, s19;
	s20 =	sadd.s32 s5, s18;
	s22 =	spop (v2sf)  }
0x103: {  	[tilespmem:s16], [sflag:$0x1] =	stream.linear.gather [hbm4b:s20+s2], $0x80, $0x38;
	[tilespmem:$0x14A80] =	vst v63  }
0x104: {  	s23 =	sadd.s32 s5, s21;
	s24 =	sand.u32 $0x1FFFFFF0, s22;
	s25 =	spop (v2sf)  }
0x105: {  	[tilespmem:s3], [sflag:$0x1] =	stream.linear.gather [hbm4b:s23+s2], $0x80, $0x38;
	[tilespmem:$0x14A80] =	vst v63  }
0x106: {  	s26 =	sadd.s32 s5, s24;
	s30 =	sand.u32 $0x1FFFFFF0, s25;
	s31 =	spop (v2sf)  }
0x107: {  	[tilespmem:s4], [sflag:$0x1] =	stream.linear.gather [hbm4b:s26+s2], $0x80, $0x38;
	[tilespmem:$0x14A80] =	vst v63  }
0x108: {  	s1 =	sadd.s32 s5, s30;
	s3 =	sand.u32 $0x1FFFFFF0, s31;
	s4 =	spop (v2sf)  }
0x109: {  	[tilespmem:s14], [sflag:$0x1] =	stream.linear.gather [hbm4b:s1+s2], $0x80, $0x38;
	[tilespmem:$0x14A80] =	vst v63  }
0x10a: {  	s15 =	sand.u32 $0x1FFFFFF0, s4;
	s16 =	spop (v2sf);
	s14 =	sadd.s32 s5, s3  }
0x10b: {  	[tilespmem:s13], [sflag:$0x1] =	stream.linear.gather [hbm4b:s14+s2], $0x80, $0x38;
	[tilespmem:$0x14A80] =	vst v63  }
0x10c: {  	s17 =	sadd.s32 s5, s15;
	s18 =	sand.u32 $0x1FFFFFF0, s16;
	s19 =	spop (v2sf)  }
0x10d: {  	[tilespmem:s11], [sflag:$0x1] =	stream.linear.gather [hbm4b:s17+s2], $0x80, $0x38;
	[tilespmem:$0x14A80] =	vst v63  }
0x10e: {  	s20 =	sadd.s32 s5, s18;
	s21 =	sand.u32 $0x1FFFFFF0, s19;
	s22 =	spop (v2sf)  }
0x10f: {  	[tilespmem:s8], [sflag:$0x1] =	stream.linear.gather [hbm4b:s20+s2], $0x80, $0x38;
	[tilespmem:$0x14A80] =	vst v63  }
0x110: {  	s23 =	sadd.s32 $0x980, s6;
	s1 =	sadd.s32 s5, s21;
	s3 =	sand.u32 $0x1FFFFFF0, s22  }
0x111: {  	[tilespmem:s23], [sflag:$0x1] =	stream.linear.gather [hbm4b:s1+s2], $0x80, $0x38;
	[tilespmem:$0x14A80] =	vst v63  }
0x112: {  	s24 =	sadd.s32 $0xA00, s6;
	s25 =	sadd.s32 s5, s3  }
0x113: {  	[tilespmem:s24], [sflag:$0x1] =	stream.linear.gather [hbm4b:s25+s2], $0x80, $0x38;
	[tilespmem:$0x14A80] =	vst v63  }
0x114: {  	v62 =	vld.msk [tilespmem:$0x140], $0xff;
	_ =	sdelay $0x4  }
0x115: {  	v0 =	vshll.u32 v62, $0x4  }
0x116: {  	(v2sf) =	vpush v0, $0x0  }
0x117: {  	(v2sf) =	vpush v0, $0x1  }
0x118: {  	(v2sf) =	vpush v0, $0x2;
	_ =	sdelay $0x2  }
0x119: {  	(v2sf) =	vpush v0, $0x3;
	_ =	sdelay $0x5  }
0x11a: {  	(v2sf) =	vpush v0, $0x4;
	_ =	sdelay $0x3  }
0x11b: {  	s26 =	spop (v2sf)  }
0x11c: {  	s30 =	simm.s32 $0x0;
	s0 =	sand.u32 $0x1FFFFFF0, s26;
	s3 =	spop (v2sf);
	(v2sf) =	vpush v0, $0x5  }
0x11d: {  	s31 =	simm.s32 $0x6280;
	s0 =	sadd.s32 s5, s0;
	s6 =	spop (v2sf)  }
0x11e: {  	(v2sf) =	vpush v0, $0x6;
	[tilespmem:s31], [sflag:$0x1] =	stream.linear.gather [hbm4b:s0+s30], $0x80, $0x38;
	[tilespmem:$0x14A80] =	vst v63  }
0x11f: {  	s0 =	sand.u32 $0x1FFFFFF0, s3  }
0x120: {  	s4 =	simm.s32 $0x6300;
	s11 =	spop (v2sf);
	s0 =	sadd.s32 s5, s0  }
0x121: {  	(v2sf) =	vpush v0, $0x7;
	[tilespmem:s4], [sflag:$0x1] =	stream.linear.gather [hbm4b:s0+s30], $0x80, $0x38;
	[tilespmem:$0x14A80] =	vst v63  }
0x122: {  	s0 =	sand.u32 $0x1FFFFFF0, s6  }
0x123: {  	s8 =	simm.s32 $0x6380;
	s0 =	sadd.s32 s5, s0  }
0x124: {  	[tilespmem:s8], [sflag:$0x1] =	stream.linear.gather [hbm4b:s0+s30], $0x80, $0x38;
	[tilespmem:$0x14A80] =	vst v63  }
0x125: {  	s0 =	sand.u32 $0x1FFFFFF0, s11  }
0x126: {  	s13 =	simm.s32 $0x6400;
	s14 =	spop (v2sf);
	s0 =	sadd.s32 s5, s0  }
0x127: {  	[tilespmem:s13], [sflag:$0x1] =	stream.linear.gather [hbm4b:s0+s30], $0x80, $0x38;
	[tilespmem:$0x14A80] =	vst v63  }
0x128: {  	s0 =	sand.u32 $0x1FFFFFF0, s14  }
0x129: {  	s15 =	simm.s32 $0x6480;
	s0 =	sadd.s32 s5, s0  }
0x12a: {  	[tilespmem:s15], [sflag:$0x1] =	stream.linear.gather [hbm4b:s0+s30], $0x80, $0x38;
	[tilespmem:$0x14A80] =	vst v63  }
0x12b: {  	s16 =	spop (v2sf)  }
0x12c: {  	s0 =	sand.u32 $0x1FFFFFF0, s16  }
0x12d: {  	s17 =	simm.s32 $0x6500;
	s18 =	spop (v2sf);
	s0 =	sadd.s32 s5, s0  }
0x12e: {  	[tilespmem:s17], [sflag:$0x1] =	stream.linear.gather [hbm4b:s0+s30], $0x80, $0x38;
	[tilespmem:$0x14A80] =	vst v63  }
0x12f: {  	s0 =	sand.u32 $0x1FFFFFF0, s18  }
0x130: {  	s19 =	simm.s32 $0x6580;
	s20 =	spop (v2sf);
	s0 =	sadd.s32 s5, s0  }
0x131: {  	[tilespmem:s19], [sflag:$0x1] =	stream.linear.gather [hbm4b:s0+s30], $0x80, $0x38;
	[tilespmem:$0x14A80] =	vst v63  }
0x132: {  	s0 =	sand.u32 $0x1FFFFFF0, s20  }
0x133: {  	s21 =	simm.s32 $0x6600;
	s0 =	sadd.s32 s5, s0  }
0x134: {  	[tilespmem:s21], [sflag:$0x1] =	stream.linear.gather [hbm4b:s0+s30], $0x80, $0x38;
	[tilespmem:$0x14A80] =	vst v63  }
0x135: {  	s22 =	rddreg [dreg:$0x7];
	s23 =	simm.s32 $0x80  }
0x136: {  	[tilespmem:s23], [sflag:$0x4] =	stream.linear.gather [hbm4b:s22+s30], $0x80, $0x38;
	[tilespmem:$0x14A80] =	vst v63  }
0x137: {  	s24 =	simm.s32 $0x180;
	s0 =	sadd.s32 $0x80, s22  }
0x138: {  	[tilespmem:s24], [sflag:$0x4] =	stream.linear.gather [hbm4b:s0+s30], $0x80, $0x38;
	[tilespmem:$0x14A80] =	vst v63  }
0x139: {  	_ =	swait.ge [sflag:s12], $0x100  }
0x13a: {  	s1 =	sand.u32 $0x100, s30;
	s25 =	sand.u32 $0x70, s30;
	[sflag:s12] =	ssyncset.done $0x0  }
0x13b: {  	s0 =	sor.u32 s25, s1;
	[sflag:s12] =	ssyncadd.s32 $0xFFFFFF00  }
0x13c: {  	v63 =	vld [tilespmem:s0+$0x80];
	_ =	sdelay $0x4  }
0x13d: {  	v0 =	vshll.u32 v63, $0x4  }
0x13e: {  	(v2sf) =	vpush v0, $0x0  }
0x13f: {  	(v2sf) =	vpush v0, $0x1  }
0x140: {  	(v2sf) =	vpush v0, $0x2  }
0x141: {  	(v2sf) =	vpush v0, $0x3  }
0x142: {  	(v2sf) =	vpush v0, $0x4;
	_ =	sdelay $0x4  }
0x143: {  	(v2sf) =	vpush v0, $0x5;
	_ =	sdelay $0x2  }
0x144: {  	s26 =	simm.s32 $0x6680  }
0x145: {  	s6 =	simm.s32 $0x2000;
	s4 =	simm.s32 $0x6780;
	s8 =	simm.s32 $0x10;
	(v2sf) =	vpush v0, $0x6  }
0x146: {  	s11 =	simm.s32 $0x20;
	s14 =	simm.s32 $0x4000;
	s13 =	simm.s32 $0x0  }
0x147: {  	s15 =	simm.s32 $0x20;
	s16 =	simm.s32 $0x40;
	s30 =	spop (v2sf)  }
0x148: {  	s17 =	simm.s32 $0x6D00;
	s18 =	simm.s32 $0x6C80;
	s31 =	spop (v2sf)  }
0x149: {  	s19 =	simm.s32 $0x6C00;
	s21 =	simm.s32 $0x6B00;
	(v2sf) =	vpush v0, $0x7;
	s24 =	spop (v2sf)  }
0x14a: {  	s22 =	simm.s32 $0x6A80;
	s3 =	sand.u32 $0x1FFFFFF0, s30;
	s25 =	spop (v2sf)  }
0x14b: {  	s3 =	sadd.s32 s5, s3;
	s23 =	sand.u32 $0x1FFFFFF0, s31;
	s31 =	spop (v2sf);
	(v2sf) =	vpush v0, $0x8  }
0x14c: {  	[tilespmem:s26], [sflag:$0x2] =	stream.linear.gather [hbm4b:s3+s2], $0x80, $0x38;
	[tilespmem:$0x14A80] =	vst v63  }
0x14d: {  	s1 =	simm.s32 $0x6800;
	s0 =	simm.s32 $0x6700;
	s3 =	sadd.s32 s5, s23;
	(v2sf) =	vpush v0, $0x9  }
0x14e: {  	s20 =	sand.u32 $0x1FFFFFF0, s24;
	s23 =	simm.s32 $0x6880;
	s30 =	sand.u32 $0x1FFFFFF0, s25  }
0x14f: {  	[tilespmem:s0], [sflag:$0x2] =	stream.linear.gather [hbm4b:s3+s2], $0x80, $0x38;
	(v2sf) =	vpush v0, $0xA;
	[tilespmem:$0x14A80] =	vst v63  }
0x150: {  	s26 =	sadd.s32 s5, s20;
	s3 =	sadd.s32 s5, s30;
	s20 =	spop (v2sf)  }
0x151: {  	[tilespmem:s4], [sflag:$0x2] =	stream.linear.gather [hbm4b:s26+s2], $0x80, $0x38;
	(v2sf) =	vpush v0, $0xB;
	[tilespmem:$0x14A80] =	vst v63  }
0x152: {  	s25 =	sand.u32 $0x1FFFFFF0, s20;
	s20 =	simm.s32 $0x6E00;
	s4 =	sand.u32 $0x1FFFFFF0, s31  }
0x153: {  	(v2sf) =	vpush v0, $0xC;
	[tilespmem:s1], [sflag:$0x2] =	stream.linear.gather [hbm4b:s3+s2], $0x80, $0x38;
	[tilespmem:$0x14A80] =	vst v63  }
0x154: {  	s26 =	simm.s32 $0x6900;
	s31 =	spop (v2sf);
	s24 =	sadd.s32 s5, s4  }
0x155: {  	(v2sf) =	vpush v0, $0xD;
	[tilespmem:s23], [sflag:$0x2] =	stream.linear.gather [hbm4b:s24+s2], $0x80, $0x38;
	[tilespmem:$0x14A80] =	vst v63  }
0x156: {  	s30 =	sadd.s32 s5, s25;
	s25 =	simm.s32 $0x6980;
	s29 =	sand.u32 $0x1FFFFFF0, s31  }
0x157: {  	(v2sf) =	vpush v0, $0xE;
	[tilespmem:s26], [sflag:$0x2] =	stream.linear.gather [hbm4b:s30+s2], $0x80, $0x38;
	[tilespmem:$0x14A80] =	vst v63  }
0x158: {  	s23 =	simm.s32 $0x6B80;
	s24 =	simm.s32 $0x6A00;
	s28 =	spop (v2sf);
	(v2sf) =	vpush v0, $0xF  }
.LBB2_6:
0x159: {  	s0 =	sadd.s32 s5, s29  }
0x15a: {  	s1 =	sand.u32 $0x1FFFFFF0, s28;
	s3 =	spop (v2sf);
	s26 =	smov.u32 s14  }
0x15b: {  	[tilespmem:s25], [sflag:$0x2] =	stream.linear.gather [hbm4b:s0+s2], $0x80, $0x38;
	[tilespmem:$0x14A80] =	vst v63  }
0x15c: {  	s0 =	sadd.s32 s5, s1;
	s1 =	sand.u32 $0x1FFFFFF0, s3;
	s3 =	spop (v2sf)  }
0x15d: {  	[tilespmem:s24], [sflag:$0x2] =	stream.linear.gather [hbm4b:s0+s2], $0x80, $0x38;
	[tilespmem:$0x14A80] =	vst v63  }
0x15e: {  	s0 =	sadd.s32 s5, s1;
	s1 =	sand.u32 $0x1FFFFFF0, s3;
	s3 =	spop (v2sf)  }
0x15f: {  	[tilespmem:s22], [sflag:$0x2] =	stream.linear.gather [hbm4b:s0+s2], $0x80, $0x38;
	[tilespmem:$0x14A80] =	vst v63  }
0x160: {  	s0 =	sadd.s32 s5, s1;
	s1 =	sand.u32 $0x1FFFFFF0, s3;
	s3 =	spop (v2sf)  }
0x161: {  	[tilespmem:s21], [sflag:$0x2] =	stream.linear.gather [hbm4b:s0+s2], $0x80, $0x38;
	[tilespmem:$0x14A80] =	vst v63  }
0x162: {  	s0 =	sadd.s32 s5, s1;
	s1 =	sand.u32 $0x1FFFFFF0, s3;
	s3 =	spop (v2sf)  }
0x163: {  	[tilespmem:s23], [sflag:$0x2] =	stream.linear.gather [hbm4b:s0+s2], $0x80, $0x38;
	[tilespmem:$0x14A80] =	vst v63  }
0x164: {  	s0 =	sadd.s32 s5, s1;
	s1 =	sand.u32 $0x1FFFFFF0, s3;
	s3 =	spop (v2sf)  }
0x165: {  	[tilespmem:s19], [sflag:$0x2] =	stream.linear.gather [hbm4b:s0+s2], $0x80, $0x38;
	[tilespmem:$0x14A80] =	vst v63  }
0x166: {  	s0 =	sadd.s32 s5, s1;
	s1 =	sand.u32 $0x1FFFFFF0, s3;
	s3 =	spop (v2sf)  }
0x167: {  	[tilespmem:s18], [sflag:$0x2] =	stream.linear.gather [hbm4b:s0+s2], $0x80, $0x38;
	[tilespmem:$0x14A80] =	vst v63  }
0x168: {  	s0 =	sadd.s32 s5, s1;
	s1 =	sand.u32 $0x1FFFFFF0, s3;
	s3 =	spop (v2sf)  }
0x169: {  	[tilespmem:s17], [sflag:$0x2] =	stream.linear.gather [hbm4b:s0+s2], $0x80, $0x38;
	[tilespmem:$0x14A80] =	vst v63  }
0x16a: {  	s1 =	sadd.s32 s5, s1;
	s0 =	sadd.s32 $0x6D80, s13;
	s3 =	sand.u32 $0x1FFFFFF0, s3  }
0x16b: {  	[tilespmem:s0], [sflag:$0x2] =	stream.linear.gather [hbm4b:s1+s2], $0x80, $0x38;
	[tilespmem:$0x14A80] =	vst v63  }
0x16c: {  	s3 =	sadd.s32 s5, s3;
	s0 =	sand.u32 $0x70, s8;
	s1 =	sand.u32 $0x100, s11  }
0x16d: {  	[tilespmem:s20], [sflag:$0x2] =	stream.linear.gather [hbm4b:s3+s2], $0x80, $0x38;
	[tilespmem:$0x14A80] =	vst v63  }
0x16e: {  	p0 =	sne.s32 s14, $0x16000;
	s14 =	sadd.s32 $0x2000, s14;
	s0 =	sor.u32 s0, s1  }
0x16f: {  	s8 =	smov.u32 s15;
	s11 =	smov.u32 s16;
	v0 =	vld [tilespmem:s0+$0x80];
	_ =	sdelay $0x4  }
0x170: {  	s13 =	sshra.s32 s6, $0x2;
	s6 =	smov.u32 s26;
	s15 =	sadd.s32 $0x10, s15;
	v0 =	vshll.u32 v0, $0x4  }
0x171: {  	s17 =	sadd.s32 $0x6D00, s13;
	s16 =	sadd.s32 $0x20, s16;
	s0 =	sadd.s32 $0x6700, s13;
	(v2sf) =	vpush v0, $0x0  }
0x172: {  	s19 =	sadd.s32 $0x6C00, s13;
	s18 =	sadd.s32 $0x6C80, s13;
	s1 =	sadd.s32 $0x6680, s13;
	(v2sf) =	vpush v0, $0x1  }
0x173: {  	s22 =	sadd.s32 $0x6A80, s13;
	s21 =	sadd.s32 $0x6B00, s13;
	s23 =	sadd.s32 $0x6B80, s13;
	(v2sf) =	vpush v0, $0x2  }
0x174: {  	s25 =	sadd.s32 $0x6980, s13;
	s24 =	sadd.s32 $0x6A00, s13  }
0x175: {  	s26 =	sadd.s32 $0x6900, s13;
	(v2sf) =	vpush v0, $0x3  }
0x176: {  	s3 =	sadd.s32 $0x6880, s13  }
0x177: {  	(v2sf) =	vpush v0, $0x4  }
0x178: {  	s20 =	sadd.s32 $0x6E00, s13  }
0x179: {  	(v2sf) =	vpush v0, $0x5;
	_ =	sdelay $0x1  }
0x17a: {  	s4 =	sadd.s32 $0x6780, s13;
	(v2sf) =	vpush v0, $0x6;
	_ =	sdelay $0x1  }
0x17b: {  	s28 =	sadd.s32 $0x6800, s13;
	(v2sf) =	vpush v0, $0x7;
	_ =	sdelay $0x1  }
0x17c: {  	(v2sf) =	vpush v0, $0x8  }
0x17d: {  	s29 =	spop (v2sf)  }
0x17e: {  	s29 =	sand.u32 $0x1FFFFFF0, s29;
	s30 =	spop (v2sf);
	(v2sf) =	vpush v0, $0x9  }
0x17f: {  	s29 =	sadd.s32 s5, s29;
	s30 =	sand.u32 $0x1FFFFFF0, s30;
	s31 =	spop (v2sf)  }
0x180: {  	[tilespmem:s1], [sflag:$0x2] =	stream.linear.gather [hbm4b:s29+s2], $0x80, $0x38;
	(v2sf) =	vpush v0, $0xA;
	[tilespmem:$0x14A80] =	vst v63  }
0x181: {  	s1 =	sadd.s32 s5, s30;
	s29 =	sand.u32 $0x1FFFFFF0, s31;
	s30 =	spop (v2sf)  }
0x182: {  	[tilespmem:s0], [sflag:$0x2] =	stream.linear.gather [hbm4b:s1+s2], $0x80, $0x38;
	(v2sf) =	vpush v0, $0xB;
	[tilespmem:$0x14A80] =	vst v63  }
0x183: {  	s0 =	sadd.s32 s5, s29;
	s1 =	sand.u32 $0x1FFFFFF0, s30;
	s29 =	spop (v2sf)  }
0x184: {  	[tilespmem:s4], [sflag:$0x2] =	stream.linear.gather [hbm4b:s0+s2], $0x80, $0x38;
	(v2sf) =	vpush v0, $0xC;
	[tilespmem:$0x14A80] =	vst v63  }
0x185: {  	s0 =	sadd.s32 s5, s1;
	s1 =	sand.u32 $0x1FFFFFF0, s29;
	s4 =	spop (v2sf)  }
0x186: {  	[tilespmem:s28], [sflag:$0x2] =	stream.linear.gather [hbm4b:s0+s2], $0x80, $0x38;
	[tilespmem:$0x14A80] =	vst v63  }
.Ltmp2:
0x187: {  	(v2sf) =	vpush v0, $0xD;
	(pc) =	sbr.rel @p0 .LBB2_6-.Ltmp2, $4  }
0x188: {  	s0 =	sadd.s32 s5, s1;
	s1 =	sand.u32 $0x1FFFFFF0, s4;
	s4 =	spop (v2sf)  }
0x189: {  	[tilespmem:s3], [sflag:$0x2] =	stream.linear.gather [hbm4b:s0+s2], $0x80, $0x38;
	(v2sf) =	vpush v0, $0xE;
	[tilespmem:$0x14A80] =	vst v63  }
0x18a: {  	s0 =	sadd.s32 s5, s1;
	s29 =	sand.u32 $0x1FFFFFF0, s4;
	s28 =	spop (v2sf)  }
0x18b: {  	[tilespmem:s26], [sflag:$0x2] =	stream.linear.gather [hbm4b:s0+s2], $0x80, $0x38;
	(v2sf) =	vpush v0, $0xF;
	[tilespmem:$0x14A80] =	vst v63  }
0x18c: {  	s0 =	sadd.s32 s5, s29;
	s3 =	sand.u32 $0x1FFFFFF0, s28  }
0x18d: {  	[tilespmem:s25], [sflag:$0x2] =	stream.linear.gather [hbm4b:s0+s2], $0x80, $0x38;
	[tilespmem:$0x14A80] =	vst v63  }
0x18e: {  	s4 =	spop (v2sf);
	s0 =	sadd.s32 s5, s3  }
0x18f: {  	[tilespmem:s24], [sflag:$0x2] =	stream.linear.gather [hbm4b:s0+s2], $0x80, $0x38;
	[tilespmem:$0x14A80] =	vst v63  }
0x190: {  	s0 =	sand.u32 $0x1FFFFFF0, s4  }
0x191: {  	s14 =	spop (v2sf);
	s0 =	sadd.s32 s5, s0  }
0x192: {  	[tilespmem:s22], [sflag:$0x2] =	stream.linear.gather [hbm4b:s0+s2], $0x80, $0x38;
	[tilespmem:$0x14A80] =	vst v63  }
0x193: {  	s0 =	sand.u32 $0x1FFFFFF0, s14  }
0x194: {  	s15 =	spop (v2sf);
	s0 =	sadd.s32 s5, s0  }
0x195: {  	[tilespmem:s21], [sflag:$0x2] =	stream.linear.gather [hbm4b:s0+s2], $0x80, $0x38;
	[tilespmem:$0x14A80] =	vst v63  }
0x196: {  	s0 =	sand.u32 $0x1FFFFFF0, s15  }
0x197: {  	s16 =	spop (v2sf);
	s0 =	sadd.s32 s5, s0  }
0x198: {  	[tilespmem:s23], [sflag:$0x2] =	stream.linear.gather [hbm4b:s0+s2], $0x80, $0x38;
	[tilespmem:$0x14A80] =	vst v63  }
0x199: {  	s0 =	sand.u32 $0x1FFFFFF0, s16  }
0x19a: {  	s0 =	sadd.s32 s5, s0  }
0x19b: {  	[tilespmem:s19], [sflag:$0x2] =	stream.linear.gather [hbm4b:s0+s2], $0x80, $0x38;
	[tilespmem:$0x14A80] =	vst v63  }
0x19c: {  	s19 =	spop (v2sf)  }
0x19d: {  	s0 =	sand.u32 $0x1FFFFFF0, s19  }
0x19e: {  	s21 =	spop (v2sf);
	s0 =	sadd.s32 s5, s0  }
0x19f: {  	[tilespmem:s18], [sflag:$0x2] =	stream.linear.gather [hbm4b:s0+s2], $0x80, $0x38;
	[tilespmem:$0x14A80] =	vst v63  }
0x1a0: {  	s0 =	sand.u32 $0x1FFFFFF0, s21  }
0x1a1: {  	s22 =	spop (v2sf);
	s0 =	sadd.s32 s5, s0  }
0x1a2: {  	[tilespmem:s17], [sflag:$0x2] =	stream.linear.gather [hbm4b:s0+s2], $0x80, $0x38;
	[tilespmem:$0x14A80] =	vst v63  }
0x1a3: {  	s0 =	sand.u32 $0x1FFFFFF0, s22  }
0x1a4: {  	s1 =	sadd.s32 $0x6D80, s13;
	s23 =	spop (v2sf);
	s0 =	sadd.s32 s5, s0  }
0x1a5: {  	[tilespmem:s1], [sflag:$0x2] =	stream.linear.gather [hbm4b:s0+s2], $0x80, $0x38;
	[tilespmem:$0x14A80] =	vst v63  }
0x1a6: {  	s0 =	sand.u32 $0x1FFFFFF0, s23  }
0x1a7: {  	s25 =	sand.u32 $0x100, s11;
	s24 =	sand.u32 $0x70, s8;
	s0 =	sadd.s32 s5, s0  }
0x1a8: {  	[tilespmem:s20], [sflag:$0x2] =	stream.linear.gather [hbm4b:s0+s2], $0x80, $0x38;
	[tilespmem:$0x14A80] =	vst v63  }
0x1a9: {  	s0 =	sor.u32 s24, s25  }
0x1aa: {  	v0 =	vld [tilespmem:s0+$0x80];
	_ =	sdelay $0x4  }
0x1ab: {  	v0 =	vshll.u32 v0, $0x4  }
0x1ac: {  	(v2sf) =	vpush v0, $0x0;
	_ =	sdelay $0x1  }
0x1ad: {  	(v2sf) =	vpush v0, $0x1;
	_ =	sdelay $0x1  }
0x1ae: {  	(v2sf) =	vpush v0, $0x2;
	_ =	sdelay $0x2  }
0x1af: {  	(v2sf) =	vpush v0, $0x3;
	_ =	sdelay $0x7  }
0x1b0: {  	s26 =	spop (v2sf);
	(v2sf) =	vpush v0, $0x4;
	_ =	sdelay $0x1  }
0x1b1: {  	s29 =	spop (v2sf);
	(v2sf) =	vpush v0, $0x5;
	_ =	sdelay $0x1  }
0x1b2: {  	s1 =	spop (v2sf);
	(v2sf) =	vpush v0, $0x6;
	_ =	sdelay $0x1  }
0x1b3: {  	s6 =	sshra.s32 s6, $0x2;
	s0 =	sand.u32 $0x1FFFFFF0, s26  }
0x1b4: {  	s28 =	sadd.s32 $0x6680, s6;
	s0 =	sadd.s32 s5, s0;
	s4 =	spop (v2sf);
	(v2sf) =	vpush v0, $0x7  }
0x1b5: {  	[tilespmem:s28], [sflag:$0x2] =	stream.linear.gather [hbm4b:s0+s2], $0x80, $0x38;
	[tilespmem:$0x14A80] =	vst v63  }
0x1b6: {  	s0 =	sand.u32 $0x1FFFFFF0, s29  }
0x1b7: {  	s30 =	sadd.s32 $0x6700, s6;
	s0 =	sadd.s32 s5, s0  }
0x1b8: {  	[tilespmem:s30], [sflag:$0x2] =	stream.linear.gather [hbm4b:s0+s2], $0x80, $0x38;
	[tilespmem:$0x14A80] =	vst v63  }
0x1b9: {  	s0 =	sand.u32 $0x1FFFFFF0, s1  }
0x1ba: {  	s3 =	sadd.s32 $0x6780, s6;
	s0 =	sadd.s32 s5, s0  }
0x1bb: {  	[tilespmem:s3], [sflag:$0x2] =	stream.linear.gather [hbm4b:s0+s2], $0x80, $0x38;
	[tilespmem:$0x14A80] =	vst v63  }
0x1bc: {  	s11 =	spop (v2sf);
	(v2sf) =	vpush v0, $0x8  }
0x1bd: {  	s0 =	sand.u32 $0x1FFFFFF0, s4  }
0x1be: {  	s8 =	sadd.s32 $0x6800, s6;
	s0 =	sadd.s32 s5, s0;
	s14 =	spop (v2sf);
	(v2sf) =	vpush v0, $0x9  }
0x1bf: {  	[tilespmem:s8], [sflag:$0x2] =	stream.linear.gather [hbm4b:s0+s2], $0x80, $0x38;
	[tilespmem:$0x14A80] =	vst v63  }
0x1c0: {  	s0 =	sand.u32 $0x1FFFFFF0, s11;
	s16 =	spop (v2sf);
	(v2sf) =	vpush v0, $0xA  }
0x1c1: {  	s13 =	sadd.s32 $0x6880, s6;
	s0 =	sadd.s32 s5, s0  }
0x1c2: {  	[tilespmem:s13], [sflag:$0x2] =	stream.linear.gather [hbm4b:s0+s2], $0x80, $0x38;
	[tilespmem:$0x14A80] =	vst v63  }
0x1c3: {  	s18 =	spop (v2sf);
	(v2sf) =	vpush v0, $0xB  }
0x1c4: {  	s0 =	sand.u32 $0x1FFFFFF0, s14  }
0x1c5: {  	s15 =	sadd.s32 $0x6900, s6;
	s0 =	sadd.s32 s5, s0  }
0x1c6: {  	[tilespmem:s15], [sflag:$0x2] =	stream.linear.gather [hbm4b:s0+s2], $0x80, $0x38;
	[tilespmem:$0x14A80] =	vst v63  }
0x1c7: {  	s0 =	sand.u32 $0x1FFFFFF0, s16  }
0x1c8: {  	s17 =	sadd.s32 $0x6980, s6;
	s0 =	sadd.s32 s5, s0  }
0x1c9: {  	[tilespmem:s17], [sflag:$0x2] =	stream.linear.gather [hbm4b:s0+s2], $0x80, $0x38;
	[tilespmem:$0x14A80] =	vst v63  }
0x1ca: {  	s0 =	sand.u32 $0x1FFFFFF0, s18  }
0x1cb: {  	s19 =	sadd.s32 $0x6A00, s6;
	s0 =	sadd.s32 s5, s0;
	s20 =	spop (v2sf);
	(v2sf) =	vpush v0, $0xC  }
0x1cc: {  	[tilespmem:s19], [sflag:$0x2] =	stream.linear.gather [hbm4b:s0+s2], $0x80, $0x38;
	[tilespmem:$0x14A80] =	vst v63  }
0x1cd: {  	s22 =	spop (v2sf);
	(v2sf) =	vpush v0, $0xD  }
0x1ce: {  	s0 =	sand.u32 $0x1FFFFFF0, s20  }
0x1cf: {  	s21 =	sadd.s32 $0x6A80, s6;
	s0 =	sadd.s32 s5, s0;
	s24 =	spop (v2sf)  }
0x1d0: {  	(v2sf) =	vpush v0, $0xE;
	[tilespmem:s21], [sflag:$0x2] =	stream.linear.gather [hbm4b:s0+s2], $0x80, $0x38;
	[tilespmem:$0x14A80] =	vst v63  }
0x1d1: {  	s0 =	sand.u32 $0x1FFFFFF0, s22  }
0x1d2: {  	s23 =	sadd.s32 $0x6B00, s6;
	s26 =	spop (v2sf);
	s0 =	sadd.s32 s5, s0  }
0x1d3: {  	(v2sf) =	vpush v0, $0xF;
	[tilespmem:s23], [sflag:$0x2] =	stream.linear.gather [hbm4b:s0+s2], $0x80, $0x38;
	[tilespmem:$0x14A80] =	vst v63  }
0x1d4: {  	s0 =	sand.u32 $0x1FFFFFF0, s24  }
0x1d5: {  	s25 =	sadd.s32 $0x6B80, s6;
	s0 =	sadd.s32 s5, s0  }
0x1d6: {  	[tilespmem:s25], [sflag:$0x2] =	stream.linear.gather [hbm4b:s0+s2], $0x80, $0x38;
	[tilespmem:$0x14A80] =	vst v63  }
0x1d7: {  	s0 =	sand.u32 $0x1FFFFFF0, s26  }
0x1d8: {  	s28 =	sadd.s32 $0x6C00, s6;
	s0 =	sadd.s32 s5, s0  }
0x1d9: {  	[tilespmem:s28], [sflag:$0x2] =	stream.linear.gather [hbm4b:s0+s2], $0x80, $0x38;
	[tilespmem:$0x14A80] =	vst v63  }
0x1da: {  	s29 =	spop (v2sf)  }
0x1db: {  	s0 =	sand.u32 $0x1FFFFFF0, s29  }
0x1dc: {  	s30 =	sadd.s32 $0x6C80, s6;
	s1 =	spop (v2sf);
	s0 =	sadd.s32 s5, s0  }
0x1dd: {  	[tilespmem:s30], [sflag:$0x2] =	stream.linear.gather [hbm4b:s0+s2], $0x80, $0x38;
	[tilespmem:$0x14A80] =	vst v63  }
0x1de: {  	s0 =	sand.u32 $0x1FFFFFF0, s1  }
0x1df: {  	s3 =	sadd.s32 $0x6D00, s6;
	s4 =	spop (v2sf);
	s0 =	sadd.s32 s5, s0  }
0x1e0: {  	[tilespmem:s3], [sflag:$0x2] =	stream.linear.gather [hbm4b:s0+s2], $0x80, $0x38;
	[tilespmem:$0x14A80] =	vst v63  }
0x1e1: {  	s0 =	sand.u32 $0x1FFFFFF0, s4  }
0x1e2: {  	s8 =	sadd.s32 $0x6D80, s6;
	s11 =	spop (v2sf);
	s0 =	sadd.s32 s5, s0  }
0x1e3: {  	[tilespmem:s8], [sflag:$0x2] =	stream.linear.gather [hbm4b:s0+s2], $0x80, $0x38;
	[tilespmem:$0x14A80] =	vst v63  }
0x1e4: {  	s0 =	sand.u32 $0x1FFFFFF0, s11  }
0x1e5: {  	s13 =	sadd.s32 $0x6E00, s6;
	s0 =	sadd.s32 s5, s0  }
0x1e6: {  	[tilespmem:s13], [sflag:$0x2] =	stream.linear.gather [hbm4b:s0+s2], $0x80, $0x38;
	[tilespmem:$0x14A80] =	vst v63  }
0x1e7: {  	v63 =	vld.msk [tilespmem:$0x1C0], $0xff;
	_ =	sdelay $0x4  }
0x1e8: {  	v0 =	vshll.u32 v63, $0x4  }
0x1e9: {  	(v2sf) =	vpush v0, $0x0;
	_ =	sdelay $0x1  }
0x1ea: {  	(v2sf) =	vpush v0, $0x1;
	_ =	sdelay $0x1  }
0x1eb: {  	(v2sf) =	vpush v0, $0x2;
	_ =	sdelay $0x2  }
0x1ec: {  	(v2sf) =	vpush v0, $0x3;
	_ =	sdelay $0x7  }
0x1ed: {  	s14 =	spop (v2sf);
	(v2sf) =	vpush v0, $0x4;
	_ =	sdelay $0x1  }
0x1ee: {  	s16 =	spop (v2sf);
	(v2sf) =	vpush v0, $0x5  }
0x1ef: {  	s15 =	simm.s32 $0xC680;
	s0 =	sand.u32 $0x1FFFFFF0, s14  }
0x1f0: {  	s3 =	simm.s32 $0x0;
	s0 =	sadd.s32 s5, s0;
	s18 =	spop (v2sf)  }
0x1f1: {  	(v2sf) =	vpush v0, $0x6;
	[tilespmem:s15], [sflag:$0x2] =	stream.linear.gather [hbm4b:s0+s3], $0x80, $0x38;
	[tilespmem:$0x14A80] =	vst v63  }
0x1f2: {  	s0 =	sand.u32 $0x1FFFFFF0, s16  }
0x1f3: {  	s17 =	simm.s32 $0xC700;
	s20 =	spop (v2sf);
	s0 =	sadd.s32 s5, s0  }
0x1f4: {  	(v2sf) =	vpush v0, $0x7;
	[tilespmem:s17], [sflag:$0x2] =	stream.linear.gather [hbm4b:s0+s3], $0x80, $0x38;
	[tilespmem:$0x14A80] =	vst v63  }
0x1f5: {  	s0 =	sand.u32 $0x1FFFFFF0, s18  }
0x1f6: {  	s19 =	simm.s32 $0xC780;
	s0 =	sadd.s32 s5, s0  }
0x1f7: {  	[tilespmem:s19], [sflag:$0x2] =	stream.linear.gather [hbm4b:s0+s3], $0x80, $0x38;
	[tilespmem:$0x14A80] =	vst v63  }
0x1f8: {  	s0 =	sand.u32 $0x1FFFFFF0, s20  }
0x1f9: {  	s21 =	simm.s32 $0xC800;
	s0 =	sadd.s32 s5, s0  }
0x1fa: {  	[tilespmem:s21], [sflag:$0x2] =	stream.linear.gather [hbm4b:s0+s3], $0x80, $0x38;
	[tilespmem:$0x14A80] =	vst v63  }
0x1fb: {  	s22 =	spop (v2sf)  }
0x1fc: {  	s0 =	sand.u32 $0x1FFFFFF0, s22  }
0x1fd: {  	s23 =	simm.s32 $0xC880;
	s24 =	spop (v2sf);
	s0 =	sadd.s32 s5, s0  }
0x1fe: {  	[tilespmem:s23], [sflag:$0x2] =	stream.linear.gather [hbm4b:s0+s3], $0x80, $0x38;
	[tilespmem:$0x14A80] =	vst v63  }
0x1ff: {  	s0 =	sand.u32 $0x1FFFFFF0, s24  }
0x200: {  	s25 =	simm.s32 $0xC900;
	s26 =	spop (v2sf);
	s0 =	sadd.s32 s5, s0  }
0x201: {  	[tilespmem:s25], [sflag:$0x2] =	stream.linear.gather [hbm4b:s0+s3], $0x80, $0x38;
	[tilespmem:$0x14A80] =	vst v63  }
0x202: {  	s0 =	sand.u32 $0x1FFFFFF0, s26  }
0x203: {  	s28 =	simm.s32 $0xC980;
	s29 =	spop (v2sf);
	s0 =	sadd.s32 s5, s0  }
0x204: {  	[tilespmem:s28], [sflag:$0x2] =	stream.linear.gather [hbm4b:s0+s3], $0x80, $0x38;
	[tilespmem:$0x14A80] =	vst v63  }
0x205: {  	s0 =	sand.u32 $0x1FFFFFF0, s29  }
0x206: {  	s31 =	rddreg [dreg:$0x3];
	s30 =	simm.s32 $0xCA00;
	s0 =	sadd.s32 s5, s0  }
0x207: {  	[tilespmem:s30], [sflag:$0x2] =	stream.linear.gather [hbm4b:s0+s3], $0x80, $0x38;
	[tilespmem:$0x14A80] =	vst v63  }
.LBB2_8:
0x208: {  	_ =	swait.ge [sflag:s7], $0x80  }
0x209: {  	[sflag:s7] =	ssyncset.done $0x0  }
0x20a: {  	[sflag:s7] =	ssyncadd.s32 $0xFFFFFF80  }
0x20b: {  	_ =	swait.ge [sflag:s7], $0x80  }
0x20c: {  	[sflag:s7] =	ssyncset.done $0x0  }
0x20d: {  	[sflag:s7] =	ssyncadd.s32 $0xFFFFFF80  }
0x20e: {  	_ =	swait.ge [sflag:s7], $0x80  }
0x20f: {  	[sflag:s7] =	ssyncset.done $0x0  }
0x210: {  	[sflag:s7] =	ssyncadd.s32 $0xFFFFFF80  }
0x211: {  	_ =	swait.ge [sflag:s7], $0x80  }
0x212: {  	[sflag:s7] =	ssyncset.done $0x0  }
0x213: {  	[sflag:s7] =	ssyncadd.s32 $0xFFFFFF80  }
0x214: {  	_ =	swait.ge [sflag:s7], $0x80  }
0x215: {  	[sflag:s7] =	ssyncset.done $0x0  }
0x216: {  	[sflag:s7] =	ssyncadd.s32 $0xFFFFFF80  }
0x217: {  	_ =	swait.ge [sflag:s7], $0x80  }
0x218: {  	[sflag:s7] =	ssyncset.done $0x0  }
0x219: {  	[sflag:s7] =	ssyncadd.s32 $0xFFFFFF80  }
0x21a: {  	_ =	swait.ge [sflag:s7], $0x80  }
0x21b: {  	[sflag:s7] =	ssyncset.done $0x0  }
0x21c: {  	[sflag:s7] =	ssyncadd.s32 $0xFFFFFF80  }
0x21d: {  	_ =	swait.ge [sflag:s7], $0x80  }
0x21e: {  	s6 =	simm.s32 $0x0;
	[sflag:s7] =	ssyncset.done $0x0  }
.LBB2_9:
0x21f: {  	s6 =	sadd.s32 $0x8, s6;
	[sflag:s7] =	ssyncadd.s32 $0xFFFFFF80;
	v4 =	vimm.f32 $0.0e+00;
	s8 =	simm.s32 $0x480  }
0x220: {  	_ =	swait.ge [sflag:s7], $0x80;
	p0 =	slt.u32 s6, $0xC0  }
0x221: {  	[sflag:s7] =	ssyncset.done $0x0  }
0x222: {  	[sflag:s7] =	ssyncadd.s32 $0xFFFFFF80  }
0x223: {  	_ =	swait.ge [sflag:s7], $0x80  }
0x224: {  	[sflag:s7] =	ssyncset.done $0x0  }
0x225: {  	[sflag:s7] =	ssyncadd.s32 $0xFFFFFF80  }
0x226: {  	_ =	swait.ge [sflag:s7], $0x80  }
0x227: {  	[sflag:s7] =	ssyncset.done $0x0  }
0x228: {  	[sflag:s7] =	ssyncadd.s32 $0xFFFFFF80  }
0x229: {  	_ =	swait.ge [sflag:s7], $0x80  }
0x22a: {  	[sflag:s7] =	ssyncset.done $0x0  }
0x22b: {  	[sflag:s7] =	ssyncadd.s32 $0xFFFFFF80  }
0x22c: {  	_ =	swait.ge [sflag:s7], $0x80  }
0x22d: {  	[sflag:s7] =	ssyncset.done $0x0  }
0x22e: {  	[sflag:s7] =	ssyncadd.s32 $0xFFFFFF80  }
0x22f: {  	_ =	swait.ge [sflag:s7], $0x80  }
0x230: {  	[sflag:s7] =	ssyncset.done $0x0  }
0x231: {  	[sflag:s7] =	ssyncadd.s32 $0xFFFFFF80  }
.Ltmp3:
0x232: {  	_ =	swait.ge [sflag:s7], $0x80;
	(pc) =	sbr.rel @p0 .LBB2_9-.Ltmp3, $4  }
0x233: {  	[sflag:s7] =	ssyncset.done $0x0  }
0x234: {  	[sflag:s7] =	ssyncadd.s32 $0xFFFFFF80  }
0x235: {  	_ =	swait.ge [sflag:s7], $0x80  }
0x236: {  	[sflag:s7] =	ssyncset.done $0x0  }
0x237: {  	[sflag:s7] =	ssyncadd.s32 $0xFFFFFF80  }
0x238: {  	v0 =	vld [tilespmem:s8+$0x180]  }
0x239: {  	v1 =	vld [tilespmem:s8+$0x190]  }
0x23a: {  	v2 =	vld [tilespmem:s8+$0x100]  }
0x23b: {  	v3 =	vld [tilespmem:s8+$0x110]  }
0x23c: {  	v9 =	vld [tilespmem:s8+$0x80]  }
0x23d: {  	v12 =	vld [tilespmem:s8+$0x90]  }
0x23e: {  	v7 =	vld [tilespmem:s8+$0x0]  }
0x23f: {  	v8 =	vld [tilespmem:s8+$0x10]  }
0x240: {  	v5 =	vld [tilespmem:s8+$0xFFFFFF80]  }
0x241: {  	v6 =	vld [tilespmem:s8+$0xFFFFFF90]  }
0x242: {  	v10 =	vld [tilespmem:s8+$0xFFFFFF00]  }
0x243: {  	v11 =	vld [tilespmem:s8+$0xFFFFFF10]  }
0x244: {  	v13 =	vld [tilespmem:s8+$0xFFFFFE80]  }
0x245: {  	v14 =	vld [tilespmem:s8+$0xFFFFFE90]  }
0x246: {  	v15 =	vld [tilespmem:s8+$0xFFFFFE00]  }
0x247: {  	v16 =	vld [tilespmem:s8+$0xFFFFFE10]  }
0x248: {  	v17 =	vld [tilespmem:s8+$0xFFFFFE20]  }
0x249: {  	v18 =	vld [tilespmem:s8+$0xFFFFFE30]  }
0x24a: {  	v19 =	vld [tilespmem:s8+$0xFFFFFEA0]  }
0x24b: {  	v20 =	vld [tilespmem:s8+$0xFFFFFEB0]  }
0x24c: {  	v21 =	vld [tilespmem:s8+$0xFFFFFF20]  }
0x24d: {  	v22 =	vld [tilespmem:s8+$0xFFFFFF30];
	v15 =	vadd.f32 v15, v4;
	v16 =	vadd.f32 v16, v4  }
0x24e: {  	v58 =	vld [tilespmem:s8+$0xFFFFFFA0];
	v17 =	vadd.f32 v17, v4;
	v4 =	vadd.f32 v18, v4  }
0x24f: {  	v13 =	vadd.f32 v13, v15;
	v14 =	vadd.f32 v14, v16;
	v15 =	vld [tilespmem:s8+$0xFFFFFFB0]  }
0x250: {  	v60 =	vld [tilespmem:s8+$0x20];
	v59 =	vadd.f32 v19, v17;
	v4 =	vadd.f32 v20, v4  }
0x251: {  	v10 =	vadd.f32 v10, v13;
	v11 =	vadd.f32 v11, v14;
	v13 =	vld [tilespmem:s8+$0x30]  }
0x252: {  	v14 =	vadd.f32 v21, v59;
	v61 =	vadd.f32 v22, v4;
	v4 =	vld [tilespmem:s8+$0xA0]  }
0x253: {  	v10 =	vadd.f32 v5, v10;
	v11 =	vadd.f32 v6, v11;
	v6 =	vld [tilespmem:s8+$0xB0]  }
0x254: {  	v14 =	vadd.f32 v58, v14;
	v5 =	vld [tilespmem:s8+$0x120];
	v15 =	vadd.f32 v15, v61  }
0x255: {  	v62 =	vadd.f32 v7, v10;
	v63 =	vadd.f32 v8, v11;
	v8 =	vld [tilespmem:s8+$0x130]  }
0x256: {  	v11 =	vadd.f32 v60, v14;
	v7 =	vld [tilespmem:s8+$0x1A0];
	v10 =	vadd.f32 v13, v15  }
0x257: {  	s6 =	simm.s32 $0x0;
	v13 =	vadd.f32 v9, v62;
	v12 =	vadd.f32 v12, v63;
	v9 =	vld [tilespmem:s8+$0x1B0];
	s8 =	simm.s32 $0x880  }
.LBB2_11:
0x258: {  	v14 =	vld [tilespmem:s8+$0x180];
	v4 =	vadd.f32 v4, v11;
	v6 =	vadd.f32 v6, v10  }
0x259: {  	v10 =	vld [tilespmem:s8+$0x190];
	v11 =	vadd.f32 v2, v13;
	v12 =	vadd.f32 v3, v12  }
0x25a: {  	v2 =	vld [tilespmem:s8+$0x100];
	v4 =	vadd.f32 v5, v4;
	v5 =	vadd.f32 v8, v6  }
0x25b: {  	v3 =	vld [tilespmem:s8+$0x110];
	v6 =	vadd.f32 v0, v11;
	v8 =	vadd.f32 v1, v12  }
0x25c: {  	v12 =	vld [tilespmem:s8+$0x80];
	v4 =	vadd.f32 v7, v4;
	v5 =	vadd.f32 v9, v5  }
0x25d: {  	v9 =	vld [tilespmem:s8+$0x90];
	v0 =	vmov v14  }
0x25e: {  	v7 =	vld [tilespmem:s8+$0x0];
	v1 =	vmov v10  }
0x25f: {  	v10 =	vld [tilespmem:s8+$0x10]  }
0x260: {  	v11 =	vld [tilespmem:s8+$0xFFFFFF80]  }
0x261: {  	v13 =	vld [tilespmem:s8+$0xFFFFFF90]  }
0x262: {  	v14 =	vld [tilespmem:s8+$0xFFFFFF00]  }
0x263: {  	v15 =	vld [tilespmem:s8+$0xFFFFFF10]  }
0x264: {  	v16 =	vld [tilespmem:s8+$0xFFFFFE80]  }
0x265: {  	v17 =	vld [tilespmem:s8+$0xFFFFFE90]  }
0x266: {  	v18 =	vld [tilespmem:s8+$0xFFFFFE00]  }
0x267: {  	v19 =	vld [tilespmem:s8+$0xFFFFFE10]  }
0x268: {  	v20 =	vld [tilespmem:s8+$0xFFFFFE20]  }
0x269: {  	s6 =	sadd.s32 $0x8, s6;
	v21 =	vld [tilespmem:s8+$0xFFFFFE30]  }
0x26a: {  	p0 =	slt.u32 s6, $0xC0;
	v22 =	vld [tilespmem:s8+$0xFFFFFEA0]  }
0x26b: {  	v23 =	vld [tilespmem:s8+$0xFFFFFEB0]  }
0x26c: {  	v24 =	vld [tilespmem:s8+$0xFFFFFF20]  }
0x26d: {  	v6 =	vadd.f32 v18, v6;
	v8 =	vadd.f32 v19, v8;
	v18 =	vld [tilespmem:s8+$0xFFFFFF30]  }
0x26e: {  	v4 =	vadd.f32 v20, v4;
	v5 =	vadd.f32 v21, v5;
	v19 =	vld [tilespmem:s8+$0xFFFFFFA0]  }
0x26f: {  	v6 =	vadd.f32 v16, v6;
	v8 =	vadd.f32 v17, v8;
	v16 =	vld [tilespmem:s8+$0xFFFFFFB0]  }
0x270: {  	v4 =	vadd.f32 v22, v4;
	v5 =	vadd.f32 v23, v5;
	v17 =	vld [tilespmem:s8+$0x20]  }
0x271: {  	v6 =	vadd.f32 v14, v6;
	v8 =	vadd.f32 v15, v8;
	v14 =	vld [tilespmem:s8+$0x30]  }
0x272: {  	v15 =	vadd.f32 v24, v4;
	v5 =	vadd.f32 v18, v5;
	v4 =	vld [tilespmem:s8+$0xA0]  }
.Ltmp4:
0x273: {  	v11 =	vadd.f32 v11, v6;
	v8 =	vadd.f32 v13, v8;
	v6 =	vld [tilespmem:s8+$0xB0];
	(pc) =	sbr.rel @p0 .LBB2_11-.Ltmp4, $4  }
0x274: {  	v13 =	vadd.f32 v19, v15;
	v15 =	vadd.f32 v16, v5;
	v5 =	vld [tilespmem:s8+$0x120]  }
0x275: {  	v16 =	vadd.f32 v7, v11;
	v18 =	vadd.f32 v10, v8;
	v8 =	vld [tilespmem:s8+$0x130]  }
0x276: {  	v11 =	vadd.f32 v17, v13;
	v10 =	vadd.f32 v14, v15;
	v7 =	vld [tilespmem:s8+$0x1A0]  }
0x277: {  	v13 =	vadd.f32 v12, v16;
	v12 =	vadd.f32 v9, v18;
	v9 =	vld [tilespmem:s8+$0x1B0];
	s8 =	sadd.s32 $0x400, s8  }
0x278: {  	_ = 	snop  }
0x279: {  	v4 =	vadd.f32 v4, v11;
	v2 =	vadd.f32 v2, v13  }
0x27a: {  	v6 =	vadd.f32 v6, v10;
	v3 =	vadd.f32 v3, v12  }
0x27b: {  	v4 =	vadd.f32 v5, v4;
	v0 =	vadd.f32 v0, v2  }
0x27c: {  	v60 =	vadd.f32 v8, v6;
	v1 =	vadd.f32 v1, v3  }
0x27d: {  	s0 =	sshll.u32 s3, $0x8;
	p0 =	seq.s32 s3, $0x3F;
	v61 =	vadd.f32 v7, v4;
	v0 =	vmul.f32 $4.999999890e-03, v0  }
.Ltmp5:
0x27e: {  	s6 =	sand.u32 $0x3FFFFF00, s0;
	v2 =	vadd.f32 v9, v60;
	v1 =	vmul.f32 $4.999999890e-03, v1;
	(pc) =	sbr.rel @p0 .LBB2_16-.Ltmp5, $4  }
0x27f: {  	v62 =	vmul.f32 $4.999999890e-03, v61;
	[tilespmem:s6+$0xCA80] =	vst v0  }
0x280: {  	v63 =	vmul.f32 $4.999999890e-03, v2;
	[tilespmem:s6+$0xCA90] =	vst v1  }
0x281: {  	[tilespmem:s6+$0xCAA0] =	vst v62  }
0x282: {  	[dreg:$0xd] =	wrdreg s3;
	s0 =	sshll.u32 s3, $0x1;
	[tilespmem:s6+$0xCAB0] =	vst v63  }
0x283: {  	s3 =	sadd.s32 $0x2, s0  }
0x284: {  	[dreg:$0xe] =	wrdreg s0;
	s1 =	sadd.s32 s31, s3;
	s0 =	sshll.u32 s3, $0x4  }
0x285: {  	s3 =	rddreg [dreg:$0x4];
	s1 =	sshll.u32 s1, $0x5;
	s0 =	sand.u32 $0x60, s0  }
0x286: {  	s1 =	sand.u32 $0x3FF00, s1;
	s0 =	sadd.s32 s3, s0  }
0x287: {  	s4 =	simm.s32 $0x0;
	s0 =	sadd.s32 s1, s0  }
0x288: {  	[tilespmem:s4], [sflag:$0x4] =	stream.linear.gather [hbm4b:s0+s4], $0x80, $0x38;
	[tilespmem:$0x14A80] =	vst v63  }
0x289: {  	s8 =	simm.s32 $0x100;
	s0 =	sadd.s32 $0x80, s0  }
0x28a: {  	[tilespmem:s8], [sflag:$0x4] =	stream.linear.gather [hbm4b:s0+s4], $0x80, $0x38;
	[tilespmem:$0x14A80] =	vst v63  }
0x28b: {  	_ =	swait.ge [sflag:s12], $0x100  }
0x28c: {  	s11 =	sand.u32 $0x70, s4;
	s1 =	sand.u32 $0x100, s4;
	[sflag:s12] =	ssyncset.done $0x0  }
0x28d: {  	s0 =	sor.u32 s11, s1;
	[sflag:s12] =	ssyncadd.s32 $0xFFFFFF00  }
0x28e: {  	v0 =	vld [tilespmem:s0+$0x0];
	_ =	sdelay $0x4  }
0x28f: {  	v0 =	vshll.u32 v0, $0x4  }
0x290: {  	(v2sf) =	vpush v0, $0x0  }
0x291: {  	(v2sf) =	vpush v0, $0x1  }
0x292: {  	(v2sf) =	vpush v0, $0x2;
	_ =	sdelay $0x1  }
0x293: {  	(v2sf) =	vpush v0, $0x3;
	_ =	sdelay $0x1  }
0x294: {  	(v2sf) =	vpush v0, $0x4;
	_ =	sdelay $0x6  }
0x295: {  	(v2sf) =	vpush v0, $0x5  }
0x296: {  	s14 =	simm.s32 $0x10  }
0x297: {  	s15 =	simm.s32 $0x20;
	s17 =	simm.s32 $0x4000;
	s23 =	spop (v2sf)  }
0x298: {  	s13 =	simm.s32 $0x280;
	s3 =	sand.u32 $0x1FFFFFF0, s23;
	s23 =	spop (v2sf)  }
0x299: {  	(v2sf) =	vpush v0, $0x6;
	s3 =	sadd.s32 s5, s3;
	s26 =	sand.u32 $0x1FFFFFF0, s23;
	s30 =	spop (v2sf)  }
0x29a: {  	[tilespmem:s13], [sflag:$0x1] =	stream.linear.gather [hbm4b:s3+s2], $0x80, $0x38;
	[tilespmem:$0x14A80] =	vst v63  }
0x29b: {  	s12 =	simm.s32 $0x300;
	(v2sf) =	vpush v0, $0x7;
	s3 =	sadd.s32 s5, s26;
	s26 =	spop (v2sf)  }
0x29c: {  	[tilespmem:s12], [sflag:$0x1] =	stream.linear.gather [hbm4b:s3+s2], $0x80, $0x38;
	[tilespmem:$0x14A80] =	vst v63  }
0x29d: {  	s18 =	simm.s32 $0x20;
	s16 =	simm.s32 $0x0;
	s12 =	spop (v2sf);
	(v2sf) =	vpush v0, $0x8  }
0x29e: {  	s19 =	simm.s32 $0x40;
	s20 =	simm.s32 $0x900;
	s22 =	simm.s32 $0x800  }
0x29f: {  	s21 =	simm.s32 $0x880;
	s25 =	simm.s32 $0x680;
	s24 =	simm.s32 $0x700;
	(v2sf) =	vpush v0, $0x9  }
0x2a0: {  	s29 =	simm.s32 $0x580;
	s28 =	simm.s32 $0x600;
	s11 =	simm.s32 $0x2000  }
0x2a1: {  	s4 =	simm.s32 $0x380;
	s1 =	simm.s32 $0x400;
	s23 =	sand.u32 $0x1FFFFFF0, s30;
	(v2sf) =	vpush v0, $0xA  }
0x2a2: {  	s8 =	sand.u32 $0x1FFFFFF0, s26;
	s3 =	sadd.s32 s5, s23;
	s26 =	sand.u32 $0x1FFFFFF0, s12  }
0x2a3: {  	[tilespmem:s4], [sflag:$0x1] =	stream.linear.gather [hbm4b:s3+s2], $0x80, $0x38;
	(v2sf) =	vpush v0, $0xB;
	[tilespmem:$0x14A80] =	vst v63  }
0x2a4: {  	s13 =	sadd.s32 s5, s8;
	s30 =	spop (v2sf);
	s8 =	sadd.s32 s5, s26  }
0x2a5: {  	[tilespmem:s1], [sflag:$0x1] =	stream.linear.gather [hbm4b:s13+s2], $0x80, $0x38;
	(v2sf) =	vpush v0, $0xC;
	[tilespmem:$0x14A80] =	vst v63  }
0x2a6: {  	s12 =	sand.u32 $0x1FFFFFF0, s30;
	s26 =	simm.s32 $0x780;
	s1 =	simm.s32 $0x480  }
0x2a7: {  	(v2sf) =	vpush v0, $0xD;
	[tilespmem:s1], [sflag:$0x1] =	stream.linear.gather [hbm4b:s8+s2], $0x80, $0x38;
	[tilespmem:$0x14A80] =	vst v63  }
0x2a8: {  	s30 =	spop (v2sf);
	s23 =	sadd.s32 s5, s12;
	s13 =	simm.s32 $0x500  }
0x2a9: {  	(v2sf) =	vpush v0, $0xE;
	[tilespmem:s13], [sflag:$0x1] =	stream.linear.gather [hbm4b:s23+s2], $0x80, $0x38;
	[tilespmem:$0x14A80] =	vst v63  }
0x2aa: {  	s0 =	sand.u32 $0x1FFFFFF0, s30;
	s31 =	spop (v2sf);
	(v2sf) =	vpush v0, $0xF;
	s23 =	simm.s32 $0xA00  }
.LBB2_14:
0x2ab: {  	s0 =	sadd.s32 s5, s0  }
0x2ac: {  	s1 =	sand.u32 $0x1FFFFFF0, s31;
	s3 =	spop (v2sf);
	s30 =	smov.u32 s17  }
0x2ad: {  	[tilespmem:s29], [sflag:$0x1] =	stream.linear.gather [hbm4b:s0+s2], $0x80, $0x38;
	[tilespmem:$0x14A80] =	vst v63  }
0x2ae: {  	s0 =	sadd.s32 s5, s1;
	s1 =	sand.u32 $0x1FFFFFF0, s3;
	s3 =	spop (v2sf)  }
0x2af: {  	[tilespmem:s28], [sflag:$0x1] =	stream.linear.gather [hbm4b:s0+s2], $0x80, $0x38;
	[tilespmem:$0x14A80] =	vst v63  }
0x2b0: {  	s0 =	sadd.s32 s5, s1;
	s1 =	sand.u32 $0x1FFFFFF0, s3;
	s3 =	spop (v2sf)  }
0x2b1: {  	[tilespmem:s25], [sflag:$0x1] =	stream.linear.gather [hbm4b:s0+s2], $0x80, $0x38;
	[tilespmem:$0x14A80] =	vst v63  }
0x2b2: {  	s0 =	sadd.s32 s5, s1;
	s1 =	sand.u32 $0x1FFFFFF0, s3;
	s3 =	spop (v2sf)  }
0x2b3: {  	[tilespmem:s24], [sflag:$0x1] =	stream.linear.gather [hbm4b:s0+s2], $0x80, $0x38;
	[tilespmem:$0x14A80] =	vst v63  }
0x2b4: {  	s0 =	sadd.s32 s5, s1;
	s1 =	sand.u32 $0x1FFFFFF0, s3;
	s3 =	spop (v2sf)  }
0x2b5: {  	[tilespmem:s26], [sflag:$0x1] =	stream.linear.gather [hbm4b:s0+s2], $0x80, $0x38;
	[tilespmem:$0x14A80] =	vst v63  }
0x2b6: {  	s0 =	sadd.s32 s5, s1;
	s1 =	sand.u32 $0x1FFFFFF0, s3;
	s3 =	spop (v2sf)  }
0x2b7: {  	[tilespmem:s22], [sflag:$0x1] =	stream.linear.gather [hbm4b:s0+s2], $0x80, $0x38;
	[tilespmem:$0x14A80] =	vst v63  }
0x2b8: {  	s0 =	sadd.s32 s5, s1;
	s1 =	sand.u32 $0x1FFFFFF0, s3;
	s3 =	spop (v2sf)  }
0x2b9: {  	[tilespmem:s21], [sflag:$0x1] =	stream.linear.gather [hbm4b:s0+s2], $0x80, $0x38;
	[tilespmem:$0x14A80] =	vst v63  }
0x2ba: {  	s0 =	sadd.s32 s5, s1;
	s1 =	sand.u32 $0x1FFFFFF0, s3;
	s3 =	spop (v2sf)  }
0x2bb: {  	[tilespmem:s20], [sflag:$0x1] =	stream.linear.gather [hbm4b:s0+s2], $0x80, $0x38;
	[tilespmem:$0x14A80] =	vst v63  }
0x2bc: {  	s1 =	sadd.s32 s5, s1;
	s0 =	sadd.s32 $0x980, s16;
	s3 =	sand.u32 $0x1FFFFFF0, s3  }
0x2bd: {  	[tilespmem:s0], [sflag:$0x1] =	stream.linear.gather [hbm4b:s1+s2], $0x80, $0x38;
	[tilespmem:$0x14A80] =	vst v63  }
0x2be: {  	s3 =	sadd.s32 s5, s3;
	s0 =	sand.u32 $0x70, s14;
	s1 =	sand.u32 $0x100, s15  }
0x2bf: {  	[tilespmem:s23], [sflag:$0x1] =	stream.linear.gather [hbm4b:s3+s2], $0x80, $0x38;
	[tilespmem:$0x14A80] =	vst v63  }
0x2c0: {  	p1 =	sne.s32 s17, $0x16000;
	s17 =	sadd.s32 $0x2000, s17;
	s0 =	sor.u32 s0, s1  }
0x2c1: {  	s14 =	smov.u32 s18;
	s15 =	smov.u32 s19;
	v0 =	vld [tilespmem:s0+$0x0];
	_ =	sdelay $0x4  }
0x2c2: {  	s16 =	sshra.s32 s11, $0x2;
	s11 =	smov.u32 s30;
	s18 =	sadd.s32 $0x10, s18;
	v0 =	vshll.u32 v0, $0x4  }
0x2c3: {  	s20 =	sadd.s32 $0x900, s16;
	s19 =	sadd.s32 $0x20, s19;
	s0 =	sadd.s32 $0x300, s16;
	(v2sf) =	vpush v0, $0x0  }
0x2c4: {  	s22 =	sadd.s32 $0x800, s16;
	s21 =	sadd.s32 $0x880, s16;
	s1 =	sadd.s32 $0x280, s16;
	(v2sf) =	vpush v0, $0x1  }
0x2c5: {  	s25 =	sadd.s32 $0x680, s16;
	s24 =	sadd.s32 $0x700, s16;
	s26 =	sadd.s32 $0x780, s16;
	(v2sf) =	vpush v0, $0x2  }
0x2c6: {  	s29 =	sadd.s32 $0x580, s16;
	s28 =	sadd.s32 $0x600, s16  }
0x2c7: {  	s30 =	sadd.s32 $0x500, s16;
	(v2sf) =	vpush v0, $0x3  }
0x2c8: {  	s3 =	sadd.s32 $0x480, s16  }
0x2c9: {  	(v2sf) =	vpush v0, $0x4  }
0x2ca: {  	s23 =	sadd.s32 $0xA00, s16  }
0x2cb: {  	(v2sf) =	vpush v0, $0x5;
	_ =	sdelay $0x1  }
0x2cc: {  	s4 =	sadd.s32 $0x380, s16;
	(v2sf) =	vpush v0, $0x6;
	_ =	sdelay $0x1  }
0x2cd: {  	s31 =	sadd.s32 $0x400, s16;
	(v2sf) =	vpush v0, $0x7;
	_ =	sdelay $0x1  }
0x2ce: {  	(v2sf) =	vpush v0, $0x8  }
0x2cf: {  	s12 =	spop (v2sf)  }
0x2d0: {  	s12 =	sand.u32 $0x1FFFFFF0, s12;
	s8 =	spop (v2sf);
	(v2sf) =	vpush v0, $0x9  }
0x2d1: {  	s12 =	sadd.s32 s5, s12;
	s8 =	sand.u32 $0x1FFFFFF0, s8;
	s13 =	spop (v2sf)  }
0x2d2: {  	[tilespmem:s1], [sflag:$0x1] =	stream.linear.gather [hbm4b:s12+s2], $0x80, $0x38;
	(v2sf) =	vpush v0, $0xA;
	[tilespmem:$0x14A80] =	vst v63  }
0x2d3: {  	s1 =	sadd.s32 s5, s8;
	s8 =	sand.u32 $0x1FFFFFF0, s13;
	s12 =	spop (v2sf)  }
0x2d4: {  	[tilespmem:s0], [sflag:$0x1] =	stream.linear.gather [hbm4b:s1+s2], $0x80, $0x38;
	(v2sf) =	vpush v0, $0xB;
	[tilespmem:$0x14A80] =	vst v63  }
0x2d5: {  	s0 =	sadd.s32 s5, s8;
	s1 =	sand.u32 $0x1FFFFFF0, s12;
	s8 =	spop (v2sf)  }
0x2d6: {  	[tilespmem:s4], [sflag:$0x1] =	stream.linear.gather [hbm4b:s0+s2], $0x80, $0x38;
	(v2sf) =	vpush v0, $0xC;
	[tilespmem:$0x14A80] =	vst v63  }
0x2d7: {  	s0 =	sadd.s32 s5, s1;
	s1 =	sand.u32 $0x1FFFFFF0, s8;
	s4 =	spop (v2sf)  }
0x2d8: {  	[tilespmem:s31], [sflag:$0x1] =	stream.linear.gather [hbm4b:s0+s2], $0x80, $0x38;
	[tilespmem:$0x14A80] =	vst v63  }
.Ltmp6:
0x2d9: {  	(v2sf) =	vpush v0, $0xD;
	(pc) =	sbr.rel @p1 .LBB2_14-.Ltmp6, $4  }
0x2da: {  	s0 =	sadd.s32 s5, s1;
	s1 =	sand.u32 $0x1FFFFFF0, s4;
	s4 =	spop (v2sf)  }
0x2db: {  	[tilespmem:s3], [sflag:$0x1] =	stream.linear.gather [hbm4b:s0+s2], $0x80, $0x38;
	(v2sf) =	vpush v0, $0xE;
	[tilespmem:$0x14A80] =	vst v63  }
0x2dc: {  	s1 =	sadd.s32 s5, s1;
	s0 =	sand.u32 $0x1FFFFFF0, s4;
	s31 =	spop (v2sf)  }
0x2dd: {  	[tilespmem:s30], [sflag:$0x1] =	stream.linear.gather [hbm4b:s1+s2], $0x80, $0x38;
	(v2sf) =	vpush v0, $0xF;
	[tilespmem:$0x14A80] =	vst v63  }
0x2de: {  	s0 =	sadd.s32 s5, s0;
	s4 =	sand.u32 $0x1FFFFFF0, s31  }
0x2df: {  	[tilespmem:s29], [sflag:$0x1] =	stream.linear.gather [hbm4b:s0+s2], $0x80, $0x38;
	[tilespmem:$0x14A80] =	vst v63  }
0x2e0: {  	s8 =	spop (v2sf);
	s0 =	sadd.s32 s5, s4  }
0x2e1: {  	[tilespmem:s28], [sflag:$0x1] =	stream.linear.gather [hbm4b:s0+s2], $0x80, $0x38;
	[tilespmem:$0x14A80] =	vst v63  }
0x2e2: {  	s0 =	sand.u32 $0x1FFFFFF0, s8  }
0x2e3: {  	s12 =	spop (v2sf);
	s0 =	sadd.s32 s5, s0  }
0x2e4: {  	[tilespmem:s25], [sflag:$0x1] =	stream.linear.gather [hbm4b:s0+s2], $0x80, $0x38;
	[tilespmem:$0x14A80] =	vst v63  }
0x2e5: {  	s0 =	sand.u32 $0x1FFFFFF0, s12  }
0x2e6: {  	s13 =	spop (v2sf);
	s0 =	sadd.s32 s5, s0  }
0x2e7: {  	[tilespmem:s24], [sflag:$0x1] =	stream.linear.gather [hbm4b:s0+s2], $0x80, $0x38;
	[tilespmem:$0x14A80] =	vst v63  }
0x2e8: {  	s0 =	sand.u32 $0x1FFFFFF0, s13  }
0x2e9: {  	s17 =	spop (v2sf);
	s0 =	sadd.s32 s5, s0  }
0x2ea: {  	[tilespmem:s26], [sflag:$0x1] =	stream.linear.gather [hbm4b:s0+s2], $0x80, $0x38;
	[tilespmem:$0x14A80] =	vst v63  }
0x2eb: {  	s0 =	sand.u32 $0x1FFFFFF0, s17  }
0x2ec: {  	s18 =	spop (v2sf);
	s0 =	sadd.s32 s5, s0  }
0x2ed: {  	[tilespmem:s22], [sflag:$0x1] =	stream.linear.gather [hbm4b:s0+s2], $0x80, $0x38;
	[tilespmem:$0x14A80] =	vst v63  }
0x2ee: {  	s0 =	sand.u32 $0x1FFFFFF0, s18  }
0x2ef: {  	s19 =	spop (v2sf);
	s0 =	sadd.s32 s5, s0  }
0x2f0: {  	[tilespmem:s21], [sflag:$0x1] =	stream.linear.gather [hbm4b:s0+s2], $0x80, $0x38;
	[tilespmem:$0x14A80] =	vst v63  }
0x2f1: {  	s0 =	sand.u32 $0x1FFFFFF0, s19  }
0x2f2: {  	s21 =	spop (v2sf);
	s0 =	sadd.s32 s5, s0  }
0x2f3: {  	[tilespmem:s20], [sflag:$0x1] =	stream.linear.gather [hbm4b:s0+s2], $0x80, $0x38;
	[tilespmem:$0x14A80] =	vst v63  }
0x2f4: {  	s0 =	sand.u32 $0x1FFFFFF0, s21  }
0x2f5: {  	s1 =	sadd.s32 $0x980, s16;
	s22 =	spop (v2sf);
	s0 =	sadd.s32 s5, s0  }
0x2f6: {  	[tilespmem:s1], [sflag:$0x1] =	stream.linear.gather [hbm4b:s0+s2], $0x80, $0x38;
	[tilespmem:$0x14A80] =	vst v63  }
0x2f7: {  	s0 =	sand.u32 $0x1FFFFFF0, s22  }
0x2f8: {  	s25 =	sand.u32 $0x100, s15;
	s24 =	sand.u32 $0x70, s14;
	s0 =	sadd.s32 s5, s0  }
0x2f9: {  	[tilespmem:s23], [sflag:$0x1] =	stream.linear.gather [hbm4b:s0+s2], $0x80, $0x38;
	[tilespmem:$0x14A80] =	vst v63  }
0x2fa: {  	s0 =	sor.u32 s24, s25  }
0x2fb: {  	v0 =	vld [tilespmem:s0+$0x0];
	_ =	sdelay $0x4  }
0x2fc: {  	v0 =	vshll.u32 v0, $0x4  }
0x2fd: {  	(v2sf) =	vpush v0, $0x0;
	_ =	sdelay $0x1  }
0x2fe: {  	(v2sf) =	vpush v0, $0x1;
	_ =	sdelay $0x1  }
0x2ff: {  	(v2sf) =	vpush v0, $0x2;
	_ =	sdelay $0x2  }
0x300: {  	(v2sf) =	vpush v0, $0x3;
	_ =	sdelay $0x7  }
0x301: {  	s26 =	spop (v2sf);
	(v2sf) =	vpush v0, $0x4;
	_ =	sdelay $0x1  }
0x302: {  	s29 =	spop (v2sf);
	(v2sf) =	vpush v0, $0x5;
	_ =	sdelay $0x1  }
0x303: {  	s1 =	spop (v2sf);
	(v2sf) =	vpush v0, $0x6;
	_ =	sdelay $0x1  }
0x304: {  	s11 =	sshra.s32 s11, $0x2;
	s0 =	sand.u32 $0x1FFFFFF0, s26  }
0x305: {  	s28 =	sadd.s32 $0x280, s11;
	s0 =	sadd.s32 s5, s0;
	s4 =	spop (v2sf);
	(v2sf) =	vpush v0, $0x7  }
0x306: {  	[tilespmem:s28], [sflag:$0x1] =	stream.linear.gather [hbm4b:s0+s2], $0x80, $0x38;
	[tilespmem:$0x14A80] =	vst v63  }
0x307: {  	s0 =	sand.u32 $0x1FFFFFF0, s29  }
0x308: {  	s30 =	sadd.s32 $0x300, s11;
	s0 =	sadd.s32 s5, s0  }
0x309: {  	[tilespmem:s30], [sflag:$0x1] =	stream.linear.gather [hbm4b:s0+s2], $0x80, $0x38;
	[tilespmem:$0x14A80] =	vst v63  }
0x30a: {  	s0 =	sand.u32 $0x1FFFFFF0, s1  }
0x30b: {  	s3 =	sadd.s32 $0x380, s11;
	s0 =	sadd.s32 s5, s0  }
0x30c: {  	[tilespmem:s3], [sflag:$0x1] =	stream.linear.gather [hbm4b:s0+s2], $0x80, $0x38;
	[tilespmem:$0x14A80] =	vst v63  }
0x30d: {  	s12 =	spop (v2sf);
	(v2sf) =	vpush v0, $0x8  }
0x30e: {  	s0 =	sand.u32 $0x1FFFFFF0, s4  }
0x30f: {  	s8 =	sadd.s32 $0x400, s11;
	s0 =	sadd.s32 s5, s0;
	s14 =	spop (v2sf);
	(v2sf) =	vpush v0, $0x9  }
0x310: {  	[tilespmem:s8], [sflag:$0x1] =	stream.linear.gather [hbm4b:s0+s2], $0x80, $0x38;
	[tilespmem:$0x14A80] =	vst v63  }
0x311: {  	s0 =	sand.u32 $0x1FFFFFF0, s12;
	s16 =	spop (v2sf);
	(v2sf) =	vpush v0, $0xA  }
0x312: {  	s13 =	sadd.s32 $0x480, s11;
	s0 =	sadd.s32 s5, s0  }
0x313: {  	[tilespmem:s13], [sflag:$0x1] =	stream.linear.gather [hbm4b:s0+s2], $0x80, $0x38;
	[tilespmem:$0x14A80] =	vst v63  }
0x314: {  	s18 =	spop (v2sf);
	(v2sf) =	vpush v0, $0xB  }
0x315: {  	s0 =	sand.u32 $0x1FFFFFF0, s14  }
0x316: {  	s15 =	sadd.s32 $0x500, s11;
	s0 =	sadd.s32 s5, s0  }
0x317: {  	[tilespmem:s15], [sflag:$0x1] =	stream.linear.gather [hbm4b:s0+s2], $0x80, $0x38;
	[tilespmem:$0x14A80] =	vst v63  }
0x318: {  	s0 =	sand.u32 $0x1FFFFFF0, s16  }
0x319: {  	s17 =	sadd.s32 $0x580, s11;
	s0 =	sadd.s32 s5, s0  }
0x31a: {  	[tilespmem:s17], [sflag:$0x1] =	stream.linear.gather [hbm4b:s0+s2], $0x80, $0x38;
	[tilespmem:$0x14A80] =	vst v63  }
0x31b: {  	s0 =	sand.u32 $0x1FFFFFF0, s18  }
0x31c: {  	s19 =	sadd.s32 $0x600, s11;
	s0 =	sadd.s32 s5, s0;
	s20 =	spop (v2sf);
	(v2sf) =	vpush v0, $0xC  }
0x31d: {  	[tilespmem:s19], [sflag:$0x1] =	stream.linear.gather [hbm4b:s0+s2], $0x80, $0x38;
	[tilespmem:$0x14A80] =	vst v63  }
0x31e: {  	s22 =	spop (v2sf);
	(v2sf) =	vpush v0, $0xD  }
0x31f: {  	s0 =	sand.u32 $0x1FFFFFF0, s20  }
0x320: {  	s21 =	sadd.s32 $0x680, s11;
	s0 =	sadd.s32 s5, s0;
	s24 =	spop (v2sf)  }
0x321: {  	(v2sf) =	vpush v0, $0xE;
	[tilespmem:s21], [sflag:$0x1] =	stream.linear.gather [hbm4b:s0+s2], $0x80, $0x38;
	[tilespmem:$0x14A80] =	vst v63  }
0x322: {  	s0 =	sand.u32 $0x1FFFFFF0, s22  }
0x323: {  	s23 =	sadd.s32 $0x700, s11;
	s26 =	spop (v2sf);
	s0 =	sadd.s32 s5, s0  }
0x324: {  	(v2sf) =	vpush v0, $0xF;
	[tilespmem:s23], [sflag:$0x1] =	stream.linear.gather [hbm4b:s0+s2], $0x80, $0x38;
	[tilespmem:$0x14A80] =	vst v63  }
0x325: {  	s0 =	sand.u32 $0x1FFFFFF0, s24  }
0x326: {  	s25 =	sadd.s32 $0x780, s11;
	s0 =	sadd.s32 s5, s0  }
0x327: {  	[tilespmem:s25], [sflag:$0x1] =	stream.linear.gather [hbm4b:s0+s2], $0x80, $0x38;
	[tilespmem:$0x14A80] =	vst v63  }
0x328: {  	s0 =	sand.u32 $0x1FFFFFF0, s26  }
0x329: {  	s28 =	sadd.s32 $0x800, s11;
	s0 =	sadd.s32 s5, s0  }
0x32a: {  	[tilespmem:s28], [sflag:$0x1] =	stream.linear.gather [hbm4b:s0+s2], $0x80, $0x38;
	[tilespmem:$0x14A80] =	vst v63  }
0x32b: {  	s29 =	spop (v2sf)  }
0x32c: {  	s0 =	sand.u32 $0x1FFFFFF0, s29  }
0x32d: {  	s30 =	sadd.s32 $0x880, s11;
	s1 =	spop (v2sf);
	s0 =	sadd.s32 s5, s0  }
0x32e: {  	[tilespmem:s30], [sflag:$0x1] =	stream.linear.gather [hbm4b:s0+s2], $0x80, $0x38;
	[tilespmem:$0x14A80] =	vst v63  }
0x32f: {  	s0 =	sand.u32 $0x1FFFFFF0, s1  }
0x330: {  	s3 =	sadd.s32 $0x900, s11;
	s4 =	spop (v2sf);
	s0 =	sadd.s32 s5, s0  }
0x331: {  	[tilespmem:s3], [sflag:$0x1] =	stream.linear.gather [hbm4b:s0+s2], $0x80, $0x38;
	[tilespmem:$0x14A80] =	vst v63  }
0x332: {  	s0 =	sand.u32 $0x1FFFFFF0, s4  }
0x333: {  	s8 =	sadd.s32 $0x980, s11;
	s12 =	spop (v2sf);
	s0 =	sadd.s32 s5, s0  }
0x334: {  	[tilespmem:s8], [sflag:$0x1] =	stream.linear.gather [hbm4b:s0+s2], $0x80, $0x38;
	[tilespmem:$0x14A80] =	vst v63  }
0x335: {  	s0 =	sand.u32 $0x1FFFFFF0, s12  }
0x336: {  	s13 =	sadd.s32 $0xA00, s11;
	s0 =	sadd.s32 s5, s0  }
0x337: {  	[tilespmem:s13], [sflag:$0x1] =	stream.linear.gather [hbm4b:s0+s2], $0x80, $0x38;
	[tilespmem:$0x14A80] =	vst v63  }
0x338: {  	v63 =	vld.msk [tilespmem:$0x140], $0xff;
	_ =	sdelay $0x4  }
0x339: {  	v0 =	vshll.u32 v63, $0x4  }
0x33a: {  	(v2sf) =	vpush v0, $0x0;
	_ =	sdelay $0x1  }
0x33b: {  	(v2sf) =	vpush v0, $0x1;
	_ =	sdelay $0x1  }
0x33c: {  	(v2sf) =	vpush v0, $0x2;
	_ =	sdelay $0x2  }
0x33d: {  	(v2sf) =	vpush v0, $0x3;
	_ =	sdelay $0x7  }
0x33e: {  	s14 =	spop (v2sf);
	(v2sf) =	vpush v0, $0x4;
	_ =	sdelay $0x1  }
0x33f: {  	s16 =	spop (v2sf);
	(v2sf) =	vpush v0, $0x5  }
0x340: {  	s0 =	sand.u32 $0x1FFFFFF0, s14  }
0x341: {  	s15 =	simm.s32 $0x6280;
	s0 =	sadd.s32 s5, s0;
	s18 =	spop (v2sf)  }
0x342: {  	(v2sf) =	vpush v0, $0x6;
	[tilespmem:s15], [sflag:$0x1] =	stream.linear.gather [hbm4b:s0+s2], $0x80, $0x38;
	[tilespmem:$0x14A80] =	vst v63  }
0x343: {  	s0 =	sand.u32 $0x1FFFFFF0, s16  }
0x344: {  	s17 =	simm.s32 $0x6300;
	s20 =	spop (v2sf);
	s0 =	sadd.s32 s5, s0  }
0x345: {  	(v2sf) =	vpush v0, $0x7;
	[tilespmem:s17], [sflag:$0x1] =	stream.linear.gather [hbm4b:s0+s2], $0x80, $0x38;
	[tilespmem:$0x14A80] =	vst v63  }
0x346: {  	s0 =	sand.u32 $0x1FFFFFF0, s18  }
0x347: {  	s19 =	simm.s32 $0x6380;
	s0 =	sadd.s32 s5, s0  }
0x348: {  	[tilespmem:s19], [sflag:$0x1] =	stream.linear.gather [hbm4b:s0+s2], $0x80, $0x38;
	[tilespmem:$0x14A80] =	vst v63  }
0x349: {  	s0 =	sand.u32 $0x1FFFFFF0, s20  }
0x34a: {  	s21 =	simm.s32 $0x6400;
	s0 =	sadd.s32 s5, s0  }
0x34b: {  	[tilespmem:s21], [sflag:$0x1] =	stream.linear.gather [hbm4b:s0+s2], $0x80, $0x38;
	[tilespmem:$0x14A80] =	vst v63  }
0x34c: {  	s22 =	spop (v2sf)  }
0x34d: {  	s0 =	sand.u32 $0x1FFFFFF0, s22  }
0x34e: {  	s23 =	simm.s32 $0x6480;
	s24 =	spop (v2sf);
	s0 =	sadd.s32 s5, s0  }
0x34f: {  	[tilespmem:s23], [sflag:$0x1] =	stream.linear.gather [hbm4b:s0+s2], $0x80, $0x38;
	[tilespmem:$0x14A80] =	vst v63  }
0x350: {  	s0 =	sand.u32 $0x1FFFFFF0, s24  }
0x351: {  	s25 =	simm.s32 $0x6500;
	s26 =	spop (v2sf);
	s0 =	sadd.s32 s5, s0  }
0x352: {  	[tilespmem:s25], [sflag:$0x1] =	stream.linear.gather [hbm4b:s0+s2], $0x80, $0x38;
	[tilespmem:$0x14A80] =	vst v63  }
0x353: {  	s0 =	sand.u32 $0x1FFFFFF0, s26  }
0x354: {  	s28 =	simm.s32 $0x6580;
	s29 =	spop (v2sf);
	s0 =	sadd.s32 s5, s0  }
0x355: {  	[tilespmem:s28], [sflag:$0x1] =	stream.linear.gather [hbm4b:s0+s2], $0x80, $0x38;
	[tilespmem:$0x14A80] =	vst v63  }
0x356: {  	s0 =	sand.u32 $0x1FFFFFF0, s29  }
0x357: {  	s31 =	rddreg [dreg:$0x3];
	s30 =	simm.s32 $0x6600;
	s0 =	sadd.s32 s5, s0  }
0x358: {  	[tilespmem:s30], [sflag:$0x1] =	stream.linear.gather [hbm4b:s0+s2], $0x80, $0x38;
	[tilespmem:$0x14A80] =	vst v63  }
0x359: {  	s12 =	simm.s32 $0x4;
	s0 =	rddreg [dreg:$0xe]  }
.LBB2_16:
0x35a: {  	_ =	swait.ge [sflag:s9], $0x80  }
0x35b: {  	[sflag:s9] =	ssyncset.done $0x0  }
0x35c: {  	[sflag:s9] =	ssyncadd.s32 $0xFFFFFF80  }
0x35d: {  	_ =	swait.ge [sflag:s9], $0x80  }
0x35e: {  	[sflag:s9] =	ssyncset.done $0x0  }
0x35f: {  	[sflag:s9] =	ssyncadd.s32 $0xFFFFFF80  }
0x360: {  	_ =	swait.ge [sflag:s9], $0x80  }
0x361: {  	[sflag:s9] =	ssyncset.done $0x0  }
0x362: {  	[sflag:s9] =	ssyncadd.s32 $0xFFFFFF80  }
0x363: {  	_ =	swait.ge [sflag:s9], $0x80  }
0x364: {  	[sflag:s9] =	ssyncset.done $0x0  }
0x365: {  	[sflag:s9] =	ssyncadd.s32 $0xFFFFFF80  }
0x366: {  	_ =	swait.ge [sflag:s9], $0x80  }
0x367: {  	[sflag:s9] =	ssyncset.done $0x0  }
0x368: {  	[sflag:s9] =	ssyncadd.s32 $0xFFFFFF80  }
0x369: {  	_ =	swait.ge [sflag:s9], $0x80  }
0x36a: {  	[sflag:s9] =	ssyncset.done $0x0  }
0x36b: {  	[sflag:s9] =	ssyncadd.s32 $0xFFFFFF80  }
0x36c: {  	_ =	swait.ge [sflag:s9], $0x80  }
0x36d: {  	[sflag:s9] =	ssyncset.done $0x0  }
0x36e: {  	[sflag:s9] =	ssyncadd.s32 $0xFFFFFF80  }
0x36f: {  	_ =	swait.ge [sflag:s9], $0x80  }
0x370: {  	s11 =	simm.s32 $0x0;
	[sflag:s9] =	ssyncset.done $0x0  }
.LBB2_17:
0x371: {  	s11 =	sadd.s32 $0x8, s11;
	[sflag:s9] =	ssyncadd.s32 $0xFFFFFF80;
	s14 =	simm.s32 $0x6880  }
0x372: {  	_ =	swait.ge [sflag:s9], $0x80;
	p1 =	slt.u32 s11, $0xC0  }
0x373: {  	[sflag:s9] =	ssyncset.done $0x0  }
0x374: {  	[sflag:s9] =	ssyncadd.s32 $0xFFFFFF80  }
0x375: {  	_ =	swait.ge [sflag:s9], $0x80  }
0x376: {  	[sflag:s9] =	ssyncset.done $0x0  }
0x377: {  	[sflag:s9] =	ssyncadd.s32 $0xFFFFFF80  }
0x378: {  	_ =	swait.ge [sflag:s9], $0x80  }
0x379: {  	[sflag:s9] =	ssyncset.done $0x0  }
0x37a: {  	[sflag:s9] =	ssyncadd.s32 $0xFFFFFF80  }
0x37b: {  	_ =	swait.ge [sflag:s9], $0x80  }
0x37c: {  	[sflag:s9] =	ssyncset.done $0x0  }
0x37d: {  	[sflag:s9] =	ssyncadd.s32 $0xFFFFFF80  }
0x37e: {  	_ =	swait.ge [sflag:s9], $0x80  }
0x37f: {  	[sflag:s9] =	ssyncset.done $0x0  }
0x380: {  	[sflag:s9] =	ssyncadd.s32 $0xFFFFFF80  }
0x381: {  	_ =	swait.ge [sflag:s9], $0x80  }
0x382: {  	[sflag:s9] =	ssyncset.done $0x0  }
0x383: {  	[sflag:s9] =	ssyncadd.s32 $0xFFFFFF80  }
.Ltmp7:
0x384: {  	_ =	swait.ge [sflag:s9], $0x80;
	(pc) =	sbr.rel @p1 .LBB2_17-.Ltmp7, $4  }
0x385: {  	[sflag:s9] =	ssyncset.done $0x0  }
0x386: {  	[sflag:s9] =	ssyncadd.s32 $0xFFFFFF80  }
0x387: {  	_ =	swait.ge [sflag:s9], $0x80  }
0x388: {  	[sflag:s9] =	ssyncset.done $0x0  }
0x389: {  	[sflag:s9] =	ssyncadd.s32 $0xFFFFFF80  }
0x38a: {  	v0 =	vld [tilespmem:s14+$0x180]  }
0x38b: {  	v1 =	vld [tilespmem:s14+$0x190]  }
0x38c: {  	v2 =	vld [tilespmem:s14+$0x100]  }
0x38d: {  	v3 =	vld [tilespmem:s14+$0x110]  }
0x38e: {  	v9 =	vld [tilespmem:s14+$0x80]  }
0x38f: {  	v12 =	vld [tilespmem:s14+$0x90]  }
0x390: {  	v7 =	vld [tilespmem:s14+$0x0]  }
0x391: {  	v8 =	vld [tilespmem:s14+$0x10]  }
0x392: {  	v5 =	vld [tilespmem:s14+$0xFFFFFF80]  }
0x393: {  	v6 =	vld [tilespmem:s14+$0xFFFFFF90]  }
0x394: {  	v4 =	vld [tilespmem:s14+$0xFFFFFF00]  }
0x395: {  	v10 =	vld [tilespmem:s14+$0xFFFFFF10]  }
0x396: {  	v11 =	vld [tilespmem:s14+$0xFFFFFE80]  }
0x397: {  	v13 =	vld [tilespmem:s14+$0xFFFFFE90]  }
0x398: {  	v14 =	vld [tilespmem:s14+$0xFFFFFE00]  }
0x399: {  	v15 =	vld [tilespmem:s14+$0xFFFFFE10]  }
0x39a: {  	v16 =	vld [tilespmem:s14+$0xFFFFFE20]  }
0x39b: {  	v17 =	vld [tilespmem:s14+$0xFFFFFE30]  }
0x39c: {  	v18 =	vld [tilespmem:s14+$0xFFFFFEA0]  }
0x39d: {  	v19 =	vld [tilespmem:s14+$0xFFFFFEB0]  }
0x39e: {  	v20 =	vimm.f32 $0.0e+00;
	v21 =	vld [tilespmem:s14+$0xFFFFFF20]  }
0x39f: {  	v22 =	vld [tilespmem:s14+$0xFFFFFF30];
	v14 =	vadd.f32 v14, v20;
	v15 =	vadd.f32 v15, v20  }
0x3a0: {  	v59 =	vld [tilespmem:s14+$0xFFFFFFA0];
	v16 =	vadd.f32 v16, v20;
	v17 =	vadd.f32 v17, v20  }
0x3a1: {  	v11 =	vadd.f32 v11, v14;
	v13 =	vadd.f32 v13, v15;
	v14 =	vld [tilespmem:s14+$0xFFFFFFB0]  }
0x3a2: {  	v61 =	vld [tilespmem:s14+$0x20];
	v15 =	vadd.f32 v18, v16;
	v60 =	vadd.f32 v19, v17  }
0x3a3: {  	v11 =	vadd.f32 v4, v11;
	v10 =	vadd.f32 v10, v13;
	v13 =	vld [tilespmem:s14+$0x30]  }
0x3a4: {  	v15 =	vadd.f32 v21, v15;
	v16 =	vadd.f32 v22, v60;
	v4 =	vld [tilespmem:s14+$0xA0]  }
0x3a5: {  	v11 =	vadd.f32 v5, v11;
	v10 =	vadd.f32 v6, v10;
	v6 =	vld [tilespmem:s14+$0xB0]  }
0x3a6: {  	v15 =	vadd.f32 v59, v15;
	v5 =	vld [tilespmem:s14+$0x120];
	v14 =	vadd.f32 v14, v16  }
0x3a7: {  	v62 =	vadd.f32 v7, v11;
	v63 =	vadd.f32 v8, v10;
	v8 =	vld [tilespmem:s14+$0x130]  }
0x3a8: {  	v11 =	vadd.f32 v61, v15;
	v7 =	vld [tilespmem:s14+$0x1A0];
	v10 =	vadd.f32 v13, v14  }
0x3a9: {  	s11 =	simm.s32 $0x0;
	v13 =	vadd.f32 v9, v62;
	v12 =	vadd.f32 v12, v63;
	v9 =	vld [tilespmem:s14+$0x1B0];
	s14 =	simm.s32 $0x6C80  }
.LBB2_19:
0x3aa: {  	v14 =	vld [tilespmem:s14+$0x180];
	v4 =	vadd.f32 v4, v11;
	v6 =	vadd.f32 v6, v10  }
0x3ab: {  	v10 =	vld [tilespmem:s14+$0x190];
	v11 =	vadd.f32 v2, v13;
	v12 =	vadd.f32 v3, v12  }
0x3ac: {  	v2 =	vld [tilespmem:s14+$0x100];
	v4 =	vadd.f32 v5, v4;
	v5 =	vadd.f32 v8, v6  }
0x3ad: {  	v3 =	vld [tilespmem:s14+$0x110];
	v6 =	vadd.f32 v0, v11;
	v8 =	vadd.f32 v1, v12  }
0x3ae: {  	v12 =	vld [tilespmem:s14+$0x80];
	v4 =	vadd.f32 v7, v4;
	v5 =	vadd.f32 v9, v5  }
0x3af: {  	v9 =	vld [tilespmem:s14+$0x90];
	v0 =	vmov v14  }
0x3b0: {  	v7 =	vld [tilespmem:s14+$0x0];
	v1 =	vmov v10  }
0x3b1: {  	v10 =	vld [tilespmem:s14+$0x10]  }
0x3b2: {  	v11 =	vld [tilespmem:s14+$0xFFFFFF80]  }
0x3b3: {  	v13 =	vld [tilespmem:s14+$0xFFFFFF90]  }
0x3b4: {  	v14 =	vld [tilespmem:s14+$0xFFFFFF00]  }
0x3b5: {  	v15 =	vld [tilespmem:s14+$0xFFFFFF10]  }
0x3b6: {  	v16 =	vld [tilespmem:s14+$0xFFFFFE80]  }
0x3b7: {  	v17 =	vld [tilespmem:s14+$0xFFFFFE90]  }
0x3b8: {  	v18 =	vld [tilespmem:s14+$0xFFFFFE00]  }
0x3b9: {  	v19 =	vld [tilespmem:s14+$0xFFFFFE10]  }
0x3ba: {  	v20 =	vld [tilespmem:s14+$0xFFFFFE20]  }
0x3bb: {  	s11 =	sadd.s32 $0x8, s11;
	v21 =	vld [tilespmem:s14+$0xFFFFFE30]  }
0x3bc: {  	p1 =	slt.u32 s11, $0xC0;
	v22 =	vld [tilespmem:s14+$0xFFFFFEA0]  }
0x3bd: {  	v23 =	vld [tilespmem:s14+$0xFFFFFEB0]  }
0x3be: {  	v24 =	vld [tilespmem:s14+$0xFFFFFF20]  }
0x3bf: {  	v6 =	vadd.f32 v18, v6;
	v8 =	vadd.f32 v19, v8;
	v18 =	vld [tilespmem:s14+$0xFFFFFF30]  }
0x3c0: {  	v4 =	vadd.f32 v20, v4;
	v5 =	vadd.f32 v21, v5;
	v19 =	vld [tilespmem:s14+$0xFFFFFFA0]  }
0x3c1: {  	v6 =	vadd.f32 v16, v6;
	v8 =	vadd.f32 v17, v8;
	v16 =	vld [tilespmem:s14+$0xFFFFFFB0]  }
0x3c2: {  	v4 =	vadd.f32 v22, v4;
	v5 =	vadd.f32 v23, v5;
	v17 =	vld [tilespmem:s14+$0x20]  }
0x3c3: {  	v6 =	vadd.f32 v14, v6;
	v8 =	vadd.f32 v15, v8;
	v14 =	vld [tilespmem:s14+$0x30]  }
0x3c4: {  	v15 =	vadd.f32 v24, v4;
	v5 =	vadd.f32 v18, v5;
	v4 =	vld [tilespmem:s14+$0xA0]  }
.Ltmp8:
0x3c5: {  	v11 =	vadd.f32 v11, v6;
	v8 =	vadd.f32 v13, v8;
	v6 =	vld [tilespmem:s14+$0xB0];
	(pc) =	sbr.rel @p1 .LBB2_19-.Ltmp8, $4  }
0x3c6: {  	v13 =	vadd.f32 v19, v15;
	v15 =	vadd.f32 v16, v5;
	v5 =	vld [tilespmem:s14+$0x120]  }
0x3c7: {  	v16 =	vadd.f32 v7, v11;
	v18 =	vadd.f32 v10, v8;
	v8 =	vld [tilespmem:s14+$0x130]  }
0x3c8: {  	v11 =	vadd.f32 v17, v13;
	v10 =	vadd.f32 v14, v15;
	v7 =	vld [tilespmem:s14+$0x1A0]  }
0x3c9: {  	v13 =	vadd.f32 v12, v16;
	v12 =	vadd.f32 v9, v18;
	v9 =	vld [tilespmem:s14+$0x1B0];
	s14 =	sadd.s32 $0x400, s14  }
0x3ca: {  	_ = 	snop  }
0x3cb: {  	v4 =	vadd.f32 v4, v11;
	v2 =	vadd.f32 v2, v13  }
0x3cc: {  	v6 =	vadd.f32 v6, v10;
	v3 =	vadd.f32 v3, v12  }
0x3cd: {  	v4 =	vadd.f32 v5, v4;
	v0 =	vadd.f32 v0, v2  }
0x3ce: {  	v60 =	vadd.f32 v8, v6;
	v1 =	vadd.f32 v1, v3  }
0x3cf: {  	v61 =	vadd.f32 v7, v4;
	v0 =	vmul.f32 $4.999999890e-03, v0  }
.Ltmp9:
0x3d0: {  	v2 =	vadd.f32 v9, v60;
	v1 =	vmul.f32 $4.999999890e-03, v1;
	(pc) =	sbr.rel @p0 .LBB2_24-.Ltmp9, $4  }
0x3d1: {  	v62 =	vmul.f32 $4.999999890e-03, v61;
	[tilespmem:s6+$0xCB00] =	vst v0  }
0x3d2: {  	v63 =	vmul.f32 $4.999999890e-03, v2;
	[tilespmem:s6+$0xCB10] =	vst v1  }
0x3d3: {  	[tilespmem:s6+$0xCB20] =	vst v62  }
0x3d4: {  	[tilespmem:s6+$0xCB30] =	vst v63  }
0x3d5: {  	s0 =	sadd.s32 $0x3, s0  }
0x3d6: {  	s1 =	sadd.s32 s31, s0;
	s0 =	sshll.u32 s0, $0x4  }
0x3d7: {  	s3 =	rddreg [dreg:$0x4];
	s1 =	sshll.u32 s1, $0x5;
	s0 =	sand.u32 $0x70, s0  }
0x3d8: {  	s1 =	sand.u32 $0x3FF00, s1;
	s0 =	sadd.s32 s3, s0  }
0x3d9: {  	s23 =	simm.s32 $0x0;
	s24 =	simm.s32 $0x80;
	s0 =	sadd.s32 s1, s0  }
0x3da: {  	[tilespmem:s24], [sflag:$0x4] =	stream.linear.gather [hbm4b:s0+s23], $0x80, $0x38;
	[tilespmem:$0x14A80] =	vst v63  }
0x3db: {  	s25 =	simm.s32 $0x180;
	s0 =	sadd.s32 $0x80, s0  }
0x3dc: {  	[tilespmem:s25], [sflag:$0x4] =	stream.linear.gather [hbm4b:s0+s23], $0x80, $0x38;
	[tilespmem:$0x14A80] =	vst v63  }
0x3dd: {  	_ =	swait.ge [sflag:s12], $0x100  }
0x3de: {  	s26 =	sand.u32 $0x70, s23;
	s1 =	sand.u32 $0x100, s23;
	[sflag:s12] =	ssyncset.done $0x0  }
0x3df: {  	s0 =	sor.u32 s26, s1;
	[sflag:s12] =	ssyncadd.s32 $0xFFFFFF00  }
0x3e0: {  	v0 =	vld [tilespmem:s0+$0x80];
	_ =	sdelay $0x4  }
0x3e1: {  	v0 =	vshll.u32 v0, $0x4  }
0x3e2: {  	(v2sf) =	vpush v0, $0x0  }
0x3e3: {  	(v2sf) =	vpush v0, $0x1  }
0x3e4: {  	(v2sf) =	vpush v0, $0x2;
	_ =	sdelay $0x1  }
0x3e5: {  	(v2sf) =	vpush v0, $0x3  }
0x3e6: {  	(v2sf) =	vpush v0, $0x4;
	_ =	sdelay $0x4  }
0x3e7: {  	(v2sf) =	vpush v0, $0x5;
	_ =	sdelay $0x1  }
0x3e8: {  	(v2sf) =	vpush v0, $0x6  }
0x3e9: {  	s6 =	simm.s32 $0x2000  }
0x3ea: {  	s8 =	simm.s32 $0x10;
	s11 =	simm.s32 $0x20;
	s15 =	simm.s32 $0x4000  }
0x3eb: {  	s16 =	simm.s32 $0x20;
	s14 =	simm.s32 $0x0;
	s12 =	spop (v2sf)  }
0x3ec: {  	s17 =	simm.s32 $0x40;
	(v2sf) =	vpush v0, $0x7;
	s3 =	sand.u32 $0x1FFFFFF0, s12;
	s13 =	spop (v2sf)  }
0x3ed: {  	s30 =	simm.s32 $0x6680;
	s3 =	sadd.s32 s5, s3;
	s25 =	spop (v2sf)  }
0x3ee: {  	[tilespmem:s30], [sflag:$0x2] =	stream.linear.gather [hbm4b:s3+s2], $0x80, $0x38;
	[tilespmem:$0x14A80] =	vst v63  }
0x3ef: {  	s28 =	simm.s32 $0x6700;
	s24 =	sand.u32 $0x1FFFFFF0, s13;
	s13 =	spop (v2sf)  }
0x3f0: {  	s18 =	simm.s32 $0x6D00;
	s20 =	simm.s32 $0x6C00;
	s30 =	spop (v2sf);
	(v2sf) =	vpush v0, $0x8  }
0x3f1: {  	s19 =	simm.s32 $0x6C80;
	s22 =	simm.s32 $0x6B00;
	s4 =	simm.s32 $0x6780  }
0x3f2: {  	s21 =	simm.s32 $0x6800;
	s3 =	sadd.s32 s5, s24;
	s12 =	sand.u32 $0x1FFFFFF0, s25;
	(v2sf) =	vpush v0, $0x9  }
0x3f3: {  	[tilespmem:s28], [sflag:$0x2] =	stream.linear.gather [hbm4b:s3+s2], $0x80, $0x38;
	[tilespmem:$0x14A80] =	vst v63  }
0x3f4: {  	s23 =	simm.s32 $0x6A80;
	s26 =	sadd.s32 s5, s12;
	s12 =	sand.u32 $0x1FFFFFF0, s30;
	(v2sf) =	vpush v0, $0xA  }
0x3f5: {  	s28 =	sand.u32 $0x1FFFFFF0, s13;
	s13 =	spop (v2sf);
	s24 =	sadd.s32 s5, s12  }
0x3f6: {  	[tilespmem:s4], [sflag:$0x2] =	stream.linear.gather [hbm4b:s26+s2], $0x80, $0x38;
	(v2sf) =	vpush v0, $0xB;
	[tilespmem:$0x14A80] =	vst v63  }
0x3f7: {  	s25 =	sand.u32 $0x1FFFFFF0, s13;
	s30 =	spop (v2sf);
	s4 =	sadd.s32 s5, s28  }
0x3f8: {  	(v2sf) =	vpush v0, $0xC;
	[tilespmem:s21], [sflag:$0x2] =	stream.linear.gather [hbm4b:s4+s2], $0x80, $0x38;
	[tilespmem:$0x14A80] =	vst v63  }
0x3f9: {  	s26 =	simm.s32 $0x6900;
	s28 =	sadd.s32 s5, s25;
	s21 =	simm.s32 $0x6880  }
0x3fa: {  	(v2sf) =	vpush v0, $0xD;
	[tilespmem:s21], [sflag:$0x2] =	stream.linear.gather [hbm4b:s24+s2], $0x80, $0x38;
	[tilespmem:$0x14A80] =	vst v63  }
0x3fb: {  	s25 =	simm.s32 $0x6A00;
	s0 =	sand.u32 $0x1FFFFFF0, s30;
	s29 =	spop (v2sf)  }
0x3fc: {  	(v2sf) =	vpush v0, $0xE;
	[tilespmem:s26], [sflag:$0x2] =	stream.linear.gather [hbm4b:s28+s2], $0x80, $0x38;
	[tilespmem:$0x14A80] =	vst v63  }
0x3fd: {  	s24 =	simm.s32 $0x6B80;
	s21 =	simm.s32 $0x6E00;
	(v2sf) =	vpush v0, $0xF;
	s26 =	simm.s32 $0x6980  }
.LBB2_22:
0x3fe: {  	s0 =	sadd.s32 s5, s0  }
0x3ff: {  	s1 =	sand.u32 $0x1FFFFFF0, s29;
	s3 =	spop (v2sf);
	s28 =	smov.u32 s15  }
0x400: {  	[tilespmem:s26], [sflag:$0x2] =	stream.linear.gather [hbm4b:s0+s2], $0x80, $0x38;
	[tilespmem:$0x14A80] =	vst v63  }
0x401: {  	s0 =	sadd.s32 s5, s1;
	s1 =	sand.u32 $0x1FFFFFF0, s3;
	s3 =	spop (v2sf)  }
0x402: {  	[tilespmem:s25], [sflag:$0x2] =	stream.linear.gather [hbm4b:s0+s2], $0x80, $0x38;
	[tilespmem:$0x14A80] =	vst v63  }
0x403: {  	s0 =	sadd.s32 s5, s1;
	s1 =	sand.u32 $0x1FFFFFF0, s3;
	s3 =	spop (v2sf)  }
0x404: {  	[tilespmem:s23], [sflag:$0x2] =	stream.linear.gather [hbm4b:s0+s2], $0x80, $0x38;
	[tilespmem:$0x14A80] =	vst v63  }
0x405: {  	s0 =	sadd.s32 s5, s1;
	s1 =	sand.u32 $0x1FFFFFF0, s3;
	s3 =	spop (v2sf)  }
0x406: {  	[tilespmem:s22], [sflag:$0x2] =	stream.linear.gather [hbm4b:s0+s2], $0x80, $0x38;
	[tilespmem:$0x14A80] =	vst v63  }
0x407: {  	s0 =	sadd.s32 s5, s1;
	s1 =	sand.u32 $0x1FFFFFF0, s3;
	s3 =	spop (v2sf)  }
0x408: {  	[tilespmem:s24], [sflag:$0x2] =	stream.linear.gather [hbm4b:s0+s2], $0x80, $0x38;
	[tilespmem:$0x14A80] =	vst v63  }
0x409: {  	s0 =	sadd.s32 s5, s1;
	s1 =	sand.u32 $0x1FFFFFF0, s3;
	s3 =	spop (v2sf)  }
0x40a: {  	[tilespmem:s20], [sflag:$0x2] =	stream.linear.gather [hbm4b:s0+s2], $0x80, $0x38;
	[tilespmem:$0x14A80] =	vst v63  }
0x40b: {  	s0 =	sadd.s32 s5, s1;
	s1 =	sand.u32 $0x1FFFFFF0, s3;
	s3 =	spop (v2sf)  }
0x40c: {  	[tilespmem:s19], [sflag:$0x2] =	stream.linear.gather [hbm4b:s0+s2], $0x80, $0x38;
	[tilespmem:$0x14A80] =	vst v63  }
0x40d: {  	s0 =	sadd.s32 s5, s1;
	s1 =	sand.u32 $0x1FFFFFF0, s3;
	s3 =	spop (v2sf)  }
0x40e: {  	[tilespmem:s18], [sflag:$0x2] =	stream.linear.gather [hbm4b:s0+s2], $0x80, $0x38;
	[tilespmem:$0x14A80] =	vst v63  }
0x40f: {  	s1 =	sadd.s32 s5, s1;
	s0 =	sadd.s32 $0x6D80, s14;
	s3 =	sand.u32 $0x1FFFFFF0, s3  }
0x410: {  	[tilespmem:s0], [sflag:$0x2] =	stream.linear.gather [hbm4b:s1+s2], $0x80, $0x38;
	[tilespmem:$0x14A80] =	vst v63  }
0x411: {  	s3 =	sadd.s32 s5, s3;
	s0 =	sand.u32 $0x70, s8;
	s1 =	sand.u32 $0x100, s11  }
0x412: {  	[tilespmem:s21], [sflag:$0x2] =	stream.linear.gather [hbm4b:s3+s2], $0x80, $0x38;
	[tilespmem:$0x14A80] =	vst v63  }
0x413: {  	p0 =	sne.s32 s15, $0x16000;
	s15 =	sadd.s32 $0x2000, s15;
	s0 =	sor.u32 s0, s1  }
0x414: {  	s8 =	smov.u32 s16;
	s11 =	smov.u32 s17;
	v0 =	vld [tilespmem:s0+$0x80];
	_ =	sdelay $0x4  }
0x415: {  	s14 =	sshra.s32 s6, $0x2;
	s6 =	smov.u32 s28;
	s16 =	sadd.s32 $0x10, s16;
	v0 =	vshll.u32 v0, $0x4  }
0x416: {  	s18 =	sadd.s32 $0x6D00, s14;
	s17 =	sadd.s32 $0x20, s17;
	s0 =	sadd.s32 $0x6700, s14;
	(v2sf) =	vpush v0, $0x0  }
0x417: {  	s20 =	sadd.s32 $0x6C00, s14;
	s19 =	sadd.s32 $0x6C80, s14;
	s1 =	sadd.s32 $0x6680, s14;
	(v2sf) =	vpush v0, $0x1  }
0x418: {  	s23 =	sadd.s32 $0x6A80, s14;
	s22 =	sadd.s32 $0x6B00, s14;
	s24 =	sadd.s32 $0x6B80, s14;
	(v2sf) =	vpush v0, $0x2  }
0x419: {  	s26 =	sadd.s32 $0x6980, s14;
	s25 =	sadd.s32 $0x6A00, s14  }
0x41a: {  	s28 =	sadd.s32 $0x6900, s14;
	(v2sf) =	vpush v0, $0x3  }
0x41b: {  	s3 =	sadd.s32 $0x6880, s14  }
0x41c: {  	(v2sf) =	vpush v0, $0x4  }
0x41d: {  	s21 =	sadd.s32 $0x6E00, s14  }
0x41e: {  	(v2sf) =	vpush v0, $0x5;
	_ =	sdelay $0x1  }
0x41f: {  	s4 =	sadd.s32 $0x6780, s14;
	(v2sf) =	vpush v0, $0x6;
	_ =	sdelay $0x1  }
0x420: {  	s12 =	sadd.s32 $0x6800, s14;
	(v2sf) =	vpush v0, $0x7;
	_ =	sdelay $0x1  }
0x421: {  	(v2sf) =	vpush v0, $0x8  }
0x422: {  	s13 =	spop (v2sf)  }
0x423: {  	s13 =	sand.u32 $0x1FFFFFF0, s13;
	s29 =	spop (v2sf);
	(v2sf) =	vpush v0, $0x9  }
0x424: {  	s13 =	sadd.s32 s5, s13;
	s29 =	sand.u32 $0x1FFFFFF0, s29;
	s30 =	spop (v2sf)  }
0x425: {  	[tilespmem:s1], [sflag:$0x2] =	stream.linear.gather [hbm4b:s13+s2], $0x80, $0x38;
	(v2sf) =	vpush v0, $0xA;
	[tilespmem:$0x14A80] =	vst v63  }
0x426: {  	s1 =	sadd.s32 s5, s29;
	s13 =	sand.u32 $0x1FFFFFF0, s30;
	s29 =	spop (v2sf)  }
0x427: {  	[tilespmem:s0], [sflag:$0x2] =	stream.linear.gather [hbm4b:s1+s2], $0x80, $0x38;
	(v2sf) =	vpush v0, $0xB;
	[tilespmem:$0x14A80] =	vst v63  }
0x428: {  	s0 =	sadd.s32 s5, s13;
	s1 =	sand.u32 $0x1FFFFFF0, s29;
	s13 =	spop (v2sf)  }
0x429: {  	[tilespmem:s4], [sflag:$0x2] =	stream.linear.gather [hbm4b:s0+s2], $0x80, $0x38;
	(v2sf) =	vpush v0, $0xC;
	[tilespmem:$0x14A80] =	vst v63  }
0x42a: {  	s0 =	sadd.s32 s5, s1;
	s1 =	sand.u32 $0x1FFFFFF0, s13;
	s4 =	spop (v2sf)  }
0x42b: {  	[tilespmem:s12], [sflag:$0x2] =	stream.linear.gather [hbm4b:s0+s2], $0x80, $0x38;
	[tilespmem:$0x14A80] =	vst v63  }
.Ltmp10:
0x42c: {  	(v2sf) =	vpush v0, $0xD;
	(pc) =	sbr.rel @p0 .LBB2_22-.Ltmp10, $4  }
0x42d: {  	s0 =	sadd.s32 s5, s1;
	s1 =	sand.u32 $0x1FFFFFF0, s4;
	s4 =	spop (v2sf)  }
0x42e: {  	[tilespmem:s3], [sflag:$0x2] =	stream.linear.gather [hbm4b:s0+s2], $0x80, $0x38;
	(v2sf) =	vpush v0, $0xE;
	[tilespmem:$0x14A80] =	vst v63  }
0x42f: {  	s1 =	sadd.s32 s5, s1;
	s0 =	sand.u32 $0x1FFFFFF0, s4;
	s29 =	spop (v2sf)  }
0x430: {  	[tilespmem:s28], [sflag:$0x2] =	stream.linear.gather [hbm4b:s1+s2], $0x80, $0x38;
	(v2sf) =	vpush v0, $0xF;
	[tilespmem:$0x14A80] =	vst v63  }
0x431: {  	s0 =	sadd.s32 s5, s0;
	s4 =	sand.u32 $0x1FFFFFF0, s29  }
0x432: {  	[tilespmem:s26], [sflag:$0x2] =	stream.linear.gather [hbm4b:s0+s2], $0x80, $0x38;
	[tilespmem:$0x14A80] =	vst v63  }
0x433: {  	s12 =	spop (v2sf);
	s0 =	sadd.s32 s5, s4  }
0x434: {  	[tilespmem:s25], [sflag:$0x2] =	stream.linear.gather [hbm4b:s0+s2], $0x80, $0x38;
	[tilespmem:$0x14A80] =	vst v63  }
0x435: {  	s0 =	sand.u32 $0x1FFFFFF0, s12  }
0x436: {  	s13 =	spop (v2sf);
	s0 =	sadd.s32 s5, s0  }
0x437: {  	[tilespmem:s23], [sflag:$0x2] =	stream.linear.gather [hbm4b:s0+s2], $0x80, $0x38;
	[tilespmem:$0x14A80] =	vst v63  }
0x438: {  	s0 =	sand.u32 $0x1FFFFFF0, s13  }
0x439: {  	s15 =	spop (v2sf);
	s0 =	sadd.s32 s5, s0  }
0x43a: {  	[tilespmem:s22], [sflag:$0x2] =	stream.linear.gather [hbm4b:s0+s2], $0x80, $0x38;
	[tilespmem:$0x14A80] =	vst v63  }
0x43b: {  	s0 =	sand.u32 $0x1FFFFFF0, s15  }
0x43c: {  	s16 =	spop (v2sf);
	s0 =	sadd.s32 s5, s0  }
0x43d: {  	[tilespmem:s24], [sflag:$0x2] =	stream.linear.gather [hbm4b:s0+s2], $0x80, $0x38;
	[tilespmem:$0x14A80] =	vst v63  }
0x43e: {  	s0 =	sand.u32 $0x1FFFFFF0, s16  }
0x43f: {  	s17 =	spop (v2sf);
	s0 =	sadd.s32 s5, s0  }
0x440: {  	[tilespmem:s20], [sflag:$0x2] =	stream.linear.gather [hbm4b:s0+s2], $0x80, $0x38;
	[tilespmem:$0x14A80] =	vst v63  }
0x441: {  	s0 =	sand.u32 $0x1FFFFFF0, s17  }
0x442: {  	s20 =	spop (v2sf);
	s0 =	sadd.s32 s5, s0  }
0x443: {  	[tilespmem:s19], [sflag:$0x2] =	stream.linear.gather [hbm4b:s0+s2], $0x80, $0x38;
	[tilespmem:$0x14A80] =	vst v63  }
0x444: {  	s0 =	sand.u32 $0x1FFFFFF0, s20  }
0x445: {  	s22 =	spop (v2sf);
	s0 =	sadd.s32 s5, s0  }
0x446: {  	[tilespmem:s18], [sflag:$0x2] =	stream.linear.gather [hbm4b:s0+s2], $0x80, $0x38;
	[tilespmem:$0x14A80] =	vst v63  }
0x447: {  	s0 =	sand.u32 $0x1FFFFFF0, s22  }
0x448: {  	s1 =	sadd.s32 $0x6D80, s14;
	s23 =	spop (v2sf);
	s0 =	sadd.s32 s5, s0  }
0x449: {  	[tilespmem:s1], [sflag:$0x2] =	stream.linear.gather [hbm4b:s0+s2], $0x80, $0x38;
	[tilespmem:$0x14A80] =	vst v63  }
0x44a: {  	s0 =	sand.u32 $0x1FFFFFF0, s23  }
0x44b: {  	s25 =	sand.u32 $0x100, s11;
	s24 =	sand.u32 $0x70, s8;
	s0 =	sadd.s32 s5, s0  }
0x44c: {  	[tilespmem:s21], [sflag:$0x2] =	stream.linear.gather [hbm4b:s0+s2], $0x80, $0x38;
	[tilespmem:$0x14A80] =	vst v63  }
0x44d: {  	s0 =	sor.u32 s24, s25  }
0x44e: {  	v0 =	vld [tilespmem:s0+$0x80];
	_ =	sdelay $0x4  }
0x44f: {  	v0 =	vshll.u32 v0, $0x4  }
0x450: {  	(v2sf) =	vpush v0, $0x0;
	_ =	sdelay $0x1  }
0x451: {  	(v2sf) =	vpush v0, $0x1;
	_ =	sdelay $0x1  }
0x452: {  	(v2sf) =	vpush v0, $0x2;
	_ =	sdelay $0x2  }
0x453: {  	(v2sf) =	vpush v0, $0x3;
	_ =	sdelay $0x7  }
0x454: {  	s26 =	spop (v2sf);
	(v2sf) =	vpush v0, $0x4;
	_ =	sdelay $0x1  }
0x455: {  	s29 =	spop (v2sf);
	(v2sf) =	vpush v0, $0x5;
	_ =	sdelay $0x1  }
0x456: {  	s3 =	spop (v2sf);
	(v2sf) =	vpush v0, $0x6;
	_ =	sdelay $0x1  }
0x457: {  	s6 =	sshra.s32 s6, $0x2;
	s0 =	sand.u32 $0x1FFFFFF0, s26  }
0x458: {  	s28 =	sadd.s32 $0x6680, s6;
	s0 =	sadd.s32 s5, s0;
	s8 =	spop (v2sf);
	(v2sf) =	vpush v0, $0x7  }
0x459: {  	[tilespmem:s28], [sflag:$0x2] =	stream.linear.gather [hbm4b:s0+s2], $0x80, $0x38;
	[tilespmem:$0x14A80] =	vst v63  }
0x45a: {  	s0 =	sand.u32 $0x1FFFFFF0, s29  }
0x45b: {  	s30 =	sadd.s32 $0x6700, s6;
	s0 =	sadd.s32 s5, s0  }
0x45c: {  	[tilespmem:s30], [sflag:$0x2] =	stream.linear.gather [hbm4b:s0+s2], $0x80, $0x38;
	[tilespmem:$0x14A80] =	vst v63  }
0x45d: {  	s0 =	sand.u32 $0x1FFFFFF0, s3  }
0x45e: {  	s4 =	sadd.s32 $0x6780, s6;
	s0 =	sadd.s32 s5, s0  }
0x45f: {  	[tilespmem:s4], [sflag:$0x2] =	stream.linear.gather [hbm4b:s0+s2], $0x80, $0x38;
	[tilespmem:$0x14A80] =	vst v63  }
0x460: {  	s12 =	spop (v2sf);
	(v2sf) =	vpush v0, $0x8  }
0x461: {  	s0 =	sand.u32 $0x1FFFFFF0, s8  }
0x462: {  	s11 =	sadd.s32 $0x6800, s6;
	s0 =	sadd.s32 s5, s0;
	s14 =	spop (v2sf);
	(v2sf) =	vpush v0, $0x9  }
0x463: {  	[tilespmem:s11], [sflag:$0x2] =	stream.linear.gather [hbm4b:s0+s2], $0x80, $0x38;
	[tilespmem:$0x14A80] =	vst v63  }
0x464: {  	s0 =	sand.u32 $0x1FFFFFF0, s12;
	s16 =	spop (v2sf);
	(v2sf) =	vpush v0, $0xA  }
0x465: {  	s13 =	sadd.s32 $0x6880, s6;
	s0 =	sadd.s32 s5, s0  }
0x466: {  	[tilespmem:s13], [sflag:$0x2] =	stream.linear.gather [hbm4b:s0+s2], $0x80, $0x38;
	[tilespmem:$0x14A80] =	vst v63  }
0x467: {  	s18 =	spop (v2sf);
	(v2sf) =	vpush v0, $0xB  }
0x468: {  	s0 =	sand.u32 $0x1FFFFFF0, s14  }
0x469: {  	s15 =	sadd.s32 $0x6900, s6;
	s0 =	sadd.s32 s5, s0  }
0x46a: {  	[tilespmem:s15], [sflag:$0x2] =	stream.linear.gather [hbm4b:s0+s2], $0x80, $0x38;
	[tilespmem:$0x14A80] =	vst v63  }
0x46b: {  	s0 =	sand.u32 $0x1FFFFFF0, s16  }
0x46c: {  	s17 =	sadd.s32 $0x6980, s6;
	s0 =	sadd.s32 s5, s0  }
0x46d: {  	[tilespmem:s17], [sflag:$0x2] =	stream.linear.gather [hbm4b:s0+s2], $0x80, $0x38;
	[tilespmem:$0x14A80] =	vst v63  }
0x46e: {  	s0 =	sand.u32 $0x1FFFFFF0, s18  }
0x46f: {  	s19 =	sadd.s32 $0x6A00, s6;
	s0 =	sadd.s32 s5, s0;
	s20 =	spop (v2sf);
	(v2sf) =	vpush v0, $0xC  }
0x470: {  	[tilespmem:s19], [sflag:$0x2] =	stream.linear.gather [hbm4b:s0+s2], $0x80, $0x38;
	[tilespmem:$0x14A80] =	vst v63  }
0x471: {  	s22 =	spop (v2sf);
	(v2sf) =	vpush v0, $0xD  }
0x472: {  	s0 =	sand.u32 $0x1FFFFFF0, s20  }
0x473: {  	s21 =	sadd.s32 $0x6A80, s6;
	s0 =	sadd.s32 s5, s0;
	s24 =	spop (v2sf)  }
0x474: {  	(v2sf) =	vpush v0, $0xE;
	[tilespmem:s21], [sflag:$0x2] =	stream.linear.gather [hbm4b:s0+s2], $0x80, $0x38;
	[tilespmem:$0x14A80] =	vst v63  }
0x475: {  	s0 =	sand.u32 $0x1FFFFFF0, s22  }
0x476: {  	s23 =	sadd.s32 $0x6B00, s6;
	s26 =	spop (v2sf);
	s0 =	sadd.s32 s5, s0  }
0x477: {  	(v2sf) =	vpush v0, $0xF;
	[tilespmem:s23], [sflag:$0x2] =	stream.linear.gather [hbm4b:s0+s2], $0x80, $0x38;
	[tilespmem:$0x14A80] =	vst v63  }
0x478: {  	s0 =	sand.u32 $0x1FFFFFF0, s24  }
0x479: {  	s25 =	sadd.s32 $0x6B80, s6;
	s0 =	sadd.s32 s5, s0  }
0x47a: {  	[tilespmem:s25], [sflag:$0x2] =	stream.linear.gather [hbm4b:s0+s2], $0x80, $0x38;
	[tilespmem:$0x14A80] =	vst v63  }
0x47b: {  	s0 =	sand.u32 $0x1FFFFFF0, s26  }
0x47c: {  	s28 =	sadd.s32 $0x6C00, s6;
	s0 =	sadd.s32 s5, s0  }
0x47d: {  	[tilespmem:s28], [sflag:$0x2] =	stream.linear.gather [hbm4b:s0+s2], $0x80, $0x38;
	[tilespmem:$0x14A80] =	vst v63  }
0x47e: {  	s29 =	spop (v2sf)  }
0x47f: {  	s0 =	sand.u32 $0x1FFFFFF0, s29  }
0x480: {  	s30 =	sadd.s32 $0x6C80, s6;
	s3 =	spop (v2sf);
	s0 =	sadd.s32 s5, s0  }
0x481: {  	[tilespmem:s30], [sflag:$0x2] =	stream.linear.gather [hbm4b:s0+s2], $0x80, $0x38;
	[tilespmem:$0x14A80] =	vst v63  }
0x482: {  	s0 =	sand.u32 $0x1FFFFFF0, s3  }
0x483: {  	s4 =	sadd.s32 $0x6D00, s6;
	s8 =	spop (v2sf);
	s0 =	sadd.s32 s5, s0  }
0x484: {  	[tilespmem:s4], [sflag:$0x2] =	stream.linear.gather [hbm4b:s0+s2], $0x80, $0x38;
	[tilespmem:$0x14A80] =	vst v63  }
0x485: {  	s0 =	sand.u32 $0x1FFFFFF0, s8  }
0x486: {  	s11 =	sadd.s32 $0x6D80, s6;
	s12 =	spop (v2sf);
	s0 =	sadd.s32 s5, s0  }
0x487: {  	[tilespmem:s11], [sflag:$0x2] =	stream.linear.gather [hbm4b:s0+s2], $0x80, $0x38;
	[tilespmem:$0x14A80] =	vst v63  }
0x488: {  	s0 =	sand.u32 $0x1FFFFFF0, s12  }
0x489: {  	s13 =	sadd.s32 $0x6E00, s6;
	s0 =	sadd.s32 s5, s0  }
0x48a: {  	[tilespmem:s13], [sflag:$0x2] =	stream.linear.gather [hbm4b:s0+s2], $0x80, $0x38;
	[tilespmem:$0x14A80] =	vst v63  }
0x48b: {  	v63 =	vld.msk [tilespmem:$0x1C0], $0xff;
	_ =	sdelay $0x4  }
0x48c: {  	v0 =	vshll.u32 v63, $0x4  }
0x48d: {  	(v2sf) =	vpush v0, $0x0;
	_ =	sdelay $0x1  }
0x48e: {  	(v2sf) =	vpush v0, $0x1;
	_ =	sdelay $0x1  }
0x48f: {  	(v2sf) =	vpush v0, $0x2;
	_ =	sdelay $0x2  }
0x490: {  	(v2sf) =	vpush v0, $0x3;
	_ =	sdelay $0x7  }
0x491: {  	s14 =	spop (v2sf);
	(v2sf) =	vpush v0, $0x4;
	_ =	sdelay $0x1  }
0x492: {  	s16 =	spop (v2sf);
	(v2sf) =	vpush v0, $0x5  }
0x493: {  	s0 =	sand.u32 $0x1FFFFFF0, s14  }
0x494: {  	s15 =	simm.s32 $0xC680;
	s0 =	sadd.s32 s5, s0;
	s18 =	spop (v2sf)  }
0x495: {  	(v2sf) =	vpush v0, $0x6;
	[tilespmem:s15], [sflag:$0x2] =	stream.linear.gather [hbm4b:s0+s2], $0x80, $0x38;
	[tilespmem:$0x14A80] =	vst v63  }
0x496: {  	s0 =	sand.u32 $0x1FFFFFF0, s16  }
0x497: {  	s17 =	simm.s32 $0xC700;
	s20 =	spop (v2sf);
	s0 =	sadd.s32 s5, s0  }
0x498: {  	(v2sf) =	vpush v0, $0x7;
	[tilespmem:s17], [sflag:$0x2] =	stream.linear.gather [hbm4b:s0+s2], $0x80, $0x38;
	[tilespmem:$0x14A80] =	vst v63  }
0x499: {  	s0 =	sand.u32 $0x1FFFFFF0, s18  }
0x49a: {  	s19 =	simm.s32 $0xC780;
	s0 =	sadd.s32 s5, s0  }
0x49b: {  	[tilespmem:s19], [sflag:$0x2] =	stream.linear.gather [hbm4b:s0+s2], $0x80, $0x38;
	[tilespmem:$0x14A80] =	vst v63  }
0x49c: {  	s0 =	sand.u32 $0x1FFFFFF0, s20  }
0x49d: {  	s21 =	simm.s32 $0xC800;
	s0 =	sadd.s32 s5, s0  }
0x49e: {  	[tilespmem:s21], [sflag:$0x2] =	stream.linear.gather [hbm4b:s0+s2], $0x80, $0x38;
	[tilespmem:$0x14A80] =	vst v63  }
0x49f: {  	s22 =	spop (v2sf)  }
0x4a0: {  	s0 =	sand.u32 $0x1FFFFFF0, s22  }
0x4a1: {  	s23 =	simm.s32 $0xC880;
	s24 =	spop (v2sf);
	s0 =	sadd.s32 s5, s0  }
0x4a2: {  	[tilespmem:s23], [sflag:$0x2] =	stream.linear.gather [hbm4b:s0+s2], $0x80, $0x38;
	[tilespmem:$0x14A80] =	vst v63  }
0x4a3: {  	s0 =	sand.u32 $0x1FFFFFF0, s24  }
0x4a4: {  	s25 =	simm.s32 $0xC900;
	s26 =	spop (v2sf);
	s0 =	sadd.s32 s5, s0  }
0x4a5: {  	[tilespmem:s25], [sflag:$0x2] =	stream.linear.gather [hbm4b:s0+s2], $0x80, $0x38;
	[tilespmem:$0x14A80] =	vst v63  }
0x4a6: {  	s28 =	simm.s32 $0xC980;
	s0 =	sand.u32 $0x1FFFFFF0, s26  }
.Ltmp11:
0x4a7: {  	s29 =	spop (v2sf);
	s0 =	sadd.s32 s5, s0;
	(pc) =	sbr.rel .LBB2_8-.Ltmp11, $4  }
0x4a8: {  	[tilespmem:s28], [sflag:$0x2] =	stream.linear.gather [hbm4b:s0+s2], $0x80, $0x38;
	[tilespmem:$0x14A80] =	vst v63  }
0x4a9: {  	s30 =	simm.s32 $0xCA00;
	s3 =	rddreg [dreg:$0xd];
	s0 =	sand.u32 $0x1FFFFFF0, s29  }
0x4aa: {  	s3 =	sadd.s32 $0x1, s3;
	s12 =	simm.s32 $0x4;
	s0 =	sadd.s32 s5, s0  }
0x4ab: {  	[tilespmem:s30], [sflag:$0x2] =	stream.linear.gather [hbm4b:s0+s2], $0x80, $0x38;
	[tilespmem:$0x14A80] =	vst v63  }
.LBB2_24:
0x4ac: {  	_ =	swait.ge [sflag:s10], $0x80  }
0x4ad: {  	[sflag:s10] =	ssyncset.done $0x0  }
0x4ae: {  	[sflag:s10] =	ssyncadd.s32 $0xFFFFFF80  }
0x4af: {  	_ =	swait.ge [sflag:s10], $0x80  }
0x4b0: {  	[sflag:s10] =	ssyncset.done $0x0  }
0x4b1: {  	[sflag:s10] =	ssyncadd.s32 $0xFFFFFF80  }
0x4b2: {  	_ =	swait.ge [sflag:s10], $0x80  }
0x4b3: {  	[sflag:s10] =	ssyncset.done $0x0  }
0x4b4: {  	[sflag:s10] =	ssyncadd.s32 $0xFFFFFF80  }
0x4b5: {  	_ =	swait.ge [sflag:s10], $0x80  }
0x4b6: {  	[sflag:s10] =	ssyncset.done $0x0  }
0x4b7: {  	[sflag:s10] =	ssyncadd.s32 $0xFFFFFF80  }
0x4b8: {  	_ =	swait.ge [sflag:s10], $0x80  }
0x4b9: {  	[sflag:s10] =	ssyncset.done $0x0  }
0x4ba: {  	[sflag:s10] =	ssyncadd.s32 $0xFFFFFF80  }
0x4bb: {  	_ =	swait.ge [sflag:s10], $0x80  }
0x4bc: {  	[sflag:s10] =	ssyncset.done $0x0  }
0x4bd: {  	[sflag:s10] =	ssyncadd.s32 $0xFFFFFF80  }
0x4be: {  	_ =	swait.ge [sflag:s10], $0x80  }
0x4bf: {  	[sflag:s10] =	ssyncset.done $0x0  }
0x4c0: {  	[sflag:s10] =	ssyncadd.s32 $0xFFFFFF80  }
0x4c1: {  	_ =	swait.ge [sflag:s10], $0x80  }
0x4c2: {  	s6 =	simm.s32 $0x0;
	[sflag:s10] =	ssyncset.done $0x0  }
.LBB2_25:
0x4c3: {  	s6 =	sadd.s32 $0x8, s6;
	[sflag:s10] =	ssyncadd.s32 $0xFFFFFF80  }
0x4c4: {  	_ =	swait.ge [sflag:s10], $0x80;
	p0 =	slt.u32 s6, $0x78  }
0x4c5: {  	[sflag:s10] =	ssyncset.done $0x0  }
0x4c6: {  	[sflag:s10] =	ssyncadd.s32 $0xFFFFFF80  }
0x4c7: {  	_ =	swait.ge [sflag:s10], $0x80  }
0x4c8: {  	[sflag:s10] =	ssyncset.done $0x0  }
0x4c9: {  	[sflag:s10] =	ssyncadd.s32 $0xFFFFFF80  }
0x4ca: {  	_ =	swait.ge [sflag:s10], $0x80  }
0x4cb: {  	[sflag:s10] =	ssyncset.done $0x0  }
0x4cc: {  	[sflag:s10] =	ssyncadd.s32 $0xFFFFFF80  }
0x4cd: {  	_ =	swait.ge [sflag:s10], $0x80  }
0x4ce: {  	[sflag:s10] =	ssyncset.done $0x0  }
0x4cf: {  	[sflag:s10] =	ssyncadd.s32 $0xFFFFFF80  }
0x4d0: {  	_ =	swait.ge [sflag:s10], $0x80  }
0x4d1: {  	[sflag:s10] =	ssyncset.done $0x0  }
0x4d2: {  	[sflag:s10] =	ssyncadd.s32 $0xFFFFFF80  }
0x4d3: {  	_ =	swait.ge [sflag:s10], $0x80  }
0x4d4: {  	[sflag:s10] =	ssyncset.done $0x0  }
0x4d5: {  	[sflag:s10] =	ssyncadd.s32 $0xFFFFFF80  }
.Ltmp12:
0x4d6: {  	_ =	swait.ge [sflag:s10], $0x80;
	(pc) =	sbr.rel @p0 .LBB2_25-.Ltmp12, $4  }
0x4d7: {  	[sflag:s10] =	ssyncset.done $0x0  }
0x4d8: {  	[sflag:s10] =	ssyncadd.s32 $0xFFFFFF80  }
0x4d9: {  	_ =	swait.ge [sflag:s10], $0x80  }
0x4da: {  	[sflag:s10] =	ssyncset.done $0x0  }
0x4db: {  	[sflag:s10] =	ssyncadd.s32 $0xFFFFFF80;
	s0 =	rddreg [dreg:$0x8];
	s1 =	simm.s32 $0xCA80  }
0x4dc: {  	[hbm4b:s0+s2] =	stream.linear.scatter [tilespmem:s1], [sflag:$0x4], $0x4000, $0x38;
	[tilespmem:$0x14A80] =	vst v63  }
0x4dd: {  	_ =	swait.ge [sflag:s12], $0x4000  }
0x4de: {  	[sflag:s12] =	ssyncset.done $0x0  }
0x4df: {  	s29 =	simm.s32 $0x10A80;
	s28 =	rddreg [dreg:$0x9];
	[sflag:s12] =	ssyncadd.s32 $0xFFFFC000  }
0x4e0: {  	[hbm4b:s28+s2] =	stream.linear.scatter [tilespmem:s29], [sflag:$0x4], $0x4000, $0x38;
	[tilespmem:$0x14A80] =	vst v63  }
0x4e1: {  	_ =	swait.ge [sflag:s12], $0x4000  }
0x4e2: {  	s30 =	rddreg [dreg:$0xc]  }
0x4e3: {  	s31 =	rddreg [dreg:$0xa];
	s1 =	sadd.s32 $0x1, s30  }
0x4e4: {  	p0 =	sne.s32 s1, s31  }
.Ltmp13:
0x4e5: {  	_ = 	snop;
	(pc) =	sbr.rel @p0 .LBB2_1-.Ltmp13, $3  }
0x4e6: {  	_ =	sdelay $0x1  }
0x4e7: {  	[sflag:s12] =	ssyncset.done $0x0  }
0x4e8: {  	[sflag:s12] =	ssyncadd.s32 $0xFFFFC000  }
0x4e9: {  	_ =	sfence.sel $0x180000  }
0x4ea: {  	[bflag:$0x0] =	sbarrier.arrive $0xFFFF  }
0x4eb: {  	_ =	strace $0x9000004A  }
0x4ec: {  	s0 =	stileid.u32;
	[bflag:$0x2] =	sbarrier.arrive $0xFFFF  }
0x4ed: {  	p0 =	sne.s32 s0, $0x0;
	s0 =	rddreg [dreg:$0x2]  }
0x4ee: {  	s0 =	sadd.s32 @!p0 $0x100000, s0  }
0x4ef: {  	[sflag:s0] =	ssyncadd.tile.s32 @!p0 $0x1;
	_ =	shalt  }
.Lfunc_end2:
_tile_overlayer_lowered:
.L_overlay_start_2:
0x4f0: {  	(tag) =	ssettag $0x2  }
0x4f1: {  	s0 =	rddreg [dreg:$0x0];
	s2 =	stileid.u32  }
0x4f2: {  	s1 =	rddreg [dreg:$0x1];
	p0 =	sne.s32 s2, $0x0  }
0x4f3: {  	s3 =	rddreg [dreg:$0x2];
	[bflag:$0x3] =	sbarrier.arrive $0xFFFF;
	s2 =	simm.s32 @!p0 $0x1C04  }
0x4f4: {  	[timem:s3], [sflag:s2] =	dma.local @!p0 [hbm:s0], s1  }
0x4f5: {  	s0 =	simm.s32 @!p0 $0x4  }
0x4f6: {  	_ =	swait.ge @!p0 [sflag:s0], s1  }
0x4f7: {  	s1 =	ssub.s32 @!p0 $0x0, s1;
	[sflag:s0] =	ssyncset.done @!p0 $0x0  }
0x4f8: {  	[sflag:s0] =	ssyncadd.s32 @!p0 s1  }
0x4f9: {  	[bflag:$0x3] =	sbarrier.arrive $0xFFFF  }
0x4fa: {  	_ =	shalt  }

</sc_bundles>
